<compile_context>
chip_gen: v7x
topology: tpu7x:2x2x1
jax: 0.10.2.dev20260603
libtpu: 0.0.44.dev20260713+nightly
codegen_flags: <defaults>
</compile_context>

<pallas_src>
import functools

import jax
import jax.numpy as jnp
from jax import lax
from jax.experimental import pallas as pl
from jax.experimental.pallas import tpu as pltpu
from jax.experimental.pallas import tpu_sc as plsc

FIELD_SIZE = 3847
NUM_FIELDS = 26
FPAD = 32
NC = 2
NS = 16
NW = NC * NS
NBG = 8
NBUF = 4


def _make_kernel(B, F, V, D):
    b_per_w = B // NW
    n_groups = b_per_w // NBG
    mesh = plsc.VectorSubcoreMesh(core_axis_name="c", subcore_axis_name="s")

    @functools.partial(
        pl.kernel,
        mesh=mesh,
        out_type=jax.ShapeDtypeStruct((B, F, D), jnp.float32),
        scratch_types=[
            pltpu.VMEM((b_per_w * FPAD,), jnp.int32),
            *[pltpu.VMEM((NBG * F, D), jnp.float32) for _ in range(NBUF)],
            *[pltpu.SemaphoreType.DMA for _ in range(NBUF)],
            *[pltpu.SemaphoreType.DMA for _ in range(NBUF)],
        ],
    )
    def embed(data_hbm, table_hbm, out_hbm, idx_v, *rest):
        bufs = rest[:NBUF]
        gsems = rest[NBUF:2 * NBUF]
        ssems = rest[2 * NBUF:]

        wid = lax.axis_index("s") * NC + lax.axis_index("c")
        b0 = wid * b_per_w
        lanes = lax.iota(jnp.int32, 16)
        off_lo = lanes * FIELD_SIZE
        off_hi = (lanes + 16) * FIELD_SIZE

        pltpu.sync_copy(data_hbm.at[pl.ds(b0 * FPAD, b_per_w * FPAD)], idx_v)

        def add_offsets(r):
            lo = pl.ds(r * FPAD, 16)
            hi = pl.ds(r * FPAD + 16, 16)
            idx_v[lo] = idx_v[lo] + off_lo
            idx_v[hi] = idx_v[hi] + off_hi

        def start_gather(g, b):
            for i in range(NBG):
                r = g * NBG + i
                add_offsets(r)
                pltpu.async_copy(table_hbm.at[idx_v.at[pl.ds(r * FPAD, F)]],
                                 bufs[b].at[pl.ds(i * F, F)], gsems[b])

        def wait_gather(g, b):
            for i in range(NBG):
                r = g * NBG + i
                pltpu.make_async_copy(
                    table_hbm.at[idx_v.at[pl.ds(r * FPAD, F)]],
                    bufs[b].at[pl.ds(i * F, F)], gsems[b]).wait()

        def start_scatter(g, b):
            for i in range(NBG):
                pltpu.async_copy(bufs[b].at[pl.ds(i * F, F)],
                                 out_hbm.at[b0 + g * NBG + i], ssems[b])

        def wait_scatter(g, b):
            for i in range(NBG):
                pltpu.make_async_copy(bufs[b].at[pl.ds(i * F, F)],
                                      out_hbm.at[b0 + g * NBG + i],
                                      ssems[b]).wait()

        for b in range(NBUF):
            start_gather(b, b)

        def step(o, _):
            for b in range(NBUF):
                g = o * NBUF + b
                wait_gather(g, b)
                start_scatter(g, b)
                gn = g + NBUF

                @pl.when(gn < n_groups)
                def _():
                    wait_scatter(g, b)
                    start_gather(gn, b)

            return None

        lax.fori_loop(0, n_groups // NBUF, step, None)

        for b in range(NBUF):
            wait_scatter(n_groups - NBUF + b, b)

    return embed


def kernel(data, table):
    B, F = data.shape
    V, D = table.shape
    datap = jnp.pad(data.astype(jnp.int32), ((0, 0), (0, FPAD - F)))
    embed = _make_kernel(B, F, V, D)
    return embed(datap.reshape(B * FPAD), table)

# --- scband reference (transcript-rebuilt; emitter-appended) ---
"""Pipeline reference for scband-feature-embedding-2602750182081 (READ-ONLY COPY).

The authoritative reference and input builder live on the scoring server;
editing this copy changes nothing except your own understanding.
"""

import jax, jax.numpy as jnp
import numpy as np

FEATURE_DIMS = [3847] * 26
OFFSET = np.array([0, *np.cumsum(FEATURE_DIMS)[:-1]], dtype=np.int64)
VOCAB = int(sum(FEATURE_DIMS))
EMBED = 128
BATCH = 16384


def setup_inputs(seed: int = 0) -> dict:
    key = jax.random.key(seed)
    k1, k2 = jax.random.split(key)
    data = jax.random.randint(k1, (BATCH, len(FEATURE_DIMS)), 0, 3847)
    # xavier_uniform init for the embedding table
    limit = float(np.sqrt(6.0 / (VOCAB + EMBED)))
    table = jax.random.uniform(k2, (VOCAB, EMBED), minval=-limit, maxval=limit, dtype=jnp.float32)
    return {"data": data, "table": table}


def reference(data, table):
    # data: int[B, F]; add per-field offsets so each field indexes its own slice of the shared table
    idx = data + jnp.asarray(OFFSET, dtype=data.dtype)[None, :]
    return jnp.take(table, idx, axis=0)  # [B, F, EMBED]

if __name__ == "__main__":
    import jax
    _d = setup_inputs()
    print(jax.jit(kernel)(*tuple(_d.values())))

</pallas_src>

<mosaic_0001>
#map = affine_map<(d0, d1) -> (0)>
#map1 = affine_map<(d0, d1) -> (0, 0)>
#map2 = affine_map<(d0, d1) -> (0, 0, 0)>
module attributes {stable_mosaic.version = 14 : i64} {
  func.func @embed(%arg0: i32, %arg1: i32, %arg2: memref<524288xi32, #tpu.memory_space<hbm>>, %arg3: memref<100022x128xf32, #tpu.memory_space<hbm>>, %arg4: memref<16384x26x128xf32, #tpu.memory_space<hbm>>, %arg5: memref<16384xi32, #tpu.memory_space<vmem>>, %arg6: memref<208x128xf32, #tpu.memory_space<vmem>>, %arg7: memref<208x128xf32, #tpu.memory_space<vmem>>, %arg8: memref<208x128xf32, #tpu.memory_space<vmem>>, %arg9: memref<208x128xf32, #tpu.memory_space<vmem>>, %arg10: memref<!tpu.dma_semaphore, #tpu.memory_space<semaphore_mem>>, %arg11: memref<!tpu.dma_semaphore, #tpu.memory_space<semaphore_mem>>, %arg12: memref<!tpu.dma_semaphore, #tpu.memory_space<semaphore_mem>>, %arg13: memref<!tpu.dma_semaphore, #tpu.memory_space<semaphore_mem>>, %arg14: memref<!tpu.dma_semaphore, #tpu.memory_space<semaphore_mem>>, %arg15: memref<!tpu.dma_semaphore, #tpu.memory_space<semaphore_mem>>, %arg16: memref<!tpu.dma_semaphore, #tpu.memory_space<semaphore_mem>>, %arg17: memref<!tpu.dma_semaphore, #tpu.memory_space<semaphore_mem>>) attributes {dimension_semantics = [#tpu.dimension_semantics<core_parallel>, #tpu.dimension_semantics<subcore_parallel>], iteration_bounds = array<i64: 2, 16>, scalar_prefetch = 0 : i64, scratch_operands = 13 : i64, tpu.core_type = #tpu.core_type<sc_vector_subcore>, window_params = [{transform_indices = #map}, {transform_indices = #map1}, {transform_indices = #map2}]} {
    %mul3A = arith.constant 2 : i32
    %mul3A_0 = arith.muli %arg1, %mul3A : i32
    %add3A = arith.addi %mul3A_0, %arg0 : i32
    %mul3A_1 = arith.constant 512 : i32
    %mul3A_2 = arith.muli %add3A, %mul3A_1 : i32
    %iota3A = tpu.iota {dimensions = array<i32: 0>} : vector<16xi32>
    %mul3A_3 = arith.constant 3847 : i32
    %mul3A_4 = vector.broadcast %mul3A_3 : i32 to vector<16xi32>
    %mul3A_5 = arith.muli %iota3A, %mul3A_4 : vector<16xi32>
    %add3A_6 = arith.constant 16 : i32
    %add3A_7 = vector.broadcast %add3A_6 : i32 to vector<16xi32>
    %add3A_8 = arith.addi %iota3A, %add3A_7 : vector<16xi32>
    %mul3A_9 = arith.constant 3847 : i32
    %mul3A_10 = vector.broadcast %mul3A_9 : i32 to vector<16xi32>
    %mul3A_11 = arith.muli %add3A_8, %mul3A_10 : vector<16xi32>
    %mul3A_12 = arith.constant 32 : i32
    %mul3A_13 = arith.muli %mul3A_2, %mul3A_12 : i32
    "tpu.region"() ({
      %run_scoped3A = tpu.sem_alloc : memref<!tpu.dma_semaphore, #tpu.memory_space<semaphore_mem>>
      %dma_start3A_1358 = tpu.memref_slice %arg2[%mul3A_13] : memref<524288xi32, #tpu.memory_space<hbm>> -> memref<16384xi32, #tpu.memory_space<hbm>>
      %dma_start3A_1359 = tpu.memref_slice %arg2[%mul3A_13] : memref<524288xi32, #tpu.memory_space<hbm>> -> memref<16384xi32, #tpu.memory_space<hbm>>
      tpu.enqueue_dma source(%dma_start3A_1359 : memref<16384xi32, #tpu.memory_space<hbm>>) target(%arg5 : memref<16384xi32, #tpu.memory_space<vmem>>) target_semaphore(%run_scoped3A : memref<!tpu.dma_semaphore, #tpu.memory_space<semaphore_mem>>)
      %dma_wait3A_1360 = tpu.memref_slice %arg2[%mul3A_13] : memref<524288xi32, #tpu.memory_space<hbm>> -> memref<16384xi32, #tpu.memory_space<hbm>>
      %dma_wait3A_1361 = tpu.memref_slice %arg2[%mul3A_13] : memref<524288xi32, #tpu.memory_space<hbm>> -> memref<16384xi32, #tpu.memory_space<hbm>>
      tpu.wait_dma2 semaphore(%run_scoped3A : memref<!tpu.dma_semaphore, #tpu.memory_space<semaphore_mem>>) src(%dma_wait3A_1361 : memref<16384xi32, #tpu.memory_space<hbm>>) dst(%arg5 : memref<16384xi32, #tpu.memory_space<vmem>>)
      tpu.yield
    }) : () -> ()
    %get3A = arith.constant 0 : index
    %get3A_14 = tpu.vector_load %arg5[%get3A] {strides = array<i32>} : memref<16384xi32, #tpu.memory_space<vmem>>, vector<16xi32>,
    %get3A_15 = vector.shape_cast %get3A_14 : vector<16xi32> to vector<16xi32>
    %add3A_16 = arith.addi %get3A_15, %mul3A_5 : vector<16xi32>
    %swap3A = arith.constant 0 : index
    %swap3A_17 = tpu.vector_load %arg5[%swap3A] {strides = array<i32>} : memref<16384xi32, #tpu.memory_space<vmem>>, vector<16xi32>,
    %swap3A_18 = vector.shape_cast %swap3A_17 : vector<16xi32> to vector<16xi32>
    %swap3A_19 = vector.shape_cast %add3A_16 : vector<16xi32> to vector<16xi32>
    tpu.vector_store %arg5[%swap3A], %swap3A_19 {strides = array<i32>} : memref<16384xi32, #tpu.memory_space<vmem>>, vector<16xi32>,
    %get3A_20 = arith.constant 16 : index
    %get3A_21 = tpu.vector_load %arg5[%get3A_20] {strides = array<i32>} : memref<16384xi32, #tpu.memory_space<vmem>>, vector<16xi32>,
    %get3A_22 = vector.shape_cast %get3A_21 : vector<16xi32> to vector<16xi32>
    %add3A_23 = arith.addi %get3A_22, %mul3A_11 : vector<16xi32>
    %swap3A_24 = arith.constant 16 : index
    %swap3A_25 = tpu.vector_load %arg5[%swap3A_24] {strides = array<i32>} : memref<16384xi32, #tpu.memory_space<vmem>>, vector<16xi32>,
    %swap3A_26 = vector.shape_cast %swap3A_25 : vector<16xi32> to vector<16xi32>
    %swap3A_27 = vector.shape_cast %add3A_23 : vector<16xi32> to vector<16xi32>
    tpu.vector_store %arg5[%swap3A_24], %swap3A_27 {strides = array<i32>} : memref<16384xi32, #tpu.memory_space<vmem>>, vector<16xi32>,
    %dma_start3A = arith.constant 0 : i32
    %dma_start3A_28 = arith.constant 0 : i32
    %dma_start3A_29 = tpu.memref_slice %arg6[%dma_start3A, %dma_start3A_28] : memref<208x128xf32, #tpu.memory_space<vmem>> -> memref<26x128xf32, #tpu.memory_space<vmem>>
    %dma_start3A_30 = arith.constant 0 : i32
    %dma_start3A_31 = tpu.memref_slice %arg5[%dma_start3A_30] : memref<16384xi32, #tpu.memory_space<vmem>> -> memref<26xi32, #tpu.memory_space<vmem>>
    %dma_start3A_32 = arith.constant 0 : i32
    %dma_start3A_33 = arith.constant 0 : i32
    %dma_start3A_34 = tpu.memref_slice %arg3[%dma_start3A_32, %dma_start3A_33] : memref<100022x128xf32, #tpu.memory_space<hbm>> -> memref<100022x128xf32, #tpu.memory_space<hbm>>
    tpu.enqueue_indirect_dma source(%dma_start3A_34 : memref<100022x128xf32, #tpu.memory_space<hbm>>) target(%dma_start3A_29 : memref<26x128xf32, #tpu.memory_space<vmem>>) offsets(%dma_start3A_31 : memref<26xi32, #tpu.memory_space<vmem>>) semaphore(%arg10 : memref<!tpu.dma_semaphore, #tpu.memory_space<semaphore_mem>>)
    %get3A_35 = arith.constant 32 : index
    %get3A_36 = tpu.vector_load %arg5[%get3A_35] {strides = array<i32>} : memref<16384xi32, #tpu.memory_space<vmem>>, vector<16xi32>,
    %get3A_37 = vector.shape_cast %get3A_36 : vector<16xi32> to vector<16xi32>
    %add3A_38 = arith.addi %get3A_37, %mul3A_5 : vector<16xi32>
    %swap3A_39 = arith.constant 32 : index
    %swap3A_40 = tpu.vector_load %arg5[%swap3A_39] {strides = array<i32>} : memref<16384xi32, #tpu.memory_space<vmem>>, vector<16xi32>,
    %swap3A_41 = vector.shape_cast %swap3A_40 : vector<16xi32> to vector<16xi32>
    %swap3A_42 = vector.shape_cast %add3A_38 : vector<16xi32> to vector<16xi32>
    tpu.vector_store %arg5[%swap3A_39], %swap3A_42 {strides = array<i32>} : memref<16384xi32, #tpu.memory_space<vmem>>, vector<16xi32>,
    %get3A_43 = arith.constant 48 : index
    %get3A_44 = tpu.vector_load %arg5[%get3A_43] {strides = array<i32>} : memref<16384xi32, #tpu.memory_space<vmem>>, vector<16xi32>,
    %get3A_45 = vector.shape_cast %get3A_44 : vector<16xi32> to vector<16xi32>
    %add3A_46 = arith.addi %get3A_45, %mul3A_11 : vector<16xi32>
    %swap3A_47 = arith.constant 48 : index
    %swap3A_48 = tpu.vector_load %arg5[%swap3A_47] {strides = array<i32>} : memref<16384xi32, #tpu.memory_space<vmem>>, vector<16xi32>,
    %swap3A_49 = vector.shape_cast %swap3A_48 : vector<16xi32> to vector<16xi32>
    %swap3A_50 = vector.shape_cast %add3A_46 : vector<16xi32> to vector<16xi32>
    tpu.vector_store %arg5[%swap3A_47], %swap3A_50 {strides = array<i32>} : memref<16384xi32, #tpu.memory_space<vmem>>, vector<16xi32>,
    %dma_start3A_51 = arith.constant 26 : i32
    %dma_start3A_52 = arith.constant 0 : i32
    %dma_start3A_53 = tpu.memref_slice %arg6[%dma_start3A_51, %dma_start3A_52] : memref<208x128xf32, #tpu.memory_space<vmem>> -> memref<26x128xf32, #tpu.memory_space<vmem>>
    %dma_start3A_54 = arith.constant 32 : i32
    %dma_start3A_55 = tpu.memref_slice %arg5[%dma_start3A_54] : memref<16384xi32, #tpu.memory_space<vmem>> -> memref<26xi32, #tpu.memory_space<vmem>>
    %dma_start3A_56 = arith.constant 0 : i32
    %dma_start3A_57 = arith.constant 0 : i32
    %dma_start3A_58 = tpu.memref_slice %arg3[%dma_start3A_56, %dma_start3A_57] : memref<100022x128xf32, #tpu.memory_space<hbm>> -> memref<100022x128xf32, #tpu.memory_space<hbm>>
    tpu.enqueue_indirect_dma source(%dma_start3A_58 : memref<100022x128xf32, #tpu.memory_space<hbm>>) target(%dma_start3A_53 : memref<26x128xf32, #tpu.memory_space<vmem>>) offsets(%dma_start3A_55 : memref<26xi32, #tpu.memory_space<vmem>>) semaphore(%arg10 : memref<!tpu.dma_semaphore, #tpu.memory_space<semaphore_mem>>)
    %get3A_59 = arith.constant 64 : index
    %get3A_60 = tpu.vector_load %arg5[%get3A_59] {strides = array<i32>} : memref<16384xi32, #tpu.memory_space<vmem>>, vector<16xi32>,
    %get3A_61 = vector.shape_cast %get3A_60 : vector<16xi32> to vector<16xi32>
    %add3A_62 = arith.addi %get3A_61, %mul3A_5 : vector<16xi32>
    %swap3A_63 = arith.constant 64 : index
    %swap3A_64 = tpu.vector_load %arg5[%swap3A_63] {strides = array<i32>} : memref<16384xi32, #tpu.memory_space<vmem>>, vector<16xi32>,
    %swap3A_65 = vector.shape_cast %swap3A_64 : vector<16xi32> to vector<16xi32>
    %swap3A_66 = vector.shape_cast %add3A_62 : vector<16xi32> to vector<16xi32>
    tpu.vector_store %arg5[%swap3A_63], %swap3A_66 {strides = array<i32>} : memref<16384xi32, #tpu.memory_space<vmem>>, vector<16xi32>,
    %get3A_67 = arith.constant 80 : index
    %get3A_68 = tpu.vector_load %arg5[%get3A_67] {strides = array<i32>} : memref<16384xi32, #tpu.memory_space<vmem>>, vector<16xi32>,
    %get3A_69 = vector.shape_cast %get3A_68 : vector<16xi32> to vector<16xi32>
    %add3A_70 = arith.addi %get3A_69, %mul3A_11 : vector<16xi32>
    %swap3A_71 = arith.constant 80 : index
    %swap3A_72 = tpu.vector_load %arg5[%swap3A_71] {strides = array<i32>} : memref<16384xi32, #tpu.memory_space<vmem>>, vector<16xi32>,
    %swap3A_73 = vector.shape_cast %swap3A_72 : vector<16xi32> to vector<16xi32>
    %swap3A_74 = vector.shape_cast %add3A_70 : vector<16xi32> to vector<16xi32>
    tpu.vector_store %arg5[%swap3A_71], %swap3A_74 {strides = array<i32>} : memref<16384xi32, #tpu.memory_space<vmem>>, vector<16xi32>,
    %dma_start3A_75 = arith.constant 52 : i32
    %dma_start3A_76 = arith.constant 0 : i32
    %dma_start3A_77 = tpu.memref_slice %arg6[%dma_start3A_75, %dma_start3A_76] : memref<208x128xf32, #tpu.memory_space<vmem>> -> memref<26x128xf32, #tpu.memory_space<vmem>>
    %dma_start3A_78 = arith.constant 64 : i32
    %dma_start3A_79 = tpu.memref_slice %arg5[%dma_start3A_78] : memref<16384xi32, #tpu.memory_space<vmem>> -> memref<26xi32, #tpu.memory_space<vmem>>
    %dma_start3A_80 = arith.constant 0 : i32
    %dma_start3A_81 = arith.constant 0 : i32
    %dma_start3A_82 = tpu.memref_slice %arg3[%dma_start3A_80, %dma_start3A_81] : memref<100022x128xf32, #tpu.memory_space<hbm>> -> memref<100022x128xf32, #tpu.memory_space<hbm>>
    tpu.enqueue_indirect_dma source(%dma_start3A_82 : memref<100022x128xf32, #tpu.memory_space<hbm>>) target(%dma_start3A_77 : memref<26x128xf32, #tpu.memory_space<vmem>>) offsets(%dma_start3A_79 : memref<26xi32, #tpu.memory_space<vmem>>) semaphore(%arg10 : memref<!tpu.dma_semaphore, #tpu.memory_space<semaphore_mem>>)
    %get3A_83 = arith.constant 96 : index
    %get3A_84 = tpu.vector_load %arg5[%get3A_83] {strides = array<i32>} : memref<16384xi32, #tpu.memory_space<vmem>>, vector<16xi32>,
    %get3A_85 = vector.shape_cast %get3A_84 : vector<16xi32> to vector<16xi32>
    %add3A_86 = arith.addi %get3A_85, %mul3A_5 : vector<16xi32>
    %swap3A_87 = arith.constant 96 : index
    %swap3A_88 = tpu.vector_load %arg5[%swap3A_87] {strides = array<i32>} : memref<16384xi32, #tpu.memory_space<vmem>>, vector<16xi32>,
    %swap3A_89 = vector.shape_cast %swap3A_88 : vector<16xi32> to vector<16xi32>
    %swap3A_90 = vector.shape_cast %add3A_86 : vector<16xi32> to vector<16xi32>
    tpu.vector_store %arg5[%swap3A_87], %swap3A_90 {strides = array<i32>} : memref<16384xi32, #tpu.memory_space<vmem>>, vector<16xi32>,
    %get3A_91 = arith.constant 112 : index
    %get3A_92 = tpu.vector_load %arg5[%get3A_91] {strides = array<i32>} : memref<16384xi32, #tpu.memory_space<vmem>>, vector<16xi32>,
    %get3A_93 = vector.shape_cast %get3A_92 : vector<16xi32> to vector<16xi32>
    %add3A_94 = arith.addi %get3A_93, %mul3A_11 : vector<16xi32>
    %swap3A_95 = arith.constant 112 : index
    %swap3A_96 = tpu.vector_load %arg5[%swap3A_95] {strides = array<i32>} : memref<16384xi32, #tpu.memory_space<vmem>>, vector<16xi32>,
    %swap3A_97 = vector.shape_cast %swap3A_96 : vector<16xi32> to vector<16xi32>
    %swap3A_98 = vector.shape_cast %add3A_94 : vector<16xi32> to vector<16xi32>
    tpu.vector_store %arg5[%swap3A_95], %swap3A_98 {strides = array<i32>} : memref<16384xi32, #tpu.memory_space<vmem>>, vector<16xi32>,
    %dma_start3A_99 = arith.constant 78 : i32
    %dma_start3A_100 = arith.constant 0 : i32
    %dma_start3A_101 = tpu.memref_slice %arg6[%dma_start3A_99, %dma_start3A_100] : memref<208x128xf32, #tpu.memory_space<vmem>> -> memref<26x128xf32, #tpu.memory_space<vmem>>
    %dma_start3A_102 = arith.constant 96 : i32
    %dma_start3A_103 = tpu.memref_slice %arg5[%dma_start3A_102] : memref<16384xi32, #tpu.memory_space<vmem>> -> memref<26xi32, #tpu.memory_space<vmem>>
    %dma_start3A_104 = arith.constant 0 : i32
    %dma_start3A_105 = arith.constant 0 : i32
    %dma_start3A_106 = tpu.memref_slice %arg3[%dma_start3A_104, %dma_start3A_105] : memref<100022x128xf32, #tpu.memory_space<hbm>> -> memref<100022x128xf32, #tpu.memory_space<hbm>>
    tpu.enqueue_indirect_dma source(%dma_start3A_106 : memref<100022x128xf32, #tpu.memory_space<hbm>>) target(%dma_start3A_101 : memref<26x128xf32, #tpu.memory_space<vmem>>) offsets(%dma_start3A_103 : memref<26xi32, #tpu.memory_space<vmem>>) semaphore(%arg10 : memref<!tpu.dma_semaphore, #tpu.memory_space<semaphore_mem>>)
    %get3A_107 = arith.constant 128 : index
    %get3A_108 = tpu.vector_load %arg5[%get3A_107] {strides = array<i32>} : memref<16384xi32, #tpu.memory_space<vmem>>, vector<16xi32>,
    %get3A_109 = vector.shape_cast %get3A_108 : vector<16xi32> to vector<16xi32>
    %add3A_110 = arith.addi %get3A_109, %mul3A_5 : vector<16xi32>
    %swap3A_111 = arith.constant 128 : index
    %swap3A_112 = tpu.vector_load %arg5[%swap3A_111] {strides = array<i32>} : memref<16384xi32, #tpu.memory_space<vmem>>, vector<16xi32>,
    %swap3A_113 = vector.shape_cast %swap3A_112 : vector<16xi32> to vector<16xi32>
    %swap3A_114 = vector.shape_cast %add3A_110 : vector<16xi32> to vector<16xi32>
    tpu.vector_store %arg5[%swap3A_111], %swap3A_114 {strides = array<i32>} : memref<16384xi32, #tpu.memory_space<vmem>>, vector<16xi32>,
    %get3A_115 = arith.constant 144 : index
    %get3A_116 = tpu.vector_load %arg5[%get3A_115] {strides = array<i32>} : memref<16384xi32, #tpu.memory_space<vmem>>, vector<16xi32>,
    %get3A_117 = vector.shape_cast %get3A_116 : vector<16xi32> to vector<16xi32>
    %add3A_118 = arith.addi %get3A_117, %mul3A_11 : vector<16xi32>
    %swap3A_119 = arith.constant 144 : index
    %swap3A_120 = tpu.vector_load %arg5[%swap3A_119] {strides = array<i32>} : memref<16384xi32, #tpu.memory_space<vmem>>, vector<16xi32>,
    %swap3A_121 = vector.shape_cast %swap3A_120 : vector<16xi32> to vector<16xi32>
    %swap3A_122 = vector.shape_cast %add3A_118 : vector<16xi32> to vector<16xi32>
    tpu.vector_store %arg5[%swap3A_119], %swap3A_122 {strides = array<i32>} : memref<16384xi32, #tpu.memory_space<vmem>>, vector<16xi32>,
    %dma_start3A_123 = arith.constant 104 : i32
    %dma_start3A_124 = arith.constant 0 : i32
    %dma_start3A_125 = tpu.memref_slice %arg6[%dma_start3A_123, %dma_start3A_124] : memref<208x128xf32, #tpu.memory_space<vmem>> -> memref<26x128xf32, #tpu.memory_space<vmem>>
    %dma_start3A_126 = arith.constant 128 : i32
    %dma_start3A_127 = tpu.memref_slice %arg5[%dma_start3A_126] : memref<16384xi32, #tpu.memory_space<vmem>> -> memref<26xi32, #tpu.memory_space<vmem>>
    %dma_start3A_128 = arith.constant 0 : i32
    %dma_start3A_129 = arith.constant 0 : i32
    %dma_start3A_130 = tpu.memref_slice %arg3[%dma_start3A_128, %dma_start3A_129] : memref<100022x128xf32, #tpu.memory_space<hbm>> -> memref<100022x128xf32, #tpu.memory_space<hbm>>
    tpu.enqueue_indirect_dma source(%dma_start3A_130 : memref<100022x128xf32, #tpu.memory_space<hbm>>) target(%dma_start3A_125 : memref<26x128xf32, #tpu.memory_space<vmem>>) offsets(%dma_start3A_127 : memref<26xi32, #tpu.memory_space<vmem>>) semaphore(%arg10 : memref<!tpu.dma_semaphore, #tpu.memory_space<semaphore_mem>>)
    %get3A_131 = arith.constant 160 : index
    %get3A_132 = tpu.vector_load %arg5[%get3A_131] {strides = array<i32>} : memref<16384xi32, #tpu.memory_space<vmem>>, vector<16xi32>,
    %get3A_133 = vector.shape_cast %get3A_132 : vector<16xi32> to vector<16xi32>
    %add3A_134 = arith.addi %get3A_133, %mul3A_5 : vector<16xi32>
    %swap3A_135 = arith.constant 160 : index
    %swap3A_136 = tpu.vector_load %arg5[%swap3A_135] {strides = array<i32>} : memref<16384xi32, #tpu.memory_space<vmem>>, vector<16xi32>,
    %swap3A_137 = vector.shape_cast %swap3A_136 : vector<16xi32> to vector<16xi32>
    %swap3A_138 = vector.shape_cast %add3A_134 : vector<16xi32> to vector<16xi32>
    tpu.vector_store %arg5[%swap3A_135], %swap3A_138 {strides = array<i32>} : memref<16384xi32, #tpu.memory_space<vmem>>, vector<16xi32>,
    %get3A_139 = arith.constant 176 : index
    %get3A_140 = tpu.vector_load %arg5[%get3A_139] {strides = array<i32>} : memref<16384xi32, #tpu.memory_space<vmem>>, vector<16xi32>,
    %get3A_141 = vector.shape_cast %get3A_140 : vector<16xi32> to vector<16xi32>
    %add3A_142 = arith.addi %get3A_141, %mul3A_11 : vector<16xi32>
    %swap3A_143 = arith.constant 176 : index
    %swap3A_144 = tpu.vector_load %arg5[%swap3A_143] {strides = array<i32>} : memref<16384xi32, #tpu.memory_space<vmem>>, vector<16xi32>,
    %swap3A_145 = vector.shape_cast %swap3A_144 : vector<16xi32> to vector<16xi32>
    %swap3A_146 = vector.shape_cast %add3A_142 : vector<16xi32> to vector<16xi32>
    tpu.vector_store %arg5[%swap3A_143], %swap3A_146 {strides = array<i32>} : memref<16384xi32, #tpu.memory_space<vmem>>, vector<16xi32>,
    %dma_start3A_147 = arith.constant 130 : i32
    %dma_start3A_148 = arith.constant 0 : i32
    %dma_start3A_149 = tpu.memref_slice %arg6[%dma_start3A_147, %dma_start3A_148] : memref<208x128xf32, #tpu.memory_space<vmem>> -> memref<26x128xf32, #tpu.memory_space<vmem>>
    %dma_start3A_150 = arith.constant 160 : i32
    %dma_start3A_151 = tpu.memref_slice %arg5[%dma_start3A_150] : memref<16384xi32, #tpu.memory_space<vmem>> -> memref<26xi32, #tpu.memory_space<vmem>>
    %dma_start3A_152 = arith.constant 0 : i32
    %dma_start3A_153 = arith.constant 0 : i32
    %dma_start3A_154 = tpu.memref_slice %arg3[%dma_start3A_152, %dma_start3A_153] : memref<100022x128xf32, #tpu.memory_space<hbm>> -> memref<100022x128xf32, #tpu.memory_space<hbm>>
    tpu.enqueue_indirect_dma source(%dma_start3A_154 : memref<100022x128xf32, #tpu.memory_space<hbm>>) target(%dma_start3A_149 : memref<26x128xf32, #tpu.memory_space<vmem>>) offsets(%dma_start3A_151 : memref<26xi32, #tpu.memory_space<vmem>>) semaphore(%arg10 : memref<!tpu.dma_semaphore, #tpu.memory_space<semaphore_mem>>)
    %get3A_155 = arith.constant 192 : index
    %get3A_156 = tpu.vector_load %arg5[%get3A_155] {strides = array<i32>} : memref<16384xi32, #tpu.memory_space<vmem>>, vector<16xi32>,
    %get3A_157 = vector.shape_cast %get3A_156 : vector<16xi32> to vector<16xi32>
    %add3A_158 = arith.addi %get3A_157, %mul3A_5 : vector<16xi32>
    %swap3A_159 = arith.constant 192 : index
    %swap3A_160 = tpu.vector_load %arg5[%swap3A_159] {strides = array<i32>} : memref<16384xi32, #tpu.memory_space<vmem>>, vector<16xi32>,
    %swap3A_161 = vector.shape_cast %swap3A_160 : vector<16xi32> to vector<16xi32>
    %swap3A_162 = vector.shape_cast %add3A_158 : vector<16xi32> to vector<16xi32>
    tpu.vector_store %arg5[%swap3A_159], %swap3A_162 {strides = array<i32>} : memref<16384xi32, #tpu.memory_space<vmem>>, vector<16xi32>,
    %get3A_163 = arith.constant 208 : index
    %get3A_164 = tpu.vector_load %arg5[%get3A_163] {strides = array<i32>} : memref<16384xi32, #tpu.memory_space<vmem>>, vector<16xi32>,
    %get3A_165 = vector.shape_cast %get3A_164 : vector<16xi32> to vector<16xi32>
    %add3A_166 = arith.addi %get3A_165, %mul3A_11 : vector<16xi32>
    %swap3A_167 = arith.constant 208 : index
    %swap3A_168 = tpu.vector_load %arg5[%swap3A_167] {strides = array<i32>} : memref<16384xi32, #tpu.memory_space<vmem>>, vector<16xi32>,
    %swap3A_169 = vector.shape_cast %swap3A_168 : vector<16xi32> to vector<16xi32>
    %swap3A_170 = vector.shape_cast %add3A_166 : vector<16xi32> to vector<16xi32>
    tpu.vector_store %arg5[%swap3A_167], %swap3A_170 {strides = array<i32>} : memref<16384xi32, #tpu.memory_space<vmem>>, vector<16xi32>,
    %dma_start3A_171 = arith.constant 156 : i32
    %dma_start3A_172 = arith.constant 0 : i32
    %dma_start3A_173 = tpu.memref_slice %arg6[%dma_start3A_171, %dma_start3A_172] : memref<208x128xf32, #tpu.memory_space<vmem>> -> memref<26x128xf32, #tpu.memory_space<vmem>>
    %dma_start3A_174 = arith.constant 192 : i32
    %dma_start3A_175 = tpu.memref_slice %arg5[%dma_start3A_174] : memref<16384xi32, #tpu.memory_space<vmem>> -> memref<26xi32, #tpu.memory_space<vmem>>
    %dma_start3A_176 = arith.constant 0 : i32
    %dma_start3A_177 = arith.constant 0 : i32
    %dma_start3A_178 = tpu.memref_slice %arg3[%dma_start3A_176, %dma_start3A_177] : memref<100022x128xf32, #tpu.memory_space<hbm>> -> memref<100022x128xf32, #tpu.memory_space<hbm>>
    tpu.enqueue_indirect_dma source(%dma_start3A_178 : memref<100022x128xf32, #tpu.memory_space<hbm>>) target(%dma_start3A_173 : memref<26x128xf32, #tpu.memory_space<vmem>>) offsets(%dma_start3A_175 : memref<26xi32, #tpu.memory_space<vmem>>) semaphore(%arg10 : memref<!tpu.dma_semaphore, #tpu.memory_space<semaphore_mem>>)
    %get3A_179 = arith.constant 224 : index
    %get3A_180 = tpu.vector_load %arg5[%get3A_179] {strides = array<i32>} : memref<16384xi32, #tpu.memory_space<vmem>>, vector<16xi32>,
    %get3A_181 = vector.shape_cast %get3A_180 : vector<16xi32> to vector<16xi32>
    %add3A_182 = arith.addi %get3A_181, %mul3A_5 : vector<16xi32>
    %swap3A_183 = arith.constant 224 : index
    %swap3A_184 = tpu.vector_load %arg5[%swap3A_183] {strides = array<i32>} : memref<16384xi32, #tpu.memory_space<vmem>>, vector<16xi32>,
    %swap3A_185 = vector.shape_cast %swap3A_184 : vector<16xi32> to vector<16xi32>
    %swap3A_186 = vector.shape_cast %add3A_182 : vector<16xi32> to vector<16xi32>
    tpu.vector_store %arg5[%swap3A_183], %swap3A_186 {strides = array<i32>} : memref<16384xi32, #tpu.memory_space<vmem>>, vector<16xi32>,
    %get3A_187 = arith.constant 240 : index
    %get3A_188 = tpu.vector_load %arg5[%get3A_187] {strides = array<i32>} : memref<16384xi32, #tpu.memory_space<vmem>>, vector<16xi32>,
    %get3A_189 = vector.shape_cast %get3A_188 : vector<16xi32> to vector<16xi32>
    %add3A_190 = arith.addi %get3A_189, %mul3A_11 : vector<16xi32>
    %swap3A_191 = arith.constant 240 : index
    %swap3A_192 = tpu.vector_load %arg5[%swap3A_191] {strides = array<i32>} : memref<16384xi32, #tpu.memory_space<vmem>>, vector<16xi32>,
    %swap3A_193 = vector.shape_cast %swap3A_192 : vector<16xi32> to vector<16xi32>
    %swap3A_194 = vector.shape_cast %add3A_190 : vector<16xi32> to vector<16xi32>
    tpu.vector_store %arg5[%swap3A_191], %swap3A_194 {strides = array<i32>} : memref<16384xi32, #tpu.memory_space<vmem>>, vector<16xi32>,
    %dma_start3A_195 = arith.constant 182 : i32
    %dma_start3A_196 = arith.constant 0 : i32
    %dma_start3A_197 = tpu.memref_slice %arg6[%dma_start3A_195, %dma_start3A_196] : memref<208x128xf32, #tpu.memory_space<vmem>> -> memref<26x128xf32, #tpu.memory_space<vmem>>
    %dma_start3A_198 = arith.constant 224 : i32
    %dma_start3A_199 = tpu.memref_slice %arg5[%dma_start3A_198] : memref<16384xi32, #tpu.memory_space<vmem>> -> memref<26xi32, #tpu.memory_space<vmem>>
    %dma_start3A_200 = arith.constant 0 : i32
    %dma_start3A_201 = arith.constant 0 : i32
    %dma_start3A_202 = tpu.memref_slice %arg3[%dma_start3A_200, %dma_start3A_201] : memref<100022x128xf32, #tpu.memory_space<hbm>> -> memref<100022x128xf32, #tpu.memory_space<hbm>>
    tpu.enqueue_indirect_dma source(%dma_start3A_202 : memref<100022x128xf32, #tpu.memory_space<hbm>>) target(%dma_start3A_197 : memref<26x128xf32, #tpu.memory_space<vmem>>) offsets(%dma_start3A_199 : memref<26xi32, #tpu.memory_space<vmem>>) semaphore(%arg10 : memref<!tpu.dma_semaphore, #tpu.memory_space<semaphore_mem>>)
    %get3A_203 = arith.constant 256 : index
    %get3A_204 = tpu.vector_load %arg5[%get3A_203] {strides = array<i32>} : memref<16384xi32, #tpu.memory_space<vmem>>, vector<16xi32>,
    %get3A_205 = vector.shape_cast %get3A_204 : vector<16xi32> to vector<16xi32>
    %add3A_206 = arith.addi %get3A_205, %mul3A_5 : vector<16xi32>
    %swap3A_207 = arith.constant 256 : index
    %swap3A_208 = tpu.vector_load %arg5[%swap3A_207] {strides = array<i32>} : memref<16384xi32, #tpu.memory_space<vmem>>, vector<16xi32>,
    %swap3A_209 = vector.shape_cast %swap3A_208 : vector<16xi32> to vector<16xi32>
    %swap3A_210 = vector.shape_cast %add3A_206 : vector<16xi32> to vector<16xi32>
    tpu.vector_store %arg5[%swap3A_207], %swap3A_210 {strides = array<i32>} : memref<16384xi32, #tpu.memory_space<vmem>>, vector<16xi32>,
    %get3A_211 = arith.constant 272 : index
    %get3A_212 = tpu.vector_load %arg5[%get3A_211] {strides = array<i32>} : memref<16384xi32, #tpu.memory_space<vmem>>, vector<16xi32>,
    %get3A_213 = vector.shape_cast %get3A_212 : vector<16xi32> to vector<16xi32>
    %add3A_214 = arith.addi %get3A_213, %mul3A_11 : vector<16xi32>
    %swap3A_215 = arith.constant 272 : index
    %swap3A_216 = tpu.vector_load %arg5[%swap3A_215] {strides = array<i32>} : memref<16384xi32, #tpu.memory_space<vmem>>, vector<16xi32>,
    %swap3A_217 = vector.shape_cast %swap3A_216 : vector<16xi32> to vector<16xi32>
    %swap3A_218 = vector.shape_cast %add3A_214 : vector<16xi32> to vector<16xi32>
    tpu.vector_store %arg5[%swap3A_215], %swap3A_218 {strides = array<i32>} : memref<16384xi32, #tpu.memory_space<vmem>>, vector<16xi32>,
    %dma_start3A_219 = arith.constant 0 : i32
    %dma_start3A_220 = arith.constant 0 : i32
    %dma_start3A_221 = tpu.memref_slice %arg7[%dma_start3A_219, %dma_start3A_220] : memref<208x128xf32, #tpu.memory_space<vmem>> -> memref<26x128xf32, #tpu.memory_space<vmem>>
    %dma_start3A_222 = arith.constant 256 : i32
    %dma_start3A_223 = tpu.memref_slice %arg5[%dma_start3A_222] : memref<16384xi32, #tpu.memory_space<vmem>> -> memref<26xi32, #tpu.memory_space<vmem>>
    %dma_start3A_224 = arith.constant 0 : i32
    %dma_start3A_225 = arith.constant 0 : i32
    %dma_start3A_226 = tpu.memref_slice %arg3[%dma_start3A_224, %dma_start3A_225] : memref<100022x128xf32, #tpu.memory_space<hbm>> -> memref<100022x128xf32, #tpu.memory_space<hbm>>
    tpu.enqueue_indirect_dma source(%dma_start3A_226 : memref<100022x128xf32, #tpu.memory_space<hbm>>) target(%dma_start3A_221 : memref<26x128xf32, #tpu.memory_space<vmem>>) offsets(%dma_start3A_223 : memref<26xi32, #tpu.memory_space<vmem>>) semaphore(%arg11 : memref<!tpu.dma_semaphore, #tpu.memory_space<semaphore_mem>>)
    %get3A_227 = arith.constant 288 : index
    %get3A_228 = tpu.vector_load %arg5[%get3A_227] {strides = array<i32>} : memref<16384xi32, #tpu.memory_space<vmem>>, vector<16xi32>,
    %get3A_229 = vector.shape_cast %get3A_228 : vector<16xi32> to vector<16xi32>
    %add3A_230 = arith.addi %get3A_229, %mul3A_5 : vector<16xi32>
    %swap3A_231 = arith.constant 288 : index
    %swap3A_232 = tpu.vector_load %arg5[%swap3A_231] {strides = array<i32>} : memref<16384xi32, #tpu.memory_space<vmem>>, vector<16xi32>,
    %swap3A_233 = vector.shape_cast %swap3A_232 : vector<16xi32> to vector<16xi32>
    %swap3A_234 = vector.shape_cast %add3A_230 : vector<16xi32> to vector<16xi32>
    tpu.vector_store %arg5[%swap3A_231], %swap3A_234 {strides = array<i32>} : memref<16384xi32, #tpu.memory_space<vmem>>, vector<16xi32>,
    %get3A_235 = arith.constant 304 : index
    %get3A_236 = tpu.vector_load %arg5[%get3A_235] {strides = array<i32>} : memref<16384xi32, #tpu.memory_space<vmem>>, vector<16xi32>,
    %get3A_237 = vector.shape_cast %get3A_236 : vector<16xi32> to vector<16xi32>
    %add3A_238 = arith.addi %get3A_237, %mul3A_11 : vector<16xi32>
    %swap3A_239 = arith.constant 304 : index
    %swap3A_240 = tpu.vector_load %arg5[%swap3A_239] {strides = array<i32>} : memref<16384xi32, #tpu.memory_space<vmem>>, vector<16xi32>,
    %swap3A_241 = vector.shape_cast %swap3A_240 : vector<16xi32> to vector<16xi32>
    %swap3A_242 = vector.shape_cast %add3A_238 : vector<16xi32> to vector<16xi32>
    tpu.vector_store %arg5[%swap3A_239], %swap3A_242 {strides = array<i32>} : memref<16384xi32, #tpu.memory_space<vmem>>, vector<16xi32>,
    %dma_start3A_243 = arith.constant 26 : i32
    %dma_start3A_244 = arith.constant 0 : i32
    %dma_start3A_245 = tpu.memref_slice %arg7[%dma_start3A_243, %dma_start3A_244] : memref<208x128xf32, #tpu.memory_space<vmem>> -> memref<26x128xf32, #tpu.memory_space<vmem>>
    %dma_start3A_246 = arith.constant 288 : i32
    %dma_start3A_247 = tpu.memref_slice %arg5[%dma_start3A_246] : memref<16384xi32, #tpu.memory_space<vmem>> -> memref<26xi32, #tpu.memory_space<vmem>>
    %dma_start3A_248 = arith.constant 0 : i32
    %dma_start3A_249 = arith.constant 0 : i32
    %dma_start3A_250 = tpu.memref_slice %arg3[%dma_start3A_248, %dma_start3A_249] : memref<100022x128xf32, #tpu.memory_space<hbm>> -> memref<100022x128xf32, #tpu.memory_space<hbm>>
    tpu.enqueue_indirect_dma source(%dma_start3A_250 : memref<100022x128xf32, #tpu.memory_space<hbm>>) target(%dma_start3A_245 : memref<26x128xf32, #tpu.memory_space<vmem>>) offsets(%dma_start3A_247 : memref<26xi32, #tpu.memory_space<vmem>>) semaphore(%arg11 : memref<!tpu.dma_semaphore, #tpu.memory_space<semaphore_mem>>)
    %get3A_251 = arith.constant 320 : index
    %get3A_252 = tpu.vector_load %arg5[%get3A_251] {strides = array<i32>} : memref<16384xi32, #tpu.memory_space<vmem>>, vector<16xi32>,
    %get3A_253 = vector.shape_cast %get3A_252 : vector<16xi32> to vector<16xi32>
    %add3A_254 = arith.addi %get3A_253, %mul3A_5 : vector<16xi32>
    %swap3A_255 = arith.constant 320 : index
    %swap3A_256 = tpu.vector_load %arg5[%swap3A_255] {strides = array<i32>} : memref<16384xi32, #tpu.memory_space<vmem>>, vector<16xi32>,
    %swap3A_257 = vector.shape_cast %swap3A_256 : vector<16xi32> to vector<16xi32>
    %swap3A_258 = vector.shape_cast %add3A_254 : vector<16xi32> to vector<16xi32>
    tpu.vector_store %arg5[%swap3A_255], %swap3A_258 {strides = array<i32>} : memref<16384xi32, #tpu.memory_space<vmem>>, vector<16xi32>,
    %get3A_259 = arith.constant 336 : index
    %get3A_260 = tpu.vector_load %arg5[%get3A_259] {strides = array<i32>} : memref<16384xi32, #tpu.memory_space<vmem>>, vector<16xi32>,
    %get3A_261 = vector.shape_cast %get3A_260 : vector<16xi32> to vector<16xi32>
    %add3A_262 = arith.addi %get3A_261, %mul3A_11 : vector<16xi32>
    %swap3A_263 = arith.constant 336 : index
    %swap3A_264 = tpu.vector_load %arg5[%swap3A_263] {strides = array<i32>} : memref<16384xi32, #tpu.memory_space<vmem>>, vector<16xi32>,
    %swap3A_265 = vector.shape_cast %swap3A_264 : vector<16xi32> to vector<16xi32>
    %swap3A_266 = vector.shape_cast %add3A_262 : vector<16xi32> to vector<16xi32>
    tpu.vector_store %arg5[%swap3A_263], %swap3A_266 {strides = array<i32>} : memref<16384xi32, #tpu.memory_space<vmem>>, vector<16xi32>,
    %dma_start3A_267 = arith.constant 52 : i32
    %dma_start3A_268 = arith.constant 0 : i32
    %dma_start3A_269 = tpu.memref_slice %arg7[%dma_start3A_267, %dma_start3A_268] : memref<208x128xf32, #tpu.memory_space<vmem>> -> memref<26x128xf32, #tpu.memory_space<vmem>>
    %dma_start3A_270 = arith.constant 320 : i32
    %dma_start3A_271 = tpu.memref_slice %arg5[%dma_start3A_270] : memref<16384xi32, #tpu.memory_space<vmem>> -> memref<26xi32, #tpu.memory_space<vmem>>
    %dma_start3A_272 = arith.constant 0 : i32
    %dma_start3A_273 = arith.constant 0 : i32
    %dma_start3A_274 = tpu.memref_slice %arg3[%dma_start3A_272, %dma_start3A_273] : memref<100022x128xf32, #tpu.memory_space<hbm>> -> memref<100022x128xf32, #tpu.memory_space<hbm>>
    tpu.enqueue_indirect_dma source(%dma_start3A_274 : memref<100022x128xf32, #tpu.memory_space<hbm>>) target(%dma_start3A_269 : memref<26x128xf32, #tpu.memory_space<vmem>>) offsets(%dma_start3A_271 : memref<26xi32, #tpu.memory_space<vmem>>) semaphore(%arg11 : memref<!tpu.dma_semaphore, #tpu.memory_space<semaphore_mem>>)
    %get3A_275 = arith.constant 352 : index
    %get3A_276 = tpu.vector_load %arg5[%get3A_275] {strides = array<i32>} : memref<16384xi32, #tpu.memory_space<vmem>>, vector<16xi32>,
    %get3A_277 = vector.shape_cast %get3A_276 : vector<16xi32> to vector<16xi32>
    %add3A_278 = arith.addi %get3A_277, %mul3A_5 : vector<16xi32>
    %swap3A_279 = arith.constant 352 : index
    %swap3A_280 = tpu.vector_load %arg5[%swap3A_279] {strides = array<i32>} : memref<16384xi32, #tpu.memory_space<vmem>>, vector<16xi32>,
    %swap3A_281 = vector.shape_cast %swap3A_280 : vector<16xi32> to vector<16xi32>
    %swap3A_282 = vector.shape_cast %add3A_278 : vector<16xi32> to vector<16xi32>
    tpu.vector_store %arg5[%swap3A_279], %swap3A_282 {strides = array<i32>} : memref<16384xi32, #tpu.memory_space<vmem>>, vector<16xi32>,
    %get3A_283 = arith.constant 368 : index
    %get3A_284 = tpu.vector_load %arg5[%get3A_283] {strides = array<i32>} : memref<16384xi32, #tpu.memory_space<vmem>>, vector<16xi32>,
    %get3A_285 = vector.shape_cast %get3A_284 : vector<16xi32> to vector<16xi32>
    %add3A_286 = arith.addi %get3A_285, %mul3A_11 : vector<16xi32>
    %swap3A_287 = arith.constant 368 : index
    %swap3A_288 = tpu.vector_load %arg5[%swap3A_287] {strides = array<i32>} : memref<16384xi32, #tpu.memory_space<vmem>>, vector<16xi32>,
    %swap3A_289 = vector.shape_cast %swap3A_288 : vector<16xi32> to vector<16xi32>
    %swap3A_290 = vector.shape_cast %add3A_286 : vector<16xi32> to vector<16xi32>
    tpu.vector_store %arg5[%swap3A_287], %swap3A_290 {strides = array<i32>} : memref<16384xi32, #tpu.memory_space<vmem>>, vector<16xi32>,
    %dma_start3A_291 = arith.constant 78 : i32
    %dma_start3A_292 = arith.constant 0 : i32
    %dma_start3A_293 = tpu.memref_slice %arg7[%dma_start3A_291, %dma_start3A_292] : memref<208x128xf32, #tpu.memory_space<vmem>> -> memref<26x128xf32, #tpu.memory_space<vmem>>
    %dma_start3A_294 = arith.constant 352 : i32
    %dma_start3A_295 = tpu.memref_slice %arg5[%dma_start3A_294] : memref<16384xi32, #tpu.memory_space<vmem>> -> memref<26xi32, #tpu.memory_space<vmem>>
    %dma_start3A_296 = arith.constant 0 : i32
    %dma_start3A_297 = arith.constant 0 : i32
    %dma_start3A_298 = tpu.memref_slice %arg3[%dma_start3A_296, %dma_start3A_297] : memref<100022x128xf32, #tpu.memory_space<hbm>> -> memref<100022x128xf32, #tpu.memory_space<hbm>>
    tpu.enqueue_indirect_dma source(%dma_start3A_298 : memref<100022x128xf32, #tpu.memory_space<hbm>>) target(%dma_start3A_293 : memref<26x128xf32, #tpu.memory_space<vmem>>) offsets(%dma_start3A_295 : memref<26xi32, #tpu.memory_space<vmem>>) semaphore(%arg11 : memref<!tpu.dma_semaphore, #tpu.memory_space<semaphore_mem>>)
    %get3A_299 = arith.constant 384 : index
    %get3A_300 = tpu.vector_load %arg5[%get3A_299] {strides = array<i32>} : memref<16384xi32, #tpu.memory_space<vmem>>, vector<16xi32>,
    %get3A_301 = vector.shape_cast %get3A_300 : vector<16xi32> to vector<16xi32>
    %add3A_302 = arith.addi %get3A_301, %mul3A_5 : vector<16xi32>
    %swap3A_303 = arith.constant 384 : index
    %swap3A_304 = tpu.vector_load %arg5[%swap3A_303] {strides = array<i32>} : memref<16384xi32, #tpu.memory_space<vmem>>, vector<16xi32>,
    %swap3A_305 = vector.shape_cast %swap3A_304 : vector<16xi32> to vector<16xi32>
    %swap3A_306 = vector.shape_cast %add3A_302 : vector<16xi32> to vector<16xi32>
    tpu.vector_store %arg5[%swap3A_303], %swap3A_306 {strides = array<i32>} : memref<16384xi32, #tpu.memory_space<vmem>>, vector<16xi32>,
    %get3A_307 = arith.constant 400 : index
    %get3A_308 = tpu.vector_load %arg5[%get3A_307] {strides = array<i32>} : memref<16384xi32, #tpu.memory_space<vmem>>, vector<16xi32>,
    %get3A_309 = vector.shape_cast %get3A_308 : vector<16xi32> to vector<16xi32>
    %add3A_310 = arith.addi %get3A_309, %mul3A_11 : vector<16xi32>
    %swap3A_311 = arith.constant 400 : index
    %swap3A_312 = tpu.vector_load %arg5[%swap3A_311] {strides = array<i32>} : memref<16384xi32, #tpu.memory_space<vmem>>, vector<16xi32>,
    %swap3A_313 = vector.shape_cast %swap3A_312 : vector<16xi32> to vector<16xi32>
    %swap3A_314 = vector.shape_cast %add3A_310 : vector<16xi32> to vector<16xi32>
    tpu.vector_store %arg5[%swap3A_311], %swap3A_314 {strides = array<i32>} : memref<16384xi32, #tpu.memory_space<vmem>>, vector<16xi32>,
    %dma_start3A_315 = arith.constant 104 : i32
    %dma_start3A_316 = arith.constant 0 : i32
    %dma_start3A_317 = tpu.memref_slice %arg7[%dma_start3A_315, %dma_start3A_316] : memref<208x128xf32, #tpu.memory_space<vmem>> -> memref<26x128xf32, #tpu.memory_space<vmem>>
    %dma_start3A_318 = arith.constant 384 : i32
    %dma_start3A_319 = tpu.memref_slice %arg5[%dma_start3A_318] : memref<16384xi32, #tpu.memory_space<vmem>> -> memref<26xi32, #tpu.memory_space<vmem>>
    %dma_start3A_320 = arith.constant 0 : i32
    %dma_start3A_321 = arith.constant 0 : i32
    %dma_start3A_322 = tpu.memref_slice %arg3[%dma_start3A_320, %dma_start3A_321] : memref<100022x128xf32, #tpu.memory_space<hbm>> -> memref<100022x128xf32, #tpu.memory_space<hbm>>
    tpu.enqueue_indirect_dma source(%dma_start3A_322 : memref<100022x128xf32, #tpu.memory_space<hbm>>) target(%dma_start3A_317 : memref<26x128xf32, #tpu.memory_space<vmem>>) offsets(%dma_start3A_319 : memref<26xi32, #tpu.memory_space<vmem>>) semaphore(%arg11 : memref<!tpu.dma_semaphore, #tpu.memory_space<semaphore_mem>>)
    %get3A_323 = arith.constant 416 : index
    %get3A_324 = tpu.vector_load %arg5[%get3A_323] {strides = array<i32>} : memref<16384xi32, #tpu.memory_space<vmem>>, vector<16xi32>,
    %get3A_325 = vector.shape_cast %get3A_324 : vector<16xi32> to vector<16xi32>
    %add3A_326 = arith.addi %get3A_325, %mul3A_5 : vector<16xi32>
    %swap3A_327 = arith.constant 416 : index
    %swap3A_328 = tpu.vector_load %arg5[%swap3A_327] {strides = array<i32>} : memref<16384xi32, #tpu.memory_space<vmem>>, vector<16xi32>,
    %swap3A_329 = vector.shape_cast %swap3A_328 : vector<16xi32> to vector<16xi32>
    %swap3A_330 = vector.shape_cast %add3A_326 : vector<16xi32> to vector<16xi32>
    tpu.vector_store %arg5[%swap3A_327], %swap3A_330 {strides = array<i32>} : memref<16384xi32, #tpu.memory_space<vmem>>, vector<16xi32>,
    %get3A_331 = arith.constant 432 : index
    %get3A_332 = tpu.vector_load %arg5[%get3A_331] {strides = array<i32>} : memref<16384xi32, #tpu.memory_space<vmem>>, vector<16xi32>,
    %get3A_333 = vector.shape_cast %get3A_332 : vector<16xi32> to vector<16xi32>
    %add3A_334 = arith.addi %get3A_333, %mul3A_11 : vector<16xi32>
    %swap3A_335 = arith.constant 432 : index
    %swap3A_336 = tpu.vector_load %arg5[%swap3A_335] {strides = array<i32>} : memref<16384xi32, #tpu.memory_space<vmem>>, vector<16xi32>,
    %swap3A_337 = vector.shape_cast %swap3A_336 : vector<16xi32> to vector<16xi32>
    %swap3A_338 = vector.shape_cast %add3A_334 : vector<16xi32> to vector<16xi32>
    tpu.vector_store %arg5[%swap3A_335], %swap3A_338 {strides = array<i32>} : memref<16384xi32, #tpu.memory_space<vmem>>, vector<16xi32>,
    %dma_start3A_339 = arith.constant 130 : i32
    %dma_start3A_340 = arith.constant 0 : i32
    %dma_start3A_341 = tpu.memref_slice %arg7[%dma_start3A_339, %dma_start3A_340] : memref<208x128xf32, #tpu.memory_space<vmem>> -> memref<26x128xf32, #tpu.memory_space<vmem>>
    %dma_start3A_342 = arith.constant 416 : i32
    %dma_start3A_343 = tpu.memref_slice %arg5[%dma_start3A_342] : memref<16384xi32, #tpu.memory_space<vmem>> -> memref<26xi32, #tpu.memory_space<vmem>>
    %dma_start3A_344 = arith.constant 0 : i32
    %dma_start3A_345 = arith.constant 0 : i32
    %dma_start3A_346 = tpu.memref_slice %arg3[%dma_start3A_344, %dma_start3A_345] : memref<100022x128xf32, #tpu.memory_space<hbm>> -> memref<100022x128xf32, #tpu.memory_space<hbm>>
    tpu.enqueue_indirect_dma source(%dma_start3A_346 : memref<100022x128xf32, #tpu.memory_space<hbm>>) target(%dma_start3A_341 : memref<26x128xf32, #tpu.memory_space<vmem>>) offsets(%dma_start3A_343 : memref<26xi32, #tpu.memory_space<vmem>>) semaphore(%arg11 : memref<!tpu.dma_semaphore, #tpu.memory_space<semaphore_mem>>)
    %get3A_347 = arith.constant 448 : index
    %get3A_348 = tpu.vector_load %arg5[%get3A_347] {strides = array<i32>} : memref<16384xi32, #tpu.memory_space<vmem>>, vector<16xi32>,
    %get3A_349 = vector.shape_cast %get3A_348 : vector<16xi32> to vector<16xi32>
    %add3A_350 = arith.addi %get3A_349, %mul3A_5 : vector<16xi32>
    %swap3A_351 = arith.constant 448 : index
    %swap3A_352 = tpu.vector_load %arg5[%swap3A_351] {strides = array<i32>} : memref<16384xi32, #tpu.memory_space<vmem>>, vector<16xi32>,
    %swap3A_353 = vector.shape_cast %swap3A_352 : vector<16xi32> to vector<16xi32>
    %swap3A_354 = vector.shape_cast %add3A_350 : vector<16xi32> to vector<16xi32>
    tpu.vector_store %arg5[%swap3A_351], %swap3A_354 {strides = array<i32>} : memref<16384xi32, #tpu.memory_space<vmem>>, vector<16xi32>,
    %get3A_355 = arith.constant 464 : index
    %get3A_356 = tpu.vector_load %arg5[%get3A_355] {strides = array<i32>} : memref<16384xi32, #tpu.memory_space<vmem>>, vector<16xi32>,
    %get3A_357 = vector.shape_cast %get3A_356 : vector<16xi32> to vector<16xi32>
    %add3A_358 = arith.addi %get3A_357, %mul3A_11 : vector<16xi32>
    %swap3A_359 = arith.constant 464 : index
    %swap3A_360 = tpu.vector_load %arg5[%swap3A_359] {strides = array<i32>} : memref<16384xi32, #tpu.memory_space<vmem>>, vector<16xi32>,
    %swap3A_361 = vector.shape_cast %swap3A_360 : vector<16xi32> to vector<16xi32>
    %swap3A_362 = vector.shape_cast %add3A_358 : vector<16xi32> to vector<16xi32>
    tpu.vector_store %arg5[%swap3A_359], %swap3A_362 {strides = array<i32>} : memref<16384xi32, #tpu.memory_space<vmem>>, vector<16xi32>,
    %dma_start3A_363 = arith.constant 156 : i32
    %dma_start3A_364 = arith.constant 0 : i32
    %dma_start3A_365 = tpu.memref_slice %arg7[%dma_start3A_363, %dma_start3A_364] : memref<208x128xf32, #tpu.memory_space<vmem>> -> memref<26x128xf32, #tpu.memory_space<vmem>>
    %dma_start3A_366 = arith.constant 448 : i32
    %dma_start3A_367 = tpu.memref_slice %arg5[%dma_start3A_366] : memref<16384xi32, #tpu.memory_space<vmem>> -> memref<26xi32, #tpu.memory_space<vmem>>
    %dma_start3A_368 = arith.constant 0 : i32
    %dma_start3A_369 = arith.constant 0 : i32
    %dma_start3A_370 = tpu.memref_slice %arg3[%dma_start3A_368, %dma_start3A_369] : memref<100022x128xf32, #tpu.memory_space<hbm>> -> memref<100022x128xf32, #tpu.memory_space<hbm>>
    tpu.enqueue_indirect_dma source(%dma_start3A_370 : memref<100022x128xf32, #tpu.memory_space<hbm>>) target(%dma_start3A_365 : memref<26x128xf32, #tpu.memory_space<vmem>>) offsets(%dma_start3A_367 : memref<26xi32, #tpu.memory_space<vmem>>) semaphore(%arg11 : memref<!tpu.dma_semaphore, #tpu.memory_space<semaphore_mem>>)
    %get3A_371 = arith.constant 480 : index
    %get3A_372 = tpu.vector_load %arg5[%get3A_371] {strides = array<i32>} : memref<16384xi32, #tpu.memory_space<vmem>>, vector<16xi32>,
    %get3A_373 = vector.shape_cast %get3A_372 : vector<16xi32> to vector<16xi32>
    %add3A_374 = arith.addi %get3A_373, %mul3A_5 : vector<16xi32>
    %swap3A_375 = arith.constant 480 : index
    %swap3A_376 = tpu.vector_load %arg5[%swap3A_375] {strides = array<i32>} : memref<16384xi32, #tpu.memory_space<vmem>>, vector<16xi32>,
    %swap3A_377 = vector.shape_cast %swap3A_376 : vector<16xi32> to vector<16xi32>
    %swap3A_378 = vector.shape_cast %add3A_374 : vector<16xi32> to vector<16xi32>
    tpu.vector_store %arg5[%swap3A_375], %swap3A_378 {strides = array<i32>} : memref<16384xi32, #tpu.memory_space<vmem>>, vector<16xi32>,
    %get3A_379 = arith.constant 496 : index
    %get3A_380 = tpu.vector_load %arg5[%get3A_379] {strides = array<i32>} : memref<16384xi32, #tpu.memory_space<vmem>>, vector<16xi32>,
    %get3A_381 = vector.shape_cast %get3A_380 : vector<16xi32> to vector<16xi32>
    %add3A_382 = arith.addi %get3A_381, %mul3A_11 : vector<16xi32>
    %swap3A_383 = arith.constant 496 : index
    %swap3A_384 = tpu.vector_load %arg5[%swap3A_383] {strides = array<i32>} : memref<16384xi32, #tpu.memory_space<vmem>>, vector<16xi32>,
    %swap3A_385 = vector.shape_cast %swap3A_384 : vector<16xi32> to vector<16xi32>
    %swap3A_386 = vector.shape_cast %add3A_382 : vector<16xi32> to vector<16xi32>
    tpu.vector_store %arg5[%swap3A_383], %swap3A_386 {strides = array<i32>} : memref<16384xi32, #tpu.memory_space<vmem>>, vector<16xi32>,
    %dma_start3A_387 = arith.constant 182 : i32
    %dma_start3A_388 = arith.constant 0 : i32
    %dma_start3A_389 = tpu.memref_slice %arg7[%dma_start3A_387, %dma_start3A_388] : memref<208x128xf32, #tpu.memory_space<vmem>> -> memref<26x128xf32, #tpu.memory_space<vmem>>
    %dma_start3A_390 = arith.constant 480 : i32
    %dma_start3A_391 = tpu.memref_slice %arg5[%dma_start3A_390] : memref<16384xi32, #tpu.memory_space<vmem>> -> memref<26xi32, #tpu.memory_space<vmem>>
    %dma_start3A_392 = arith.constant 0 : i32
    %dma_start3A_393 = arith.constant 0 : i32
    %dma_start3A_394 = tpu.memref_slice %arg3[%dma_start3A_392, %dma_start3A_393] : memref<100022x128xf32, #tpu.memory_space<hbm>> -> memref<100022x128xf32, #tpu.memory_space<hbm>>
    tpu.enqueue_indirect_dma source(%dma_start3A_394 : memref<100022x128xf32, #tpu.memory_space<hbm>>) target(%dma_start3A_389 : memref<26x128xf32, #tpu.memory_space<vmem>>) offsets(%dma_start3A_391 : memref<26xi32, #tpu.memory_space<vmem>>) semaphore(%arg11 : memref<!tpu.dma_semaphore, #tpu.memory_space<semaphore_mem>>)
    %get3A_395 = arith.constant 512 : index
    %get3A_396 = tpu.vector_load %arg5[%get3A_395] {strides = array<i32>} : memref<16384xi32, #tpu.memory_space<vmem>>, vector<16xi32>,
    %get3A_397 = vector.shape_cast %get3A_396 : vector<16xi32> to vector<16xi32>
    %add3A_398 = arith.addi %get3A_397, %mul3A_5 : vector<16xi32>
    %swap3A_399 = arith.constant 512 : index
    %swap3A_400 = tpu.vector_load %arg5[%swap3A_399] {strides = array<i32>} : memref<16384xi32, #tpu.memory_space<vmem>>, vector<16xi32>,
    %swap3A_401 = vector.shape_cast %swap3A_400 : vector<16xi32> to vector<16xi32>
    %swap3A_402 = vector.shape_cast %add3A_398 : vector<16xi32> to vector<16xi32>
    tpu.vector_store %arg5[%swap3A_399], %swap3A_402 {strides = array<i32>} : memref<16384xi32, #tpu.memory_space<vmem>>, vector<16xi32>,
    %get3A_403 = arith.constant 528 : index
    %get3A_404 = tpu.vector_load %arg5[%get3A_403] {strides = array<i32>} : memref<16384xi32, #tpu.memory_space<vmem>>, vector<16xi32>,
    %get3A_405 = vector.shape_cast %get3A_404 : vector<16xi32> to vector<16xi32>
    %add3A_406 = arith.addi %get3A_405, %mul3A_11 : vector<16xi32>
    %swap3A_407 = arith.constant 528 : index
    %swap3A_408 = tpu.vector_load %arg5[%swap3A_407] {strides = array<i32>} : memref<16384xi32, #tpu.memory_space<vmem>>, vector<16xi32>,
    %swap3A_409 = vector.shape_cast %swap3A_408 : vector<16xi32> to vector<16xi32>
    %swap3A_410 = vector.shape_cast %add3A_406 : vector<16xi32> to vector<16xi32>
    tpu.vector_store %arg5[%swap3A_407], %swap3A_410 {strides = array<i32>} : memref<16384xi32, #tpu.memory_space<vmem>>, vector<16xi32>,
    %dma_start3A_411 = arith.constant 0 : i32
    %dma_start3A_412 = arith.constant 0 : i32
    %dma_start3A_413 = tpu.memref_slice %arg8[%dma_start3A_411, %dma_start3A_412] : memref<208x128xf32, #tpu.memory_space<vmem>> -> memref<26x128xf32, #tpu.memory_space<vmem>>
    %dma_start3A_414 = arith.constant 512 : i32
    %dma_start3A_415 = tpu.memref_slice %arg5[%dma_start3A_414] : memref<16384xi32, #tpu.memory_space<vmem>> -> memref<26xi32, #tpu.memory_space<vmem>>
    %dma_start3A_416 = arith.constant 0 : i32
    %dma_start3A_417 = arith.constant 0 : i32
    %dma_start3A_418 = tpu.memref_slice %arg3[%dma_start3A_416, %dma_start3A_417] : memref<100022x128xf32, #tpu.memory_space<hbm>> -> memref<100022x128xf32, #tpu.memory_space<hbm>>
    tpu.enqueue_indirect_dma source(%dma_start3A_418 : memref<100022x128xf32, #tpu.memory_space<hbm>>) target(%dma_start3A_413 : memref<26x128xf32, #tpu.memory_space<vmem>>) offsets(%dma_start3A_415 : memref<26xi32, #tpu.memory_space<vmem>>) semaphore(%arg12 : memref<!tpu.dma_semaphore, #tpu.memory_space<semaphore_mem>>)
    %get3A_419 = arith.constant 544 : index
    %get3A_420 = tpu.vector_load %arg5[%get3A_419] {strides = array<i32>} : memref<16384xi32, #tpu.memory_space<vmem>>, vector<16xi32>,
    %get3A_421 = vector.shape_cast %get3A_420 : vector<16xi32> to vector<16xi32>
    %add3A_422 = arith.addi %get3A_421, %mul3A_5 : vector<16xi32>
    %swap3A_423 = arith.constant 544 : index
    %swap3A_424 = tpu.vector_load %arg5[%swap3A_423] {strides = array<i32>} : memref<16384xi32, #tpu.memory_space<vmem>>, vector<16xi32>,
    %swap3A_425 = vector.shape_cast %swap3A_424 : vector<16xi32> to vector<16xi32>
    %swap3A_426 = vector.shape_cast %add3A_422 : vector<16xi32> to vector<16xi32>
    tpu.vector_store %arg5[%swap3A_423], %swap3A_426 {strides = array<i32>} : memref<16384xi32, #tpu.memory_space<vmem>>, vector<16xi32>,
    %get3A_427 = arith.constant 560 : index
    %get3A_428 = tpu.vector_load %arg5[%get3A_427] {strides = array<i32>} : memref<16384xi32, #tpu.memory_space<vmem>>, vector<16xi32>,
    %get3A_429 = vector.shape_cast %get3A_428 : vector<16xi32> to vector<16xi32>
    %add3A_430 = arith.addi %get3A_429, %mul3A_11 : vector<16xi32>
    %swap3A_431 = arith.constant 560 : index
    %swap3A_432 = tpu.vector_load %arg5[%swap3A_431] {strides = array<i32>} : memref<16384xi32, #tpu.memory_space<vmem>>, vector<16xi32>,
    %swap3A_433 = vector.shape_cast %swap3A_432 : vector<16xi32> to vector<16xi32>
    %swap3A_434 = vector.shape_cast %add3A_430 : vector<16xi32> to vector<16xi32>
    tpu.vector_store %arg5[%swap3A_431], %swap3A_434 {strides = array<i32>} : memref<16384xi32, #tpu.memory_space<vmem>>, vector<16xi32>,
    %dma_start3A_435 = arith.constant 26 : i32
    %dma_start3A_436 = arith.constant 0 : i32
    %dma_start3A_437 = tpu.memref_slice %arg8[%dma_start3A_435, %dma_start3A_436] : memref<208x128xf32, #tpu.memory_space<vmem>> -> memref<26x128xf32, #tpu.memory_space<vmem>>
    %dma_start3A_438 = arith.constant 544 : i32
    %dma_start3A_439 = tpu.memref_slice %arg5[%dma_start3A_438] : memref<16384xi32, #tpu.memory_space<vmem>> -> memref<26xi32, #tpu.memory_space<vmem>>
    %dma_start3A_440 = arith.constant 0 : i32
    %dma_start3A_441 = arith.constant 0 : i32
    %dma_start3A_442 = tpu.memref_slice %arg3[%dma_start3A_440, %dma_start3A_441] : memref<100022x128xf32, #tpu.memory_space<hbm>> -> memref<100022x128xf32, #tpu.memory_space<hbm>>
    tpu.enqueue_indirect_dma source(%dma_start3A_442 : memref<100022x128xf32, #tpu.memory_space<hbm>>) target(%dma_start3A_437 : memref<26x128xf32, #tpu.memory_space<vmem>>) offsets(%dma_start3A_439 : memref<26xi32, #tpu.memory_space<vmem>>) semaphore(%arg12 : memref<!tpu.dma_semaphore, #tpu.memory_space<semaphore_mem>>)
    %get3A_443 = arith.constant 576 : index
    %get3A_444 = tpu.vector_load %arg5[%get3A_443] {strides = array<i32>} : memref<16384xi32, #tpu.memory_space<vmem>>, vector<16xi32>,
    %get3A_445 = vector.shape_cast %get3A_444 : vector<16xi32> to vector<16xi32>
    %add3A_446 = arith.addi %get3A_445, %mul3A_5 : vector<16xi32>
    %swap3A_447 = arith.constant 576 : index
    %swap3A_448 = tpu.vector_load %arg5[%swap3A_447] {strides = array<i32>} : memref<16384xi32, #tpu.memory_space<vmem>>, vector<16xi32>,
    %swap3A_449 = vector.shape_cast %swap3A_448 : vector<16xi32> to vector<16xi32>
    %swap3A_450 = vector.shape_cast %add3A_446 : vector<16xi32> to vector<16xi32>
    tpu.vector_store %arg5[%swap3A_447], %swap3A_450 {strides = array<i32>} : memref<16384xi32, #tpu.memory_space<vmem>>, vector<16xi32>,
    %get3A_451 = arith.constant 592 : index
    %get3A_452 = tpu.vector_load %arg5[%get3A_451] {strides = array<i32>} : memref<16384xi32, #tpu.memory_space<vmem>>, vector<16xi32>,
    %get3A_453 = vector.shape_cast %get3A_452 : vector<16xi32> to vector<16xi32>
    %add3A_454 = arith.addi %get3A_453, %mul3A_11 : vector<16xi32>
    %swap3A_455 = arith.constant 592 : index
    %swap3A_456 = tpu.vector_load %arg5[%swap3A_455] {strides = array<i32>} : memref<16384xi32, #tpu.memory_space<vmem>>, vector<16xi32>,
    %swap3A_457 = vector.shape_cast %swap3A_456 : vector<16xi32> to vector<16xi32>
    %swap3A_458 = vector.shape_cast %add3A_454 : vector<16xi32> to vector<16xi32>
    tpu.vector_store %arg5[%swap3A_455], %swap3A_458 {strides = array<i32>} : memref<16384xi32, #tpu.memory_space<vmem>>, vector<16xi32>,
    %dma_start3A_459 = arith.constant 52 : i32
    %dma_start3A_460 = arith.constant 0 : i32
    %dma_start3A_461 = tpu.memref_slice %arg8[%dma_start3A_459, %dma_start3A_460] : memref<208x128xf32, #tpu.memory_space<vmem>> -> memref<26x128xf32, #tpu.memory_space<vmem>>
    %dma_start3A_462 = arith.constant 576 : i32
    %dma_start3A_463 = tpu.memref_slice %arg5[%dma_start3A_462] : memref<16384xi32, #tpu.memory_space<vmem>> -> memref<26xi32, #tpu.memory_space<vmem>>
    %dma_start3A_464 = arith.constant 0 : i32
    %dma_start3A_465 = arith.constant 0 : i32
    %dma_start3A_466 = tpu.memref_slice %arg3[%dma_start3A_464, %dma_start3A_465] : memref<100022x128xf32, #tpu.memory_space<hbm>> -> memref<100022x128xf32, #tpu.memory_space<hbm>>
    tpu.enqueue_indirect_dma source(%dma_start3A_466 : memref<100022x128xf32, #tpu.memory_space<hbm>>) target(%dma_start3A_461 : memref<26x128xf32, #tpu.memory_space<vmem>>) offsets(%dma_start3A_463 : memref<26xi32, #tpu.memory_space<vmem>>) semaphore(%arg12 : memref<!tpu.dma_semaphore, #tpu.memory_space<semaphore_mem>>)
    %get3A_467 = arith.constant 608 : index
    %get3A_468 = tpu.vector_load %arg5[%get3A_467] {strides = array<i32>} : memref<16384xi32, #tpu.memory_space<vmem>>, vector<16xi32>,
    %get3A_469 = vector.shape_cast %get3A_468 : vector<16xi32> to vector<16xi32>
    %add3A_470 = arith.addi %get3A_469, %mul3A_5 : vector<16xi32>
    %swap3A_471 = arith.constant 608 : index
    %swap3A_472 = tpu.vector_load %arg5[%swap3A_471] {strides = array<i32>} : memref<16384xi32, #tpu.memory_space<vmem>>, vector<16xi32>,
    %swap3A_473 = vector.shape_cast %swap3A_472 : vector<16xi32> to vector<16xi32>
    %swap3A_474 = vector.shape_cast %add3A_470 : vector<16xi32> to vector<16xi32>
    tpu.vector_store %arg5[%swap3A_471], %swap3A_474 {strides = array<i32>} : memref<16384xi32, #tpu.memory_space<vmem>>, vector<16xi32>,
    %get3A_475 = arith.constant 624 : index
    %get3A_476 = tpu.vector_load %arg5[%get3A_475] {strides = array<i32>} : memref<16384xi32, #tpu.memory_space<vmem>>, vector<16xi32>,
    %get3A_477 = vector.shape_cast %get3A_476 : vector<16xi32> to vector<16xi32>
    %add3A_478 = arith.addi %get3A_477, %mul3A_11 : vector<16xi32>
    %swap3A_479 = arith.constant 624 : index
    %swap3A_480 = tpu.vector_load %arg5[%swap3A_479] {strides = array<i32>} : memref<16384xi32, #tpu.memory_space<vmem>>, vector<16xi32>,
    %swap3A_481 = vector.shape_cast %swap3A_480 : vector<16xi32> to vector<16xi32>
    %swap3A_482 = vector.shape_cast %add3A_478 : vector<16xi32> to vector<16xi32>
    tpu.vector_store %arg5[%swap3A_479], %swap3A_482 {strides = array<i32>} : memref<16384xi32, #tpu.memory_space<vmem>>, vector<16xi32>,
    %dma_start3A_483 = arith.constant 78 : i32
    %dma_start3A_484 = arith.constant 0 : i32
    %dma_start3A_485 = tpu.memref_slice %arg8[%dma_start3A_483, %dma_start3A_484] : memref<208x128xf32, #tpu.memory_space<vmem>> -> memref<26x128xf32, #tpu.memory_space<vmem>>
    %dma_start3A_486 = arith.constant 608 : i32
    %dma_start3A_487 = tpu.memref_slice %arg5[%dma_start3A_486] : memref<16384xi32, #tpu.memory_space<vmem>> -> memref<26xi32, #tpu.memory_space<vmem>>
    %dma_start3A_488 = arith.constant 0 : i32
    %dma_start3A_489 = arith.constant 0 : i32
    %dma_start3A_490 = tpu.memref_slice %arg3[%dma_start3A_488, %dma_start3A_489] : memref<100022x128xf32, #tpu.memory_space<hbm>> -> memref<100022x128xf32, #tpu.memory_space<hbm>>
    tpu.enqueue_indirect_dma source(%dma_start3A_490 : memref<100022x128xf32, #tpu.memory_space<hbm>>) target(%dma_start3A_485 : memref<26x128xf32, #tpu.memory_space<vmem>>) offsets(%dma_start3A_487 : memref<26xi32, #tpu.memory_space<vmem>>) semaphore(%arg12 : memref<!tpu.dma_semaphore, #tpu.memory_space<semaphore_mem>>)
    %get3A_491 = arith.constant 640 : index
    %get3A_492 = tpu.vector_load %arg5[%get3A_491] {strides = array<i32>} : memref<16384xi32, #tpu.memory_space<vmem>>, vector<16xi32>,
    %get3A_493 = vector.shape_cast %get3A_492 : vector<16xi32> to vector<16xi32>
    %add3A_494 = arith.addi %get3A_493, %mul3A_5 : vector<16xi32>
    %swap3A_495 = arith.constant 640 : index
    %swap3A_496 = tpu.vector_load %arg5[%swap3A_495] {strides = array<i32>} : memref<16384xi32, #tpu.memory_space<vmem>>, vector<16xi32>,
    %swap3A_497 = vector.shape_cast %swap3A_496 : vector<16xi32> to vector<16xi32>
    %swap3A_498 = vector.shape_cast %add3A_494 : vector<16xi32> to vector<16xi32>
    tpu.vector_store %arg5[%swap3A_495], %swap3A_498 {strides = array<i32>} : memref<16384xi32, #tpu.memory_space<vmem>>, vector<16xi32>,
    %get3A_499 = arith.constant 656 : index
    %get3A_500 = tpu.vector_load %arg5[%get3A_499] {strides = array<i32>} : memref<16384xi32, #tpu.memory_space<vmem>>, vector<16xi32>,
    %get3A_501 = vector.shape_cast %get3A_500 : vector<16xi32> to vector<16xi32>
    %add3A_502 = arith.addi %get3A_501, %mul3A_11 : vector<16xi32>
    %swap3A_503 = arith.constant 656 : index
    %swap3A_504 = tpu.vector_load %arg5[%swap3A_503] {strides = array<i32>} : memref<16384xi32, #tpu.memory_space<vmem>>, vector<16xi32>,
    %swap3A_505 = vector.shape_cast %swap3A_504 : vector<16xi32> to vector<16xi32>
    %swap3A_506 = vector.shape_cast %add3A_502 : vector<16xi32> to vector<16xi32>
    tpu.vector_store %arg5[%swap3A_503], %swap3A_506 {strides = array<i32>} : memref<16384xi32, #tpu.memory_space<vmem>>, vector<16xi32>,
    %dma_start3A_507 = arith.constant 104 : i32
    %dma_start3A_508 = arith.constant 0 : i32
    %dma_start3A_509 = tpu.memref_slice %arg8[%dma_start3A_507, %dma_start3A_508] : memref<208x128xf32, #tpu.memory_space<vmem>> -> memref<26x128xf32, #tpu.memory_space<vmem>>
    %dma_start3A_510 = arith.constant 640 : i32
    %dma_start3A_511 = tpu.memref_slice %arg5[%dma_start3A_510] : memref<16384xi32, #tpu.memory_space<vmem>> -> memref<26xi32, #tpu.memory_space<vmem>>
    %dma_start3A_512 = arith.constant 0 : i32
    %dma_start3A_513 = arith.constant 0 : i32
    %dma_start3A_514 = tpu.memref_slice %arg3[%dma_start3A_512, %dma_start3A_513] : memref<100022x128xf32, #tpu.memory_space<hbm>> -> memref<100022x128xf32, #tpu.memory_space<hbm>>
    tpu.enqueue_indirect_dma source(%dma_start3A_514 : memref<100022x128xf32, #tpu.memory_space<hbm>>) target(%dma_start3A_509 : memref<26x128xf32, #tpu.memory_space<vmem>>) offsets(%dma_start3A_511 : memref<26xi32, #tpu.memory_space<vmem>>) semaphore(%arg12 : memref<!tpu.dma_semaphore, #tpu.memory_space<semaphore_mem>>)
    %get3A_515 = arith.constant 672 : index
    %get3A_516 = tpu.vector_load %arg5[%get3A_515] {strides = array<i32>} : memref<16384xi32, #tpu.memory_space<vmem>>, vector<16xi32>,
    %get3A_517 = vector.shape_cast %get3A_516 : vector<16xi32> to vector<16xi32>
    %add3A_518 = arith.addi %get3A_517, %mul3A_5 : vector<16xi32>
    %swap3A_519 = arith.constant 672 : index
    %swap3A_520 = tpu.vector_load %arg5[%swap3A_519] {strides = array<i32>} : memref<16384xi32, #tpu.memory_space<vmem>>, vector<16xi32>,
    %swap3A_521 = vector.shape_cast %swap3A_520 : vector<16xi32> to vector<16xi32>
    %swap3A_522 = vector.shape_cast %add3A_518 : vector<16xi32> to vector<16xi32>
    tpu.vector_store %arg5[%swap3A_519], %swap3A_522 {strides = array<i32>} : memref<16384xi32, #tpu.memory_space<vmem>>, vector<16xi32>,
    %get3A_523 = arith.constant 688 : index
    %get3A_524 = tpu.vector_load %arg5[%get3A_523] {strides = array<i32>} : memref<16384xi32, #tpu.memory_space<vmem>>, vector<16xi32>,
    %get3A_525 = vector.shape_cast %get3A_524 : vector<16xi32> to vector<16xi32>
    %add3A_526 = arith.addi %get3A_525, %mul3A_11 : vector<16xi32>
    %swap3A_527 = arith.constant 688 : index
    %swap3A_528 = tpu.vector_load %arg5[%swap3A_527] {strides = array<i32>} : memref<16384xi32, #tpu.memory_space<vmem>>, vector<16xi32>,
    %swap3A_529 = vector.shape_cast %swap3A_528 : vector<16xi32> to vector<16xi32>
    %swap3A_530 = vector.shape_cast %add3A_526 : vector<16xi32> to vector<16xi32>
    tpu.vector_store %arg5[%swap3A_527], %swap3A_530 {strides = array<i32>} : memref<16384xi32, #tpu.memory_space<vmem>>, vector<16xi32>,
    %dma_start3A_531 = arith.constant 130 : i32
    %dma_start3A_532 = arith.constant 0 : i32
    %dma_start3A_533 = tpu.memref_slice %arg8[%dma_start3A_531, %dma_start3A_532] : memref<208x128xf32, #tpu.memory_space<vmem>> -> memref<26x128xf32, #tpu.memory_space<vmem>>
    %dma_start3A_534 = arith.constant 672 : i32
    %dma_start3A_535 = tpu.memref_slice %arg5[%dma_start3A_534] : memref<16384xi32, #tpu.memory_space<vmem>> -> memref<26xi32, #tpu.memory_space<vmem>>
    %dma_start3A_536 = arith.constant 0 : i32
    %dma_start3A_537 = arith.constant 0 : i32
    %dma_start3A_538 = tpu.memref_slice %arg3[%dma_start3A_536, %dma_start3A_537] : memref<100022x128xf32, #tpu.memory_space<hbm>> -> memref<100022x128xf32, #tpu.memory_space<hbm>>
    tpu.enqueue_indirect_dma source(%dma_start3A_538 : memref<100022x128xf32, #tpu.memory_space<hbm>>) target(%dma_start3A_533 : memref<26x128xf32, #tpu.memory_space<vmem>>) offsets(%dma_start3A_535 : memref<26xi32, #tpu.memory_space<vmem>>) semaphore(%arg12 : memref<!tpu.dma_semaphore, #tpu.memory_space<semaphore_mem>>)
    %get3A_539 = arith.constant 704 : index
    %get3A_540 = tpu.vector_load %arg5[%get3A_539] {strides = array<i32>} : memref<16384xi32, #tpu.memory_space<vmem>>, vector<16xi32>,
    %get3A_541 = vector.shape_cast %get3A_540 : vector<16xi32> to vector<16xi32>
    %add3A_542 = arith.addi %get3A_541, %mul3A_5 : vector<16xi32>
    %swap3A_543 = arith.constant 704 : index
    %swap3A_544 = tpu.vector_load %arg5[%swap3A_543] {strides = array<i32>} : memref<16384xi32, #tpu.memory_space<vmem>>, vector<16xi32>,
    %swap3A_545 = vector.shape_cast %swap3A_544 : vector<16xi32> to vector<16xi32>
    %swap3A_546 = vector.shape_cast %add3A_542 : vector<16xi32> to vector<16xi32>
    tpu.vector_store %arg5[%swap3A_543], %swap3A_546 {strides = array<i32>} : memref<16384xi32, #tpu.memory_space<vmem>>, vector<16xi32>,
    %get3A_547 = arith.constant 720 : index
    %get3A_548 = tpu.vector_load %arg5[%get3A_547] {strides = array<i32>} : memref<16384xi32, #tpu.memory_space<vmem>>, vector<16xi32>,
    %get3A_549 = vector.shape_cast %get3A_548 : vector<16xi32> to vector<16xi32>
    %add3A_550 = arith.addi %get3A_549, %mul3A_11 : vector<16xi32>
    %swap3A_551 = arith.constant 720 : index
    %swap3A_552 = tpu.vector_load %arg5[%swap3A_551] {strides = array<i32>} : memref<16384xi32, #tpu.memory_space<vmem>>, vector<16xi32>,
    %swap3A_553 = vector.shape_cast %swap3A_552 : vector<16xi32> to vector<16xi32>
    %swap3A_554 = vector.shape_cast %add3A_550 : vector<16xi32> to vector<16xi32>
    tpu.vector_store %arg5[%swap3A_551], %swap3A_554 {strides = array<i32>} : memref<16384xi32, #tpu.memory_space<vmem>>, vector<16xi32>,
    %dma_start3A_555 = arith.constant 156 : i32
    %dma_start3A_556 = arith.constant 0 : i32
    %dma_start3A_557 = tpu.memref_slice %arg8[%dma_start3A_555, %dma_start3A_556] : memref<208x128xf32, #tpu.memory_space<vmem>> -> memref<26x128xf32, #tpu.memory_space<vmem>>
    %dma_start3A_558 = arith.constant 704 : i32
    %dma_start3A_559 = tpu.memref_slice %arg5[%dma_start3A_558] : memref<16384xi32, #tpu.memory_space<vmem>> -> memref<26xi32, #tpu.memory_space<vmem>>
    %dma_start3A_560 = arith.constant 0 : i32
    %dma_start3A_561 = arith.constant 0 : i32
    %dma_start3A_562 = tpu.memref_slice %arg3[%dma_start3A_560, %dma_start3A_561] : memref<100022x128xf32, #tpu.memory_space<hbm>> -> memref<100022x128xf32, #tpu.memory_space<hbm>>
    tpu.enqueue_indirect_dma source(%dma_start3A_562 : memref<100022x128xf32, #tpu.memory_space<hbm>>) target(%dma_start3A_557 : memref<26x128xf32, #tpu.memory_space<vmem>>) offsets(%dma_start3A_559 : memref<26xi32, #tpu.memory_space<vmem>>) semaphore(%arg12 : memref<!tpu.dma_semaphore, #tpu.memory_space<semaphore_mem>>)
    %get3A_563 = arith.constant 736 : index
    %get3A_564 = tpu.vector_load %arg5[%get3A_563] {strides = array<i32>} : memref<16384xi32, #tpu.memory_space<vmem>>, vector<16xi32>,
    %get3A_565 = vector.shape_cast %get3A_564 : vector<16xi32> to vector<16xi32>
    %add3A_566 = arith.addi %get3A_565, %mul3A_5 : vector<16xi32>
    %swap3A_567 = arith.constant 736 : index
    %swap3A_568 = tpu.vector_load %arg5[%swap3A_567] {strides = array<i32>} : memref<16384xi32, #tpu.memory_space<vmem>>, vector<16xi32>,
    %swap3A_569 = vector.shape_cast %swap3A_568 : vector<16xi32> to vector<16xi32>
    %swap3A_570 = vector.shape_cast %add3A_566 : vector<16xi32> to vector<16xi32>
    tpu.vector_store %arg5[%swap3A_567], %swap3A_570 {strides = array<i32>} : memref<16384xi32, #tpu.memory_space<vmem>>, vector<16xi32>,
    %get3A_571 = arith.constant 752 : index
    %get3A_572 = tpu.vector_load %arg5[%get3A_571] {strides = array<i32>} : memref<16384xi32, #tpu.memory_space<vmem>>, vector<16xi32>,
    %get3A_573 = vector.shape_cast %get3A_572 : vector<16xi32> to vector<16xi32>
    %add3A_574 = arith.addi %get3A_573, %mul3A_11 : vector<16xi32>
    %swap3A_575 = arith.constant 752 : index
    %swap3A_576 = tpu.vector_load %arg5[%swap3A_575] {strides = array<i32>} : memref<16384xi32, #tpu.memory_space<vmem>>, vector<16xi32>,
    %swap3A_577 = vector.shape_cast %swap3A_576 : vector<16xi32> to vector<16xi32>
    %swap3A_578 = vector.shape_cast %add3A_574 : vector<16xi32> to vector<16xi32>
    tpu.vector_store %arg5[%swap3A_575], %swap3A_578 {strides = array<i32>} : memref<16384xi32, #tpu.memory_space<vmem>>, vector<16xi32>,
    %dma_start3A_579 = arith.constant 182 : i32
    %dma_start3A_580 = arith.constant 0 : i32
    %dma_start3A_581 = tpu.memref_slice %arg8[%dma_start3A_579, %dma_start3A_580] : memref<208x128xf32, #tpu.memory_space<vmem>> -> memref<26x128xf32, #tpu.memory_space<vmem>>
    %dma_start3A_582 = arith.constant 736 : i32
    %dma_start3A_583 = tpu.memref_slice %arg5[%dma_start3A_582] : memref<16384xi32, #tpu.memory_space<vmem>> -> memref<26xi32, #tpu.memory_space<vmem>>
    %dma_start3A_584 = arith.constant 0 : i32
    %dma_start3A_585 = arith.constant 0 : i32
    %dma_start3A_586 = tpu.memref_slice %arg3[%dma_start3A_584, %dma_start3A_585] : memref<100022x128xf32, #tpu.memory_space<hbm>> -> memref<100022x128xf32, #tpu.memory_space<hbm>>
    tpu.enqueue_indirect_dma source(%dma_start3A_586 : memref<100022x128xf32, #tpu.memory_space<hbm>>) target(%dma_start3A_581 : memref<26x128xf32, #tpu.memory_space<vmem>>) offsets(%dma_start3A_583 : memref<26xi32, #tpu.memory_space<vmem>>) semaphore(%arg12 : memref<!tpu.dma_semaphore, #tpu.memory_space<semaphore_mem>>)
    %get3A_587 = arith.constant 768 : index
    %get3A_588 = tpu.vector_load %arg5[%get3A_587] {strides = array<i32>} : memref<16384xi32, #tpu.memory_space<vmem>>, vector<16xi32>,
    %get3A_589 = vector.shape_cast %get3A_588 : vector<16xi32> to vector<16xi32>
    %add3A_590 = arith.addi %get3A_589, %mul3A_5 : vector<16xi32>
    %swap3A_591 = arith.constant 768 : index
    %swap3A_592 = tpu.vector_load %arg5[%swap3A_591] {strides = array<i32>} : memref<16384xi32, #tpu.memory_space<vmem>>, vector<16xi32>,
    %swap3A_593 = vector.shape_cast %swap3A_592 : vector<16xi32> to vector<16xi32>
    %swap3A_594 = vector.shape_cast %add3A_590 : vector<16xi32> to vector<16xi32>
    tpu.vector_store %arg5[%swap3A_591], %swap3A_594 {strides = array<i32>} : memref<16384xi32, #tpu.memory_space<vmem>>, vector<16xi32>,
    %get3A_595 = arith.constant 784 : index
    %get3A_596 = tpu.vector_load %arg5[%get3A_595] {strides = array<i32>} : memref<16384xi32, #tpu.memory_space<vmem>>, vector<16xi32>,
    %get3A_597 = vector.shape_cast %get3A_596 : vector<16xi32> to vector<16xi32>
    %add3A_598 = arith.addi %get3A_597, %mul3A_11 : vector<16xi32>
    %swap3A_599 = arith.constant 784 : index
    %swap3A_600 = tpu.vector_load %arg5[%swap3A_599] {strides = array<i32>} : memref<16384xi32, #tpu.memory_space<vmem>>, vector<16xi32>,
    %swap3A_601 = vector.shape_cast %swap3A_600 : vector<16xi32> to vector<16xi32>
    %swap3A_602 = vector.shape_cast %add3A_598 : vector<16xi32> to vector<16xi32>
    tpu.vector_store %arg5[%swap3A_599], %swap3A_602 {strides = array<i32>} : memref<16384xi32, #tpu.memory_space<vmem>>, vector<16xi32>,
    %dma_start3A_603 = arith.constant 0 : i32
    %dma_start3A_604 = arith.constant 0 : i32
    %dma_start3A_605 = tpu.memref_slice %arg9[%dma_start3A_603, %dma_start3A_604] : memref<208x128xf32, #tpu.memory_space<vmem>> -> memref<26x128xf32, #tpu.memory_space<vmem>>
    %dma_start3A_606 = arith.constant 768 : i32
    %dma_start3A_607 = tpu.memref_slice %arg5[%dma_start3A_606] : memref<16384xi32, #tpu.memory_space<vmem>> -> memref<26xi32, #tpu.memory_space<vmem>>
    %dma_start3A_608 = arith.constant 0 : i32
    %dma_start3A_609 = arith.constant 0 : i32
    %dma_start3A_610 = tpu.memref_slice %arg3[%dma_start3A_608, %dma_start3A_609] : memref<100022x128xf32, #tpu.memory_space<hbm>> -> memref<100022x128xf32, #tpu.memory_space<hbm>>
    tpu.enqueue_indirect_dma source(%dma_start3A_610 : memref<100022x128xf32, #tpu.memory_space<hbm>>) target(%dma_start3A_605 : memref<26x128xf32, #tpu.memory_space<vmem>>) offsets(%dma_start3A_607 : memref<26xi32, #tpu.memory_space<vmem>>) semaphore(%arg13 : memref<!tpu.dma_semaphore, #tpu.memory_space<semaphore_mem>>)
    %get3A_611 = arith.constant 800 : index
    %get3A_612 = tpu.vector_load %arg5[%get3A_611] {strides = array<i32>} : memref<16384xi32, #tpu.memory_space<vmem>>, vector<16xi32>,
    %get3A_613 = vector.shape_cast %get3A_612 : vector<16xi32> to vector<16xi32>
    %add3A_614 = arith.addi %get3A_613, %mul3A_5 : vector<16xi32>
    %swap3A_615 = arith.constant 800 : index
    %swap3A_616 = tpu.vector_load %arg5[%swap3A_615] {strides = array<i32>} : memref<16384xi32, #tpu.memory_space<vmem>>, vector<16xi32>,
    %swap3A_617 = vector.shape_cast %swap3A_616 : vector<16xi32> to vector<16xi32>
    %swap3A_618 = vector.shape_cast %add3A_614 : vector<16xi32> to vector<16xi32>
    tpu.vector_store %arg5[%swap3A_615], %swap3A_618 {strides = array<i32>} : memref<16384xi32, #tpu.memory_space<vmem>>, vector<16xi32>,
    %get3A_619 = arith.constant 816 : index
    %get3A_620 = tpu.vector_load %arg5[%get3A_619] {strides = array<i32>} : memref<16384xi32, #tpu.memory_space<vmem>>, vector<16xi32>,
    %get3A_621 = vector.shape_cast %get3A_620 : vector<16xi32> to vector<16xi32>
    %add3A_622 = arith.addi %get3A_621, %mul3A_11 : vector<16xi32>
    %swap3A_623 = arith.constant 816 : index
    %swap3A_624 = tpu.vector_load %arg5[%swap3A_623] {strides = array<i32>} : memref<16384xi32, #tpu.memory_space<vmem>>, vector<16xi32>,
    %swap3A_625 = vector.shape_cast %swap3A_624 : vector<16xi32> to vector<16xi32>
    %swap3A_626 = vector.shape_cast %add3A_622 : vector<16xi32> to vector<16xi32>
    tpu.vector_store %arg5[%swap3A_623], %swap3A_626 {strides = array<i32>} : memref<16384xi32, #tpu.memory_space<vmem>>, vector<16xi32>,
    %dma_start3A_627 = arith.constant 26 : i32
    %dma_start3A_628 = arith.constant 0 : i32
    %dma_start3A_629 = tpu.memref_slice %arg9[%dma_start3A_627, %dma_start3A_628] : memref<208x128xf32, #tpu.memory_space<vmem>> -> memref<26x128xf32, #tpu.memory_space<vmem>>
    %dma_start3A_630 = arith.constant 800 : i32
    %dma_start3A_631 = tpu.memref_slice %arg5[%dma_start3A_630] : memref<16384xi32, #tpu.memory_space<vmem>> -> memref<26xi32, #tpu.memory_space<vmem>>
    %dma_start3A_632 = arith.constant 0 : i32
    %dma_start3A_633 = arith.constant 0 : i32
    %dma_start3A_634 = tpu.memref_slice %arg3[%dma_start3A_632, %dma_start3A_633] : memref<100022x128xf32, #tpu.memory_space<hbm>> -> memref<100022x128xf32, #tpu.memory_space<hbm>>
    tpu.enqueue_indirect_dma source(%dma_start3A_634 : memref<100022x128xf32, #tpu.memory_space<hbm>>) target(%dma_start3A_629 : memref<26x128xf32, #tpu.memory_space<vmem>>) offsets(%dma_start3A_631 : memref<26xi32, #tpu.memory_space<vmem>>) semaphore(%arg13 : memref<!tpu.dma_semaphore, #tpu.memory_space<semaphore_mem>>)
    %get3A_635 = arith.constant 832 : index
    %get3A_636 = tpu.vector_load %arg5[%get3A_635] {strides = array<i32>} : memref<16384xi32, #tpu.memory_space<vmem>>, vector<16xi32>,
    %get3A_637 = vector.shape_cast %get3A_636 : vector<16xi32> to vector<16xi32>
    %add3A_638 = arith.addi %get3A_637, %mul3A_5 : vector<16xi32>
    %swap3A_639 = arith.constant 832 : index
    %swap3A_640 = tpu.vector_load %arg5[%swap3A_639] {strides = array<i32>} : memref<16384xi32, #tpu.memory_space<vmem>>, vector<16xi32>,
    %swap3A_641 = vector.shape_cast %swap3A_640 : vector<16xi32> to vector<16xi32>
    %swap3A_642 = vector.shape_cast %add3A_638 : vector<16xi32> to vector<16xi32>
    tpu.vector_store %arg5[%swap3A_639], %swap3A_642 {strides = array<i32>} : memref<16384xi32, #tpu.memory_space<vmem>>, vector<16xi32>,
    %get3A_643 = arith.constant 848 : index
    %get3A_644 = tpu.vector_load %arg5[%get3A_643] {strides = array<i32>} : memref<16384xi32, #tpu.memory_space<vmem>>, vector<16xi32>,
    %get3A_645 = vector.shape_cast %get3A_644 : vector<16xi32> to vector<16xi32>
    %add3A_646 = arith.addi %get3A_645, %mul3A_11 : vector<16xi32>
    %swap3A_647 = arith.constant 848 : index
    %swap3A_648 = tpu.vector_load %arg5[%swap3A_647] {strides = array<i32>} : memref<16384xi32, #tpu.memory_space<vmem>>, vector<16xi32>,
    %swap3A_649 = vector.shape_cast %swap3A_648 : vector<16xi32> to vector<16xi32>
    %swap3A_650 = vector.shape_cast %add3A_646 : vector<16xi32> to vector<16xi32>
    tpu.vector_store %arg5[%swap3A_647], %swap3A_650 {strides = array<i32>} : memref<16384xi32, #tpu.memory_space<vmem>>, vector<16xi32>,
    %dma_start3A_651 = arith.constant 52 : i32
    %dma_start3A_652 = arith.constant 0 : i32
    %dma_start3A_653 = tpu.memref_slice %arg9[%dma_start3A_651, %dma_start3A_652] : memref<208x128xf32, #tpu.memory_space<vmem>> -> memref<26x128xf32, #tpu.memory_space<vmem>>
    %dma_start3A_654 = arith.constant 832 : i32
    %dma_start3A_655 = tpu.memref_slice %arg5[%dma_start3A_654] : memref<16384xi32, #tpu.memory_space<vmem>> -> memref<26xi32, #tpu.memory_space<vmem>>
    %dma_start3A_656 = arith.constant 0 : i32
    %dma_start3A_657 = arith.constant 0 : i32
    %dma_start3A_658 = tpu.memref_slice %arg3[%dma_start3A_656, %dma_start3A_657] : memref<100022x128xf32, #tpu.memory_space<hbm>> -> memref<100022x128xf32, #tpu.memory_space<hbm>>
    tpu.enqueue_indirect_dma source(%dma_start3A_658 : memref<100022x128xf32, #tpu.memory_space<hbm>>) target(%dma_start3A_653 : memref<26x128xf32, #tpu.memory_space<vmem>>) offsets(%dma_start3A_655 : memref<26xi32, #tpu.memory_space<vmem>>) semaphore(%arg13 : memref<!tpu.dma_semaphore, #tpu.memory_space<semaphore_mem>>)
    %get3A_659 = arith.constant 864 : index
    %get3A_660 = tpu.vector_load %arg5[%get3A_659] {strides = array<i32>} : memref<16384xi32, #tpu.memory_space<vmem>>, vector<16xi32>,
    %get3A_661 = vector.shape_cast %get3A_660 : vector<16xi32> to vector<16xi32>
    %add3A_662 = arith.addi %get3A_661, %mul3A_5 : vector<16xi32>
    %swap3A_663 = arith.constant 864 : index
    %swap3A_664 = tpu.vector_load %arg5[%swap3A_663] {strides = array<i32>} : memref<16384xi32, #tpu.memory_space<vmem>>, vector<16xi32>,
    %swap3A_665 = vector.shape_cast %swap3A_664 : vector<16xi32> to vector<16xi32>
    %swap3A_666 = vector.shape_cast %add3A_662 : vector<16xi32> to vector<16xi32>
    tpu.vector_store %arg5[%swap3A_663], %swap3A_666 {strides = array<i32>} : memref<16384xi32, #tpu.memory_space<vmem>>, vector<16xi32>,
    %get3A_667 = arith.constant 880 : index
    %get3A_668 = tpu.vector_load %arg5[%get3A_667] {strides = array<i32>} : memref<16384xi32, #tpu.memory_space<vmem>>, vector<16xi32>,
    %get3A_669 = vector.shape_cast %get3A_668 : vector<16xi32> to vector<16xi32>
    %add3A_670 = arith.addi %get3A_669, %mul3A_11 : vector<16xi32>
    %swap3A_671 = arith.constant 880 : index
    %swap3A_672 = tpu.vector_load %arg5[%swap3A_671] {strides = array<i32>} : memref<16384xi32, #tpu.memory_space<vmem>>, vector<16xi32>,
    %swap3A_673 = vector.shape_cast %swap3A_672 : vector<16xi32> to vector<16xi32>
    %swap3A_674 = vector.shape_cast %add3A_670 : vector<16xi32> to vector<16xi32>
    tpu.vector_store %arg5[%swap3A_671], %swap3A_674 {strides = array<i32>} : memref<16384xi32, #tpu.memory_space<vmem>>, vector<16xi32>,
    %dma_start3A_675 = arith.constant 78 : i32
    %dma_start3A_676 = arith.constant 0 : i32
    %dma_start3A_677 = tpu.memref_slice %arg9[%dma_start3A_675, %dma_start3A_676] : memref<208x128xf32, #tpu.memory_space<vmem>> -> memref<26x128xf32, #tpu.memory_space<vmem>>
    %dma_start3A_678 = arith.constant 864 : i32
    %dma_start3A_679 = tpu.memref_slice %arg5[%dma_start3A_678] : memref<16384xi32, #tpu.memory_space<vmem>> -> memref<26xi32, #tpu.memory_space<vmem>>
    %dma_start3A_680 = arith.constant 0 : i32
    %dma_start3A_681 = arith.constant 0 : i32
    %dma_start3A_682 = tpu.memref_slice %arg3[%dma_start3A_680, %dma_start3A_681] : memref<100022x128xf32, #tpu.memory_space<hbm>> -> memref<100022x128xf32, #tpu.memory_space<hbm>>
    tpu.enqueue_indirect_dma source(%dma_start3A_682 : memref<100022x128xf32, #tpu.memory_space<hbm>>) target(%dma_start3A_677 : memref<26x128xf32, #tpu.memory_space<vmem>>) offsets(%dma_start3A_679 : memref<26xi32, #tpu.memory_space<vmem>>) semaphore(%arg13 : memref<!tpu.dma_semaphore, #tpu.memory_space<semaphore_mem>>)
    %get3A_683 = arith.constant 896 : index
    %get3A_684 = tpu.vector_load %arg5[%get3A_683] {strides = array<i32>} : memref<16384xi32, #tpu.memory_space<vmem>>, vector<16xi32>,
    %get3A_685 = vector.shape_cast %get3A_684 : vector<16xi32> to vector<16xi32>
    %add3A_686 = arith.addi %get3A_685, %mul3A_5 : vector<16xi32>
    %swap3A_687 = arith.constant 896 : index
    %swap3A_688 = tpu.vector_load %arg5[%swap3A_687] {strides = array<i32>} : memref<16384xi32, #tpu.memory_space<vmem>>, vector<16xi32>,
    %swap3A_689 = vector.shape_cast %swap3A_688 : vector<16xi32> to vector<16xi32>
    %swap3A_690 = vector.shape_cast %add3A_686 : vector<16xi32> to vector<16xi32>
    tpu.vector_store %arg5[%swap3A_687], %swap3A_690 {strides = array<i32>} : memref<16384xi32, #tpu.memory_space<vmem>>, vector<16xi32>,
    %get3A_691 = arith.constant 912 : index
    %get3A_692 = tpu.vector_load %arg5[%get3A_691] {strides = array<i32>} : memref<16384xi32, #tpu.memory_space<vmem>>, vector<16xi32>,
    %get3A_693 = vector.shape_cast %get3A_692 : vector<16xi32> to vector<16xi32>
    %add3A_694 = arith.addi %get3A_693, %mul3A_11 : vector<16xi32>
    %swap3A_695 = arith.constant 912 : index
    %swap3A_696 = tpu.vector_load %arg5[%swap3A_695] {strides = array<i32>} : memref<16384xi32, #tpu.memory_space<vmem>>, vector<16xi32>,
    %swap3A_697 = vector.shape_cast %swap3A_696 : vector<16xi32> to vector<16xi32>
    %swap3A_698 = vector.shape_cast %add3A_694 : vector<16xi32> to vector<16xi32>
    tpu.vector_store %arg5[%swap3A_695], %swap3A_698 {strides = array<i32>} : memref<16384xi32, #tpu.memory_space<vmem>>, vector<16xi32>,
    %dma_start3A_699 = arith.constant 104 : i32
    %dma_start3A_700 = arith.constant 0 : i32
    %dma_start3A_701 = tpu.memref_slice %arg9[%dma_start3A_699, %dma_start3A_700] : memref<208x128xf32, #tpu.memory_space<vmem>> -> memref<26x128xf32, #tpu.memory_space<vmem>>
    %dma_start3A_702 = arith.constant 896 : i32
    %dma_start3A_703 = tpu.memref_slice %arg5[%dma_start3A_702] : memref<16384xi32, #tpu.memory_space<vmem>> -> memref<26xi32, #tpu.memory_space<vmem>>
    %dma_start3A_704 = arith.constant 0 : i32
    %dma_start3A_705 = arith.constant 0 : i32
    %dma_start3A_706 = tpu.memref_slice %arg3[%dma_start3A_704, %dma_start3A_705] : memref<100022x128xf32, #tpu.memory_space<hbm>> -> memref<100022x128xf32, #tpu.memory_space<hbm>>
    tpu.enqueue_indirect_dma source(%dma_start3A_706 : memref<100022x128xf32, #tpu.memory_space<hbm>>) target(%dma_start3A_701 : memref<26x128xf32, #tpu.memory_space<vmem>>) offsets(%dma_start3A_703 : memref<26xi32, #tpu.memory_space<vmem>>) semaphore(%arg13 : memref<!tpu.dma_semaphore, #tpu.memory_space<semaphore_mem>>)
    %get3A_707 = arith.constant 928 : index
    %get3A_708 = tpu.vector_load %arg5[%get3A_707] {strides = array<i32>} : memref<16384xi32, #tpu.memory_space<vmem>>, vector<16xi32>,
    %get3A_709 = vector.shape_cast %get3A_708 : vector<16xi32> to vector<16xi32>
    %add3A_710 = arith.addi %get3A_709, %mul3A_5 : vector<16xi32>
    %swap3A_711 = arith.constant 928 : index
    %swap3A_712 = tpu.vector_load %arg5[%swap3A_711] {strides = array<i32>} : memref<16384xi32, #tpu.memory_space<vmem>>, vector<16xi32>,
    %swap3A_713 = vector.shape_cast %swap3A_712 : vector<16xi32> to vector<16xi32>
    %swap3A_714 = vector.shape_cast %add3A_710 : vector<16xi32> to vector<16xi32>
    tpu.vector_store %arg5[%swap3A_711], %swap3A_714 {strides = array<i32>} : memref<16384xi32, #tpu.memory_space<vmem>>, vector<16xi32>,
    %get3A_715 = arith.constant 944 : index
    %get3A_716 = tpu.vector_load %arg5[%get3A_715] {strides = array<i32>} : memref<16384xi32, #tpu.memory_space<vmem>>, vector<16xi32>,
    %get3A_717 = vector.shape_cast %get3A_716 : vector<16xi32> to vector<16xi32>
    %add3A_718 = arith.addi %get3A_717, %mul3A_11 : vector<16xi32>
    %swap3A_719 = arith.constant 944 : index
    %swap3A_720 = tpu.vector_load %arg5[%swap3A_719] {strides = array<i32>} : memref<16384xi32, #tpu.memory_space<vmem>>, vector<16xi32>,
    %swap3A_721 = vector.shape_cast %swap3A_720 : vector<16xi32> to vector<16xi32>
    %swap3A_722 = vector.shape_cast %add3A_718 : vector<16xi32> to vector<16xi32>
    tpu.vector_store %arg5[%swap3A_719], %swap3A_722 {strides = array<i32>} : memref<16384xi32, #tpu.memory_space<vmem>>, vector<16xi32>,
    %dma_start3A_723 = arith.constant 130 : i32
    %dma_start3A_724 = arith.constant 0 : i32
    %dma_start3A_725 = tpu.memref_slice %arg9[%dma_start3A_723, %dma_start3A_724] : memref<208x128xf32, #tpu.memory_space<vmem>> -> memref<26x128xf32, #tpu.memory_space<vmem>>
    %dma_start3A_726 = arith.constant 928 : i32
    %dma_start3A_727 = tpu.memref_slice %arg5[%dma_start3A_726] : memref<16384xi32, #tpu.memory_space<vmem>> -> memref<26xi32, #tpu.memory_space<vmem>>
    %dma_start3A_728 = arith.constant 0 : i32
    %dma_start3A_729 = arith.constant 0 : i32
    %dma_start3A_730 = tpu.memref_slice %arg3[%dma_start3A_728, %dma_start3A_729] : memref<100022x128xf32, #tpu.memory_space<hbm>> -> memref<100022x128xf32, #tpu.memory_space<hbm>>
    tpu.enqueue_indirect_dma source(%dma_start3A_730 : memref<100022x128xf32, #tpu.memory_space<hbm>>) target(%dma_start3A_725 : memref<26x128xf32, #tpu.memory_space<vmem>>) offsets(%dma_start3A_727 : memref<26xi32, #tpu.memory_space<vmem>>) semaphore(%arg13 : memref<!tpu.dma_semaphore, #tpu.memory_space<semaphore_mem>>)
    %get3A_731 = arith.constant 960 : index
    %get3A_732 = tpu.vector_load %arg5[%get3A_731] {strides = array<i32>} : memref<16384xi32, #tpu.memory_space<vmem>>, vector<16xi32>,
    %get3A_733 = vector.shape_cast %get3A_732 : vector<16xi32> to vector<16xi32>
    %add3A_734 = arith.addi %get3A_733, %mul3A_5 : vector<16xi32>
    %swap3A_735 = arith.constant 960 : index
    %swap3A_736 = tpu.vector_load %arg5[%swap3A_735] {strides = array<i32>} : memref<16384xi32, #tpu.memory_space<vmem>>, vector<16xi32>,
    %swap3A_737 = vector.shape_cast %swap3A_736 : vector<16xi32> to vector<16xi32>
    %swap3A_738 = vector.shape_cast %add3A_734 : vector<16xi32> to vector<16xi32>
    tpu.vector_store %arg5[%swap3A_735], %swap3A_738 {strides = array<i32>} : memref<16384xi32, #tpu.memory_space<vmem>>, vector<16xi32>,
    %get3A_739 = arith.constant 976 : index
    %get3A_740 = tpu.vector_load %arg5[%get3A_739] {strides = array<i32>} : memref<16384xi32, #tpu.memory_space<vmem>>, vector<16xi32>,
    %get3A_741 = vector.shape_cast %get3A_740 : vector<16xi32> to vector<16xi32>
    %add3A_742 = arith.addi %get3A_741, %mul3A_11 : vector<16xi32>
    %swap3A_743 = arith.constant 976 : index
    %swap3A_744 = tpu.vector_load %arg5[%swap3A_743] {strides = array<i32>} : memref<16384xi32, #tpu.memory_space<vmem>>, vector<16xi32>,
    %swap3A_745 = vector.shape_cast %swap3A_744 : vector<16xi32> to vector<16xi32>
    %swap3A_746 = vector.shape_cast %add3A_742 : vector<16xi32> to vector<16xi32>
    tpu.vector_store %arg5[%swap3A_743], %swap3A_746 {strides = array<i32>} : memref<16384xi32, #tpu.memory_space<vmem>>, vector<16xi32>,
    %dma_start3A_747 = arith.constant 156 : i32
    %dma_start3A_748 = arith.constant 0 : i32
    %dma_start3A_749 = tpu.memref_slice %arg9[%dma_start3A_747, %dma_start3A_748] : memref<208x128xf32, #tpu.memory_space<vmem>> -> memref<26x128xf32, #tpu.memory_space<vmem>>
    %dma_start3A_750 = arith.constant 960 : i32
    %dma_start3A_751 = tpu.memref_slice %arg5[%dma_start3A_750] : memref<16384xi32, #tpu.memory_space<vmem>> -> memref<26xi32, #tpu.memory_space<vmem>>
    %dma_start3A_752 = arith.constant 0 : i32
    %dma_start3A_753 = arith.constant 0 : i32
    %dma_start3A_754 = tpu.memref_slice %arg3[%dma_start3A_752, %dma_start3A_753] : memref<100022x128xf32, #tpu.memory_space<hbm>> -> memref<100022x128xf32, #tpu.memory_space<hbm>>
    tpu.enqueue_indirect_dma source(%dma_start3A_754 : memref<100022x128xf32, #tpu.memory_space<hbm>>) target(%dma_start3A_749 : memref<26x128xf32, #tpu.memory_space<vmem>>) offsets(%dma_start3A_751 : memref<26xi32, #tpu.memory_space<vmem>>) semaphore(%arg13 : memref<!tpu.dma_semaphore, #tpu.memory_space<semaphore_mem>>)
    %get3A_755 = arith.constant 992 : index
    %get3A_756 = tpu.vector_load %arg5[%get3A_755] {strides = array<i32>} : memref<16384xi32, #tpu.memory_space<vmem>>, vector<16xi32>,
    %get3A_757 = vector.shape_cast %get3A_756 : vector<16xi32> to vector<16xi32>
    %add3A_758 = arith.addi %get3A_757, %mul3A_5 : vector<16xi32>
    %swap3A_759 = arith.constant 992 : index
    %swap3A_760 = tpu.vector_load %arg5[%swap3A_759] {strides = array<i32>} : memref<16384xi32, #tpu.memory_space<vmem>>, vector<16xi32>,
    %swap3A_761 = vector.shape_cast %swap3A_760 : vector<16xi32> to vector<16xi32>
    %swap3A_762 = vector.shape_cast %add3A_758 : vector<16xi32> to vector<16xi32>
    tpu.vector_store %arg5[%swap3A_759], %swap3A_762 {strides = array<i32>} : memref<16384xi32, #tpu.memory_space<vmem>>, vector<16xi32>,
    %get3A_763 = arith.constant 1008 : index
    %get3A_764 = tpu.vector_load %arg5[%get3A_763] {strides = array<i32>} : memref<16384xi32, #tpu.memory_space<vmem>>, vector<16xi32>,
    %get3A_765 = vector.shape_cast %get3A_764 : vector<16xi32> to vector<16xi32>
    %add3A_766 = arith.addi %get3A_765, %mul3A_11 : vector<16xi32>
    %swap3A_767 = arith.constant 1008 : index
    %swap3A_768 = tpu.vector_load %arg5[%swap3A_767] {strides = array<i32>} : memref<16384xi32, #tpu.memory_space<vmem>>, vector<16xi32>,
    %swap3A_769 = vector.shape_cast %swap3A_768 : vector<16xi32> to vector<16xi32>
    %swap3A_770 = vector.shape_cast %add3A_766 : vector<16xi32> to vector<16xi32>
    tpu.vector_store %arg5[%swap3A_767], %swap3A_770 {strides = array<i32>} : memref<16384xi32, #tpu.memory_space<vmem>>, vector<16xi32>,
    %dma_start3A_771 = arith.constant 182 : i32
    %dma_start3A_772 = arith.constant 0 : i32
    %dma_start3A_773 = tpu.memref_slice %arg9[%dma_start3A_771, %dma_start3A_772] : memref<208x128xf32, #tpu.memory_space<vmem>> -> memref<26x128xf32, #tpu.memory_space<vmem>>
    %dma_start3A_774 = arith.constant 992 : i32
    %dma_start3A_775 = tpu.memref_slice %arg5[%dma_start3A_774] : memref<16384xi32, #tpu.memory_space<vmem>> -> memref<26xi32, #tpu.memory_space<vmem>>
    %dma_start3A_776 = arith.constant 0 : i32
    %dma_start3A_777 = arith.constant 0 : i32
    %dma_start3A_778 = tpu.memref_slice %arg3[%dma_start3A_776, %dma_start3A_777] : memref<100022x128xf32, #tpu.memory_space<hbm>> -> memref<100022x128xf32, #tpu.memory_space<hbm>>
    tpu.enqueue_indirect_dma source(%dma_start3A_778 : memref<100022x128xf32, #tpu.memory_space<hbm>>) target(%dma_start3A_773 : memref<26x128xf32, #tpu.memory_space<vmem>>) offsets(%dma_start3A_775 : memref<26xi32, #tpu.memory_space<vmem>>) semaphore(%arg13 : memref<!tpu.dma_semaphore, #tpu.memory_space<semaphore_mem>>)
    %scan3A = arith.constant 0 : i32
    %scan3A_779 = arith.constant 16 : i32
    %scan3A_780 = arith.addi %scan3A, %scan3A_779 : i32
    %scan3A_781 = arith.constant 1 : i32
    scf.for %scan3A_1358 = %scan3A to %scan3A_780 step %scan3A_781  : i32 {
      %mul3A_1359 = arith.constant 4 : i32
      %mul3A_1360 = arith.muli %scan3A_1358, %mul3A_1359 : i32
      %add3A_1361 = arith.constant 0 : i32
      %add3A_1362 = arith.addi %mul3A_1360, %add3A_1361 : i32
      %mul3A_1363 = arith.constant 8 : i32
      %mul3A_1364 = arith.muli %add3A_1362, %mul3A_1363 : i32
      %add3A_1365 = arith.constant 0 : i32
      %add3A_1366 = arith.addi %mul3A_1364, %add3A_1365 : i32
      %mul3A_1367 = arith.constant 32 : i32
      %mul3A_1368 = arith.muli %add3A_1366, %mul3A_1367 : i32
      %dma_wait3A_1369 = arith.constant 0 : i32
      %dma_wait3A_1370 = arith.constant 0 : i32
      %dma_wait3A_1371 = tpu.memref_slice %arg6[%dma_wait3A_1369, %dma_wait3A_1370] : memref<208x128xf32, #tpu.memory_space<vmem>> -> memref<26x128xf32, #tpu.memory_space<vmem>>
      %dma_wait3A_1372 = tpu.memref_slice %arg5[%mul3A_1368] : memref<16384xi32, #tpu.memory_space<vmem>> -> memref<26xi32, #tpu.memory_space<vmem>>
      %dma_wait3A_1373 = arith.constant 0 : i32
      %dma_wait3A_1374 = arith.constant 0 : i32
      %dma_wait3A_1375 = tpu.memref_slice %arg3[%dma_wait3A_1373, %dma_wait3A_1374] : memref<100022x128xf32, #tpu.memory_space<hbm>> -> memref<100022x128xf32, #tpu.memory_space<hbm>>
      tpu.wait_indirect_dma semaphore(%arg10 : memref<!tpu.dma_semaphore, #tpu.memory_space<semaphore_mem>>) src(%dma_wait3A_1375 : memref<100022x128xf32, #tpu.memory_space<hbm>>) dst(%dma_wait3A_1371 : memref<26x128xf32, #tpu.memory_space<vmem>>)
      %mul3A_1376 = arith.constant 8 : i32
      %mul3A_1377 = arith.muli %add3A_1362, %mul3A_1376 : i32
      %add3A_1378 = arith.constant 1 : i32
      %add3A_1379 = arith.addi %mul3A_1377, %add3A_1378 : i32
      %mul3A_1380 = arith.constant 32 : i32
      %mul3A_1381 = arith.muli %add3A_1379, %mul3A_1380 : i32
      %dma_wait3A_1382 = arith.constant 26 : i32
      %dma_wait3A_1383 = arith.constant 0 : i32
      %dma_wait3A_1384 = tpu.memref_slice %arg6[%dma_wait3A_1382, %dma_wait3A_1383] : memref<208x128xf32, #tpu.memory_space<vmem>> -> memref<26x128xf32, #tpu.memory_space<vmem>>
      %dma_wait3A_1385 = tpu.memref_slice %arg5[%mul3A_1381] : memref<16384xi32, #tpu.memory_space<vmem>> -> memref<26xi32, #tpu.memory_space<vmem>>
      %dma_wait3A_1386 = arith.constant 0 : i32
      %dma_wait3A_1387 = arith.constant 0 : i32
      %dma_wait3A_1388 = tpu.memref_slice %arg3[%dma_wait3A_1386, %dma_wait3A_1387] : memref<100022x128xf32, #tpu.memory_space<hbm>> -> memref<100022x128xf32, #tpu.memory_space<hbm>>
      tpu.wait_indirect_dma semaphore(%arg10 : memref<!tpu.dma_semaphore, #tpu.memory_space<semaphore_mem>>) src(%dma_wait3A_1388 : memref<100022x128xf32, #tpu.memory_space<hbm>>) dst(%dma_wait3A_1384 : memref<26x128xf32, #tpu.memory_space<vmem>>)
      %mul3A_1389 = arith.constant 8 : i32
      %mul3A_1390 = arith.muli %add3A_1362, %mul3A_1389 : i32
      %add3A_1391 = arith.constant 2 : i32
      %add3A_1392 = arith.addi %mul3A_1390, %add3A_1391 : i32
      %mul3A_1393 = arith.constant 32 : i32
      %mul3A_1394 = arith.muli %add3A_1392, %mul3A_1393 : i32
      %dma_wait3A_1395 = arith.constant 52 : i32
      %dma_wait3A_1396 = arith.constant 0 : i32
      %dma_wait3A_1397 = tpu.memref_slice %arg6[%dma_wait3A_1395, %dma_wait3A_1396] : memref<208x128xf32, #tpu.memory_space<vmem>> -> memref<26x128xf32, #tpu.memory_space<vmem>>
      %dma_wait3A_1398 = tpu.memref_slice %arg5[%mul3A_1394] : memref<16384xi32, #tpu.memory_space<vmem>> -> memref<26xi32, #tpu.memory_space<vmem>>
      %dma_wait3A_1399 = arith.constant 0 : i32
      %dma_wait3A_1400 = arith.constant 0 : i32
      %dma_wait3A_1401 = tpu.memref_slice %arg3[%dma_wait3A_1399, %dma_wait3A_1400] : memref<100022x128xf32, #tpu.memory_space<hbm>> -> memref<100022x128xf32, #tpu.memory_space<hbm>>
      tpu.wait_indirect_dma semaphore(%arg10 : memref<!tpu.dma_semaphore, #tpu.memory_space<semaphore_mem>>) src(%dma_wait3A_1401 : memref<100022x128xf32, #tpu.memory_space<hbm>>) dst(%dma_wait3A_1397 : memref<26x128xf32, #tpu.memory_space<vmem>>)
      %mul3A_1402 = arith.constant 8 : i32
      %mul3A_1403 = arith.muli %add3A_1362, %mul3A_1402 : i32
      %add3A_1404 = arith.constant 3 : i32
      %add3A_1405 = arith.addi %mul3A_1403, %add3A_1404 : i32
      %mul3A_1406 = arith.constant 32 : i32
      %mul3A_1407 = arith.muli %add3A_1405, %mul3A_1406 : i32
      %dma_wait3A_1408 = arith.constant 78 : i32
      %dma_wait3A_1409 = arith.constant 0 : i32
      %dma_wait3A_1410 = tpu.memref_slice %arg6[%dma_wait3A_1408, %dma_wait3A_1409] : memref<208x128xf32, #tpu.memory_space<vmem>> -> memref<26x128xf32, #tpu.memory_space<vmem>>
      %dma_wait3A_1411 = tpu.memref_slice %arg5[%mul3A_1407] : memref<16384xi32, #tpu.memory_space<vmem>> -> memref<26xi32, #tpu.memory_space<vmem>>
      %dma_wait3A_1412 = arith.constant 0 : i32
      %dma_wait3A_1413 = arith.constant 0 : i32
      %dma_wait3A_1414 = tpu.memref_slice %arg3[%dma_wait3A_1412, %dma_wait3A_1413] : memref<100022x128xf32, #tpu.memory_space<hbm>> -> memref<100022x128xf32, #tpu.memory_space<hbm>>
      tpu.wait_indirect_dma semaphore(%arg10 : memref<!tpu.dma_semaphore, #tpu.memory_space<semaphore_mem>>) src(%dma_wait3A_1414 : memref<100022x128xf32, #tpu.memory_space<hbm>>) dst(%dma_wait3A_1410 : memref<26x128xf32, #tpu.memory_space<vmem>>)
      %mul3A_1415 = arith.constant 8 : i32
      %mul3A_1416 = arith.muli %add3A_1362, %mul3A_1415 : i32
      %add3A_1417 = arith.constant 4 : i32
      %add3A_1418 = arith.addi %mul3A_1416, %add3A_1417 : i32
      %mul3A_1419 = arith.constant 32 : i32
      %mul3A_1420 = arith.muli %add3A_1418, %mul3A_1419 : i32
      %dma_wait3A_1421 = arith.constant 104 : i32
      %dma_wait3A_1422 = arith.constant 0 : i32
      %dma_wait3A_1423 = tpu.memref_slice %arg6[%dma_wait3A_1421, %dma_wait3A_1422] : memref<208x128xf32, #tpu.memory_space<vmem>> -> memref<26x128xf32, #tpu.memory_space<vmem>>
      %dma_wait3A_1424 = tpu.memref_slice %arg5[%mul3A_1420] : memref<16384xi32, #tpu.memory_space<vmem>> -> memref<26xi32, #tpu.memory_space<vmem>>
      %dma_wait3A_1425 = arith.constant 0 : i32
      %dma_wait3A_1426 = arith.constant 0 : i32
      %dma_wait3A_1427 = tpu.memref_slice %arg3[%dma_wait3A_1425, %dma_wait3A_1426] : memref<100022x128xf32, #tpu.memory_space<hbm>> -> memref<100022x128xf32, #tpu.memory_space<hbm>>
      tpu.wait_indirect_dma semaphore(%arg10 : memref<!tpu.dma_semaphore, #tpu.memory_space<semaphore_mem>>) src(%dma_wait3A_1427 : memref<100022x128xf32, #tpu.memory_space<hbm>>) dst(%dma_wait3A_1423 : memref<26x128xf32, #tpu.memory_space<vmem>>)
      %mul3A_1428 = arith.constant 8 : i32
      %mul3A_1429 = arith.muli %add3A_1362, %mul3A_1428 : i32
      %add3A_1430 = arith.constant 5 : i32
      %add3A_1431 = arith.addi %mul3A_1429, %add3A_1430 : i32
      %mul3A_1432 = arith.constant 32 : i32
      %mul3A_1433 = arith.muli %add3A_1431, %mul3A_1432 : i32
      %dma_wait3A_1434 = arith.constant 130 : i32
      %dma_wait3A_1435 = arith.constant 0 : i32
      %dma_wait3A_1436 = tpu.memref_slice %arg6[%dma_wait3A_1434, %dma_wait3A_1435] : memref<208x128xf32, #tpu.memory_space<vmem>> -> memref<26x128xf32, #tpu.memory_space<vmem>>
      %dma_wait3A_1437 = tpu.memref_slice %arg5[%mul3A_1433] : memref<16384xi32, #tpu.memory_space<vmem>> -> memref<26xi32, #tpu.memory_space<vmem>>
      %dma_wait3A_1438 = arith.constant 0 : i32
      %dma_wait3A_1439 = arith.constant 0 : i32
      %dma_wait3A_1440 = tpu.memref_slice %arg3[%dma_wait3A_1438, %dma_wait3A_1439] : memref<100022x128xf32, #tpu.memory_space<hbm>> -> memref<100022x128xf32, #tpu.memory_space<hbm>>
      tpu.wait_indirect_dma semaphore(%arg10 : memref<!tpu.dma_semaphore, #tpu.memory_space<semaphore_mem>>) src(%dma_wait3A_1440 : memref<100022x128xf32, #tpu.memory_space<hbm>>) dst(%dma_wait3A_1436 : memref<26x128xf32, #tpu.memory_space<vmem>>)
      %mul3A_1441 = arith.constant 8 : i32
      %mul3A_1442 = arith.muli %add3A_1362, %mul3A_1441 : i32
      %add3A_1443 = arith.constant 6 : i32
      %add3A_1444 = arith.addi %mul3A_1442, %add3A_1443 : i32
      %mul3A_1445 = arith.constant 32 : i32
      %mul3A_1446 = arith.muli %add3A_1444, %mul3A_1445 : i32
      %dma_wait3A_1447 = arith.constant 156 : i32
      %dma_wait3A_1448 = arith.constant 0 : i32
      %dma_wait3A_1449 = tpu.memref_slice %arg6[%dma_wait3A_1447, %dma_wait3A_1448] : memref<208x128xf32, #tpu.memory_space<vmem>> -> memref<26x128xf32, #tpu.memory_space<vmem>>
      %dma_wait3A_1450 = tpu.memref_slice %arg5[%mul3A_1446] : memref<16384xi32, #tpu.memory_space<vmem>> -> memref<26xi32, #tpu.memory_space<vmem>>
      %dma_wait3A_1451 = arith.constant 0 : i32
      %dma_wait3A_1452 = arith.constant 0 : i32
      %dma_wait3A_1453 = tpu.memref_slice %arg3[%dma_wait3A_1451, %dma_wait3A_1452] : memref<100022x128xf32, #tpu.memory_space<hbm>> -> memref<100022x128xf32, #tpu.memory_space<hbm>>
      tpu.wait_indirect_dma semaphore(%arg10 : memref<!tpu.dma_semaphore, #tpu.memory_space<semaphore_mem>>) src(%dma_wait3A_1453 : memref<100022x128xf32, #tpu.memory_space<hbm>>) dst(%dma_wait3A_1449 : memref<26x128xf32, #tpu.memory_space<vmem>>)
      %mul3A_1454 = arith.constant 8 : i32
      %mul3A_1455 = arith.muli %add3A_1362, %mul3A_1454 : i32
      %add3A_1456 = arith.constant 7 : i32
      %add3A_1457 = arith.addi %mul3A_1455, %add3A_1456 : i32
      %mul3A_1458 = arith.constant 32 : i32
      %mul3A_1459 = arith.muli %add3A_1457, %mul3A_1458 : i32
      %dma_wait3A_1460 = arith.constant 182 : i32
      %dma_wait3A_1461 = arith.constant 0 : i32
      %dma_wait3A_1462 = tpu.memref_slice %arg6[%dma_wait3A_1460, %dma_wait3A_1461] : memref<208x128xf32, #tpu.memory_space<vmem>> -> memref<26x128xf32, #tpu.memory_space<vmem>>
      %dma_wait3A_1463 = tpu.memref_slice %arg5[%mul3A_1459] : memref<16384xi32, #tpu.memory_space<vmem>> -> memref<26xi32, #tpu.memory_space<vmem>>
      %dma_wait3A_1464 = arith.constant 0 : i32
      %dma_wait3A_1465 = arith.constant 0 : i32
      %dma_wait3A_1466 = tpu.memref_slice %arg3[%dma_wait3A_1464, %dma_wait3A_1465] : memref<100022x128xf32, #tpu.memory_space<hbm>> -> memref<100022x128xf32, #tpu.memory_space<hbm>>
      tpu.wait_indirect_dma semaphore(%arg10 : memref<!tpu.dma_semaphore, #tpu.memory_space<semaphore_mem>>) src(%dma_wait3A_1466 : memref<100022x128xf32, #tpu.memory_space<hbm>>) dst(%dma_wait3A_1462 : memref<26x128xf32, #tpu.memory_space<vmem>>)
      %mul3A_1467 = arith.constant 8 : i32
      %mul3A_1468 = arith.muli %add3A_1362, %mul3A_1467 : i32
      %add3A_1469 = arith.addi %mul3A_2, %mul3A_1468 : i32
      %add3A_1470 = arith.constant 0 : i32
      %add3A_1471 = arith.addi %add3A_1469, %add3A_1470 : i32
      %dma_start3A_1472 = arith.constant 0 : i32
      %dma_start3A_1473 = arith.constant 0 : i32
      %dma_start3A_1474 = tpu.memref_slice %arg6[%dma_start3A_1472, %dma_start3A_1473] : memref<208x128xf32, #tpu.memory_space<vmem>> -> memref<26x128xf32, #tpu.memory_space<vmem>>
      %dma_start3A_1475 = arith.constant 0 : i32
      %dma_start3A_1476 = arith.constant 0 : i32
      %dma_start3A_1477 = tpu.memref_slice %arg4[%add3A_1471, %dma_start3A_1475, %dma_start3A_1476] : memref<16384x26x128xf32, #tpu.memory_space<hbm>> -> memref<1x26x128xf32, #tpu.memory_space<hbm>>
      %dma_start3A_1478 = tpu.memref_squeeze %dma_start3A_1477 : memref<1x26x128xf32, #tpu.memory_space<hbm>> -> memref<26x128xf32, #tpu.memory_space<hbm>>
      %dma_start3A_1479 = arith.constant 0 : i32
      %dma_start3A_1480 = arith.constant 0 : i32
      %dma_start3A_1481 = tpu.memref_slice %arg4[%add3A_1471, %dma_start3A_1479, %dma_start3A_1480] : memref<16384x26x128xf32, #tpu.memory_space<hbm>> -> memref<1x26x128xf32, #tpu.memory_space<hbm>>
      %dma_start3A_1482 = tpu.memref_squeeze %dma_start3A_1481 : memref<1x26x128xf32, #tpu.memory_space<hbm>> -> memref<26x128xf32, #tpu.memory_space<hbm>>
      %dma_start3A_1483 = arith.constant 0 : i32
      %dma_start3A_1484 = arith.constant 0 : i32
      %dma_start3A_1485 = tpu.memref_slice %arg6[%dma_start3A_1483, %dma_start3A_1484] : memref<208x128xf32, #tpu.memory_space<vmem>> -> memref<26x128xf32, #tpu.memory_space<vmem>>
      tpu.enqueue_dma source(%dma_start3A_1485 : memref<26x128xf32, #tpu.memory_space<vmem>>) target(%dma_start3A_1482 : memref<26x128xf32, #tpu.memory_space<hbm>>) target_semaphore(%arg14 : memref<!tpu.dma_semaphore, #tpu.memory_space<semaphore_mem>>)
      %mul3A_1486 = arith.constant 8 : i32
      %mul3A_1487 = arith.muli %add3A_1362, %mul3A_1486 : i32
      %add3A_1488 = arith.addi %mul3A_2, %mul3A_1487 : i32
      %add3A_1489 = arith.constant 1 : i32
      %add3A_1490 = arith.addi %add3A_1488, %add3A_1489 : i32
      %dma_start3A_1491 = arith.constant 26 : i32
      %dma_start3A_1492 = arith.constant 0 : i32
      %dma_start3A_1493 = tpu.memref_slice %arg6[%dma_start3A_1491, %dma_start3A_1492] : memref<208x128xf32, #tpu.memory_space<vmem>> -> memref<26x128xf32, #tpu.memory_space<vmem>>
      %dma_start3A_1494 = arith.constant 0 : i32
      %dma_start3A_1495 = arith.constant 0 : i32
      %dma_start3A_1496 = tpu.memref_slice %arg4[%add3A_1490, %dma_start3A_1494, %dma_start3A_1495] : memref<16384x26x128xf32, #tpu.memory_space<hbm>> -> memref<1x26x128xf32, #tpu.memory_space<hbm>>
      %dma_start3A_1497 = tpu.memref_squeeze %dma_start3A_1496 : memref<1x26x128xf32, #tpu.memory_space<hbm>> -> memref<26x128xf32, #tpu.memory_space<hbm>>
      %dma_start3A_1498 = arith.constant 0 : i32
      %dma_start3A_1499 = arith.constant 0 : i32
      %dma_start3A_1500 = tpu.memref_slice %arg4[%add3A_1490, %dma_start3A_1498, %dma_start3A_1499] : memref<16384x26x128xf32, #tpu.memory_space<hbm>> -> memref<1x26x128xf32, #tpu.memory_space<hbm>>
      %dma_start3A_1501 = tpu.memref_squeeze %dma_start3A_1500 : memref<1x26x128xf32, #tpu.memory_space<hbm>> -> memref<26x128xf32, #tpu.memory_space<hbm>>
      %dma_start3A_1502 = arith.constant 26 : i32
      %dma_start3A_1503 = arith.constant 0 : i32
      %dma_start3A_1504 = tpu.memref_slice %arg6[%dma_start3A_1502, %dma_start3A_1503] : memref<208x128xf32, #tpu.memory_space<vmem>> -> memref<26x128xf32, #tpu.memory_space<vmem>>
      tpu.enqueue_dma source(%dma_start3A_1504 : memref<26x128xf32, #tpu.memory_space<vmem>>) target(%dma_start3A_1501 : memref<26x128xf32, #tpu.memory_space<hbm>>) target_semaphore(%arg14 : memref<!tpu.dma_semaphore, #tpu.memory_space<semaphore_mem>>)
      %mul3A_1505 = arith.constant 8 : i32
      %mul3A_1506 = arith.muli %add3A_1362, %mul3A_1505 : i32
      %add3A_1507 = arith.addi %mul3A_2, %mul3A_1506 : i32
      %add3A_1508 = arith.constant 2 : i32
      %add3A_1509 = arith.addi %add3A_1507, %add3A_1508 : i32
      %dma_start3A_1510 = arith.constant 52 : i32
      %dma_start3A_1511 = arith.constant 0 : i32
      %dma_start3A_1512 = tpu.memref_slice %arg6[%dma_start3A_1510, %dma_start3A_1511] : memref<208x128xf32, #tpu.memory_space<vmem>> -> memref<26x128xf32, #tpu.memory_space<vmem>>
      %dma_start3A_1513 = arith.constant 0 : i32
      %dma_start3A_1514 = arith.constant 0 : i32
      %dma_start3A_1515 = tpu.memref_slice %arg4[%add3A_1509, %dma_start3A_1513, %dma_start3A_1514] : memref<16384x26x128xf32, #tpu.memory_space<hbm>> -> memref<1x26x128xf32, #tpu.memory_space<hbm>>
      %dma_start3A_1516 = tpu.memref_squeeze %dma_start3A_1515 : memref<1x26x128xf32, #tpu.memory_space<hbm>> -> memref<26x128xf32, #tpu.memory_space<hbm>>
      %dma_start3A_1517 = arith.constant 0 : i32
      %dma_start3A_1518 = arith.constant 0 : i32
      %dma_start3A_1519 = tpu.memref_slice %arg4[%add3A_1509, %dma_start3A_1517, %dma_start3A_1518] : memref<16384x26x128xf32, #tpu.memory_space<hbm>> -> memref<1x26x128xf32, #tpu.memory_space<hbm>>
      %dma_start3A_1520 = tpu.memref_squeeze %dma_start3A_1519 : memref<1x26x128xf32, #tpu.memory_space<hbm>> -> memref<26x128xf32, #tpu.memory_space<hbm>>
      %dma_start3A_1521 = arith.constant 52 : i32
      %dma_start3A_1522 = arith.constant 0 : i32
      %dma_start3A_1523 = tpu.memref_slice %arg6[%dma_start3A_1521, %dma_start3A_1522] : memref<208x128xf32, #tpu.memory_space<vmem>> -> memref<26x128xf32, #tpu.memory_space<vmem>>
      tpu.enqueue_dma source(%dma_start3A_1523 : memref<26x128xf32, #tpu.memory_space<vmem>>) target(%dma_start3A_1520 : memref<26x128xf32, #tpu.memory_space<hbm>>) target_semaphore(%arg14 : memref<!tpu.dma_semaphore, #tpu.memory_space<semaphore_mem>>)
      %mul3A_1524 = arith.constant 8 : i32
      %mul3A_1525 = arith.muli %add3A_1362, %mul3A_1524 : i32
      %add3A_1526 = arith.addi %mul3A_2, %mul3A_1525 : i32
      %add3A_1527 = arith.constant 3 : i32
      %add3A_1528 = arith.addi %add3A_1526, %add3A_1527 : i32
      %dma_start3A_1529 = arith.constant 78 : i32
      %dma_start3A_1530 = arith.constant 0 : i32
      %dma_start3A_1531 = tpu.memref_slice %arg6[%dma_start3A_1529, %dma_start3A_1530] : memref<208x128xf32, #tpu.memory_space<vmem>> -> memref<26x128xf32, #tpu.memory_space<vmem>>
      %dma_start3A_1532 = arith.constant 0 : i32
      %dma_start3A_1533 = arith.constant 0 : i32
      %dma_start3A_1534 = tpu.memref_slice %arg4[%add3A_1528, %dma_start3A_1532, %dma_start3A_1533] : memref<16384x26x128xf32, #tpu.memory_space<hbm>> -> memref<1x26x128xf32, #tpu.memory_space<hbm>>
      %dma_start3A_1535 = tpu.memref_squeeze %dma_start3A_1534 : memref<1x26x128xf32, #tpu.memory_space<hbm>> -> memref<26x128xf32, #tpu.memory_space<hbm>>
      %dma_start3A_1536 = arith.constant 0 : i32
      %dma_start3A_1537 = arith.constant 0 : i32
      %dma_start3A_1538 = tpu.memref_slice %arg4[%add3A_1528, %dma_start3A_1536, %dma_start3A_1537] : memref<16384x26x128xf32, #tpu.memory_space<hbm>> -> memref<1x26x128xf32, #tpu.memory_space<hbm>>
      %dma_start3A_1539 = tpu.memref_squeeze %dma_start3A_1538 : memref<1x26x128xf32, #tpu.memory_space<hbm>> -> memref<26x128xf32, #tpu.memory_space<hbm>>
      %dma_start3A_1540 = arith.constant 78 : i32
      %dma_start3A_1541 = arith.constant 0 : i32
      %dma_start3A_1542 = tpu.memref_slice %arg6[%dma_start3A_1540, %dma_start3A_1541] : memref<208x128xf32, #tpu.memory_space<vmem>> -> memref<26x128xf32, #tpu.memory_space<vmem>>
      tpu.enqueue_dma source(%dma_start3A_1542 : memref<26x128xf32, #tpu.memory_space<vmem>>) target(%dma_start3A_1539 : memref<26x128xf32, #tpu.memory_space<hbm>>) target_semaphore(%arg14 : memref<!tpu.dma_semaphore, #tpu.memory_space<semaphore_mem>>)
      %mul3A_1543 = arith.constant 8 : i32
      %mul3A_1544 = arith.muli %add3A_1362, %mul3A_1543 : i32
      %add3A_1545 = arith.addi %mul3A_2, %mul3A_1544 : i32
      %add3A_1546 = arith.constant 4 : i32
      %add3A_1547 = arith.addi %add3A_1545, %add3A_1546 : i32
      %dma_start3A_1548 = arith.constant 104 : i32
      %dma_start3A_1549 = arith.constant 0 : i32
      %dma_start3A_1550 = tpu.memref_slice %arg6[%dma_start3A_1548, %dma_start3A_1549] : memref<208x128xf32, #tpu.memory_space<vmem>> -> memref<26x128xf32, #tpu.memory_space<vmem>>
      %dma_start3A_1551 = arith.constant 0 : i32
      %dma_start3A_1552 = arith.constant 0 : i32
      %dma_start3A_1553 = tpu.memref_slice %arg4[%add3A_1547, %dma_start3A_1551, %dma_start3A_1552] : memref<16384x26x128xf32, #tpu.memory_space<hbm>> -> memref<1x26x128xf32, #tpu.memory_space<hbm>>
      %dma_start3A_1554 = tpu.memref_squeeze %dma_start3A_1553 : memref<1x26x128xf32, #tpu.memory_space<hbm>> -> memref<26x128xf32, #tpu.memory_space<hbm>>
      %dma_start3A_1555 = arith.constant 0 : i32
      %dma_start3A_1556 = arith.constant 0 : i32
      %dma_start3A_1557 = tpu.memref_slice %arg4[%add3A_1547, %dma_start3A_1555, %dma_start3A_1556] : memref<16384x26x128xf32, #tpu.memory_space<hbm>> -> memref<1x26x128xf32, #tpu.memory_space<hbm>>
      %dma_start3A_1558 = tpu.memref_squeeze %dma_start3A_1557 : memref<1x26x128xf32, #tpu.memory_space<hbm>> -> memref<26x128xf32, #tpu.memory_space<hbm>>
      %dma_start3A_1559 = arith.constant 104 : i32
      %dma_start3A_1560 = arith.constant 0 : i32
      %dma_start3A_1561 = tpu.memref_slice %arg6[%dma_start3A_1559, %dma_start3A_1560] : memref<208x128xf32, #tpu.memory_space<vmem>> -> memref<26x128xf32, #tpu.memory_space<vmem>>
      tpu.enqueue_dma source(%dma_start3A_1561 : memref<26x128xf32, #tpu.memory_space<vmem>>) target(%dma_start3A_1558 : memref<26x128xf32, #tpu.memory_space<hbm>>) target_semaphore(%arg14 : memref<!tpu.dma_semaphore, #tpu.memory_space<semaphore_mem>>)
      %mul3A_1562 = arith.constant 8 : i32
      %mul3A_1563 = arith.muli %add3A_1362, %mul3A_1562 : i32
      %add3A_1564 = arith.addi %mul3A_2, %mul3A_1563 : i32
      %add3A_1565 = arith.constant 5 : i32
      %add3A_1566 = arith.addi %add3A_1564, %add3A_1565 : i32
      %dma_start3A_1567 = arith.constant 130 : i32
      %dma_start3A_1568 = arith.constant 0 : i32
      %dma_start3A_1569 = tpu.memref_slice %arg6[%dma_start3A_1567, %dma_start3A_1568] : memref<208x128xf32, #tpu.memory_space<vmem>> -> memref<26x128xf32, #tpu.memory_space<vmem>>
      %dma_start3A_1570 = arith.constant 0 : i32
      %dma_start3A_1571 = arith.constant 0 : i32
      %dma_start3A_1572 = tpu.memref_slice %arg4[%add3A_1566, %dma_start3A_1570, %dma_start3A_1571] : memref<16384x26x128xf32, #tpu.memory_space<hbm>> -> memref<1x26x128xf32, #tpu.memory_space<hbm>>
      %dma_start3A_1573 = tpu.memref_squeeze %dma_start3A_1572 : memref<1x26x128xf32, #tpu.memory_space<hbm>> -> memref<26x128xf32, #tpu.memory_space<hbm>>
      %dma_start3A_1574 = arith.constant 0 : i32
      %dma_start3A_1575 = arith.constant 0 : i32
      %dma_start3A_1576 = tpu.memref_slice %arg4[%add3A_1566, %dma_start3A_1574, %dma_start3A_1575] : memref<16384x26x128xf32, #tpu.memory_space<hbm>> -> memref<1x26x128xf32, #tpu.memory_space<hbm>>
      %dma_start3A_1577 = tpu.memref_squeeze %dma_start3A_1576 : memref<1x26x128xf32, #tpu.memory_space<hbm>> -> memref<26x128xf32, #tpu.memory_space<hbm>>
      %dma_start3A_1578 = arith.constant 130 : i32
      %dma_start3A_1579 = arith.constant 0 : i32
      %dma_start3A_1580 = tpu.memref_slice %arg6[%dma_start3A_1578, %dma_start3A_1579] : memref<208x128xf32, #tpu.memory_space<vmem>> -> memref<26x128xf32, #tpu.memory_space<vmem>>
      tpu.enqueue_dma source(%dma_start3A_1580 : memref<26x128xf32, #tpu.memory_space<vmem>>) target(%dma_start3A_1577 : memref<26x128xf32, #tpu.memory_space<hbm>>) target_semaphore(%arg14 : memref<!tpu.dma_semaphore, #tpu.memory_space<semaphore_mem>>)
      %mul3A_1581 = arith.constant 8 : i32
      %mul3A_1582 = arith.muli %add3A_1362, %mul3A_1581 : i32
      %add3A_1583 = arith.addi %mul3A_2, %mul3A_1582 : i32
      %add3A_1584 = arith.constant 6 : i32
      %add3A_1585 = arith.addi %add3A_1583, %add3A_1584 : i32
      %dma_start3A_1586 = arith.constant 156 : i32
      %dma_start3A_1587 = arith.constant 0 : i32
      %dma_start3A_1588 = tpu.memref_slice %arg6[%dma_start3A_1586, %dma_start3A_1587] : memref<208x128xf32, #tpu.memory_space<vmem>> -> memref<26x128xf32, #tpu.memory_space<vmem>>
      %dma_start3A_1589 = arith.constant 0 : i32
      %dma_start3A_1590 = arith.constant 0 : i32
      %dma_start3A_1591 = tpu.memref_slice %arg4[%add3A_1585, %dma_start3A_1589, %dma_start3A_1590] : memref<16384x26x128xf32, #tpu.memory_space<hbm>> -> memref<1x26x128xf32, #tpu.memory_space<hbm>>
      %dma_start3A_1592 = tpu.memref_squeeze %dma_start3A_1591 : memref<1x26x128xf32, #tpu.memory_space<hbm>> -> memref<26x128xf32, #tpu.memory_space<hbm>>
      %dma_start3A_1593 = arith.constant 0 : i32
      %dma_start3A_1594 = arith.constant 0 : i32
      %dma_start3A_1595 = tpu.memref_slice %arg4[%add3A_1585, %dma_start3A_1593, %dma_start3A_1594] : memref<16384x26x128xf32, #tpu.memory_space<hbm>> -> memref<1x26x128xf32, #tpu.memory_space<hbm>>
      %dma_start3A_1596 = tpu.memref_squeeze %dma_start3A_1595 : memref<1x26x128xf32, #tpu.memory_space<hbm>> -> memref<26x128xf32, #tpu.memory_space<hbm>>
      %dma_start3A_1597 = arith.constant 156 : i32
      %dma_start3A_1598 = arith.constant 0 : i32
      %dma_start3A_1599 = tpu.memref_slice %arg6[%dma_start3A_1597, %dma_start3A_1598] : memref<208x128xf32, #tpu.memory_space<vmem>> -> memref<26x128xf32, #tpu.memory_space<vmem>>
      tpu.enqueue_dma source(%dma_start3A_1599 : memref<26x128xf32, #tpu.memory_space<vmem>>) target(%dma_start3A_1596 : memref<26x128xf32, #tpu.memory_space<hbm>>) target_semaphore(%arg14 : memref<!tpu.dma_semaphore, #tpu.memory_space<semaphore_mem>>)
      %mul3A_1600 = arith.constant 8 : i32
      %mul3A_1601 = arith.muli %add3A_1362, %mul3A_1600 : i32
      %add3A_1602 = arith.addi %mul3A_2, %mul3A_1601 : i32
      %add3A_1603 = arith.constant 7 : i32
      %add3A_1604 = arith.addi %add3A_1602, %add3A_1603 : i32
      %dma_start3A_1605 = arith.constant 182 : i32
      %dma_start3A_1606 = arith.constant 0 : i32
      %dma_start3A_1607 = tpu.memref_slice %arg6[%dma_start3A_1605, %dma_start3A_1606] : memref<208x128xf32, #tpu.memory_space<vmem>> -> memref<26x128xf32, #tpu.memory_space<vmem>>
      %dma_start3A_1608 = arith.constant 0 : i32
      %dma_start3A_1609 = arith.constant 0 : i32
      %dma_start3A_1610 = tpu.memref_slice %arg4[%add3A_1604, %dma_start3A_1608, %dma_start3A_1609] : memref<16384x26x128xf32, #tpu.memory_space<hbm>> -> memref<1x26x128xf32, #tpu.memory_space<hbm>>
      %dma_start3A_1611 = tpu.memref_squeeze %dma_start3A_1610 : memref<1x26x128xf32, #tpu.memory_space<hbm>> -> memref<26x128xf32, #tpu.memory_space<hbm>>
      %dma_start3A_1612 = arith.constant 0 : i32
      %dma_start3A_1613 = arith.constant 0 : i32
      %dma_start3A_1614 = tpu.memref_slice %arg4[%add3A_1604, %dma_start3A_1612, %dma_start3A_1613] : memref<16384x26x128xf32, #tpu.memory_space<hbm>> -> memref<1x26x128xf32, #tpu.memory_space<hbm>>
      %dma_start3A_1615 = tpu.memref_squeeze %dma_start3A_1614 : memref<1x26x128xf32, #tpu.memory_space<hbm>> -> memref<26x128xf32, #tpu.memory_space<hbm>>
      %dma_start3A_1616 = arith.constant 182 : i32
      %dma_start3A_1617 = arith.constant 0 : i32
      %dma_start3A_1618 = tpu.memref_slice %arg6[%dma_start3A_1616, %dma_start3A_1617] : memref<208x128xf32, #tpu.memory_space<vmem>> -> memref<26x128xf32, #tpu.memory_space<vmem>>
      tpu.enqueue_dma source(%dma_start3A_1618 : memref<26x128xf32, #tpu.memory_space<vmem>>) target(%dma_start3A_1615 : memref<26x128xf32, #tpu.memory_space<hbm>>) target_semaphore(%arg14 : memref<!tpu.dma_semaphore, #tpu.memory_space<semaphore_mem>>)
      %add3A_1619 = arith.constant 4 : i32
      %add3A_1620 = arith.addi %add3A_1362, %add3A_1619 : i32
      %lt3A = arith.constant 64 : i32
      %lt3A_1621 = arith.cmpi slt, %add3A_1620, %lt3A : i32
      %convert_element_type3A = arith.extui %lt3A_1621 : i1 to i32
      %cond3A = arith.constant 0 : i32
      %cond3A_1622 = arith.cmpi ne, %convert_element_type3A, %cond3A : i32
      scf.if %cond3A_1622 {
        %mul3A_2424 = arith.constant 8 : i32
        %mul3A_2425 = arith.muli %add3A_1362, %mul3A_2424 : i32
        %add3A_2426 = arith.addi %mul3A_2, %mul3A_2425 : i32
        %add3A_2427 = arith.constant 0 : i32
        %add3A_2428 = arith.addi %add3A_2426, %add3A_2427 : i32
        %dma_wait3A_2429 = arith.constant 0 : i32
        %dma_wait3A_2430 = arith.constant 0 : i32
        %dma_wait3A_2431 = tpu.memref_slice %arg6[%dma_wait3A_2429, %dma_wait3A_2430] : memref<208x128xf32, #tpu.memory_space<vmem>> -> memref<26x128xf32, #tpu.memory_space<vmem>>
        %dma_wait3A_2432 = arith.constant 0 : i32
        %dma_wait3A_2433 = arith.constant 0 : i32
        %dma_wait3A_2434 = tpu.memref_slice %arg4[%add3A_2428, %dma_wait3A_2432, %dma_wait3A_2433] : memref<16384x26x128xf32, #tpu.memory_space<hbm>> -> memref<1x26x128xf32, #tpu.memory_space<hbm>>
        %dma_wait3A_2435 = tpu.memref_squeeze %dma_wait3A_2434 : memref<1x26x128xf32, #tpu.memory_space<hbm>> -> memref<26x128xf32, #tpu.memory_space<hbm>>
        %dma_wait3A_2436 = arith.constant 0 : i32
        %dma_wait3A_2437 = arith.constant 0 : i32
        %dma_wait3A_2438 = tpu.memref_slice %arg4[%add3A_2428, %dma_wait3A_2436, %dma_wait3A_2437] : memref<16384x26x128xf32, #tpu.memory_space<hbm>> -> memref<1x26x128xf32, #tpu.memory_space<hbm>>
        %dma_wait3A_2439 = tpu.memref_squeeze %dma_wait3A_2438 : memref<1x26x128xf32, #tpu.memory_space<hbm>> -> memref<26x128xf32, #tpu.memory_space<hbm>>
        %dma_wait3A_2440 = arith.constant 0 : i32
        %dma_wait3A_2441 = arith.constant 0 : i32
        %dma_wait3A_2442 = tpu.memref_slice %arg6[%dma_wait3A_2440, %dma_wait3A_2441] : memref<208x128xf32, #tpu.memory_space<vmem>> -> memref<26x128xf32, #tpu.memory_space<vmem>>
        tpu.wait_dma2 semaphore(%arg14 : memref<!tpu.dma_semaphore, #tpu.memory_space<semaphore_mem>>) src(%dma_wait3A_2442 : memref<26x128xf32, #tpu.memory_space<vmem>>) dst(%dma_wait3A_2439 : memref<26x128xf32, #tpu.memory_space<hbm>>)
        %mul3A_2443 = arith.constant 8 : i32
        %mul3A_2444 = arith.muli %add3A_1362, %mul3A_2443 : i32
        %add3A_2445 = arith.addi %mul3A_2, %mul3A_2444 : i32
        %add3A_2446 = arith.constant 1 : i32
        %add3A_2447 = arith.addi %add3A_2445, %add3A_2446 : i32
        %dma_wait3A_2448 = arith.constant 26 : i32
        %dma_wait3A_2449 = arith.constant 0 : i32
        %dma_wait3A_2450 = tpu.memref_slice %arg6[%dma_wait3A_2448, %dma_wait3A_2449] : memref<208x128xf32, #tpu.memory_space<vmem>> -> memref<26x128xf32, #tpu.memory_space<vmem>>
        %dma_wait3A_2451 = arith.constant 0 : i32
        %dma_wait3A_2452 = arith.constant 0 : i32
        %dma_wait3A_2453 = tpu.memref_slice %arg4[%add3A_2447, %dma_wait3A_2451, %dma_wait3A_2452] : memref<16384x26x128xf32, #tpu.memory_space<hbm>> -> memref<1x26x128xf32, #tpu.memory_space<hbm>>
        %dma_wait3A_2454 = tpu.memref_squeeze %dma_wait3A_2453 : memref<1x26x128xf32, #tpu.memory_space<hbm>> -> memref<26x128xf32, #tpu.memory_space<hbm>>
        %dma_wait3A_2455 = arith.constant 0 : i32
        %dma_wait3A_2456 = arith.constant 0 : i32
        %dma_wait3A_2457 = tpu.memref_slice %arg4[%add3A_2447, %dma_wait3A_2455, %dma_wait3A_2456] : memref<16384x26x128xf32, #tpu.memory_space<hbm>> -> memref<1x26x128xf32, #tpu.memory_space<hbm>>
        %dma_wait3A_2458 = tpu.memref_squeeze %dma_wait3A_2457 : memref<1x26x128xf32, #tpu.memory_space<hbm>> -> memref<26x128xf32, #tpu.memory_space<hbm>>
        %dma_wait3A_2459 = arith.constant 26 : i32
        %dma_wait3A_2460 = arith.constant 0 : i32
        %dma_wait3A_2461 = tpu.memref_slice %arg6[%dma_wait3A_2459, %dma_wait3A_2460] : memref<208x128xf32, #tpu.memory_space<vmem>> -> memref<26x128xf32, #tpu.memory_space<vmem>>
        tpu.wait_dma2 semaphore(%arg14 : memref<!tpu.dma_semaphore, #tpu.memory_space<semaphore_mem>>) src(%dma_wait3A_2461 : memref<26x128xf32, #tpu.memory_space<vmem>>) dst(%dma_wait3A_2458 : memref<26x128xf32, #tpu.memory_space<hbm>>)
        %mul3A_2462 = arith.constant 8 : i32
        %mul3A_2463 = arith.muli %add3A_1362, %mul3A_2462 : i32
        %add3A_2464 = arith.addi %mul3A_2, %mul3A_2463 : i32
        %add3A_2465 = arith.constant 2 : i32
        %add3A_2466 = arith.addi %add3A_2464, %add3A_2465 : i32
        %dma_wait3A_2467 = arith.constant 52 : i32
        %dma_wait3A_2468 = arith.constant 0 : i32
        %dma_wait3A_2469 = tpu.memref_slice %arg6[%dma_wait3A_2467, %dma_wait3A_2468] : memref<208x128xf32, #tpu.memory_space<vmem>> -> memref<26x128xf32, #tpu.memory_space<vmem>>
        %dma_wait3A_2470 = arith.constant 0 : i32
        %dma_wait3A_2471 = arith.constant 0 : i32
        %dma_wait3A_2472 = tpu.memref_slice %arg4[%add3A_2466, %dma_wait3A_2470, %dma_wait3A_2471] : memref<16384x26x128xf32, #tpu.memory_space<hbm>> -> memref<1x26x128xf32, #tpu.memory_space<hbm>>
        %dma_wait3A_2473 = tpu.memref_squeeze %dma_wait3A_2472 : memref<1x26x128xf32, #tpu.memory_space<hbm>> -> memref<26x128xf32, #tpu.memory_space<hbm>>
        %dma_wait3A_2474 = arith.constant 0 : i32
        %dma_wait3A_2475 = arith.constant 0 : i32
        %dma_wait3A_2476 = tpu.memref_slice %arg4[%add3A_2466, %dma_wait3A_2474, %dma_wait3A_2475] : memref<16384x26x128xf32, #tpu.memory_space<hbm>> -> memref<1x26x128xf32, #tpu.memory_space<hbm>>
        %dma_wait3A_2477 = tpu.memref_squeeze %dma_wait3A_2476 : memref<1x26x128xf32, #tpu.memory_space<hbm>> -> memref<26x128xf32, #tpu.memory_space<hbm>>
        %dma_wait3A_2478 = arith.constant 52 : i32
        %dma_wait3A_2479 = arith.constant 0 : i32
        %dma_wait3A_2480 = tpu.memref_slice %arg6[%dma_wait3A_2478, %dma_wait3A_2479] : memref<208x128xf32, #tpu.memory_space<vmem>> -> memref<26x128xf32, #tpu.memory_space<vmem>>
        tpu.wait_dma2 semaphore(%arg14 : memref<!tpu.dma_semaphore, #tpu.memory_space<semaphore_mem>>) src(%dma_wait3A_2480 : memref<26x128xf32, #tpu.memory_space<vmem>>) dst(%dma_wait3A_2477 : memref<26x128xf32, #tpu.memory_space<hbm>>)
        %mul3A_2481 = arith.constant 8 : i32
        %mul3A_2482 = arith.muli %add3A_1362, %mul3A_2481 : i32
        %add3A_2483 = arith.addi %mul3A_2, %mul3A_2482 : i32
        %add3A_2484 = arith.constant 3 : i32
        %add3A_2485 = arith.addi %add3A_2483, %add3A_2484 : i32
        %dma_wait3A_2486 = arith.constant 78 : i32
        %dma_wait3A_2487 = arith.constant 0 : i32
        %dma_wait3A_2488 = tpu.memref_slice %arg6[%dma_wait3A_2486, %dma_wait3A_2487] : memref<208x128xf32, #tpu.memory_space<vmem>> -> memref<26x128xf32, #tpu.memory_space<vmem>>
        %dma_wait3A_2489 = arith.constant 0 : i32
        %dma_wait3A_2490 = arith.constant 0 : i32
        %dma_wait3A_2491 = tpu.memref_slice %arg4[%add3A_2485, %dma_wait3A_2489, %dma_wait3A_2490] : memref<16384x26x128xf32, #tpu.memory_space<hbm>> -> memref<1x26x128xf32, #tpu.memory_space<hbm>>
        %dma_wait3A_2492 = tpu.memref_squeeze %dma_wait3A_2491 : memref<1x26x128xf32, #tpu.memory_space<hbm>> -> memref<26x128xf32, #tpu.memory_space<hbm>>
        %dma_wait3A_2493 = arith.constant 0 : i32
        %dma_wait3A_2494 = arith.constant 0 : i32
        %dma_wait3A_2495 = tpu.memref_slice %arg4[%add3A_2485, %dma_wait3A_2493, %dma_wait3A_2494] : memref<16384x26x128xf32, #tpu.memory_space<hbm>> -> memref<1x26x128xf32, #tpu.memory_space<hbm>>
        %dma_wait3A_2496 = tpu.memref_squeeze %dma_wait3A_2495 : memref<1x26x128xf32, #tpu.memory_space<hbm>> -> memref<26x128xf32, #tpu.memory_space<hbm>>
        %dma_wait3A_2497 = arith.constant 78 : i32
        %dma_wait3A_2498 = arith.constant 0 : i32
        %dma_wait3A_2499 = tpu.memref_slice %arg6[%dma_wait3A_2497, %dma_wait3A_2498] : memref<208x128xf32, #tpu.memory_space<vmem>> -> memref<26x128xf32, #tpu.memory_space<vmem>>
        tpu.wait_dma2 semaphore(%arg14 : memref<!tpu.dma_semaphore, #tpu.memory_space<semaphore_mem>>) src(%dma_wait3A_2499 : memref<26x128xf32, #tpu.memory_space<vmem>>) dst(%dma_wait3A_2496 : memref<26x128xf32, #tpu.memory_space<hbm>>)
        %mul3A_2500 = arith.constant 8 : i32
        %mul3A_2501 = arith.muli %add3A_1362, %mul3A_2500 : i32
        %add3A_2502 = arith.addi %mul3A_2, %mul3A_2501 : i32
        %add3A_2503 = arith.constant 4 : i32
        %add3A_2504 = arith.addi %add3A_2502, %add3A_2503 : i32
        %dma_wait3A_2505 = arith.constant 104 : i32
        %dma_wait3A_2506 = arith.constant 0 : i32
        %dma_wait3A_2507 = tpu.memref_slice %arg6[%dma_wait3A_2505, %dma_wait3A_2506] : memref<208x128xf32, #tpu.memory_space<vmem>> -> memref<26x128xf32, #tpu.memory_space<vmem>>
        %dma_wait3A_2508 = arith.constant 0 : i32
        %dma_wait3A_2509 = arith.constant 0 : i32
        %dma_wait3A_2510 = tpu.memref_slice %arg4[%add3A_2504, %dma_wait3A_2508, %dma_wait3A_2509] : memref<16384x26x128xf32, #tpu.memory_space<hbm>> -> memref<1x26x128xf32, #tpu.memory_space<hbm>>
        %dma_wait3A_2511 = tpu.memref_squeeze %dma_wait3A_2510 : memref<1x26x128xf32, #tpu.memory_space<hbm>> -> memref<26x128xf32, #tpu.memory_space<hbm>>
        %dma_wait3A_2512 = arith.constant 0 : i32
        %dma_wait3A_2513 = arith.constant 0 : i32
        %dma_wait3A_2514 = tpu.memref_slice %arg4[%add3A_2504, %dma_wait3A_2512, %dma_wait3A_2513] : memref<16384x26x128xf32, #tpu.memory_space<hbm>> -> memref<1x26x128xf32, #tpu.memory_space<hbm>>
        %dma_wait3A_2515 = tpu.memref_squeeze %dma_wait3A_2514 : memref<1x26x128xf32, #tpu.memory_space<hbm>> -> memref<26x128xf32, #tpu.memory_space<hbm>>
        %dma_wait3A_2516 = arith.constant 104 : i32
        %dma_wait3A_2517 = arith.constant 0 : i32
        %dma_wait3A_2518 = tpu.memref_slice %arg6[%dma_wait3A_2516, %dma_wait3A_2517] : memref<208x128xf32, #tpu.memory_space<vmem>> -> memref<26x128xf32, #tpu.memory_space<vmem>>
        tpu.wait_dma2 semaphore(%arg14 : memref<!tpu.dma_semaphore, #tpu.memory_space<semaphore_mem>>) src(%dma_wait3A_2518 : memref<26x128xf32, #tpu.memory_space<vmem>>) dst(%dma_wait3A_2515 : memref<26x128xf32, #tpu.memory_space<hbm>>)
        %mul3A_2519 = arith.constant 8 : i32
        %mul3A_2520 = arith.muli %add3A_1362, %mul3A_2519 : i32
        %add3A_2521 = arith.addi %mul3A_2, %mul3A_2520 : i32
        %add3A_2522 = arith.constant 5 : i32
        %add3A_2523 = arith.addi %add3A_2521, %add3A_2522 : i32
        %dma_wait3A_2524 = arith.constant 130 : i32
        %dma_wait3A_2525 = arith.constant 0 : i32
        %dma_wait3A_2526 = tpu.memref_slice %arg6[%dma_wait3A_2524, %dma_wait3A_2525] : memref<208x128xf32, #tpu.memory_space<vmem>> -> memref<26x128xf32, #tpu.memory_space<vmem>>
        %dma_wait3A_2527 = arith.constant 0 : i32
        %dma_wait3A_2528 = arith.constant 0 : i32
        %dma_wait3A_2529 = tpu.memref_slice %arg4[%add3A_2523, %dma_wait3A_2527, %dma_wait3A_2528] : memref<16384x26x128xf32, #tpu.memory_space<hbm>> -> memref<1x26x128xf32, #tpu.memory_space<hbm>>
        %dma_wait3A_2530 = tpu.memref_squeeze %dma_wait3A_2529 : memref<1x26x128xf32, #tpu.memory_space<hbm>> -> memref<26x128xf32, #tpu.memory_space<hbm>>
        %dma_wait3A_2531 = arith.constant 0 : i32
        %dma_wait3A_2532 = arith.constant 0 : i32
        %dma_wait3A_2533 = tpu.memref_slice %arg4[%add3A_2523, %dma_wait3A_2531, %dma_wait3A_2532] : memref<16384x26x128xf32, #tpu.memory_space<hbm>> -> memref<1x26x128xf32, #tpu.memory_space<hbm>>
        %dma_wait3A_2534 = tpu.memref_squeeze %dma_wait3A_2533 : memref<1x26x128xf32, #tpu.memory_space<hbm>> -> memref<26x128xf32, #tpu.memory_space<hbm>>
        %dma_wait3A_2535 = arith.constant 130 : i32
        %dma_wait3A_2536 = arith.constant 0 : i32
        %dma_wait3A_2537 = tpu.memref_slice %arg6[%dma_wait3A_2535, %dma_wait3A_2536] : memref<208x128xf32, #tpu.memory_space<vmem>> -> memref<26x128xf32, #tpu.memory_space<vmem>>
        tpu.wait_dma2 semaphore(%arg14 : memref<!tpu.dma_semaphore, #tpu.memory_space<semaphore_mem>>) src(%dma_wait3A_2537 : memref<26x128xf32, #tpu.memory_space<vmem>>) dst(%dma_wait3A_2534 : memref<26x128xf32, #tpu.memory_space<hbm>>)
        %mul3A_2538 = arith.constant 8 : i32
        %mul3A_2539 = arith.muli %add3A_1362, %mul3A_2538 : i32
        %add3A_2540 = arith.addi %mul3A_2, %mul3A_2539 : i32
        %add3A_2541 = arith.constant 6 : i32
        %add3A_2542 = arith.addi %add3A_2540, %add3A_2541 : i32
        %dma_wait3A_2543 = arith.constant 156 : i32
        %dma_wait3A_2544 = arith.constant 0 : i32
        %dma_wait3A_2545 = tpu.memref_slice %arg6[%dma_wait3A_2543, %dma_wait3A_2544] : memref<208x128xf32, #tpu.memory_space<vmem>> -> memref<26x128xf32, #tpu.memory_space<vmem>>
        %dma_wait3A_2546 = arith.constant 0 : i32
        %dma_wait3A_2547 = arith.constant 0 : i32
        %dma_wait3A_2548 = tpu.memref_slice %arg4[%add3A_2542, %dma_wait3A_2546, %dma_wait3A_2547] : memref<16384x26x128xf32, #tpu.memory_space<hbm>> -> memref<1x26x128xf32, #tpu.memory_space<hbm>>
        %dma_wait3A_2549 = tpu.memref_squeeze %dma_wait3A_2548 : memref<1x26x128xf32, #tpu.memory_space<hbm>> -> memref<26x128xf32, #tpu.memory_space<hbm>>
        %dma_wait3A_2550 = arith.constant 0 : i32
        %dma_wait3A_2551 = arith.constant 0 : i32
        %dma_wait3A_2552 = tpu.memref_slice %arg4[%add3A_2542, %dma_wait3A_2550, %dma_wait3A_2551] : memref<16384x26x128xf32, #tpu.memory_space<hbm>> -> memref<1x26x128xf32, #tpu.memory_space<hbm>>
        %dma_wait3A_2553 = tpu.memref_squeeze %dma_wait3A_2552 : memref<1x26x128xf32, #tpu.memory_space<hbm>> -> memref<26x128xf32, #tpu.memory_space<hbm>>
        %dma_wait3A_2554 = arith.constant 156 : i32
        %dma_wait3A_2555 = arith.constant 0 : i32
        %dma_wait3A_2556 = tpu.memref_slice %arg6[%dma_wait3A_2554, %dma_wait3A_2555] : memref<208x128xf32, #tpu.memory_space<vmem>> -> memref<26x128xf32, #tpu.memory_space<vmem>>
        tpu.wait_dma2 semaphore(%arg14 : memref<!tpu.dma_semaphore, #tpu.memory_space<semaphore_mem>>) src(%dma_wait3A_2556 : memref<26x128xf32, #tpu.memory_space<vmem>>) dst(%dma_wait3A_2553 : memref<26x128xf32, #tpu.memory_space<hbm>>)
        %mul3A_2557 = arith.constant 8 : i32
        %mul3A_2558 = arith.muli %add3A_1362, %mul3A_2557 : i32
        %add3A_2559 = arith.addi %mul3A_2, %mul3A_2558 : i32
        %add3A_2560 = arith.constant 7 : i32
        %add3A_2561 = arith.addi %add3A_2559, %add3A_2560 : i32
        %dma_wait3A_2562 = arith.constant 182 : i32
        %dma_wait3A_2563 = arith.constant 0 : i32
        %dma_wait3A_2564 = tpu.memref_slice %arg6[%dma_wait3A_2562, %dma_wait3A_2563] : memref<208x128xf32, #tpu.memory_space<vmem>> -> memref<26x128xf32, #tpu.memory_space<vmem>>
        %dma_wait3A_2565 = arith.constant 0 : i32
        %dma_wait3A_2566 = arith.constant 0 : i32
        %dma_wait3A_2567 = tpu.memref_slice %arg4[%add3A_2561, %dma_wait3A_2565, %dma_wait3A_2566] : memref<16384x26x128xf32, #tpu.memory_space<hbm>> -> memref<1x26x128xf32, #tpu.memory_space<hbm>>
        %dma_wait3A_2568 = tpu.memref_squeeze %dma_wait3A_2567 : memref<1x26x128xf32, #tpu.memory_space<hbm>> -> memref<26x128xf32, #tpu.memory_space<hbm>>
        %dma_wait3A_2569 = arith.constant 0 : i32
        %dma_wait3A_2570 = arith.constant 0 : i32
        %dma_wait3A_2571 = tpu.memref_slice %arg4[%add3A_2561, %dma_wait3A_2569, %dma_wait3A_2570] : memref<16384x26x128xf32, #tpu.memory_space<hbm>> -> memref<1x26x128xf32, #tpu.memory_space<hbm>>
        %dma_wait3A_2572 = tpu.memref_squeeze %dma_wait3A_2571 : memref<1x26x128xf32, #tpu.memory_space<hbm>> -> memref<26x128xf32, #tpu.memory_space<hbm>>
        %dma_wait3A_2573 = arith.constant 182 : i32
        %dma_wait3A_2574 = arith.constant 0 : i32
        %dma_wait3A_2575 = tpu.memref_slice %arg6[%dma_wait3A_2573, %dma_wait3A_2574] : memref<208x128xf32, #tpu.memory_space<vmem>> -> memref<26x128xf32, #tpu.memory_space<vmem>>
        tpu.wait_dma2 semaphore(%arg14 : memref<!tpu.dma_semaphore, #tpu.memory_space<semaphore_mem>>) src(%dma_wait3A_2575 : memref<26x128xf32, #tpu.memory_space<vmem>>) dst(%dma_wait3A_2572 : memref<26x128xf32, #tpu.memory_space<hbm>>)
        %mul3A_2576 = arith.constant 8 : i32
        %mul3A_2577 = arith.muli %add3A_1620, %mul3A_2576 : i32
        %add3A_2578 = arith.constant 0 : i32
        %add3A_2579 = arith.addi %mul3A_2577, %add3A_2578 : i32
        %mul3A_2580 = arith.constant 32 : i32
        %mul3A_2581 = arith.muli %add3A_2579, %mul3A_2580 : i32
        %mul3A_2582 = arith.constant 32 : i32
        %mul3A_2583 = arith.muli %add3A_2579, %mul3A_2582 : i32
        %add3A_2584 = arith.constant 16 : i32
        %add3A_2585 = arith.addi %mul3A_2583, %add3A_2584 : i32
        %get3A_2586 = arith.index_cast %mul3A_2581 : i32 to index
        %get3A_2587 = tpu.vector_load %arg5[%get3A_2586] {strides = array<i32>} : memref<16384xi32, #tpu.memory_space<vmem>>, vector<16xi32>,
        %get3A_2588 = vector.shape_cast %get3A_2587 : vector<16xi32> to vector<16xi32>
        %add3A_2589 = arith.addi %get3A_2588, %mul3A_5 : vector<16xi32>
        %swap3A_2590 = arith.index_cast %mul3A_2581 : i32 to index
        %swap3A_2591 = tpu.vector_load %arg5[%swap3A_2590] {strides = array<i32>} : memref<16384xi32, #tpu.memory_space<vmem>>, vector<16xi32>,
        %swap3A_2592 = vector.shape_cast %swap3A_2591 : vector<16xi32> to vector<16xi32>
        %swap3A_2593 = vector.shape_cast %add3A_2589 : vector<16xi32> to vector<16xi32>
        tpu.vector_store %arg5[%swap3A_2590], %swap3A_2593 {strides = array<i32>} : memref<16384xi32, #tpu.memory_space<vmem>>, vector<16xi32>,
        %get3A_2594 = arith.index_cast %add3A_2585 : i32 to index
        %get3A_2595 = tpu.vector_load %arg5[%get3A_2594] {strides = array<i32>} : memref<16384xi32, #tpu.memory_space<vmem>>, vector<16xi32>,
        %get3A_2596 = vector.shape_cast %get3A_2595 : vector<16xi32> to vector<16xi32>
        %add3A_2597 = arith.addi %get3A_2596, %mul3A_11 : vector<16xi32>
        %swap3A_2598 = arith.index_cast %add3A_2585 : i32 to index
        %swap3A_2599 = tpu.vector_load %arg5[%swap3A_2598] {strides = array<i32>} : memref<16384xi32, #tpu.memory_space<vmem>>, vector<16xi32>,
        %swap3A_2600 = vector.shape_cast %swap3A_2599 : vector<16xi32> to vector<16xi32>
        %swap3A_2601 = vector.shape_cast %add3A_2597 : vector<16xi32> to vector<16xi32>
        tpu.vector_store %arg5[%swap3A_2598], %swap3A_2601 {strides = array<i32>} : memref<16384xi32, #tpu.memory_space<vmem>>, vector<16xi32>,
        %mul3A_2602 = arith.constant 32 : i32
        %mul3A_2603 = arith.muli %add3A_2579, %mul3A_2602 : i32
        %dma_start3A_2604 = arith.constant 0 : i32
        %dma_start3A_2605 = arith.constant 0 : i32
        %dma_start3A_2606 = tpu.memref_slice %arg6[%dma_start3A_2604, %dma_start3A_2605] : memref<208x128xf32, #tpu.memory_space<vmem>> -> memref<26x128xf32, #tpu.memory_space<vmem>>
        %dma_start3A_2607 = tpu.memref_slice %arg5[%mul3A_2603] : memref<16384xi32, #tpu.memory_space<vmem>> -> memref<26xi32, #tpu.memory_space<vmem>>
        %dma_start3A_2608 = arith.constant 0 : i32
        %dma_start3A_2609 = arith.constant 0 : i32
        %dma_start3A_2610 = tpu.memref_slice %arg3[%dma_start3A_2608, %dma_start3A_2609] : memref<100022x128xf32, #tpu.memory_space<hbm>> -> memref<100022x128xf32, #tpu.memory_space<hbm>>
        tpu.enqueue_indirect_dma source(%dma_start3A_2610 : memref<100022x128xf32, #tpu.memory_space<hbm>>) target(%dma_start3A_2606 : memref<26x128xf32, #tpu.memory_space<vmem>>) offsets(%dma_start3A_2607 : memref<26xi32, #tpu.memory_space<vmem>>) semaphore(%arg10 : memref<!tpu.dma_semaphore, #tpu.memory_space<semaphore_mem>>)
        %mul3A_2611 = arith.constant 8 : i32
        %mul3A_2612 = arith.muli %add3A_1620, %mul3A_2611 : i32
        %add3A_2613 = arith.constant 1 : i32
        %add3A_2614 = arith.addi %mul3A_2612, %add3A_2613 : i32
        %mul3A_2615 = arith.constant 32 : i32
        %mul3A_2616 = arith.muli %add3A_2614, %mul3A_2615 : i32
        %mul3A_2617 = arith.constant 32 : i32
        %mul3A_2618 = arith.muli %add3A_2614, %mul3A_2617 : i32
        %add3A_2619 = arith.constant 16 : i32
        %add3A_2620 = arith.addi %mul3A_2618, %add3A_2619 : i32
        %get3A_2621 = arith.index_cast %mul3A_2616 : i32 to index
        %get3A_2622 = tpu.vector_load %arg5[%get3A_2621] {strides = array<i32>} : memref<16384xi32, #tpu.memory_space<vmem>>, vector<16xi32>,
        %get3A_2623 = vector.shape_cast %get3A_2622 : vector<16xi32> to vector<16xi32>
        %add3A_2624 = arith.addi %get3A_2623, %mul3A_5 : vector<16xi32>
        %swap3A_2625 = arith.index_cast %mul3A_2616 : i32 to index
        %swap3A_2626 = tpu.vector_load %arg5[%swap3A_2625] {strides = array<i32>} : memref<16384xi32, #tpu.memory_space<vmem>>, vector<16xi32>,
        %swap3A_2627 = vector.shape_cast %swap3A_2626 : vector<16xi32> to vector<16xi32>
        %swap3A_2628 = vector.shape_cast %add3A_2624 : vector<16xi32> to vector<16xi32>
        tpu.vector_store %arg5[%swap3A_2625], %swap3A_2628 {strides = array<i32>} : memref<16384xi32, #tpu.memory_space<vmem>>, vector<16xi32>,
        %get3A_2629 = arith.index_cast %add3A_2620 : i32 to index
        %get3A_2630 = tpu.vector_load %arg5[%get3A_2629] {strides = array<i32>} : memref<16384xi32, #tpu.memory_space<vmem>>, vector<16xi32>,
        %get3A_2631 = vector.shape_cast %get3A_2630 : vector<16xi32> to vector<16xi32>
        %add3A_2632 = arith.addi %get3A_2631, %mul3A_11 : vector<16xi32>
        %swap3A_2633 = arith.index_cast %add3A_2620 : i32 to index
        %swap3A_2634 = tpu.vector_load %arg5[%swap3A_2633] {strides = array<i32>} : memref<16384xi32, #tpu.memory_space<vmem>>, vector<16xi32>,
        %swap3A_2635 = vector.shape_cast %swap3A_2634 : vector<16xi32> to vector<16xi32>
        %swap3A_2636 = vector.shape_cast %add3A_2632 : vector<16xi32> to vector<16xi32>
        tpu.vector_store %arg5[%swap3A_2633], %swap3A_2636 {strides = array<i32>} : memref<16384xi32, #tpu.memory_space<vmem>>, vector<16xi32>,
        %mul3A_2637 = arith.constant 32 : i32
        %mul3A_2638 = arith.muli %add3A_2614, %mul3A_2637 : i32
        %dma_start3A_2639 = arith.constant 26 : i32
        %dma_start3A_2640 = arith.constant 0 : i32
        %dma_start3A_2641 = tpu.memref_slice %arg6[%dma_start3A_2639, %dma_start3A_2640] : memref<208x128xf32, #tpu.memory_space<vmem>> -> memref<26x128xf32, #tpu.memory_space<vmem>>
        %dma_start3A_2642 = tpu.memref_slice %arg5[%mul3A_2638] : memref<16384xi32, #tpu.memory_space<vmem>> -> memref<26xi32, #tpu.memory_space<vmem>>
        %dma_start3A_2643 = arith.constant 0 : i32
        %dma_start3A_2644 = arith.constant 0 : i32
        %dma_start3A_2645 = tpu.memref_slice %arg3[%dma_start3A_2643, %dma_start3A_2644] : memref<100022x128xf32, #tpu.memory_space<hbm>> -> memref<100022x128xf32, #tpu.memory_space<hbm>>
        tpu.enqueue_indirect_dma source(%dma_start3A_2645 : memref<100022x128xf32, #tpu.memory_space<hbm>>) target(%dma_start3A_2641 : memref<26x128xf32, #tpu.memory_space<vmem>>) offsets(%dma_start3A_2642 : memref<26xi32, #tpu.memory_space<vmem>>) semaphore(%arg10 : memref<!tpu.dma_semaphore, #tpu.memory_space<semaphore_mem>>)
        %mul3A_2646 = arith.constant 8 : i32
        %mul3A_2647 = arith.muli %add3A_1620, %mul3A_2646 : i32
        %add3A_2648 = arith.constant 2 : i32
        %add3A_2649 = arith.addi %mul3A_2647, %add3A_2648 : i32
        %mul3A_2650 = arith.constant 32 : i32
        %mul3A_2651 = arith.muli %add3A_2649, %mul3A_2650 : i32
        %mul3A_2652 = arith.constant 32 : i32
        %mul3A_2653 = arith.muli %add3A_2649, %mul3A_2652 : i32
        %add3A_2654 = arith.constant 16 : i32
        %add3A_2655 = arith.addi %mul3A_2653, %add3A_2654 : i32
        %get3A_2656 = arith.index_cast %mul3A_2651 : i32 to index
        %get3A_2657 = tpu.vector_load %arg5[%get3A_2656] {strides = array<i32>} : memref<16384xi32, #tpu.memory_space<vmem>>, vector<16xi32>,
        %get3A_2658 = vector.shape_cast %get3A_2657 : vector<16xi32> to vector<16xi32>
        %add3A_2659 = arith.addi %get3A_2658, %mul3A_5 : vector<16xi32>
        %swap3A_2660 = arith.index_cast %mul3A_2651 : i32 to index
        %swap3A_2661 = tpu.vector_load %arg5[%swap3A_2660] {strides = array<i32>} : memref<16384xi32, #tpu.memory_space<vmem>>, vector<16xi32>,
        %swap3A_2662 = vector.shape_cast %swap3A_2661 : vector<16xi32> to vector<16xi32>
        %swap3A_2663 = vector.shape_cast %add3A_2659 : vector<16xi32> to vector<16xi32>
        tpu.vector_store %arg5[%swap3A_2660], %swap3A_2663 {strides = array<i32>} : memref<16384xi32, #tpu.memory_space<vmem>>, vector<16xi32>,
        %get3A_2664 = arith.index_cast %add3A_2655 : i32 to index
        %get3A_2665 = tpu.vector_load %arg5[%get3A_2664] {strides = array<i32>} : memref<16384xi32, #tpu.memory_space<vmem>>, vector<16xi32>,
        %get3A_2666 = vector.shape_cast %get3A_2665 : vector<16xi32> to vector<16xi32>
        %add3A_2667 = arith.addi %get3A_2666, %mul3A_11 : vector<16xi32>
        %swap3A_2668 = arith.index_cast %add3A_2655 : i32 to index
        %swap3A_2669 = tpu.vector_load %arg5[%swap3A_2668] {strides = array<i32>} : memref<16384xi32, #tpu.memory_space<vmem>>, vector<16xi32>,
        %swap3A_2670 = vector.shape_cast %swap3A_2669 : vector<16xi32> to vector<16xi32>
        %swap3A_2671 = vector.shape_cast %add3A_2667 : vector<16xi32> to vector<16xi32>
        tpu.vector_store %arg5[%swap3A_2668], %swap3A_2671 {strides = array<i32>} : memref<16384xi32, #tpu.memory_space<vmem>>, vector<16xi32>,
        %mul3A_2672 = arith.constant 32 : i32
        %mul3A_2673 = arith.muli %add3A_2649, %mul3A_2672 : i32
        %dma_start3A_2674 = arith.constant 52 : i32
        %dma_start3A_2675 = arith.constant 0 : i32
        %dma_start3A_2676 = tpu.memref_slice %arg6[%dma_start3A_2674, %dma_start3A_2675] : memref<208x128xf32, #tpu.memory_space<vmem>> -> memref<26x128xf32, #tpu.memory_space<vmem>>
        %dma_start3A_2677 = tpu.memref_slice %arg5[%mul3A_2673] : memref<16384xi32, #tpu.memory_space<vmem>> -> memref<26xi32, #tpu.memory_space<vmem>>
        %dma_start3A_2678 = arith.constant 0 : i32
        %dma_start3A_2679 = arith.constant 0 : i32
        %dma_start3A_2680 = tpu.memref_slice %arg3[%dma_start3A_2678, %dma_start3A_2679] : memref<100022x128xf32, #tpu.memory_space<hbm>> -> memref<100022x128xf32, #tpu.memory_space<hbm>>
        tpu.enqueue_indirect_dma source(%dma_start3A_2680 : memref<100022x128xf32, #tpu.memory_space<hbm>>) target(%dma_start3A_2676 : memref<26x128xf32, #tpu.memory_space<vmem>>) offsets(%dma_start3A_2677 : memref<26xi32, #tpu.memory_space<vmem>>) semaphore(%arg10 : memref<!tpu.dma_semaphore, #tpu.memory_space<semaphore_mem>>)
        %mul3A_2681 = arith.constant 8 : i32
        %mul3A_2682 = arith.muli %add3A_1620, %mul3A_2681 : i32
        %add3A_2683 = arith.constant 3 : i32
        %add3A_2684 = arith.addi %mul3A_2682, %add3A_2683 : i32
        %mul3A_2685 = arith.constant 32 : i32
        %mul3A_2686 = arith.muli %add3A_2684, %mul3A_2685 : i32
        %mul3A_2687 = arith.constant 32 : i32
        %mul3A_2688 = arith.muli %add3A_2684, %mul3A_2687 : i32
        %add3A_2689 = arith.constant 16 : i32
        %add3A_2690 = arith.addi %mul3A_2688, %add3A_2689 : i32
        %get3A_2691 = arith.index_cast %mul3A_2686 : i32 to index
        %get3A_2692 = tpu.vector_load %arg5[%get3A_2691] {strides = array<i32>} : memref<16384xi32, #tpu.memory_space<vmem>>, vector<16xi32>,
        %get3A_2693 = vector.shape_cast %get3A_2692 : vector<16xi32> to vector<16xi32>
        %add3A_2694 = arith.addi %get3A_2693, %mul3A_5 : vector<16xi32>
        %swap3A_2695 = arith.index_cast %mul3A_2686 : i32 to index
        %swap3A_2696 = tpu.vector_load %arg5[%swap3A_2695] {strides = array<i32>} : memref<16384xi32, #tpu.memory_space<vmem>>, vector<16xi32>,
        %swap3A_2697 = vector.shape_cast %swap3A_2696 : vector<16xi32> to vector<16xi32>
        %swap3A_2698 = vector.shape_cast %add3A_2694 : vector<16xi32> to vector<16xi32>
        tpu.vector_store %arg5[%swap3A_2695], %swap3A_2698 {strides = array<i32>} : memref<16384xi32, #tpu.memory_space<vmem>>, vector<16xi32>,
        %get3A_2699 = arith.index_cast %add3A_2690 : i32 to index
        %get3A_2700 = tpu.vector_load %arg5[%get3A_2699] {strides = array<i32>} : memref<16384xi32, #tpu.memory_space<vmem>>, vector<16xi32>,
        %get3A_2701 = vector.shape_cast %get3A_2700 : vector<16xi32> to vector<16xi32>
        %add3A_2702 = arith.addi %get3A_2701, %mul3A_11 : vector<16xi32>
        %swap3A_2703 = arith.index_cast %add3A_2690 : i32 to index
        %swap3A_2704 = tpu.vector_load %arg5[%swap3A_2703] {strides = array<i32>} : memref<16384xi32, #tpu.memory_space<vmem>>, vector<16xi32>,
        %swap3A_2705 = vector.shape_cast %swap3A_2704 : vector<16xi32> to vector<16xi32>
        %swap3A_2706 = vector.shape_cast %add3A_2702 : vector<16xi32> to vector<16xi32>
        tpu.vector_store %arg5[%swap3A_2703], %swap3A_2706 {strides = array<i32>} : memref<16384xi32, #tpu.memory_space<vmem>>, vector<16xi32>,
        %mul3A_2707 = arith.constant 32 : i32
        %mul3A_2708 = arith.muli %add3A_2684, %mul3A_2707 : i32
        %dma_start3A_2709 = arith.constant 78 : i32
        %dma_start3A_2710 = arith.constant 0 : i32
        %dma_start3A_2711 = tpu.memref_slice %arg6[%dma_start3A_2709, %dma_start3A_2710] : memref<208x128xf32, #tpu.memory_space<vmem>> -> memref<26x128xf32, #tpu.memory_space<vmem>>
        %dma_start3A_2712 = tpu.memref_slice %arg5[%mul3A_2708] : memref<16384xi32, #tpu.memory_space<vmem>> -> memref<26xi32, #tpu.memory_space<vmem>>
        %dma_start3A_2713 = arith.constant 0 : i32
        %dma_start3A_2714 = arith.constant 0 : i32
        %dma_start3A_2715 = tpu.memref_slice %arg3[%dma_start3A_2713, %dma_start3A_2714] : memref<100022x128xf32, #tpu.memory_space<hbm>> -> memref<100022x128xf32, #tpu.memory_space<hbm>>
        tpu.enqueue_indirect_dma source(%dma_start3A_2715 : memref<100022x128xf32, #tpu.memory_space<hbm>>) target(%dma_start3A_2711 : memref<26x128xf32, #tpu.memory_space<vmem>>) offsets(%dma_start3A_2712 : memref<26xi32, #tpu.memory_space<vmem>>) semaphore(%arg10 : memref<!tpu.dma_semaphore, #tpu.memory_space<semaphore_mem>>)
        %mul3A_2716 = arith.constant 8 : i32
        %mul3A_2717 = arith.muli %add3A_1620, %mul3A_2716 : i32
        %add3A_2718 = arith.constant 4 : i32
        %add3A_2719 = arith.addi %mul3A_2717, %add3A_2718 : i32
        %mul3A_2720 = arith.constant 32 : i32
        %mul3A_2721 = arith.muli %add3A_2719, %mul3A_2720 : i32
        %mul3A_2722 = arith.constant 32 : i32
        %mul3A_2723 = arith.muli %add3A_2719, %mul3A_2722 : i32
        %add3A_2724 = arith.constant 16 : i32
        %add3A_2725 = arith.addi %mul3A_2723, %add3A_2724 : i32
        %get3A_2726 = arith.index_cast %mul3A_2721 : i32 to index
        %get3A_2727 = tpu.vector_load %arg5[%get3A_2726] {strides = array<i32>} : memref<16384xi32, #tpu.memory_space<vmem>>, vector<16xi32>,
        %get3A_2728 = vector.shape_cast %get3A_2727 : vector<16xi32> to vector<16xi32>
        %add3A_2729 = arith.addi %get3A_2728, %mul3A_5 : vector<16xi32>
        %swap3A_2730 = arith.index_cast %mul3A_2721 : i32 to index
        %swap3A_2731 = tpu.vector_load %arg5[%swap3A_2730] {strides = array<i32>} : memref<16384xi32, #tpu.memory_space<vmem>>, vector<16xi32>,
        %swap3A_2732 = vector.shape_cast %swap3A_2731 : vector<16xi32> to vector<16xi32>
        %swap3A_2733 = vector.shape_cast %add3A_2729 : vector<16xi32> to vector<16xi32>
        tpu.vector_store %arg5[%swap3A_2730], %swap3A_2733 {strides = array<i32>} : memref<16384xi32, #tpu.memory_space<vmem>>, vector<16xi32>,
        %get3A_2734 = arith.index_cast %add3A_2725 : i32 to index
        %get3A_2735 = tpu.vector_load %arg5[%get3A_2734] {strides = array<i32>} : memref<16384xi32, #tpu.memory_space<vmem>>, vector<16xi32>,
        %get3A_2736 = vector.shape_cast %get3A_2735 : vector<16xi32> to vector<16xi32>
        %add3A_2737 = arith.addi %get3A_2736, %mul3A_11 : vector<16xi32>
        %swap3A_2738 = arith.index_cast %add3A_2725 : i32 to index
        %swap3A_2739 = tpu.vector_load %arg5[%swap3A_2738] {strides = array<i32>} : memref<16384xi32, #tpu.memory_space<vmem>>, vector<16xi32>,
        %swap3A_2740 = vector.shape_cast %swap3A_2739 : vector<16xi32> to vector<16xi32>
        %swap3A_2741 = vector.shape_cast %add3A_2737 : vector<16xi32> to vector<16xi32>
        tpu.vector_store %arg5[%swap3A_2738], %swap3A_2741 {strides = array<i32>} : memref<16384xi32, #tpu.memory_space<vmem>>, vector<16xi32>,
        %mul3A_2742 = arith.constant 32 : i32
        %mul3A_2743 = arith.muli %add3A_2719, %mul3A_2742 : i32
        %dma_start3A_2744 = arith.constant 104 : i32
        %dma_start3A_2745 = arith.constant 0 : i32
        %dma_start3A_2746 = tpu.memref_slice %arg6[%dma_start3A_2744, %dma_start3A_2745] : memref<208x128xf32, #tpu.memory_space<vmem>> -> memref<26x128xf32, #tpu.memory_space<vmem>>
        %dma_start3A_2747 = tpu.memref_slice %arg5[%mul3A_2743] : memref<16384xi32, #tpu.memory_space<vmem>> -> memref<26xi32, #tpu.memory_space<vmem>>
        %dma_start3A_2748 = arith.constant 0 : i32
        %dma_start3A_2749 = arith.constant 0 : i32
        %dma_start3A_2750 = tpu.memref_slice %arg3[%dma_start3A_2748, %dma_start3A_2749] : memref<100022x128xf32, #tpu.memory_space<hbm>> -> memref<100022x128xf32, #tpu.memory_space<hbm>>
        tpu.enqueue_indirect_dma source(%dma_start3A_2750 : memref<100022x128xf32, #tpu.memory_space<hbm>>) target(%dma_start3A_2746 : memref<26x128xf32, #tpu.memory_space<vmem>>) offsets(%dma_start3A_2747 : memref<26xi32, #tpu.memory_space<vmem>>) semaphore(%arg10 : memref<!tpu.dma_semaphore, #tpu.memory_space<semaphore_mem>>)
        %mul3A_2751 = arith.constant 8 : i32
        %mul3A_2752 = arith.muli %add3A_1620, %mul3A_2751 : i32
        %add3A_2753 = arith.constant 5 : i32
        %add3A_2754 = arith.addi %mul3A_2752, %add3A_2753 : i32
        %mul3A_2755 = arith.constant 32 : i32
        %mul3A_2756 = arith.muli %add3A_2754, %mul3A_2755 : i32
        %mul3A_2757 = arith.constant 32 : i32
        %mul3A_2758 = arith.muli %add3A_2754, %mul3A_2757 : i32
        %add3A_2759 = arith.constant 16 : i32
        %add3A_2760 = arith.addi %mul3A_2758, %add3A_2759 : i32
        %get3A_2761 = arith.index_cast %mul3A_2756 : i32 to index
        %get3A_2762 = tpu.vector_load %arg5[%get3A_2761] {strides = array<i32>} : memref<16384xi32, #tpu.memory_space<vmem>>, vector<16xi32>,
        %get3A_2763 = vector.shape_cast %get3A_2762 : vector<16xi32> to vector<16xi32>
        %add3A_2764 = arith.addi %get3A_2763, %mul3A_5 : vector<16xi32>
        %swap3A_2765 = arith.index_cast %mul3A_2756 : i32 to index
        %swap3A_2766 = tpu.vector_load %arg5[%swap3A_2765] {strides = array<i32>} : memref<16384xi32, #tpu.memory_space<vmem>>, vector<16xi32>,
        %swap3A_2767 = vector.shape_cast %swap3A_2766 : vector<16xi32> to vector<16xi32>
        %swap3A_2768 = vector.shape_cast %add3A_2764 : vector<16xi32> to vector<16xi32>
        tpu.vector_store %arg5[%swap3A_2765], %swap3A_2768 {strides = array<i32>} : memref<16384xi32, #tpu.memory_space<vmem>>, vector<16xi32>,
        %get3A_2769 = arith.index_cast %add3A_2760 : i32 to index
        %get3A_2770 = tpu.vector_load %arg5[%get3A_2769] {strides = array<i32>} : memref<16384xi32, #tpu.memory_space<vmem>>, vector<16xi32>,
        %get3A_2771 = vector.shape_cast %get3A_2770 : vector<16xi32> to vector<16xi32>
        %add3A_2772 = arith.addi %get3A_2771, %mul3A_11 : vector<16xi32>
        %swap3A_2773 = arith.index_cast %add3A_2760 : i32 to index
        %swap3A_2774 = tpu.vector_load %arg5[%swap3A_2773] {strides = array<i32>} : memref<16384xi32, #tpu.memory_space<vmem>>, vector<16xi32>,
        %swap3A_2775 = vector.shape_cast %swap3A_2774 : vector<16xi32> to vector<16xi32>
        %swap3A_2776 = vector.shape_cast %add3A_2772 : vector<16xi32> to vector<16xi32>
        tpu.vector_store %arg5[%swap3A_2773], %swap3A_2776 {strides = array<i32>} : memref<16384xi32, #tpu.memory_space<vmem>>, vector<16xi32>,
        %mul3A_2777 = arith.constant 32 : i32
        %mul3A_2778 = arith.muli %add3A_2754, %mul3A_2777 : i32
        %dma_start3A_2779 = arith.constant 130 : i32
        %dma_start3A_2780 = arith.constant 0 : i32
        %dma_start3A_2781 = tpu.memref_slice %arg6[%dma_start3A_2779, %dma_start3A_2780] : memref<208x128xf32, #tpu.memory_space<vmem>> -> memref<26x128xf32, #tpu.memory_space<vmem>>
        %dma_start3A_2782 = tpu.memref_slice %arg5[%mul3A_2778] : memref<16384xi32, #tpu.memory_space<vmem>> -> memref<26xi32, #tpu.memory_space<vmem>>
        %dma_start3A_2783 = arith.constant 0 : i32
        %dma_start3A_2784 = arith.constant 0 : i32
        %dma_start3A_2785 = tpu.memref_slice %arg3[%dma_start3A_2783, %dma_start3A_2784] : memref<100022x128xf32, #tpu.memory_space<hbm>> -> memref<100022x128xf32, #tpu.memory_space<hbm>>
        tpu.enqueue_indirect_dma source(%dma_start3A_2785 : memref<100022x128xf32, #tpu.memory_space<hbm>>) target(%dma_start3A_2781 : memref<26x128xf32, #tpu.memory_space<vmem>>) offsets(%dma_start3A_2782 : memref<26xi32, #tpu.memory_space<vmem>>) semaphore(%arg10 : memref<!tpu.dma_semaphore, #tpu.memory_space<semaphore_mem>>)
        %mul3A_2786 = arith.constant 8 : i32
        %mul3A_2787 = arith.muli %add3A_1620, %mul3A_2786 : i32
        %add3A_2788 = arith.constant 6 : i32
        %add3A_2789 = arith.addi %mul3A_2787, %add3A_2788 : i32
        %mul3A_2790 = arith.constant 32 : i32
        %mul3A_2791 = arith.muli %add3A_2789, %mul3A_2790 : i32
        %mul3A_2792 = arith.constant 32 : i32
        %mul3A_2793 = arith.muli %add3A_2789, %mul3A_2792 : i32
        %add3A_2794 = arith.constant 16 : i32
        %add3A_2795 = arith.addi %mul3A_2793, %add3A_2794 : i32
        %get3A_2796 = arith.index_cast %mul3A_2791 : i32 to index
        %get3A_2797 = tpu.vector_load %arg5[%get3A_2796] {strides = array<i32>} : memref<16384xi32, #tpu.memory_space<vmem>>, vector<16xi32>,
        %get3A_2798 = vector.shape_cast %get3A_2797 : vector<16xi32> to vector<16xi32>
        %add3A_2799 = arith.addi %get3A_2798, %mul3A_5 : vector<16xi32>
        %swap3A_2800 = arith.index_cast %mul3A_2791 : i32 to index
        %swap3A_2801 = tpu.vector_load %arg5[%swap3A_2800] {strides = array<i32>} : memref<16384xi32, #tpu.memory_space<vmem>>, vector<16xi32>,
        %swap3A_2802 = vector.shape_cast %swap3A_2801 : vector<16xi32> to vector<16xi32>
        %swap3A_2803 = vector.shape_cast %add3A_2799 : vector<16xi32> to vector<16xi32>
        tpu.vector_store %arg5[%swap3A_2800], %swap3A_2803 {strides = array<i32>} : memref<16384xi32, #tpu.memory_space<vmem>>, vector<16xi32>,
        %get3A_2804 = arith.index_cast %add3A_2795 : i32 to index
        %get3A_2805 = tpu.vector_load %arg5[%get3A_2804] {strides = array<i32>} : memref<16384xi32, #tpu.memory_space<vmem>>, vector<16xi32>,
        %get3A_2806 = vector.shape_cast %get3A_2805 : vector<16xi32> to vector<16xi32>
        %add3A_2807 = arith.addi %get3A_2806, %mul3A_11 : vector<16xi32>
        %swap3A_2808 = arith.index_cast %add3A_2795 : i32 to index
        %swap3A_2809 = tpu.vector_load %arg5[%swap3A_2808] {strides = array<i32>} : memref<16384xi32, #tpu.memory_space<vmem>>, vector<16xi32>,
        %swap3A_2810 = vector.shape_cast %swap3A_2809 : vector<16xi32> to vector<16xi32>
        %swap3A_2811 = vector.shape_cast %add3A_2807 : vector<16xi32> to vector<16xi32>
        tpu.vector_store %arg5[%swap3A_2808], %swap3A_2811 {strides = array<i32>} : memref<16384xi32, #tpu.memory_space<vmem>>, vector<16xi32>,
        %mul3A_2812 = arith.constant 32 : i32
        %mul3A_2813 = arith.muli %add3A_2789, %mul3A_2812 : i32
        %dma_start3A_2814 = arith.constant 156 : i32
        %dma_start3A_2815 = arith.constant 0 : i32
        %dma_start3A_2816 = tpu.memref_slice %arg6[%dma_start3A_2814, %dma_start3A_2815] : memref<208x128xf32, #tpu.memory_space<vmem>> -> memref<26x128xf32, #tpu.memory_space<vmem>>
        %dma_start3A_2817 = tpu.memref_slice %arg5[%mul3A_2813] : memref<16384xi32, #tpu.memory_space<vmem>> -> memref<26xi32, #tpu.memory_space<vmem>>
        %dma_start3A_2818 = arith.constant 0 : i32
        %dma_start3A_2819 = arith.constant 0 : i32
        %dma_start3A_2820 = tpu.memref_slice %arg3[%dma_start3A_2818, %dma_start3A_2819] : memref<100022x128xf32, #tpu.memory_space<hbm>> -> memref<100022x128xf32, #tpu.memory_space<hbm>>
        tpu.enqueue_indirect_dma source(%dma_start3A_2820 : memref<100022x128xf32, #tpu.memory_space<hbm>>) target(%dma_start3A_2816 : memref<26x128xf32, #tpu.memory_space<vmem>>) offsets(%dma_start3A_2817 : memref<26xi32, #tpu.memory_space<vmem>>) semaphore(%arg10 : memref<!tpu.dma_semaphore, #tpu.memory_space<semaphore_mem>>)
        %mul3A_2821 = arith.constant 8 : i32
        %mul3A_2822 = arith.muli %add3A_1620, %mul3A_2821 : i32
        %add3A_2823 = arith.constant 7 : i32
        %add3A_2824 = arith.addi %mul3A_2822, %add3A_2823 : i32
        %mul3A_2825 = arith.constant 32 : i32
        %mul3A_2826 = arith.muli %add3A_2824, %mul3A_2825 : i32
        %mul3A_2827 = arith.constant 32 : i32
        %mul3A_2828 = arith.muli %add3A_2824, %mul3A_2827 : i32
        %add3A_2829 = arith.constant 16 : i32
        %add3A_2830 = arith.addi %mul3A_2828, %add3A_2829 : i32
        %get3A_2831 = arith.index_cast %mul3A_2826 : i32 to index
        %get3A_2832 = tpu.vector_load %arg5[%get3A_2831] {strides = array<i32>} : memref<16384xi32, #tpu.memory_space<vmem>>, vector<16xi32>,
        %get3A_2833 = vector.shape_cast %get3A_2832 : vector<16xi32> to vector<16xi32>
        %add3A_2834 = arith.addi %get3A_2833, %mul3A_5 : vector<16xi32>
        %swap3A_2835 = arith.index_cast %mul3A_2826 : i32 to index
        %swap3A_2836 = tpu.vector_load %arg5[%swap3A_2835] {strides = array<i32>} : memref<16384xi32, #tpu.memory_space<vmem>>, vector<16xi32>,
        %swap3A_2837 = vector.shape_cast %swap3A_2836 : vector<16xi32> to vector<16xi32>
        %swap3A_2838 = vector.shape_cast %add3A_2834 : vector<16xi32> to vector<16xi32>
        tpu.vector_store %arg5[%swap3A_2835], %swap3A_2838 {strides = array<i32>} : memref<16384xi32, #tpu.memory_space<vmem>>, vector<16xi32>,
        %get3A_2839 = arith.index_cast %add3A_2830 : i32 to index
        %get3A_2840 = tpu.vector_load %arg5[%get3A_2839] {strides = array<i32>} : memref<16384xi32, #tpu.memory_space<vmem>>, vector<16xi32>,
        %get3A_2841 = vector.shape_cast %get3A_2840 : vector<16xi32> to vector<16xi32>
        %add3A_2842 = arith.addi %get3A_2841, %mul3A_11 : vector<16xi32>
        %swap3A_2843 = arith.index_cast %add3A_2830 : i32 to index
        %swap3A_2844 = tpu.vector_load %arg5[%swap3A_2843] {strides = array<i32>} : memref<16384xi32, #tpu.memory_space<vmem>>, vector<16xi32>,
        %swap3A_2845 = vector.shape_cast %swap3A_2844 : vector<16xi32> to vector<16xi32>
        %swap3A_2846 = vector.shape_cast %add3A_2842 : vector<16xi32> to vector<16xi32>
        tpu.vector_store %arg5[%swap3A_2843], %swap3A_2846 {strides = array<i32>} : memref<16384xi32, #tpu.memory_space<vmem>>, vector<16xi32>,
        %mul3A_2847 = arith.constant 32 : i32
        %mul3A_2848 = arith.muli %add3A_2824, %mul3A_2847 : i32
        %dma_start3A_2849 = arith.constant 182 : i32
        %dma_start3A_2850 = arith.constant 0 : i32
        %dma_start3A_2851 = tpu.memref_slice %arg6[%dma_start3A_2849, %dma_start3A_2850] : memref<208x128xf32, #tpu.memory_space<vmem>> -> memref<26x128xf32, #tpu.memory_space<vmem>>
        %dma_start3A_2852 = tpu.memref_slice %arg5[%mul3A_2848] : memref<16384xi32, #tpu.memory_space<vmem>> -> memref<26xi32, #tpu.memory_space<vmem>>
        %dma_start3A_2853 = arith.constant 0 : i32
        %dma_start3A_2854 = arith.constant 0 : i32
        %dma_start3A_2855 = tpu.memref_slice %arg3[%dma_start3A_2853, %dma_start3A_2854] : memref<100022x128xf32, #tpu.memory_space<hbm>> -> memref<100022x128xf32, #tpu.memory_space<hbm>>
        tpu.enqueue_indirect_dma source(%dma_start3A_2855 : memref<100022x128xf32, #tpu.memory_space<hbm>>) target(%dma_start3A_2851 : memref<26x128xf32, #tpu.memory_space<vmem>>) offsets(%dma_start3A_2852 : memref<26xi32, #tpu.memory_space<vmem>>) semaphore(%arg10 : memref<!tpu.dma_semaphore, #tpu.memory_space<semaphore_mem>>)
      } else {
      }
      %mul3A_1623 = arith.constant 4 : i32
      %mul3A_1624 = arith.muli %scan3A_1358, %mul3A_1623 : i32
      %add3A_1625 = arith.constant 1 : i32
      %add3A_1626 = arith.addi %mul3A_1624, %add3A_1625 : i32
      %mul3A_1627 = arith.constant 8 : i32
      %mul3A_1628 = arith.muli %add3A_1626, %mul3A_1627 : i32
      %add3A_1629 = arith.constant 0 : i32
      %add3A_1630 = arith.addi %mul3A_1628, %add3A_1629 : i32
      %mul3A_1631 = arith.constant 32 : i32
      %mul3A_1632 = arith.muli %add3A_1630, %mul3A_1631 : i32
      %dma_wait3A_1633 = arith.constant 0 : i32
      %dma_wait3A_1634 = arith.constant 0 : i32
      %dma_wait3A_1635 = tpu.memref_slice %arg7[%dma_wait3A_1633, %dma_wait3A_1634] : memref<208x128xf32, #tpu.memory_space<vmem>> -> memref<26x128xf32, #tpu.memory_space<vmem>>
      %dma_wait3A_1636 = tpu.memref_slice %arg5[%mul3A_1632] : memref<16384xi32, #tpu.memory_space<vmem>> -> memref<26xi32, #tpu.memory_space<vmem>>
      %dma_wait3A_1637 = arith.constant 0 : i32
      %dma_wait3A_1638 = arith.constant 0 : i32
      %dma_wait3A_1639 = tpu.memref_slice %arg3[%dma_wait3A_1637, %dma_wait3A_1638] : memref<100022x128xf32, #tpu.memory_space<hbm>> -> memref<100022x128xf32, #tpu.memory_space<hbm>>
      tpu.wait_indirect_dma semaphore(%arg11 : memref<!tpu.dma_semaphore, #tpu.memory_space<semaphore_mem>>) src(%dma_wait3A_1639 : memref<100022x128xf32, #tpu.memory_space<hbm>>) dst(%dma_wait3A_1635 : memref<26x128xf32, #tpu.memory_space<vmem>>)
      %mul3A_1640 = arith.constant 8 : i32
      %mul3A_1641 = arith.muli %add3A_1626, %mul3A_1640 : i32
      %add3A_1642 = arith.constant 1 : i32
      %add3A_1643 = arith.addi %mul3A_1641, %add3A_1642 : i32
      %mul3A_1644 = arith.constant 32 : i32
      %mul3A_1645 = arith.muli %add3A_1643, %mul3A_1644 : i32
      %dma_wait3A_1646 = arith.constant 26 : i32
      %dma_wait3A_1647 = arith.constant 0 : i32
      %dma_wait3A_1648 = tpu.memref_slice %arg7[%dma_wait3A_1646, %dma_wait3A_1647] : memref<208x128xf32, #tpu.memory_space<vmem>> -> memref<26x128xf32, #tpu.memory_space<vmem>>
      %dma_wait3A_1649 = tpu.memref_slice %arg5[%mul3A_1645] : memref<16384xi32, #tpu.memory_space<vmem>> -> memref<26xi32, #tpu.memory_space<vmem>>
      %dma_wait3A_1650 = arith.constant 0 : i32
      %dma_wait3A_1651 = arith.constant 0 : i32
      %dma_wait3A_1652 = tpu.memref_slice %arg3[%dma_wait3A_1650, %dma_wait3A_1651] : memref<100022x128xf32, #tpu.memory_space<hbm>> -> memref<100022x128xf32, #tpu.memory_space<hbm>>
      tpu.wait_indirect_dma semaphore(%arg11 : memref<!tpu.dma_semaphore, #tpu.memory_space<semaphore_mem>>) src(%dma_wait3A_1652 : memref<100022x128xf32, #tpu.memory_space<hbm>>) dst(%dma_wait3A_1648 : memref<26x128xf32, #tpu.memory_space<vmem>>)
      %mul3A_1653 = arith.constant 8 : i32
      %mul3A_1654 = arith.muli %add3A_1626, %mul3A_1653 : i32
      %add3A_1655 = arith.constant 2 : i32
      %add3A_1656 = arith.addi %mul3A_1654, %add3A_1655 : i32
      %mul3A_1657 = arith.constant 32 : i32
      %mul3A_1658 = arith.muli %add3A_1656, %mul3A_1657 : i32
      %dma_wait3A_1659 = arith.constant 52 : i32
      %dma_wait3A_1660 = arith.constant 0 : i32
      %dma_wait3A_1661 = tpu.memref_slice %arg7[%dma_wait3A_1659, %dma_wait3A_1660] : memref<208x128xf32, #tpu.memory_space<vmem>> -> memref<26x128xf32, #tpu.memory_space<vmem>>
      %dma_wait3A_1662 = tpu.memref_slice %arg5[%mul3A_1658] : memref<16384xi32, #tpu.memory_space<vmem>> -> memref<26xi32, #tpu.memory_space<vmem>>
      %dma_wait3A_1663 = arith.constant 0 : i32
      %dma_wait3A_1664 = arith.constant 0 : i32
      %dma_wait3A_1665 = tpu.memref_slice %arg3[%dma_wait3A_1663, %dma_wait3A_1664] : memref<100022x128xf32, #tpu.memory_space<hbm>> -> memref<100022x128xf32, #tpu.memory_space<hbm>>
      tpu.wait_indirect_dma semaphore(%arg11 : memref<!tpu.dma_semaphore, #tpu.memory_space<semaphore_mem>>) src(%dma_wait3A_1665 : memref<100022x128xf32, #tpu.memory_space<hbm>>) dst(%dma_wait3A_1661 : memref<26x128xf32, #tpu.memory_space<vmem>>)
      %mul3A_1666 = arith.constant 8 : i32
      %mul3A_1667 = arith.muli %add3A_1626, %mul3A_1666 : i32
      %add3A_1668 = arith.constant 3 : i32
      %add3A_1669 = arith.addi %mul3A_1667, %add3A_1668 : i32
      %mul3A_1670 = arith.constant 32 : i32
      %mul3A_1671 = arith.muli %add3A_1669, %mul3A_1670 : i32
      %dma_wait3A_1672 = arith.constant 78 : i32
      %dma_wait3A_1673 = arith.constant 0 : i32
      %dma_wait3A_1674 = tpu.memref_slice %arg7[%dma_wait3A_1672, %dma_wait3A_1673] : memref<208x128xf32, #tpu.memory_space<vmem>> -> memref<26x128xf32, #tpu.memory_space<vmem>>
      %dma_wait3A_1675 = tpu.memref_slice %arg5[%mul3A_1671] : memref<16384xi32, #tpu.memory_space<vmem>> -> memref<26xi32, #tpu.memory_space<vmem>>
      %dma_wait3A_1676 = arith.constant 0 : i32
      %dma_wait3A_1677 = arith.constant 0 : i32
      %dma_wait3A_1678 = tpu.memref_slice %arg3[%dma_wait3A_1676, %dma_wait3A_1677] : memref<100022x128xf32, #tpu.memory_space<hbm>> -> memref<100022x128xf32, #tpu.memory_space<hbm>>
      tpu.wait_indirect_dma semaphore(%arg11 : memref<!tpu.dma_semaphore, #tpu.memory_space<semaphore_mem>>) src(%dma_wait3A_1678 : memref<100022x128xf32, #tpu.memory_space<hbm>>) dst(%dma_wait3A_1674 : memref<26x128xf32, #tpu.memory_space<vmem>>)
      %mul3A_1679 = arith.constant 8 : i32
      %mul3A_1680 = arith.muli %add3A_1626, %mul3A_1679 : i32
      %add3A_1681 = arith.constant 4 : i32
      %add3A_1682 = arith.addi %mul3A_1680, %add3A_1681 : i32
      %mul3A_1683 = arith.constant 32 : i32
      %mul3A_1684 = arith.muli %add3A_1682, %mul3A_1683 : i32
      %dma_wait3A_1685 = arith.constant 104 : i32
      %dma_wait3A_1686 = arith.constant 0 : i32
      %dma_wait3A_1687 = tpu.memref_slice %arg7[%dma_wait3A_1685, %dma_wait3A_1686] : memref<208x128xf32, #tpu.memory_space<vmem>> -> memref<26x128xf32, #tpu.memory_space<vmem>>
      %dma_wait3A_1688 = tpu.memref_slice %arg5[%mul3A_1684] : memref<16384xi32, #tpu.memory_space<vmem>> -> memref<26xi32, #tpu.memory_space<vmem>>
      %dma_wait3A_1689 = arith.constant 0 : i32
      %dma_wait3A_1690 = arith.constant 0 : i32
      %dma_wait3A_1691 = tpu.memref_slice %arg3[%dma_wait3A_1689, %dma_wait3A_1690] : memref<100022x128xf32, #tpu.memory_space<hbm>> -> memref<100022x128xf32, #tpu.memory_space<hbm>>
      tpu.wait_indirect_dma semaphore(%arg11 : memref<!tpu.dma_semaphore, #tpu.memory_space<semaphore_mem>>) src(%dma_wait3A_1691 : memref<100022x128xf32, #tpu.memory_space<hbm>>) dst(%dma_wait3A_1687 : memref<26x128xf32, #tpu.memory_space<vmem>>)
      %mul3A_1692 = arith.constant 8 : i32
      %mul3A_1693 = arith.muli %add3A_1626, %mul3A_1692 : i32
      %add3A_1694 = arith.constant 5 : i32
      %add3A_1695 = arith.addi %mul3A_1693, %add3A_1694 : i32
      %mul3A_1696 = arith.constant 32 : i32
      %mul3A_1697 = arith.muli %add3A_1695, %mul3A_1696 : i32
      %dma_wait3A_1698 = arith.constant 130 : i32
      %dma_wait3A_1699 = arith.constant 0 : i32
      %dma_wait3A_1700 = tpu.memref_slice %arg7[%dma_wait3A_1698, %dma_wait3A_1699] : memref<208x128xf32, #tpu.memory_space<vmem>> -> memref<26x128xf32, #tpu.memory_space<vmem>>
      %dma_wait3A_1701 = tpu.memref_slice %arg5[%mul3A_1697] : memref<16384xi32, #tpu.memory_space<vmem>> -> memref<26xi32, #tpu.memory_space<vmem>>
      %dma_wait3A_1702 = arith.constant 0 : i32
      %dma_wait3A_1703 = arith.constant 0 : i32
      %dma_wait3A_1704 = tpu.memref_slice %arg3[%dma_wait3A_1702, %dma_wait3A_1703] : memref<100022x128xf32, #tpu.memory_space<hbm>> -> memref<100022x128xf32, #tpu.memory_space<hbm>>
      tpu.wait_indirect_dma semaphore(%arg11 : memref<!tpu.dma_semaphore, #tpu.memory_space<semaphore_mem>>) src(%dma_wait3A_1704 : memref<100022x128xf32, #tpu.memory_space<hbm>>) dst(%dma_wait3A_1700 : memref<26x128xf32, #tpu.memory_space<vmem>>)
      %mul3A_1705 = arith.constant 8 : i32
      %mul3A_1706 = arith.muli %add3A_1626, %mul3A_1705 : i32
      %add3A_1707 = arith.constant 6 : i32
      %add3A_1708 = arith.addi %mul3A_1706, %add3A_1707 : i32
      %mul3A_1709 = arith.constant 32 : i32
      %mul3A_1710 = arith.muli %add3A_1708, %mul3A_1709 : i32
      %dma_wait3A_1711 = arith.constant 156 : i32
      %dma_wait3A_1712 = arith.constant 0 : i32
      %dma_wait3A_1713 = tpu.memref_slice %arg7[%dma_wait3A_1711, %dma_wait3A_1712] : memref<208x128xf32, #tpu.memory_space<vmem>> -> memref<26x128xf32, #tpu.memory_space<vmem>>
      %dma_wait3A_1714 = tpu.memref_slice %arg5[%mul3A_1710] : memref<16384xi32, #tpu.memory_space<vmem>> -> memref<26xi32, #tpu.memory_space<vmem>>
      %dma_wait3A_1715 = arith.constant 0 : i32
      %dma_wait3A_1716 = arith.constant 0 : i32
      %dma_wait3A_1717 = tpu.memref_slice %arg3[%dma_wait3A_1715, %dma_wait3A_1716] : memref<100022x128xf32, #tpu.memory_space<hbm>> -> memref<100022x128xf32, #tpu.memory_space<hbm>>
      tpu.wait_indirect_dma semaphore(%arg11 : memref<!tpu.dma_semaphore, #tpu.memory_space<semaphore_mem>>) src(%dma_wait3A_1717 : memref<100022x128xf32, #tpu.memory_space<hbm>>) dst(%dma_wait3A_1713 : memref<26x128xf32, #tpu.memory_space<vmem>>)
      %mul3A_1718 = arith.constant 8 : i32
      %mul3A_1719 = arith.muli %add3A_1626, %mul3A_1718 : i32
      %add3A_1720 = arith.constant 7 : i32
      %add3A_1721 = arith.addi %mul3A_1719, %add3A_1720 : i32
      %mul3A_1722 = arith.constant 32 : i32
      %mul3A_1723 = arith.muli %add3A_1721, %mul3A_1722 : i32
      %dma_wait3A_1724 = arith.constant 182 : i32
      %dma_wait3A_1725 = arith.constant 0 : i32
      %dma_wait3A_1726 = tpu.memref_slice %arg7[%dma_wait3A_1724, %dma_wait3A_1725] : memref<208x128xf32, #tpu.memory_space<vmem>> -> memref<26x128xf32, #tpu.memory_space<vmem>>
      %dma_wait3A_1727 = tpu.memref_slice %arg5[%mul3A_1723] : memref<16384xi32, #tpu.memory_space<vmem>> -> memref<26xi32, #tpu.memory_space<vmem>>
      %dma_wait3A_1728 = arith.constant 0 : i32
      %dma_wait3A_1729 = arith.constant 0 : i32
      %dma_wait3A_1730 = tpu.memref_slice %arg3[%dma_wait3A_1728, %dma_wait3A_1729] : memref<100022x128xf32, #tpu.memory_space<hbm>> -> memref<100022x128xf32, #tpu.memory_space<hbm>>
      tpu.wait_indirect_dma semaphore(%arg11 : memref<!tpu.dma_semaphore, #tpu.memory_space<semaphore_mem>>) src(%dma_wait3A_1730 : memref<100022x128xf32, #tpu.memory_space<hbm>>) dst(%dma_wait3A_1726 : memref<26x128xf32, #tpu.memory_space<vmem>>)
      %mul3A_1731 = arith.constant 8 : i32
      %mul3A_1732 = arith.muli %add3A_1626, %mul3A_1731 : i32
      %add3A_1733 = arith.addi %mul3A_2, %mul3A_1732 : i32
      %add3A_1734 = arith.constant 0 : i32
      %add3A_1735 = arith.addi %add3A_1733, %add3A_1734 : i32
      %dma_start3A_1736 = arith.constant 0 : i32
      %dma_start3A_1737 = arith.constant 0 : i32
      %dma_start3A_1738 = tpu.memref_slice %arg7[%dma_start3A_1736, %dma_start3A_1737] : memref<208x128xf32, #tpu.memory_space<vmem>> -> memref<26x128xf32, #tpu.memory_space<vmem>>
      %dma_start3A_1739 = arith.constant 0 : i32
      %dma_start3A_1740 = arith.constant 0 : i32
      %dma_start3A_1741 = tpu.memref_slice %arg4[%add3A_1735, %dma_start3A_1739, %dma_start3A_1740] : memref<16384x26x128xf32, #tpu.memory_space<hbm>> -> memref<1x26x128xf32, #tpu.memory_space<hbm>>
      %dma_start3A_1742 = tpu.memref_squeeze %dma_start3A_1741 : memref<1x26x128xf32, #tpu.memory_space<hbm>> -> memref<26x128xf32, #tpu.memory_space<hbm>>
      %dma_start3A_1743 = arith.constant 0 : i32
      %dma_start3A_1744 = arith.constant 0 : i32
      %dma_start3A_1745 = tpu.memref_slice %arg4[%add3A_1735, %dma_start3A_1743, %dma_start3A_1744] : memref<16384x26x128xf32, #tpu.memory_space<hbm>> -> memref<1x26x128xf32, #tpu.memory_space<hbm>>
      %dma_start3A_1746 = tpu.memref_squeeze %dma_start3A_1745 : memref<1x26x128xf32, #tpu.memory_space<hbm>> -> memref<26x128xf32, #tpu.memory_space<hbm>>
      %dma_start3A_1747 = arith.constant 0 : i32
      %dma_start3A_1748 = arith.constant 0 : i32
      %dma_start3A_1749 = tpu.memref_slice %arg7[%dma_start3A_1747, %dma_start3A_1748] : memref<208x128xf32, #tpu.memory_space<vmem>> -> memref<26x128xf32, #tpu.memory_space<vmem>>
      tpu.enqueue_dma source(%dma_start3A_1749 : memref<26x128xf32, #tpu.memory_space<vmem>>) target(%dma_start3A_1746 : memref<26x128xf32, #tpu.memory_space<hbm>>) target_semaphore(%arg15 : memref<!tpu.dma_semaphore, #tpu.memory_space<semaphore_mem>>)
      %mul3A_1750 = arith.constant 8 : i32
      %mul3A_1751 = arith.muli %add3A_1626, %mul3A_1750 : i32
      %add3A_1752 = arith.addi %mul3A_2, %mul3A_1751 : i32
      %add3A_1753 = arith.constant 1 : i32
      %add3A_1754 = arith.addi %add3A_1752, %add3A_1753 : i32
      %dma_start3A_1755 = arith.constant 26 : i32
      %dma_start3A_1756 = arith.constant 0 : i32
      %dma_start3A_1757 = tpu.memref_slice %arg7[%dma_start3A_1755, %dma_start3A_1756] : memref<208x128xf32, #tpu.memory_space<vmem>> -> memref<26x128xf32, #tpu.memory_space<vmem>>
      %dma_start3A_1758 = arith.constant 0 : i32
      %dma_start3A_1759 = arith.constant 0 : i32
      %dma_start3A_1760 = tpu.memref_slice %arg4[%add3A_1754, %dma_start3A_1758, %dma_start3A_1759] : memref<16384x26x128xf32, #tpu.memory_space<hbm>> -> memref<1x26x128xf32, #tpu.memory_space<hbm>>
      %dma_start3A_1761 = tpu.memref_squeeze %dma_start3A_1760 : memref<1x26x128xf32, #tpu.memory_space<hbm>> -> memref<26x128xf32, #tpu.memory_space<hbm>>
      %dma_start3A_1762 = arith.constant 0 : i32
      %dma_start3A_1763 = arith.constant 0 : i32
      %dma_start3A_1764 = tpu.memref_slice %arg4[%add3A_1754, %dma_start3A_1762, %dma_start3A_1763] : memref<16384x26x128xf32, #tpu.memory_space<hbm>> -> memref<1x26x128xf32, #tpu.memory_space<hbm>>
      %dma_start3A_1765 = tpu.memref_squeeze %dma_start3A_1764 : memref<1x26x128xf32, #tpu.memory_space<hbm>> -> memref<26x128xf32, #tpu.memory_space<hbm>>
      %dma_start3A_1766 = arith.constant 26 : i32
      %dma_start3A_1767 = arith.constant 0 : i32
      %dma_start3A_1768 = tpu.memref_slice %arg7[%dma_start3A_1766, %dma_start3A_1767] : memref<208x128xf32, #tpu.memory_space<vmem>> -> memref<26x128xf32, #tpu.memory_space<vmem>>
      tpu.enqueue_dma source(%dma_start3A_1768 : memref<26x128xf32, #tpu.memory_space<vmem>>) target(%dma_start3A_1765 : memref<26x128xf32, #tpu.memory_space<hbm>>) target_semaphore(%arg15 : memref<!tpu.dma_semaphore, #tpu.memory_space<semaphore_mem>>)
      %mul3A_1769 = arith.constant 8 : i32
      %mul3A_1770 = arith.muli %add3A_1626, %mul3A_1769 : i32
      %add3A_1771 = arith.addi %mul3A_2, %mul3A_1770 : i32
      %add3A_1772 = arith.constant 2 : i32
      %add3A_1773 = arith.addi %add3A_1771, %add3A_1772 : i32
      %dma_start3A_1774 = arith.constant 52 : i32
      %dma_start3A_1775 = arith.constant 0 : i32
      %dma_start3A_1776 = tpu.memref_slice %arg7[%dma_start3A_1774, %dma_start3A_1775] : memref<208x128xf32, #tpu.memory_space<vmem>> -> memref<26x128xf32, #tpu.memory_space<vmem>>
      %dma_start3A_1777 = arith.constant 0 : i32
      %dma_start3A_1778 = arith.constant 0 : i32
      %dma_start3A_1779 = tpu.memref_slice %arg4[%add3A_1773, %dma_start3A_1777, %dma_start3A_1778] : memref<16384x26x128xf32, #tpu.memory_space<hbm>> -> memref<1x26x128xf32, #tpu.memory_space<hbm>>
      %dma_start3A_1780 = tpu.memref_squeeze %dma_start3A_1779 : memref<1x26x128xf32, #tpu.memory_space<hbm>> -> memref<26x128xf32, #tpu.memory_space<hbm>>
      %dma_start3A_1781 = arith.constant 0 : i32
      %dma_start3A_1782 = arith.constant 0 : i32
      %dma_start3A_1783 = tpu.memref_slice %arg4[%add3A_1773, %dma_start3A_1781, %dma_start3A_1782] : memref<16384x26x128xf32, #tpu.memory_space<hbm>> -> memref<1x26x128xf32, #tpu.memory_space<hbm>>
      %dma_start3A_1784 = tpu.memref_squeeze %dma_start3A_1783 : memref<1x26x128xf32, #tpu.memory_space<hbm>> -> memref<26x128xf32, #tpu.memory_space<hbm>>
      %dma_start3A_1785 = arith.constant 52 : i32
      %dma_start3A_1786 = arith.constant 0 : i32
      %dma_start3A_1787 = tpu.memref_slice %arg7[%dma_start3A_1785, %dma_start3A_1786] : memref<208x128xf32, #tpu.memory_space<vmem>> -> memref<26x128xf32, #tpu.memory_space<vmem>>
      tpu.enqueue_dma source(%dma_start3A_1787 : memref<26x128xf32, #tpu.memory_space<vmem>>) target(%dma_start3A_1784 : memref<26x128xf32, #tpu.memory_space<hbm>>) target_semaphore(%arg15 : memref<!tpu.dma_semaphore, #tpu.memory_space<semaphore_mem>>)
      %mul3A_1788 = arith.constant 8 : i32
      %mul3A_1789 = arith.muli %add3A_1626, %mul3A_1788 : i32
      %add3A_1790 = arith.addi %mul3A_2, %mul3A_1789 : i32
      %add3A_1791 = arith.constant 3 : i32
      %add3A_1792 = arith.addi %add3A_1790, %add3A_1791 : i32
      %dma_start3A_1793 = arith.constant 78 : i32
      %dma_start3A_1794 = arith.constant 0 : i32
      %dma_start3A_1795 = tpu.memref_slice %arg7[%dma_start3A_1793, %dma_start3A_1794] : memref<208x128xf32, #tpu.memory_space<vmem>> -> memref<26x128xf32, #tpu.memory_space<vmem>>
      %dma_start3A_1796 = arith.constant 0 : i32
      %dma_start3A_1797 = arith.constant 0 : i32
      %dma_start3A_1798 = tpu.memref_slice %arg4[%add3A_1792, %dma_start3A_1796, %dma_start3A_1797] : memref<16384x26x128xf32, #tpu.memory_space<hbm>> -> memref<1x26x128xf32, #tpu.memory_space<hbm>>
      %dma_start3A_1799 = tpu.memref_squeeze %dma_start3A_1798 : memref<1x26x128xf32, #tpu.memory_space<hbm>> -> memref<26x128xf32, #tpu.memory_space<hbm>>
      %dma_start3A_1800 = arith.constant 0 : i32
      %dma_start3A_1801 = arith.constant 0 : i32
      %dma_start3A_1802 = tpu.memref_slice %arg4[%add3A_1792, %dma_start3A_1800, %dma_start3A_1801] : memref<16384x26x128xf32, #tpu.memory_space<hbm>> -> memref<1x26x128xf32, #tpu.memory_space<hbm>>
      %dma_start3A_1803 = tpu.memref_squeeze %dma_start3A_1802 : memref<1x26x128xf32, #tpu.memory_space<hbm>> -> memref<26x128xf32, #tpu.memory_space<hbm>>
      %dma_start3A_1804 = arith.constant 78 : i32
      %dma_start3A_1805 = arith.constant 0 : i32
      %dma_start3A_1806 = tpu.memref_slice %arg7[%dma_start3A_1804, %dma_start3A_1805] : memref<208x128xf32, #tpu.memory_space<vmem>> -> memref<26x128xf32, #tpu.memory_space<vmem>>
      tpu.enqueue_dma source(%dma_start3A_1806 : memref<26x128xf32, #tpu.memory_space<vmem>>) target(%dma_start3A_1803 : memref<26x128xf32, #tpu.memory_space<hbm>>) target_semaphore(%arg15 : memref<!tpu.dma_semaphore, #tpu.memory_space<semaphore_mem>>)
      %mul3A_1807 = arith.constant 8 : i32
      %mul3A_1808 = arith.muli %add3A_1626, %mul3A_1807 : i32
      %add3A_1809 = arith.addi %mul3A_2, %mul3A_1808 : i32
      %add3A_1810 = arith.constant 4 : i32
      %add3A_1811 = arith.addi %add3A_1809, %add3A_1810 : i32
      %dma_start3A_1812 = arith.constant 104 : i32
      %dma_start3A_1813 = arith.constant 0 : i32
      %dma_start3A_1814 = tpu.memref_slice %arg7[%dma_start3A_1812, %dma_start3A_1813] : memref<208x128xf32, #tpu.memory_space<vmem>> -> memref<26x128xf32, #tpu.memory_space<vmem>>
      %dma_start3A_1815 = arith.constant 0 : i32
      %dma_start3A_1816 = arith.constant 0 : i32
      %dma_start3A_1817 = tpu.memref_slice %arg4[%add3A_1811, %dma_start3A_1815, %dma_start3A_1816] : memref<16384x26x128xf32, #tpu.memory_space<hbm>> -> memref<1x26x128xf32, #tpu.memory_space<hbm>>
      %dma_start3A_1818 = tpu.memref_squeeze %dma_start3A_1817 : memref<1x26x128xf32, #tpu.memory_space<hbm>> -> memref<26x128xf32, #tpu.memory_space<hbm>>
      %dma_start3A_1819 = arith.constant 0 : i32
      %dma_start3A_1820 = arith.constant 0 : i32
      %dma_start3A_1821 = tpu.memref_slice %arg4[%add3A_1811, %dma_start3A_1819, %dma_start3A_1820] : memref<16384x26x128xf32, #tpu.memory_space<hbm>> -> memref<1x26x128xf32, #tpu.memory_space<hbm>>
      %dma_start3A_1822 = tpu.memref_squeeze %dma_start3A_1821 : memref<1x26x128xf32, #tpu.memory_space<hbm>> -> memref<26x128xf32, #tpu.memory_space<hbm>>
      %dma_start3A_1823 = arith.constant 104 : i32
      %dma_start3A_1824 = arith.constant 0 : i32
      %dma_start3A_1825 = tpu.memref_slice %arg7[%dma_start3A_1823, %dma_start3A_1824] : memref<208x128xf32, #tpu.memory_space<vmem>> -> memref<26x128xf32, #tpu.memory_space<vmem>>
      tpu.enqueue_dma source(%dma_start3A_1825 : memref<26x128xf32, #tpu.memory_space<vmem>>) target(%dma_start3A_1822 : memref<26x128xf32, #tpu.memory_space<hbm>>) target_semaphore(%arg15 : memref<!tpu.dma_semaphore, #tpu.memory_space<semaphore_mem>>)
      %mul3A_1826 = arith.constant 8 : i32
      %mul3A_1827 = arith.muli %add3A_1626, %mul3A_1826 : i32
      %add3A_1828 = arith.addi %mul3A_2, %mul3A_1827 : i32
      %add3A_1829 = arith.constant 5 : i32
      %add3A_1830 = arith.addi %add3A_1828, %add3A_1829 : i32
      %dma_start3A_1831 = arith.constant 130 : i32
      %dma_start3A_1832 = arith.constant 0 : i32
      %dma_start3A_1833 = tpu.memref_slice %arg7[%dma_start3A_1831, %dma_start3A_1832] : memref<208x128xf32, #tpu.memory_space<vmem>> -> memref<26x128xf32, #tpu.memory_space<vmem>>
      %dma_start3A_1834 = arith.constant 0 : i32
      %dma_start3A_1835 = arith.constant 0 : i32
      %dma_start3A_1836 = tpu.memref_slice %arg4[%add3A_1830, %dma_start3A_1834, %dma_start3A_1835] : memref<16384x26x128xf32, #tpu.memory_space<hbm>> -> memref<1x26x128xf32, #tpu.memory_space<hbm>>
      %dma_start3A_1837 = tpu.memref_squeeze %dma_start3A_1836 : memref<1x26x128xf32, #tpu.memory_space<hbm>> -> memref<26x128xf32, #tpu.memory_space<hbm>>
      %dma_start3A_1838 = arith.constant 0 : i32
      %dma_start3A_1839 = arith.constant 0 : i32
      %dma_start3A_1840 = tpu.memref_slice %arg4[%add3A_1830, %dma_start3A_1838, %dma_start3A_1839] : memref<16384x26x128xf32, #tpu.memory_space<hbm>> -> memref<1x26x128xf32, #tpu.memory_space<hbm>>
      %dma_start3A_1841 = tpu.memref_squeeze %dma_start3A_1840 : memref<1x26x128xf32, #tpu.memory_space<hbm>> -> memref<26x128xf32, #tpu.memory_space<hbm>>
      %dma_start3A_1842 = arith.constant 130 : i32
      %dma_start3A_1843 = arith.constant 0 : i32
      %dma_start3A_1844 = tpu.memref_slice %arg7[%dma_start3A_1842, %dma_start3A_1843] : memref<208x128xf32, #tpu.memory_space<vmem>> -> memref<26x128xf32, #tpu.memory_space<vmem>>
      tpu.enqueue_dma source(%dma_start3A_1844 : memref<26x128xf32, #tpu.memory_space<vmem>>) target(%dma_start3A_1841 : memref<26x128xf32, #tpu.memory_space<hbm>>) target_semaphore(%arg15 : memref<!tpu.dma_semaphore, #tpu.memory_space<semaphore_mem>>)
      %mul3A_1845 = arith.constant 8 : i32
      %mul3A_1846 = arith.muli %add3A_1626, %mul3A_1845 : i32
      %add3A_1847 = arith.addi %mul3A_2, %mul3A_1846 : i32
      %add3A_1848 = arith.constant 6 : i32
      %add3A_1849 = arith.addi %add3A_1847, %add3A_1848 : i32
      %dma_start3A_1850 = arith.constant 156 : i32
      %dma_start3A_1851 = arith.constant 0 : i32
      %dma_start3A_1852 = tpu.memref_slice %arg7[%dma_start3A_1850, %dma_start3A_1851] : memref<208x128xf32, #tpu.memory_space<vmem>> -> memref<26x128xf32, #tpu.memory_space<vmem>>
      %dma_start3A_1853 = arith.constant 0 : i32
      %dma_start3A_1854 = arith.constant 0 : i32
      %dma_start3A_1855 = tpu.memref_slice %arg4[%add3A_1849, %dma_start3A_1853, %dma_start3A_1854] : memref<16384x26x128xf32, #tpu.memory_space<hbm>> -> memref<1x26x128xf32, #tpu.memory_space<hbm>>
      %dma_start3A_1856 = tpu.memref_squeeze %dma_start3A_1855 : memref<1x26x128xf32, #tpu.memory_space<hbm>> -> memref<26x128xf32, #tpu.memory_space<hbm>>
      %dma_start3A_1857 = arith.constant 0 : i32
      %dma_start3A_1858 = arith.constant 0 : i32
      %dma_start3A_1859 = tpu.memref_slice %arg4[%add3A_1849, %dma_start3A_1857, %dma_start3A_1858] : memref<16384x26x128xf32, #tpu.memory_space<hbm>> -> memref<1x26x128xf32, #tpu.memory_space<hbm>>
      %dma_start3A_1860 = tpu.memref_squeeze %dma_start3A_1859 : memref<1x26x128xf32, #tpu.memory_space<hbm>> -> memref<26x128xf32, #tpu.memory_space<hbm>>
      %dma_start3A_1861 = arith.constant 156 : i32
      %dma_start3A_1862 = arith.constant 0 : i32
      %dma_start3A_1863 = tpu.memref_slice %arg7[%dma_start3A_1861, %dma_start3A_1862] : memref<208x128xf32, #tpu.memory_space<vmem>> -> memref<26x128xf32, #tpu.memory_space<vmem>>
      tpu.enqueue_dma source(%dma_start3A_1863 : memref<26x128xf32, #tpu.memory_space<vmem>>) target(%dma_start3A_1860 : memref<26x128xf32, #tpu.memory_space<hbm>>) target_semaphore(%arg15 : memref<!tpu.dma_semaphore, #tpu.memory_space<semaphore_mem>>)
      %mul3A_1864 = arith.constant 8 : i32
      %mul3A_1865 = arith.muli %add3A_1626, %mul3A_1864 : i32
      %add3A_1866 = arith.addi %mul3A_2, %mul3A_1865 : i32
      %add3A_1867 = arith.constant 7 : i32
      %add3A_1868 = arith.addi %add3A_1866, %add3A_1867 : i32
      %dma_start3A_1869 = arith.constant 182 : i32
      %dma_start3A_1870 = arith.constant 0 : i32
      %dma_start3A_1871 = tpu.memref_slice %arg7[%dma_start3A_1869, %dma_start3A_1870] : memref<208x128xf32, #tpu.memory_space<vmem>> -> memref<26x128xf32, #tpu.memory_space<vmem>>
      %dma_start3A_1872 = arith.constant 0 : i32
      %dma_start3A_1873 = arith.constant 0 : i32
      %dma_start3A_1874 = tpu.memref_slice %arg4[%add3A_1868, %dma_start3A_1872, %dma_start3A_1873] : memref<16384x26x128xf32, #tpu.memory_space<hbm>> -> memref<1x26x128xf32, #tpu.memory_space<hbm>>
      %dma_start3A_1875 = tpu.memref_squeeze %dma_start3A_1874 : memref<1x26x128xf32, #tpu.memory_space<hbm>> -> memref<26x128xf32, #tpu.memory_space<hbm>>
      %dma_start3A_1876 = arith.constant 0 : i32
      %dma_start3A_1877 = arith.constant 0 : i32
      %dma_start3A_1878 = tpu.memref_slice %arg4[%add3A_1868, %dma_start3A_1876, %dma_start3A_1877] : memref<16384x26x128xf32, #tpu.memory_space<hbm>> -> memref<1x26x128xf32, #tpu.memory_space<hbm>>
      %dma_start3A_1879 = tpu.memref_squeeze %dma_start3A_1878 : memref<1x26x128xf32, #tpu.memory_space<hbm>> -> memref<26x128xf32, #tpu.memory_space<hbm>>
      %dma_start3A_1880 = arith.constant 182 : i32
      %dma_start3A_1881 = arith.constant 0 : i32
      %dma_start3A_1882 = tpu.memref_slice %arg7[%dma_start3A_1880, %dma_start3A_1881] : memref<208x128xf32, #tpu.memory_space<vmem>> -> memref<26x128xf32, #tpu.memory_space<vmem>>
      tpu.enqueue_dma source(%dma_start3A_1882 : memref<26x128xf32, #tpu.memory_space<vmem>>) target(%dma_start3A_1879 : memref<26x128xf32, #tpu.memory_space<hbm>>) target_semaphore(%arg15 : memref<!tpu.dma_semaphore, #tpu.memory_space<semaphore_mem>>)
      %add3A_1883 = arith.constant 4 : i32
      %add3A_1884 = arith.addi %add3A_1626, %add3A_1883 : i32
      %lt3A_1885 = arith.constant 64 : i32
      %lt3A_1886 = arith.cmpi slt, %add3A_1884, %lt3A_1885 : i32
      %convert_element_type3A_1887 = arith.extui %lt3A_1886 : i1 to i32
      %cond3A_1888 = arith.constant 0 : i32
      %cond3A_1889 = arith.cmpi ne, %convert_element_type3A_1887, %cond3A_1888 : i32
      scf.if %cond3A_1889 {
        %mul3A_2424 = arith.constant 8 : i32
        %mul3A_2425 = arith.muli %add3A_1626, %mul3A_2424 : i32
        %add3A_2426 = arith.addi %mul3A_2, %mul3A_2425 : i32
        %add3A_2427 = arith.constant 0 : i32
        %add3A_2428 = arith.addi %add3A_2426, %add3A_2427 : i32
        %dma_wait3A_2429 = arith.constant 0 : i32
        %dma_wait3A_2430 = arith.constant 0 : i32
        %dma_wait3A_2431 = tpu.memref_slice %arg7[%dma_wait3A_2429, %dma_wait3A_2430] : memref<208x128xf32, #tpu.memory_space<vmem>> -> memref<26x128xf32, #tpu.memory_space<vmem>>
        %dma_wait3A_2432 = arith.constant 0 : i32
        %dma_wait3A_2433 = arith.constant 0 : i32
        %dma_wait3A_2434 = tpu.memref_slice %arg4[%add3A_2428, %dma_wait3A_2432, %dma_wait3A_2433] : memref<16384x26x128xf32, #tpu.memory_space<hbm>> -> memref<1x26x128xf32, #tpu.memory_space<hbm>>
        %dma_wait3A_2435 = tpu.memref_squeeze %dma_wait3A_2434 : memref<1x26x128xf32, #tpu.memory_space<hbm>> -> memref<26x128xf32, #tpu.memory_space<hbm>>
        %dma_wait3A_2436 = arith.constant 0 : i32
        %dma_wait3A_2437 = arith.constant 0 : i32
        %dma_wait3A_2438 = tpu.memref_slice %arg4[%add3A_2428, %dma_wait3A_2436, %dma_wait3A_2437] : memref<16384x26x128xf32, #tpu.memory_space<hbm>> -> memref<1x26x128xf32, #tpu.memory_space<hbm>>
        %dma_wait3A_2439 = tpu.memref_squeeze %dma_wait3A_2438 : memref<1x26x128xf32, #tpu.memory_space<hbm>> -> memref<26x128xf32, #tpu.memory_space<hbm>>
        %dma_wait3A_2440 = arith.constant 0 : i32
        %dma_wait3A_2441 = arith.constant 0 : i32
        %dma_wait3A_2442 = tpu.memref_slice %arg7[%dma_wait3A_2440, %dma_wait3A_2441] : memref<208x128xf32, #tpu.memory_space<vmem>> -> memref<26x128xf32, #tpu.memory_space<vmem>>
        tpu.wait_dma2 semaphore(%arg15 : memref<!tpu.dma_semaphore, #tpu.memory_space<semaphore_mem>>) src(%dma_wait3A_2442 : memref<26x128xf32, #tpu.memory_space<vmem>>) dst(%dma_wait3A_2439 : memref<26x128xf32, #tpu.memory_space<hbm>>)
        %mul3A_2443 = arith.constant 8 : i32
        %mul3A_2444 = arith.muli %add3A_1626, %mul3A_2443 : i32
        %add3A_2445 = arith.addi %mul3A_2, %mul3A_2444 : i32
        %add3A_2446 = arith.constant 1 : i32
        %add3A_2447 = arith.addi %add3A_2445, %add3A_2446 : i32
        %dma_wait3A_2448 = arith.constant 26 : i32
        %dma_wait3A_2449 = arith.constant 0 : i32
        %dma_wait3A_2450 = tpu.memref_slice %arg7[%dma_wait3A_2448, %dma_wait3A_2449] : memref<208x128xf32, #tpu.memory_space<vmem>> -> memref<26x128xf32, #tpu.memory_space<vmem>>
        %dma_wait3A_2451 = arith.constant 0 : i32
        %dma_wait3A_2452 = arith.constant 0 : i32
        %dma_wait3A_2453 = tpu.memref_slice %arg4[%add3A_2447, %dma_wait3A_2451, %dma_wait3A_2452] : memref<16384x26x128xf32, #tpu.memory_space<hbm>> -> memref<1x26x128xf32, #tpu.memory_space<hbm>>
        %dma_wait3A_2454 = tpu.memref_squeeze %dma_wait3A_2453 : memref<1x26x128xf32, #tpu.memory_space<hbm>> -> memref<26x128xf32, #tpu.memory_space<hbm>>
        %dma_wait3A_2455 = arith.constant 0 : i32
        %dma_wait3A_2456 = arith.constant 0 : i32
        %dma_wait3A_2457 = tpu.memref_slice %arg4[%add3A_2447, %dma_wait3A_2455, %dma_wait3A_2456] : memref<16384x26x128xf32, #tpu.memory_space<hbm>> -> memref<1x26x128xf32, #tpu.memory_space<hbm>>
        %dma_wait3A_2458 = tpu.memref_squeeze %dma_wait3A_2457 : memref<1x26x128xf32, #tpu.memory_space<hbm>> -> memref<26x128xf32, #tpu.memory_space<hbm>>
        %dma_wait3A_2459 = arith.constant 26 : i32
        %dma_wait3A_2460 = arith.constant 0 : i32
        %dma_wait3A_2461 = tpu.memref_slice %arg7[%dma_wait3A_2459, %dma_wait3A_2460] : memref<208x128xf32, #tpu.memory_space<vmem>> -> memref<26x128xf32, #tpu.memory_space<vmem>>
        tpu.wait_dma2 semaphore(%arg15 : memref<!tpu.dma_semaphore, #tpu.memory_space<semaphore_mem>>) src(%dma_wait3A_2461 : memref<26x128xf32, #tpu.memory_space<vmem>>) dst(%dma_wait3A_2458 : memref<26x128xf32, #tpu.memory_space<hbm>>)
        %mul3A_2462 = arith.constant 8 : i32
        %mul3A_2463 = arith.muli %add3A_1626, %mul3A_2462 : i32
        %add3A_2464 = arith.addi %mul3A_2, %mul3A_2463 : i32
        %add3A_2465 = arith.constant 2 : i32
        %add3A_2466 = arith.addi %add3A_2464, %add3A_2465 : i32
        %dma_wait3A_2467 = arith.constant 52 : i32
        %dma_wait3A_2468 = arith.constant 0 : i32
        %dma_wait3A_2469 = tpu.memref_slice %arg7[%dma_wait3A_2467, %dma_wait3A_2468] : memref<208x128xf32, #tpu.memory_space<vmem>> -> memref<26x128xf32, #tpu.memory_space<vmem>>
        %dma_wait3A_2470 = arith.constant 0 : i32
        %dma_wait3A_2471 = arith.constant 0 : i32
        %dma_wait3A_2472 = tpu.memref_slice %arg4[%add3A_2466, %dma_wait3A_2470, %dma_wait3A_2471] : memref<16384x26x128xf32, #tpu.memory_space<hbm>> -> memref<1x26x128xf32, #tpu.memory_space<hbm>>
        %dma_wait3A_2473 = tpu.memref_squeeze %dma_wait3A_2472 : memref<1x26x128xf32, #tpu.memory_space<hbm>> -> memref<26x128xf32, #tpu.memory_space<hbm>>
        %dma_wait3A_2474 = arith.constant 0 : i32
        %dma_wait3A_2475 = arith.constant 0 : i32
        %dma_wait3A_2476 = tpu.memref_slice %arg4[%add3A_2466, %dma_wait3A_2474, %dma_wait3A_2475] : memref<16384x26x128xf32, #tpu.memory_space<hbm>> -> memref<1x26x128xf32, #tpu.memory_space<hbm>>
        %dma_wait3A_2477 = tpu.memref_squeeze %dma_wait3A_2476 : memref<1x26x128xf32, #tpu.memory_space<hbm>> -> memref<26x128xf32, #tpu.memory_space<hbm>>
        %dma_wait3A_2478 = arith.constant 52 : i32
        %dma_wait3A_2479 = arith.constant 0 : i32
        %dma_wait3A_2480 = tpu.memref_slice %arg7[%dma_wait3A_2478, %dma_wait3A_2479] : memref<208x128xf32, #tpu.memory_space<vmem>> -> memref<26x128xf32, #tpu.memory_space<vmem>>
        tpu.wait_dma2 semaphore(%arg15 : memref<!tpu.dma_semaphore, #tpu.memory_space<semaphore_mem>>) src(%dma_wait3A_2480 : memref<26x128xf32, #tpu.memory_space<vmem>>) dst(%dma_wait3A_2477 : memref<26x128xf32, #tpu.memory_space<hbm>>)
        %mul3A_2481 = arith.constant 8 : i32
        %mul3A_2482 = arith.muli %add3A_1626, %mul3A_2481 : i32
        %add3A_2483 = arith.addi %mul3A_2, %mul3A_2482 : i32
        %add3A_2484 = arith.constant 3 : i32
        %add3A_2485 = arith.addi %add3A_2483, %add3A_2484 : i32
        %dma_wait3A_2486 = arith.constant 78 : i32
        %dma_wait3A_2487 = arith.constant 0 : i32
        %dma_wait3A_2488 = tpu.memref_slice %arg7[%dma_wait3A_2486, %dma_wait3A_2487] : memref<208x128xf32, #tpu.memory_space<vmem>> -> memref<26x128xf32, #tpu.memory_space<vmem>>
        %dma_wait3A_2489 = arith.constant 0 : i32
        %dma_wait3A_2490 = arith.constant 0 : i32
        %dma_wait3A_2491 = tpu.memref_slice %arg4[%add3A_2485, %dma_wait3A_2489, %dma_wait3A_2490] : memref<16384x26x128xf32, #tpu.memory_space<hbm>> -> memref<1x26x128xf32, #tpu.memory_space<hbm>>
        %dma_wait3A_2492 = tpu.memref_squeeze %dma_wait3A_2491 : memref<1x26x128xf32, #tpu.memory_space<hbm>> -> memref<26x128xf32, #tpu.memory_space<hbm>>
        %dma_wait3A_2493 = arith.constant 0 : i32
        %dma_wait3A_2494 = arith.constant 0 : i32
        %dma_wait3A_2495 = tpu.memref_slice %arg4[%add3A_2485, %dma_wait3A_2493, %dma_wait3A_2494] : memref<16384x26x128xf32, #tpu.memory_space<hbm>> -> memref<1x26x128xf32, #tpu.memory_space<hbm>>
        %dma_wait3A_2496 = tpu.memref_squeeze %dma_wait3A_2495 : memref<1x26x128xf32, #tpu.memory_space<hbm>> -> memref<26x128xf32, #tpu.memory_space<hbm>>
        %dma_wait3A_2497 = arith.constant 78 : i32
        %dma_wait3A_2498 = arith.constant 0 : i32
        %dma_wait3A_2499 = tpu.memref_slice %arg7[%dma_wait3A_2497, %dma_wait3A_2498] : memref<208x128xf32, #tpu.memory_space<vmem>> -> memref<26x128xf32, #tpu.memory_space<vmem>>
        tpu.wait_dma2 semaphore(%arg15 : memref<!tpu.dma_semaphore, #tpu.memory_space<semaphore_mem>>) src(%dma_wait3A_2499 : memref<26x128xf32, #tpu.memory_space<vmem>>) dst(%dma_wait3A_2496 : memref<26x128xf32, #tpu.memory_space<hbm>>)
        %mul3A_2500 = arith.constant 8 : i32
        %mul3A_2501 = arith.muli %add3A_1626, %mul3A_2500 : i32
        %add3A_2502 = arith.addi %mul3A_2, %mul3A_2501 : i32
        %add3A_2503 = arith.constant 4 : i32
        %add3A_2504 = arith.addi %add3A_2502, %add3A_2503 : i32
        %dma_wait3A_2505 = arith.constant 104 : i32
        %dma_wait3A_2506 = arith.constant 0 : i32
        %dma_wait3A_2507 = tpu.memref_slice %arg7[%dma_wait3A_2505, %dma_wait3A_2506] : memref<208x128xf32, #tpu.memory_space<vmem>> -> memref<26x128xf32, #tpu.memory_space<vmem>>
        %dma_wait3A_2508 = arith.constant 0 : i32
        %dma_wait3A_2509 = arith.constant 0 : i32
        %dma_wait3A_2510 = tpu.memref_slice %arg4[%add3A_2504, %dma_wait3A_2508, %dma_wait3A_2509] : memref<16384x26x128xf32, #tpu.memory_space<hbm>> -> memref<1x26x128xf32, #tpu.memory_space<hbm>>
        %dma_wait3A_2511 = tpu.memref_squeeze %dma_wait3A_2510 : memref<1x26x128xf32, #tpu.memory_space<hbm>> -> memref<26x128xf32, #tpu.memory_space<hbm>>
        %dma_wait3A_2512 = arith.constant 0 : i32
        %dma_wait3A_2513 = arith.constant 0 : i32
        %dma_wait3A_2514 = tpu.memref_slice %arg4[%add3A_2504, %dma_wait3A_2512, %dma_wait3A_2513] : memref<16384x26x128xf32, #tpu.memory_space<hbm>> -> memref<1x26x128xf32, #tpu.memory_space<hbm>>
        %dma_wait3A_2515 = tpu.memref_squeeze %dma_wait3A_2514 : memref<1x26x128xf32, #tpu.memory_space<hbm>> -> memref<26x128xf32, #tpu.memory_space<hbm>>
        %dma_wait3A_2516 = arith.constant 104 : i32
        %dma_wait3A_2517 = arith.constant 0 : i32
        %dma_wait3A_2518 = tpu.memref_slice %arg7[%dma_wait3A_2516, %dma_wait3A_2517] : memref<208x128xf32, #tpu.memory_space<vmem>> -> memref<26x128xf32, #tpu.memory_space<vmem>>
        tpu.wait_dma2 semaphore(%arg15 : memref<!tpu.dma_semaphore, #tpu.memory_space<semaphore_mem>>) src(%dma_wait3A_2518 : memref<26x128xf32, #tpu.memory_space<vmem>>) dst(%dma_wait3A_2515 : memref<26x128xf32, #tpu.memory_space<hbm>>)
        %mul3A_2519 = arith.constant 8 : i32
        %mul3A_2520 = arith.muli %add3A_1626, %mul3A_2519 : i32
        %add3A_2521 = arith.addi %mul3A_2, %mul3A_2520 : i32
        %add3A_2522 = arith.constant 5 : i32
        %add3A_2523 = arith.addi %add3A_2521, %add3A_2522 : i32
        %dma_wait3A_2524 = arith.constant 130 : i32
        %dma_wait3A_2525 = arith.constant 0 : i32
        %dma_wait3A_2526 = tpu.memref_slice %arg7[%dma_wait3A_2524, %dma_wait3A_2525] : memref<208x128xf32, #tpu.memory_space<vmem>> -> memref<26x128xf32, #tpu.memory_space<vmem>>
        %dma_wait3A_2527 = arith.constant 0 : i32
        %dma_wait3A_2528 = arith.constant 0 : i32
        %dma_wait3A_2529 = tpu.memref_slice %arg4[%add3A_2523, %dma_wait3A_2527, %dma_wait3A_2528] : memref<16384x26x128xf32, #tpu.memory_space<hbm>> -> memref<1x26x128xf32, #tpu.memory_space<hbm>>
        %dma_wait3A_2530 = tpu.memref_squeeze %dma_wait3A_2529 : memref<1x26x128xf32, #tpu.memory_space<hbm>> -> memref<26x128xf32, #tpu.memory_space<hbm>>
        %dma_wait3A_2531 = arith.constant 0 : i32
        %dma_wait3A_2532 = arith.constant 0 : i32
        %dma_wait3A_2533 = tpu.memref_slice %arg4[%add3A_2523, %dma_wait3A_2531, %dma_wait3A_2532] : memref<16384x26x128xf32, #tpu.memory_space<hbm>> -> memref<1x26x128xf32, #tpu.memory_space<hbm>>
        %dma_wait3A_2534 = tpu.memref_squeeze %dma_wait3A_2533 : memref<1x26x128xf32, #tpu.memory_space<hbm>> -> memref<26x128xf32, #tpu.memory_space<hbm>>
        %dma_wait3A_2535 = arith.constant 130 : i32
        %dma_wait3A_2536 = arith.constant 0 : i32
        %dma_wait3A_2537 = tpu.memref_slice %arg7[%dma_wait3A_2535, %dma_wait3A_2536] : memref<208x128xf32, #tpu.memory_space<vmem>> -> memref<26x128xf32, #tpu.memory_space<vmem>>
        tpu.wait_dma2 semaphore(%arg15 : memref<!tpu.dma_semaphore, #tpu.memory_space<semaphore_mem>>) src(%dma_wait3A_2537 : memref<26x128xf32, #tpu.memory_space<vmem>>) dst(%dma_wait3A_2534 : memref<26x128xf32, #tpu.memory_space<hbm>>)
        %mul3A_2538 = arith.constant 8 : i32
        %mul3A_2539 = arith.muli %add3A_1626, %mul3A_2538 : i32
        %add3A_2540 = arith.addi %mul3A_2, %mul3A_2539 : i32
        %add3A_2541 = arith.constant 6 : i32
        %add3A_2542 = arith.addi %add3A_2540, %add3A_2541 : i32
        %dma_wait3A_2543 = arith.constant 156 : i32
        %dma_wait3A_2544 = arith.constant 0 : i32
        %dma_wait3A_2545 = tpu.memref_slice %arg7[%dma_wait3A_2543, %dma_wait3A_2544] : memref<208x128xf32, #tpu.memory_space<vmem>> -> memref<26x128xf32, #tpu.memory_space<vmem>>
        %dma_wait3A_2546 = arith.constant 0 : i32
        %dma_wait3A_2547 = arith.constant 0 : i32
        %dma_wait3A_2548 = tpu.memref_slice %arg4[%add3A_2542, %dma_wait3A_2546, %dma_wait3A_2547] : memref<16384x26x128xf32, #tpu.memory_space<hbm>> -> memref<1x26x128xf32, #tpu.memory_space<hbm>>
        %dma_wait3A_2549 = tpu.memref_squeeze %dma_wait3A_2548 : memref<1x26x128xf32, #tpu.memory_space<hbm>> -> memref<26x128xf32, #tpu.memory_space<hbm>>
        %dma_wait3A_2550 = arith.constant 0 : i32
        %dma_wait3A_2551 = arith.constant 0 : i32
        %dma_wait3A_2552 = tpu.memref_slice %arg4[%add3A_2542, %dma_wait3A_2550, %dma_wait3A_2551] : memref<16384x26x128xf32, #tpu.memory_space<hbm>> -> memref<1x26x128xf32, #tpu.memory_space<hbm>>
        %dma_wait3A_2553 = tpu.memref_squeeze %dma_wait3A_2552 : memref<1x26x128xf32, #tpu.memory_space<hbm>> -> memref<26x128xf32, #tpu.memory_space<hbm>>
        %dma_wait3A_2554 = arith.constant 156 : i32
        %dma_wait3A_2555 = arith.constant 0 : i32
        %dma_wait3A_2556 = tpu.memref_slice %arg7[%dma_wait3A_2554, %dma_wait3A_2555] : memref<208x128xf32, #tpu.memory_space<vmem>> -> memref<26x128xf32, #tpu.memory_space<vmem>>
        tpu.wait_dma2 semaphore(%arg15 : memref<!tpu.dma_semaphore, #tpu.memory_space<semaphore_mem>>) src(%dma_wait3A_2556 : memref<26x128xf32, #tpu.memory_space<vmem>>) dst(%dma_wait3A_2553 : memref<26x128xf32, #tpu.memory_space<hbm>>)
        %mul3A_2557 = arith.constant 8 : i32
        %mul3A_2558 = arith.muli %add3A_1626, %mul3A_2557 : i32
        %add3A_2559 = arith.addi %mul3A_2, %mul3A_2558 : i32
        %add3A_2560 = arith.constant 7 : i32
        %add3A_2561 = arith.addi %add3A_2559, %add3A_2560 : i32
        %dma_wait3A_2562 = arith.constant 182 : i32
        %dma_wait3A_2563 = arith.constant 0 : i32
        %dma_wait3A_2564 = tpu.memref_slice %arg7[%dma_wait3A_2562, %dma_wait3A_2563] : memref<208x128xf32, #tpu.memory_space<vmem>> -> memref<26x128xf32, #tpu.memory_space<vmem>>
        %dma_wait3A_2565 = arith.constant 0 : i32
        %dma_wait3A_2566 = arith.constant 0 : i32
        %dma_wait3A_2567 = tpu.memref_slice %arg4[%add3A_2561, %dma_wait3A_2565, %dma_wait3A_2566] : memref<16384x26x128xf32, #tpu.memory_space<hbm>> -> memref<1x26x128xf32, #tpu.memory_space<hbm>>
        %dma_wait3A_2568 = tpu.memref_squeeze %dma_wait3A_2567 : memref<1x26x128xf32, #tpu.memory_space<hbm>> -> memref<26x128xf32, #tpu.memory_space<hbm>>
        %dma_wait3A_2569 = arith.constant 0 : i32
        %dma_wait3A_2570 = arith.constant 0 : i32
        %dma_wait3A_2571 = tpu.memref_slice %arg4[%add3A_2561, %dma_wait3A_2569, %dma_wait3A_2570] : memref<16384x26x128xf32, #tpu.memory_space<hbm>> -> memref<1x26x128xf32, #tpu.memory_space<hbm>>
        %dma_wait3A_2572 = tpu.memref_squeeze %dma_wait3A_2571 : memref<1x26x128xf32, #tpu.memory_space<hbm>> -> memref<26x128xf32, #tpu.memory_space<hbm>>
        %dma_wait3A_2573 = arith.constant 182 : i32
        %dma_wait3A_2574 = arith.constant 0 : i32
        %dma_wait3A_2575 = tpu.memref_slice %arg7[%dma_wait3A_2573, %dma_wait3A_2574] : memref<208x128xf32, #tpu.memory_space<vmem>> -> memref<26x128xf32, #tpu.memory_space<vmem>>
        tpu.wait_dma2 semaphore(%arg15 : memref<!tpu.dma_semaphore, #tpu.memory_space<semaphore_mem>>) src(%dma_wait3A_2575 : memref<26x128xf32, #tpu.memory_space<vmem>>) dst(%dma_wait3A_2572 : memref<26x128xf32, #tpu.memory_space<hbm>>)
        %mul3A_2576 = arith.constant 8 : i32
        %mul3A_2577 = arith.muli %add3A_1884, %mul3A_2576 : i32
        %add3A_2578 = arith.constant 0 : i32
        %add3A_2579 = arith.addi %mul3A_2577, %add3A_2578 : i32
        %mul3A_2580 = arith.constant 32 : i32
        %mul3A_2581 = arith.muli %add3A_2579, %mul3A_2580 : i32
        %mul3A_2582 = arith.constant 32 : i32
        %mul3A_2583 = arith.muli %add3A_2579, %mul3A_2582 : i32
        %add3A_2584 = arith.constant 16 : i32
        %add3A_2585 = arith.addi %mul3A_2583, %add3A_2584 : i32
        %get3A_2586 = arith.index_cast %mul3A_2581 : i32 to index
        %get3A_2587 = tpu.vector_load %arg5[%get3A_2586] {strides = array<i32>} : memref<16384xi32, #tpu.memory_space<vmem>>, vector<16xi32>,
        %get3A_2588 = vector.shape_cast %get3A_2587 : vector<16xi32> to vector<16xi32>
        %add3A_2589 = arith.addi %get3A_2588, %mul3A_5 : vector<16xi32>
        %swap3A_2590 = arith.index_cast %mul3A_2581 : i32 to index
        %swap3A_2591 = tpu.vector_load %arg5[%swap3A_2590] {strides = array<i32>} : memref<16384xi32, #tpu.memory_space<vmem>>, vector<16xi32>,
        %swap3A_2592 = vector.shape_cast %swap3A_2591 : vector<16xi32> to vector<16xi32>
        %swap3A_2593 = vector.shape_cast %add3A_2589 : vector<16xi32> to vector<16xi32>
        tpu.vector_store %arg5[%swap3A_2590], %swap3A_2593 {strides = array<i32>} : memref<16384xi32, #tpu.memory_space<vmem>>, vector<16xi32>,
        %get3A_2594 = arith.index_cast %add3A_2585 : i32 to index
        %get3A_2595 = tpu.vector_load %arg5[%get3A_2594] {strides = array<i32>} : memref<16384xi32, #tpu.memory_space<vmem>>, vector<16xi32>,
        %get3A_2596 = vector.shape_cast %get3A_2595 : vector<16xi32> to vector<16xi32>
        %add3A_2597 = arith.addi %get3A_2596, %mul3A_11 : vector<16xi32>
        %swap3A_2598 = arith.index_cast %add3A_2585 : i32 to index
        %swap3A_2599 = tpu.vector_load %arg5[%swap3A_2598] {strides = array<i32>} : memref<16384xi32, #tpu.memory_space<vmem>>, vector<16xi32>,
        %swap3A_2600 = vector.shape_cast %swap3A_2599 : vector<16xi32> to vector<16xi32>
        %swap3A_2601 = vector.shape_cast %add3A_2597 : vector<16xi32> to vector<16xi32>
        tpu.vector_store %arg5[%swap3A_2598], %swap3A_2601 {strides = array<i32>} : memref<16384xi32, #tpu.memory_space<vmem>>, vector<16xi32>,
        %mul3A_2602 = arith.constant 32 : i32
        %mul3A_2603 = arith.muli %add3A_2579, %mul3A_2602 : i32
        %dma_start3A_2604 = arith.constant 0 : i32
        %dma_start3A_2605 = arith.constant 0 : i32
        %dma_start3A_2606 = tpu.memref_slice %arg7[%dma_start3A_2604, %dma_start3A_2605] : memref<208x128xf32, #tpu.memory_space<vmem>> -> memref<26x128xf32, #tpu.memory_space<vmem>>
        %dma_start3A_2607 = tpu.memref_slice %arg5[%mul3A_2603] : memref<16384xi32, #tpu.memory_space<vmem>> -> memref<26xi32, #tpu.memory_space<vmem>>
        %dma_start3A_2608 = arith.constant 0 : i32
        %dma_start3A_2609 = arith.constant 0 : i32
        %dma_start3A_2610 = tpu.memref_slice %arg3[%dma_start3A_2608, %dma_start3A_2609] : memref<100022x128xf32, #tpu.memory_space<hbm>> -> memref<100022x128xf32, #tpu.memory_space<hbm>>
        tpu.enqueue_indirect_dma source(%dma_start3A_2610 : memref<100022x128xf32, #tpu.memory_space<hbm>>) target(%dma_start3A_2606 : memref<26x128xf32, #tpu.memory_space<vmem>>) offsets(%dma_start3A_2607 : memref<26xi32, #tpu.memory_space<vmem>>) semaphore(%arg11 : memref<!tpu.dma_semaphore, #tpu.memory_space<semaphore_mem>>)
        %mul3A_2611 = arith.constant 8 : i32
        %mul3A_2612 = arith.muli %add3A_1884, %mul3A_2611 : i32
        %add3A_2613 = arith.constant 1 : i32
        %add3A_2614 = arith.addi %mul3A_2612, %add3A_2613 : i32
        %mul3A_2615 = arith.constant 32 : i32
        %mul3A_2616 = arith.muli %add3A_2614, %mul3A_2615 : i32
        %mul3A_2617 = arith.constant 32 : i32
        %mul3A_2618 = arith.muli %add3A_2614, %mul3A_2617 : i32
        %add3A_2619 = arith.constant 16 : i32
        %add3A_2620 = arith.addi %mul3A_2618, %add3A_2619 : i32
        %get3A_2621 = arith.index_cast %mul3A_2616 : i32 to index
        %get3A_2622 = tpu.vector_load %arg5[%get3A_2621] {strides = array<i32>} : memref<16384xi32, #tpu.memory_space<vmem>>, vector<16xi32>,
        %get3A_2623 = vector.shape_cast %get3A_2622 : vector<16xi32> to vector<16xi32>
        %add3A_2624 = arith.addi %get3A_2623, %mul3A_5 : vector<16xi32>
        %swap3A_2625 = arith.index_cast %mul3A_2616 : i32 to index
        %swap3A_2626 = tpu.vector_load %arg5[%swap3A_2625] {strides = array<i32>} : memref<16384xi32, #tpu.memory_space<vmem>>, vector<16xi32>,
        %swap3A_2627 = vector.shape_cast %swap3A_2626 : vector<16xi32> to vector<16xi32>
        %swap3A_2628 = vector.shape_cast %add3A_2624 : vector<16xi32> to vector<16xi32>
        tpu.vector_store %arg5[%swap3A_2625], %swap3A_2628 {strides = array<i32>} : memref<16384xi32, #tpu.memory_space<vmem>>, vector<16xi32>,
        %get3A_2629 = arith.index_cast %add3A_2620 : i32 to index
        %get3A_2630 = tpu.vector_load %arg5[%get3A_2629] {strides = array<i32>} : memref<16384xi32, #tpu.memory_space<vmem>>, vector<16xi32>,
        %get3A_2631 = vector.shape_cast %get3A_2630 : vector<16xi32> to vector<16xi32>
        %add3A_2632 = arith.addi %get3A_2631, %mul3A_11 : vector<16xi32>
        %swap3A_2633 = arith.index_cast %add3A_2620 : i32 to index
        %swap3A_2634 = tpu.vector_load %arg5[%swap3A_2633] {strides = array<i32>} : memref<16384xi32, #tpu.memory_space<vmem>>, vector<16xi32>,
        %swap3A_2635 = vector.shape_cast %swap3A_2634 : vector<16xi32> to vector<16xi32>
        %swap3A_2636 = vector.shape_cast %add3A_2632 : vector<16xi32> to vector<16xi32>
        tpu.vector_store %arg5[%swap3A_2633], %swap3A_2636 {strides = array<i32>} : memref<16384xi32, #tpu.memory_space<vmem>>, vector<16xi32>,
        %mul3A_2637 = arith.constant 32 : i32
        %mul3A_2638 = arith.muli %add3A_2614, %mul3A_2637 : i32
        %dma_start3A_2639 = arith.constant 26 : i32
        %dma_start3A_2640 = arith.constant 0 : i32
        %dma_start3A_2641 = tpu.memref_slice %arg7[%dma_start3A_2639, %dma_start3A_2640] : memref<208x128xf32, #tpu.memory_space<vmem>> -> memref<26x128xf32, #tpu.memory_space<vmem>>
        %dma_start3A_2642 = tpu.memref_slice %arg5[%mul3A_2638] : memref<16384xi32, #tpu.memory_space<vmem>> -> memref<26xi32, #tpu.memory_space<vmem>>
        %dma_start3A_2643 = arith.constant 0 : i32
        %dma_start3A_2644 = arith.constant 0 : i32
        %dma_start3A_2645 = tpu.memref_slice %arg3[%dma_start3A_2643, %dma_start3A_2644] : memref<100022x128xf32, #tpu.memory_space<hbm>> -> memref<100022x128xf32, #tpu.memory_space<hbm>>
        tpu.enqueue_indirect_dma source(%dma_start3A_2645 : memref<100022x128xf32, #tpu.memory_space<hbm>>) target(%dma_start3A_2641 : memref<26x128xf32, #tpu.memory_space<vmem>>) offsets(%dma_start3A_2642 : memref<26xi32, #tpu.memory_space<vmem>>) semaphore(%arg11 : memref<!tpu.dma_semaphore, #tpu.memory_space<semaphore_mem>>)
        %mul3A_2646 = arith.constant 8 : i32
        %mul3A_2647 = arith.muli %add3A_1884, %mul3A_2646 : i32
        %add3A_2648 = arith.constant 2 : i32
        %add3A_2649 = arith.addi %mul3A_2647, %add3A_2648 : i32
        %mul3A_2650 = arith.constant 32 : i32
        %mul3A_2651 = arith.muli %add3A_2649, %mul3A_2650 : i32
        %mul3A_2652 = arith.constant 32 : i32
        %mul3A_2653 = arith.muli %add3A_2649, %mul3A_2652 : i32
        %add3A_2654 = arith.constant 16 : i32
        %add3A_2655 = arith.addi %mul3A_2653, %add3A_2654 : i32
        %get3A_2656 = arith.index_cast %mul3A_2651 : i32 to index
        %get3A_2657 = tpu.vector_load %arg5[%get3A_2656] {strides = array<i32>} : memref<16384xi32, #tpu.memory_space<vmem>>, vector<16xi32>,
        %get3A_2658 = vector.shape_cast %get3A_2657 : vector<16xi32> to vector<16xi32>
        %add3A_2659 = arith.addi %get3A_2658, %mul3A_5 : vector<16xi32>
        %swap3A_2660 = arith.index_cast %mul3A_2651 : i32 to index
        %swap3A_2661 = tpu.vector_load %arg5[%swap3A_2660] {strides = array<i32>} : memref<16384xi32, #tpu.memory_space<vmem>>, vector<16xi32>,
        %swap3A_2662 = vector.shape_cast %swap3A_2661 : vector<16xi32> to vector<16xi32>
        %swap3A_2663 = vector.shape_cast %add3A_2659 : vector<16xi32> to vector<16xi32>
        tpu.vector_store %arg5[%swap3A_2660], %swap3A_2663 {strides = array<i32>} : memref<16384xi32, #tpu.memory_space<vmem>>, vector<16xi32>,
        %get3A_2664 = arith.index_cast %add3A_2655 : i32 to index
        %get3A_2665 = tpu.vector_load %arg5[%get3A_2664] {strides = array<i32>} : memref<16384xi32, #tpu.memory_space<vmem>>, vector<16xi32>,
        %get3A_2666 = vector.shape_cast %get3A_2665 : vector<16xi32> to vector<16xi32>
        %add3A_2667 = arith.addi %get3A_2666, %mul3A_11 : vector<16xi32>
        %swap3A_2668 = arith.index_cast %add3A_2655 : i32 to index
        %swap3A_2669 = tpu.vector_load %arg5[%swap3A_2668] {strides = array<i32>} : memref<16384xi32, #tpu.memory_space<vmem>>, vector<16xi32>,
        %swap3A_2670 = vector.shape_cast %swap3A_2669 : vector<16xi32> to vector<16xi32>
        %swap3A_2671 = vector.shape_cast %add3A_2667 : vector<16xi32> to vector<16xi32>
        tpu.vector_store %arg5[%swap3A_2668], %swap3A_2671 {strides = array<i32>} : memref<16384xi32, #tpu.memory_space<vmem>>, vector<16xi32>,
        %mul3A_2672 = arith.constant 32 : i32
        %mul3A_2673 = arith.muli %add3A_2649, %mul3A_2672 : i32
        %dma_start3A_2674 = arith.constant 52 : i32
        %dma_start3A_2675 = arith.constant 0 : i32
        %dma_start3A_2676 = tpu.memref_slice %arg7[%dma_start3A_2674, %dma_start3A_2675] : memref<208x128xf32, #tpu.memory_space<vmem>> -> memref<26x128xf32, #tpu.memory_space<vmem>>
        %dma_start3A_2677 = tpu.memref_slice %arg5[%mul3A_2673] : memref<16384xi32, #tpu.memory_space<vmem>> -> memref<26xi32, #tpu.memory_space<vmem>>
        %dma_start3A_2678 = arith.constant 0 : i32
        %dma_start3A_2679 = arith.constant 0 : i32
        %dma_start3A_2680 = tpu.memref_slice %arg3[%dma_start3A_2678, %dma_start3A_2679] : memref<100022x128xf32, #tpu.memory_space<hbm>> -> memref<100022x128xf32, #tpu.memory_space<hbm>>
        tpu.enqueue_indirect_dma source(%dma_start3A_2680 : memref<100022x128xf32, #tpu.memory_space<hbm>>) target(%dma_start3A_2676 : memref<26x128xf32, #tpu.memory_space<vmem>>) offsets(%dma_start3A_2677 : memref<26xi32, #tpu.memory_space<vmem>>) semaphore(%arg11 : memref<!tpu.dma_semaphore, #tpu.memory_space<semaphore_mem>>)
        %mul3A_2681 = arith.constant 8 : i32
        %mul3A_2682 = arith.muli %add3A_1884, %mul3A_2681 : i32
        %add3A_2683 = arith.constant 3 : i32
        %add3A_2684 = arith.addi %mul3A_2682, %add3A_2683 : i32
        %mul3A_2685 = arith.constant 32 : i32
        %mul3A_2686 = arith.muli %add3A_2684, %mul3A_2685 : i32
        %mul3A_2687 = arith.constant 32 : i32
        %mul3A_2688 = arith.muli %add3A_2684, %mul3A_2687 : i32
        %add3A_2689 = arith.constant 16 : i32
        %add3A_2690 = arith.addi %mul3A_2688, %add3A_2689 : i32
        %get3A_2691 = arith.index_cast %mul3A_2686 : i32 to index
        %get3A_2692 = tpu.vector_load %arg5[%get3A_2691] {strides = array<i32>} : memref<16384xi32, #tpu.memory_space<vmem>>, vector<16xi32>,
        %get3A_2693 = vector.shape_cast %get3A_2692 : vector<16xi32> to vector<16xi32>
        %add3A_2694 = arith.addi %get3A_2693, %mul3A_5 : vector<16xi32>
        %swap3A_2695 = arith.index_cast %mul3A_2686 : i32 to index
        %swap3A_2696 = tpu.vector_load %arg5[%swap3A_2695] {strides = array<i32>} : memref<16384xi32, #tpu.memory_space<vmem>>, vector<16xi32>,
        %swap3A_2697 = vector.shape_cast %swap3A_2696 : vector<16xi32> to vector<16xi32>
        %swap3A_2698 = vector.shape_cast %add3A_2694 : vector<16xi32> to vector<16xi32>
        tpu.vector_store %arg5[%swap3A_2695], %swap3A_2698 {strides = array<i32>} : memref<16384xi32, #tpu.memory_space<vmem>>, vector<16xi32>,
        %get3A_2699 = arith.index_cast %add3A_2690 : i32 to index
        %get3A_2700 = tpu.vector_load %arg5[%get3A_2699] {strides = array<i32>} : memref<16384xi32, #tpu.memory_space<vmem>>, vector<16xi32>,
        %get3A_2701 = vector.shape_cast %get3A_2700 : vector<16xi32> to vector<16xi32>
        %add3A_2702 = arith.addi %get3A_2701, %mul3A_11 : vector<16xi32>
        %swap3A_2703 = arith.index_cast %add3A_2690 : i32 to index
        %swap3A_2704 = tpu.vector_load %arg5[%swap3A_2703] {strides = array<i32>} : memref<16384xi32, #tpu.memory_space<vmem>>, vector<16xi32>,
        %swap3A_2705 = vector.shape_cast %swap3A_2704 : vector<16xi32> to vector<16xi32>
        %swap3A_2706 = vector.shape_cast %add3A_2702 : vector<16xi32> to vector<16xi32>
        tpu.vector_store %arg5[%swap3A_2703], %swap3A_2706 {strides = array<i32>} : memref<16384xi32, #tpu.memory_space<vmem>>, vector<16xi32>,
        %mul3A_2707 = arith.constant 32 : i32
        %mul3A_2708 = arith.muli %add3A_2684, %mul3A_2707 : i32
        %dma_start3A_2709 = arith.constant 78 : i32
        %dma_start3A_2710 = arith.constant 0 : i32
        %dma_start3A_2711 = tpu.memref_slice %arg7[%dma_start3A_2709, %dma_start3A_2710] : memref<208x128xf32, #tpu.memory_space<vmem>> -> memref<26x128xf32, #tpu.memory_space<vmem>>
        %dma_start3A_2712 = tpu.memref_slice %arg5[%mul3A_2708] : memref<16384xi32, #tpu.memory_space<vmem>> -> memref<26xi32, #tpu.memory_space<vmem>>
        %dma_start3A_2713 = arith.constant 0 : i32
        %dma_start3A_2714 = arith.constant 0 : i32
        %dma_start3A_2715 = tpu.memref_slice %arg3[%dma_start3A_2713, %dma_start3A_2714] : memref<100022x128xf32, #tpu.memory_space<hbm>> -> memref<100022x128xf32, #tpu.memory_space<hbm>>
        tpu.enqueue_indirect_dma source(%dma_start3A_2715 : memref<100022x128xf32, #tpu.memory_space<hbm>>) target(%dma_start3A_2711 : memref<26x128xf32, #tpu.memory_space<vmem>>) offsets(%dma_start3A_2712 : memref<26xi32, #tpu.memory_space<vmem>>) semaphore(%arg11 : memref<!tpu.dma_semaphore, #tpu.memory_space<semaphore_mem>>)
        %mul3A_2716 = arith.constant 8 : i32
        %mul3A_2717 = arith.muli %add3A_1884, %mul3A_2716 : i32
        %add3A_2718 = arith.constant 4 : i32
        %add3A_2719 = arith.addi %mul3A_2717, %add3A_2718 : i32
        %mul3A_2720 = arith.constant 32 : i32
        %mul3A_2721 = arith.muli %add3A_2719, %mul3A_2720 : i32
        %mul3A_2722 = arith.constant 32 : i32
        %mul3A_2723 = arith.muli %add3A_2719, %mul3A_2722 : i32
        %add3A_2724 = arith.constant 16 : i32
        %add3A_2725 = arith.addi %mul3A_2723, %add3A_2724 : i32
        %get3A_2726 = arith.index_cast %mul3A_2721 : i32 to index
        %get3A_2727 = tpu.vector_load %arg5[%get3A_2726] {strides = array<i32>} : memref<16384xi32, #tpu.memory_space<vmem>>, vector<16xi32>,
        %get3A_2728 = vector.shape_cast %get3A_2727 : vector<16xi32> to vector<16xi32>
        %add3A_2729 = arith.addi %get3A_2728, %mul3A_5 : vector<16xi32>
        %swap3A_2730 = arith.index_cast %mul3A_2721 : i32 to index
        %swap3A_2731 = tpu.vector_load %arg5[%swap3A_2730] {strides = array<i32>} : memref<16384xi32, #tpu.memory_space<vmem>>, vector<16xi32>,
        %swap3A_2732 = vector.shape_cast %swap3A_2731 : vector<16xi32> to vector<16xi32>
        %swap3A_2733 = vector.shape_cast %add3A_2729 : vector<16xi32> to vector<16xi32>
        tpu.vector_store %arg5[%swap3A_2730], %swap3A_2733 {strides = array<i32>} : memref<16384xi32, #tpu.memory_space<vmem>>, vector<16xi32>,
        %get3A_2734 = arith.index_cast %add3A_2725 : i32 to index
        %get3A_2735 = tpu.vector_load %arg5[%get3A_2734] {strides = array<i32>} : memref<16384xi32, #tpu.memory_space<vmem>>, vector<16xi32>,
        %get3A_2736 = vector.shape_cast %get3A_2735 : vector<16xi32> to vector<16xi32>
        %add3A_2737 = arith.addi %get3A_2736, %mul3A_11 : vector<16xi32>
        %swap3A_2738 = arith.index_cast %add3A_2725 : i32 to index
        %swap3A_2739 = tpu.vector_load %arg5[%swap3A_2738] {strides = array<i32>} : memref<16384xi32, #tpu.memory_space<vmem>>, vector<16xi32>,
        %swap3A_2740 = vector.shape_cast %swap3A_2739 : vector<16xi32> to vector<16xi32>
        %swap3A_2741 = vector.shape_cast %add3A_2737 : vector<16xi32> to vector<16xi32>
        tpu.vector_store %arg5[%swap3A_2738], %swap3A_2741 {strides = array<i32>} : memref<16384xi32, #tpu.memory_space<vmem>>, vector<16xi32>,
        %mul3A_2742 = arith.constant 32 : i32
        %mul3A_2743 = arith.muli %add3A_2719, %mul3A_2742 : i32
        %dma_start3A_2744 = arith.constant 104 : i32
        %dma_start3A_2745 = arith.constant 0 : i32
        %dma_start3A_2746 = tpu.memref_slice %arg7[%dma_start3A_2744, %dma_start3A_2745] : memref<208x128xf32, #tpu.memory_space<vmem>> -> memref<26x128xf32, #tpu.memory_space<vmem>>
        %dma_start3A_2747 = tpu.memref_slice %arg5[%mul3A_2743] : memref<16384xi32, #tpu.memory_space<vmem>> -> memref<26xi32, #tpu.memory_space<vmem>>
        %dma_start3A_2748 = arith.constant 0 : i32
        %dma_start3A_2749 = arith.constant 0 : i32
        %dma_start3A_2750 = tpu.memref_slice %arg3[%dma_start3A_2748, %dma_start3A_2749] : memref<100022x128xf32, #tpu.memory_space<hbm>> -> memref<100022x128xf32, #tpu.memory_space<hbm>>
        tpu.enqueue_indirect_dma source(%dma_start3A_2750 : memref<100022x128xf32, #tpu.memory_space<hbm>>) target(%dma_start3A_2746 : memref<26x128xf32, #tpu.memory_space<vmem>>) offsets(%dma_start3A_2747 : memref<26xi32, #tpu.memory_space<vmem>>) semaphore(%arg11 : memref<!tpu.dma_semaphore, #tpu.memory_space<semaphore_mem>>)
        %mul3A_2751 = arith.constant 8 : i32
        %mul3A_2752 = arith.muli %add3A_1884, %mul3A_2751 : i32
        %add3A_2753 = arith.constant 5 : i32
        %add3A_2754 = arith.addi %mul3A_2752, %add3A_2753 : i32
        %mul3A_2755 = arith.constant 32 : i32
        %mul3A_2756 = arith.muli %add3A_2754, %mul3A_2755 : i32
        %mul3A_2757 = arith.constant 32 : i32
        %mul3A_2758 = arith.muli %add3A_2754, %mul3A_2757 : i32
        %add3A_2759 = arith.constant 16 : i32
        %add3A_2760 = arith.addi %mul3A_2758, %add3A_2759 : i32
        %get3A_2761 = arith.index_cast %mul3A_2756 : i32 to index
        %get3A_2762 = tpu.vector_load %arg5[%get3A_2761] {strides = array<i32>} : memref<16384xi32, #tpu.memory_space<vmem>>, vector<16xi32>,
        %get3A_2763 = vector.shape_cast %get3A_2762 : vector<16xi32> to vector<16xi32>
        %add3A_2764 = arith.addi %get3A_2763, %mul3A_5 : vector<16xi32>
        %swap3A_2765 = arith.index_cast %mul3A_2756 : i32 to index
        %swap3A_2766 = tpu.vector_load %arg5[%swap3A_2765] {strides = array<i32>} : memref<16384xi32, #tpu.memory_space<vmem>>, vector<16xi32>,
        %swap3A_2767 = vector.shape_cast %swap3A_2766 : vector<16xi32> to vector<16xi32>
        %swap3A_2768 = vector.shape_cast %add3A_2764 : vector<16xi32> to vector<16xi32>
        tpu.vector_store %arg5[%swap3A_2765], %swap3A_2768 {strides = array<i32>} : memref<16384xi32, #tpu.memory_space<vmem>>, vector<16xi32>,
        %get3A_2769 = arith.index_cast %add3A_2760 : i32 to index
        %get3A_2770 = tpu.vector_load %arg5[%get3A_2769] {strides = array<i32>} : memref<16384xi32, #tpu.memory_space<vmem>>, vector<16xi32>,
        %get3A_2771 = vector.shape_cast %get3A_2770 : vector<16xi32> to vector<16xi32>
        %add3A_2772 = arith.addi %get3A_2771, %mul3A_11 : vector<16xi32>
        %swap3A_2773 = arith.index_cast %add3A_2760 : i32 to index
        %swap3A_2774 = tpu.vector_load %arg5[%swap3A_2773] {strides = array<i32>} : memref<16384xi32, #tpu.memory_space<vmem>>, vector<16xi32>,
        %swap3A_2775 = vector.shape_cast %swap3A_2774 : vector<16xi32> to vector<16xi32>
        %swap3A_2776 = vector.shape_cast %add3A_2772 : vector<16xi32> to vector<16xi32>
        tpu.vector_store %arg5[%swap3A_2773], %swap3A_2776 {strides = array<i32>} : memref<16384xi32, #tpu.memory_space<vmem>>, vector<16xi32>,
        %mul3A_2777 = arith.constant 32 : i32
        %mul3A_2778 = arith.muli %add3A_2754, %mul3A_2777 : i32
        %dma_start3A_2779 = arith.constant 130 : i32
        %dma_start3A_2780 = arith.constant 0 : i32
        %dma_start3A_2781 = tpu.memref_slice %arg7[%dma_start3A_2779, %dma_start3A_2780] : memref<208x128xf32, #tpu.memory_space<vmem>> -> memref<26x128xf32, #tpu.memory_space<vmem>>
        %dma_start3A_2782 = tpu.memref_slice %arg5[%mul3A_2778] : memref<16384xi32, #tpu.memory_space<vmem>> -> memref<26xi32, #tpu.memory_space<vmem>>
        %dma_start3A_2783 = arith.constant 0 : i32
        %dma_start3A_2784 = arith.constant 0 : i32
        %dma_start3A_2785 = tpu.memref_slice %arg3[%dma_start3A_2783, %dma_start3A_2784] : memref<100022x128xf32, #tpu.memory_space<hbm>> -> memref<100022x128xf32, #tpu.memory_space<hbm>>
        tpu.enqueue_indirect_dma source(%dma_start3A_2785 : memref<100022x128xf32, #tpu.memory_space<hbm>>) target(%dma_start3A_2781 : memref<26x128xf32, #tpu.memory_space<vmem>>) offsets(%dma_start3A_2782 : memref<26xi32, #tpu.memory_space<vmem>>) semaphore(%arg11 : memref<!tpu.dma_semaphore, #tpu.memory_space<semaphore_mem>>)
        %mul3A_2786 = arith.constant 8 : i32
        %mul3A_2787 = arith.muli %add3A_1884, %mul3A_2786 : i32
        %add3A_2788 = arith.constant 6 : i32
        %add3A_2789 = arith.addi %mul3A_2787, %add3A_2788 : i32
        %mul3A_2790 = arith.constant 32 : i32
        %mul3A_2791 = arith.muli %add3A_2789, %mul3A_2790 : i32
        %mul3A_2792 = arith.constant 32 : i32
        %mul3A_2793 = arith.muli %add3A_2789, %mul3A_2792 : i32
        %add3A_2794 = arith.constant 16 : i32
        %add3A_2795 = arith.addi %mul3A_2793, %add3A_2794 : i32
        %get3A_2796 = arith.index_cast %mul3A_2791 : i32 to index
        %get3A_2797 = tpu.vector_load %arg5[%get3A_2796] {strides = array<i32>} : memref<16384xi32, #tpu.memory_space<vmem>>, vector<16xi32>,
        %get3A_2798 = vector.shape_cast %get3A_2797 : vector<16xi32> to vector<16xi32>
        %add3A_2799 = arith.addi %get3A_2798, %mul3A_5 : vector<16xi32>
        %swap3A_2800 = arith.index_cast %mul3A_2791 : i32 to index
        %swap3A_2801 = tpu.vector_load %arg5[%swap3A_2800] {strides = array<i32>} : memref<16384xi32, #tpu.memory_space<vmem>>, vector<16xi32>,
        %swap3A_2802 = vector.shape_cast %swap3A_2801 : vector<16xi32> to vector<16xi32>
        %swap3A_2803 = vector.shape_cast %add3A_2799 : vector<16xi32> to vector<16xi32>
        tpu.vector_store %arg5[%swap3A_2800], %swap3A_2803 {strides = array<i32>} : memref<16384xi32, #tpu.memory_space<vmem>>, vector<16xi32>,
        %get3A_2804 = arith.index_cast %add3A_2795 : i32 to index
        %get3A_2805 = tpu.vector_load %arg5[%get3A_2804] {strides = array<i32>} : memref<16384xi32, #tpu.memory_space<vmem>>, vector<16xi32>,
        %get3A_2806 = vector.shape_cast %get3A_2805 : vector<16xi32> to vector<16xi32>
        %add3A_2807 = arith.addi %get3A_2806, %mul3A_11 : vector<16xi32>
        %swap3A_2808 = arith.index_cast %add3A_2795 : i32 to index
        %swap3A_2809 = tpu.vector_load %arg5[%swap3A_2808] {strides = array<i32>} : memref<16384xi32, #tpu.memory_space<vmem>>, vector<16xi32>,
        %swap3A_2810 = vector.shape_cast %swap3A_2809 : vector<16xi32> to vector<16xi32>
        %swap3A_2811 = vector.shape_cast %add3A_2807 : vector<16xi32> to vector<16xi32>
        tpu.vector_store %arg5[%swap3A_2808], %swap3A_2811 {strides = array<i32>} : memref<16384xi32, #tpu.memory_space<vmem>>, vector<16xi32>,
        %mul3A_2812 = arith.constant 32 : i32
        %mul3A_2813 = arith.muli %add3A_2789, %mul3A_2812 : i32
        %dma_start3A_2814 = arith.constant 156 : i32
        %dma_start3A_2815 = arith.constant 0 : i32
        %dma_start3A_2816 = tpu.memref_slice %arg7[%dma_start3A_2814, %dma_start3A_2815] : memref<208x128xf32, #tpu.memory_space<vmem>> -> memref<26x128xf32, #tpu.memory_space<vmem>>
        %dma_start3A_2817 = tpu.memref_slice %arg5[%mul3A_2813] : memref<16384xi32, #tpu.memory_space<vmem>> -> memref<26xi32, #tpu.memory_space<vmem>>
        %dma_start3A_2818 = arith.constant 0 : i32
        %dma_start3A_2819 = arith.constant 0 : i32
        %dma_start3A_2820 = tpu.memref_slice %arg3[%dma_start3A_2818, %dma_start3A_2819] : memref<100022x128xf32, #tpu.memory_space<hbm>> -> memref<100022x128xf32, #tpu.memory_space<hbm>>
        tpu.enqueue_indirect_dma source(%dma_start3A_2820 : memref<100022x128xf32, #tpu.memory_space<hbm>>) target(%dma_start3A_2816 : memref<26x128xf32, #tpu.memory_space<vmem>>) offsets(%dma_start3A_2817 : memref<26xi32, #tpu.memory_space<vmem>>) semaphore(%arg11 : memref<!tpu.dma_semaphore, #tpu.memory_space<semaphore_mem>>)
        %mul3A_2821 = arith.constant 8 : i32
        %mul3A_2822 = arith.muli %add3A_1884, %mul3A_2821 : i32
        %add3A_2823 = arith.constant 7 : i32
        %add3A_2824 = arith.addi %mul3A_2822, %add3A_2823 : i32
        %mul3A_2825 = arith.constant 32 : i32
        %mul3A_2826 = arith.muli %add3A_2824, %mul3A_2825 : i32
        %mul3A_2827 = arith.constant 32 : i32
        %mul3A_2828 = arith.muli %add3A_2824, %mul3A_2827 : i32
        %add3A_2829 = arith.constant 16 : i32
        %add3A_2830 = arith.addi %mul3A_2828, %add3A_2829 : i32
        %get3A_2831 = arith.index_cast %mul3A_2826 : i32 to index
        %get3A_2832 = tpu.vector_load %arg5[%get3A_2831] {strides = array<i32>} : memref<16384xi32, #tpu.memory_space<vmem>>, vector<16xi32>,
        %get3A_2833 = vector.shape_cast %get3A_2832 : vector<16xi32> to vector<16xi32>
        %add3A_2834 = arith.addi %get3A_2833, %mul3A_5 : vector<16xi32>
        %swap3A_2835 = arith.index_cast %mul3A_2826 : i32 to index
        %swap3A_2836 = tpu.vector_load %arg5[%swap3A_2835] {strides = array<i32>} : memref<16384xi32, #tpu.memory_space<vmem>>, vector<16xi32>,
        %swap3A_2837 = vector.shape_cast %swap3A_2836 : vector<16xi32> to vector<16xi32>
        %swap3A_2838 = vector.shape_cast %add3A_2834 : vector<16xi32> to vector<16xi32>
        tpu.vector_store %arg5[%swap3A_2835], %swap3A_2838 {strides = array<i32>} : memref<16384xi32, #tpu.memory_space<vmem>>, vector<16xi32>,
        %get3A_2839 = arith.index_cast %add3A_2830 : i32 to index
        %get3A_2840 = tpu.vector_load %arg5[%get3A_2839] {strides = array<i32>} : memref<16384xi32, #tpu.memory_space<vmem>>, vector<16xi32>,
        %get3A_2841 = vector.shape_cast %get3A_2840 : vector<16xi32> to vector<16xi32>
        %add3A_2842 = arith.addi %get3A_2841, %mul3A_11 : vector<16xi32>
        %swap3A_2843 = arith.index_cast %add3A_2830 : i32 to index
        %swap3A_2844 = tpu.vector_load %arg5[%swap3A_2843] {strides = array<i32>} : memref<16384xi32, #tpu.memory_space<vmem>>, vector<16xi32>,
        %swap3A_2845 = vector.shape_cast %swap3A_2844 : vector<16xi32> to vector<16xi32>
        %swap3A_2846 = vector.shape_cast %add3A_2842 : vector<16xi32> to vector<16xi32>
        tpu.vector_store %arg5[%swap3A_2843], %swap3A_2846 {strides = array<i32>} : memref<16384xi32, #tpu.memory_space<vmem>>, vector<16xi32>,
        %mul3A_2847 = arith.constant 32 : i32
        %mul3A_2848 = arith.muli %add3A_2824, %mul3A_2847 : i32
        %dma_start3A_2849 = arith.constant 182 : i32
        %dma_start3A_2850 = arith.constant 0 : i32
        %dma_start3A_2851 = tpu.memref_slice %arg7[%dma_start3A_2849, %dma_start3A_2850] : memref<208x128xf32, #tpu.memory_space<vmem>> -> memref<26x128xf32, #tpu.memory_space<vmem>>
        %dma_start3A_2852 = tpu.memref_slice %arg5[%mul3A_2848] : memref<16384xi32, #tpu.memory_space<vmem>> -> memref<26xi32, #tpu.memory_space<vmem>>
        %dma_start3A_2853 = arith.constant 0 : i32
        %dma_start3A_2854 = arith.constant 0 : i32
        %dma_start3A_2855 = tpu.memref_slice %arg3[%dma_start3A_2853, %dma_start3A_2854] : memref<100022x128xf32, #tpu.memory_space<hbm>> -> memref<100022x128xf32, #tpu.memory_space<hbm>>
        tpu.enqueue_indirect_dma source(%dma_start3A_2855 : memref<100022x128xf32, #tpu.memory_space<hbm>>) target(%dma_start3A_2851 : memref<26x128xf32, #tpu.memory_space<vmem>>) offsets(%dma_start3A_2852 : memref<26xi32, #tpu.memory_space<vmem>>) semaphore(%arg11 : memref<!tpu.dma_semaphore, #tpu.memory_space<semaphore_mem>>)
      } else {
      }
      %mul3A_1890 = arith.constant 4 : i32
      %mul3A_1891 = arith.muli %scan3A_1358, %mul3A_1890 : i32
      %add3A_1892 = arith.constant 2 : i32
      %add3A_1893 = arith.addi %mul3A_1891, %add3A_1892 : i32
      %mul3A_1894 = arith.constant 8 : i32
      %mul3A_1895 = arith.muli %add3A_1893, %mul3A_1894 : i32
      %add3A_1896 = arith.constant 0 : i32
      %add3A_1897 = arith.addi %mul3A_1895, %add3A_1896 : i32
      %mul3A_1898 = arith.constant 32 : i32
      %mul3A_1899 = arith.muli %add3A_1897, %mul3A_1898 : i32
      %dma_wait3A_1900 = arith.constant 0 : i32
      %dma_wait3A_1901 = arith.constant 0 : i32
      %dma_wait3A_1902 = tpu.memref_slice %arg8[%dma_wait3A_1900, %dma_wait3A_1901] : memref<208x128xf32, #tpu.memory_space<vmem>> -> memref<26x128xf32, #tpu.memory_space<vmem>>
      %dma_wait3A_1903 = tpu.memref_slice %arg5[%mul3A_1899] : memref<16384xi32, #tpu.memory_space<vmem>> -> memref<26xi32, #tpu.memory_space<vmem>>
      %dma_wait3A_1904 = arith.constant 0 : i32
      %dma_wait3A_1905 = arith.constant 0 : i32
      %dma_wait3A_1906 = tpu.memref_slice %arg3[%dma_wait3A_1904, %dma_wait3A_1905] : memref<100022x128xf32, #tpu.memory_space<hbm>> -> memref<100022x128xf32, #tpu.memory_space<hbm>>
      tpu.wait_indirect_dma semaphore(%arg12 : memref<!tpu.dma_semaphore, #tpu.memory_space<semaphore_mem>>) src(%dma_wait3A_1906 : memref<100022x128xf32, #tpu.memory_space<hbm>>) dst(%dma_wait3A_1902 : memref<26x128xf32, #tpu.memory_space<vmem>>)
      %mul3A_1907 = arith.constant 8 : i32
      %mul3A_1908 = arith.muli %add3A_1893, %mul3A_1907 : i32
      %add3A_1909 = arith.constant 1 : i32
      %add3A_1910 = arith.addi %mul3A_1908, %add3A_1909 : i32
      %mul3A_1911 = arith.constant 32 : i32
      %mul3A_1912 = arith.muli %add3A_1910, %mul3A_1911 : i32
      %dma_wait3A_1913 = arith.constant 26 : i32
      %dma_wait3A_1914 = arith.constant 0 : i32
      %dma_wait3A_1915 = tpu.memref_slice %arg8[%dma_wait3A_1913, %dma_wait3A_1914] : memref<208x128xf32, #tpu.memory_space<vmem>> -> memref<26x128xf32, #tpu.memory_space<vmem>>
      %dma_wait3A_1916 = tpu.memref_slice %arg5[%mul3A_1912] : memref<16384xi32, #tpu.memory_space<vmem>> -> memref<26xi32, #tpu.memory_space<vmem>>
      %dma_wait3A_1917 = arith.constant 0 : i32
      %dma_wait3A_1918 = arith.constant 0 : i32
      %dma_wait3A_1919 = tpu.memref_slice %arg3[%dma_wait3A_1917, %dma_wait3A_1918] : memref<100022x128xf32, #tpu.memory_space<hbm>> -> memref<100022x128xf32, #tpu.memory_space<hbm>>
      tpu.wait_indirect_dma semaphore(%arg12 : memref<!tpu.dma_semaphore, #tpu.memory_space<semaphore_mem>>) src(%dma_wait3A_1919 : memref<100022x128xf32, #tpu.memory_space<hbm>>) dst(%dma_wait3A_1915 : memref<26x128xf32, #tpu.memory_space<vmem>>)
      %mul3A_1920 = arith.constant 8 : i32
      %mul3A_1921 = arith.muli %add3A_1893, %mul3A_1920 : i32
      %add3A_1922 = arith.constant 2 : i32
      %add3A_1923 = arith.addi %mul3A_1921, %add3A_1922 : i32
      %mul3A_1924 = arith.constant 32 : i32
      %mul3A_1925 = arith.muli %add3A_1923, %mul3A_1924 : i32
      %dma_wait3A_1926 = arith.constant 52 : i32
      %dma_wait3A_1927 = arith.constant 0 : i32
      %dma_wait3A_1928 = tpu.memref_slice %arg8[%dma_wait3A_1926, %dma_wait3A_1927] : memref<208x128xf32, #tpu.memory_space<vmem>> -> memref<26x128xf32, #tpu.memory_space<vmem>>
      %dma_wait3A_1929 = tpu.memref_slice %arg5[%mul3A_1925] : memref<16384xi32, #tpu.memory_space<vmem>> -> memref<26xi32, #tpu.memory_space<vmem>>
      %dma_wait3A_1930 = arith.constant 0 : i32
      %dma_wait3A_1931 = arith.constant 0 : i32
      %dma_wait3A_1932 = tpu.memref_slice %arg3[%dma_wait3A_1930, %dma_wait3A_1931] : memref<100022x128xf32, #tpu.memory_space<hbm>> -> memref<100022x128xf32, #tpu.memory_space<hbm>>
      tpu.wait_indirect_dma semaphore(%arg12 : memref<!tpu.dma_semaphore, #tpu.memory_space<semaphore_mem>>) src(%dma_wait3A_1932 : memref<100022x128xf32, #tpu.memory_space<hbm>>) dst(%dma_wait3A_1928 : memref<26x128xf32, #tpu.memory_space<vmem>>)
      %mul3A_1933 = arith.constant 8 : i32
      %mul3A_1934 = arith.muli %add3A_1893, %mul3A_1933 : i32
      %add3A_1935 = arith.constant 3 : i32
      %add3A_1936 = arith.addi %mul3A_1934, %add3A_1935 : i32
      %mul3A_1937 = arith.constant 32 : i32
      %mul3A_1938 = arith.muli %add3A_1936, %mul3A_1937 : i32
      %dma_wait3A_1939 = arith.constant 78 : i32
      %dma_wait3A_1940 = arith.constant 0 : i32
      %dma_wait3A_1941 = tpu.memref_slice %arg8[%dma_wait3A_1939, %dma_wait3A_1940] : memref<208x128xf32, #tpu.memory_space<vmem>> -> memref<26x128xf32, #tpu.memory_space<vmem>>
      %dma_wait3A_1942 = tpu.memref_slice %arg5[%mul3A_1938] : memref<16384xi32, #tpu.memory_space<vmem>> -> memref<26xi32, #tpu.memory_space<vmem>>
      %dma_wait3A_1943 = arith.constant 0 : i32
      %dma_wait3A_1944 = arith.constant 0 : i32
      %dma_wait3A_1945 = tpu.memref_slice %arg3[%dma_wait3A_1943, %dma_wait3A_1944] : memref<100022x128xf32, #tpu.memory_space<hbm>> -> memref<100022x128xf32, #tpu.memory_space<hbm>>
      tpu.wait_indirect_dma semaphore(%arg12 : memref<!tpu.dma_semaphore, #tpu.memory_space<semaphore_mem>>) src(%dma_wait3A_1945 : memref<100022x128xf32, #tpu.memory_space<hbm>>) dst(%dma_wait3A_1941 : memref<26x128xf32, #tpu.memory_space<vmem>>)
      %mul3A_1946 = arith.constant 8 : i32
      %mul3A_1947 = arith.muli %add3A_1893, %mul3A_1946 : i32
      %add3A_1948 = arith.constant 4 : i32
      %add3A_1949 = arith.addi %mul3A_1947, %add3A_1948 : i32
      %mul3A_1950 = arith.constant 32 : i32
      %mul3A_1951 = arith.muli %add3A_1949, %mul3A_1950 : i32
      %dma_wait3A_1952 = arith.constant 104 : i32
      %dma_wait3A_1953 = arith.constant 0 : i32
      %dma_wait3A_1954 = tpu.memref_slice %arg8[%dma_wait3A_1952, %dma_wait3A_1953] : memref<208x128xf32, #tpu.memory_space<vmem>> -> memref<26x128xf32, #tpu.memory_space<vmem>>
      %dma_wait3A_1955 = tpu.memref_slice %arg5[%mul3A_1951] : memref<16384xi32, #tpu.memory_space<vmem>> -> memref<26xi32, #tpu.memory_space<vmem>>
      %dma_wait3A_1956 = arith.constant 0 : i32
      %dma_wait3A_1957 = arith.constant 0 : i32
      %dma_wait3A_1958 = tpu.memref_slice %arg3[%dma_wait3A_1956, %dma_wait3A_1957] : memref<100022x128xf32, #tpu.memory_space<hbm>> -> memref<100022x128xf32, #tpu.memory_space<hbm>>
      tpu.wait_indirect_dma semaphore(%arg12 : memref<!tpu.dma_semaphore, #tpu.memory_space<semaphore_mem>>) src(%dma_wait3A_1958 : memref<100022x128xf32, #tpu.memory_space<hbm>>) dst(%dma_wait3A_1954 : memref<26x128xf32, #tpu.memory_space<vmem>>)
      %mul3A_1959 = arith.constant 8 : i32
      %mul3A_1960 = arith.muli %add3A_1893, %mul3A_1959 : i32
      %add3A_1961 = arith.constant 5 : i32
      %add3A_1962 = arith.addi %mul3A_1960, %add3A_1961 : i32
      %mul3A_1963 = arith.constant 32 : i32
      %mul3A_1964 = arith.muli %add3A_1962, %mul3A_1963 : i32
      %dma_wait3A_1965 = arith.constant 130 : i32
      %dma_wait3A_1966 = arith.constant 0 : i32
      %dma_wait3A_1967 = tpu.memref_slice %arg8[%dma_wait3A_1965, %dma_wait3A_1966] : memref<208x128xf32, #tpu.memory_space<vmem>> -> memref<26x128xf32, #tpu.memory_space<vmem>>
      %dma_wait3A_1968 = tpu.memref_slice %arg5[%mul3A_1964] : memref<16384xi32, #tpu.memory_space<vmem>> -> memref<26xi32, #tpu.memory_space<vmem>>
      %dma_wait3A_1969 = arith.constant 0 : i32
      %dma_wait3A_1970 = arith.constant 0 : i32
      %dma_wait3A_1971 = tpu.memref_slice %arg3[%dma_wait3A_1969, %dma_wait3A_1970] : memref<100022x128xf32, #tpu.memory_space<hbm>> -> memref<100022x128xf32, #tpu.memory_space<hbm>>
      tpu.wait_indirect_dma semaphore(%arg12 : memref<!tpu.dma_semaphore, #tpu.memory_space<semaphore_mem>>) src(%dma_wait3A_1971 : memref<100022x128xf32, #tpu.memory_space<hbm>>) dst(%dma_wait3A_1967 : memref<26x128xf32, #tpu.memory_space<vmem>>)
      %mul3A_1972 = arith.constant 8 : i32
      %mul3A_1973 = arith.muli %add3A_1893, %mul3A_1972 : i32
      %add3A_1974 = arith.constant 6 : i32
      %add3A_1975 = arith.addi %mul3A_1973, %add3A_1974 : i32
      %mul3A_1976 = arith.constant 32 : i32
      %mul3A_1977 = arith.muli %add3A_1975, %mul3A_1976 : i32
      %dma_wait3A_1978 = arith.constant 156 : i32
      %dma_wait3A_1979 = arith.constant 0 : i32
      %dma_wait3A_1980 = tpu.memref_slice %arg8[%dma_wait3A_1978, %dma_wait3A_1979] : memref<208x128xf32, #tpu.memory_space<vmem>> -> memref<26x128xf32, #tpu.memory_space<vmem>>
      %dma_wait3A_1981 = tpu.memref_slice %arg5[%mul3A_1977] : memref<16384xi32, #tpu.memory_space<vmem>> -> memref<26xi32, #tpu.memory_space<vmem>>
      %dma_wait3A_1982 = arith.constant 0 : i32
      %dma_wait3A_1983 = arith.constant 0 : i32
      %dma_wait3A_1984 = tpu.memref_slice %arg3[%dma_wait3A_1982, %dma_wait3A_1983] : memref<100022x128xf32, #tpu.memory_space<hbm>> -> memref<100022x128xf32, #tpu.memory_space<hbm>>
      tpu.wait_indirect_dma semaphore(%arg12 : memref<!tpu.dma_semaphore, #tpu.memory_space<semaphore_mem>>) src(%dma_wait3A_1984 : memref<100022x128xf32, #tpu.memory_space<hbm>>) dst(%dma_wait3A_1980 : memref<26x128xf32, #tpu.memory_space<vmem>>)
      %mul3A_1985 = arith.constant 8 : i32
      %mul3A_1986 = arith.muli %add3A_1893, %mul3A_1985 : i32
      %add3A_1987 = arith.constant 7 : i32
      %add3A_1988 = arith.addi %mul3A_1986, %add3A_1987 : i32
      %mul3A_1989 = arith.constant 32 : i32
      %mul3A_1990 = arith.muli %add3A_1988, %mul3A_1989 : i32
      %dma_wait3A_1991 = arith.constant 182 : i32
      %dma_wait3A_1992 = arith.constant 0 : i32
      %dma_wait3A_1993 = tpu.memref_slice %arg8[%dma_wait3A_1991, %dma_wait3A_1992] : memref<208x128xf32, #tpu.memory_space<vmem>> -> memref<26x128xf32, #tpu.memory_space<vmem>>
      %dma_wait3A_1994 = tpu.memref_slice %arg5[%mul3A_1990] : memref<16384xi32, #tpu.memory_space<vmem>> -> memref<26xi32, #tpu.memory_space<vmem>>
      %dma_wait3A_1995 = arith.constant 0 : i32
      %dma_wait3A_1996 = arith.constant 0 : i32
      %dma_wait3A_1997 = tpu.memref_slice %arg3[%dma_wait3A_1995, %dma_wait3A_1996] : memref<100022x128xf32, #tpu.memory_space<hbm>> -> memref<100022x128xf32, #tpu.memory_space<hbm>>
      tpu.wait_indirect_dma semaphore(%arg12 : memref<!tpu.dma_semaphore, #tpu.memory_space<semaphore_mem>>) src(%dma_wait3A_1997 : memref<100022x128xf32, #tpu.memory_space<hbm>>) dst(%dma_wait3A_1993 : memref<26x128xf32, #tpu.memory_space<vmem>>)
      %mul3A_1998 = arith.constant 8 : i32
      %mul3A_1999 = arith.muli %add3A_1893, %mul3A_1998 : i32
      %add3A_2000 = arith.addi %mul3A_2, %mul3A_1999 : i32
      %add3A_2001 = arith.constant 0 : i32
      %add3A_2002 = arith.addi %add3A_2000, %add3A_2001 : i32
      %dma_start3A_2003 = arith.constant 0 : i32
      %dma_start3A_2004 = arith.constant 0 : i32
      %dma_start3A_2005 = tpu.memref_slice %arg8[%dma_start3A_2003, %dma_start3A_2004] : memref<208x128xf32, #tpu.memory_space<vmem>> -> memref<26x128xf32, #tpu.memory_space<vmem>>
      %dma_start3A_2006 = arith.constant 0 : i32
      %dma_start3A_2007 = arith.constant 0 : i32
      %dma_start3A_2008 = tpu.memref_slice %arg4[%add3A_2002, %dma_start3A_2006, %dma_start3A_2007] : memref<16384x26x128xf32, #tpu.memory_space<hbm>> -> memref<1x26x128xf32, #tpu.memory_space<hbm>>
      %dma_start3A_2009 = tpu.memref_squeeze %dma_start3A_2008 : memref<1x26x128xf32, #tpu.memory_space<hbm>> -> memref<26x128xf32, #tpu.memory_space<hbm>>
      %dma_start3A_2010 = arith.constant 0 : i32
      %dma_start3A_2011 = arith.constant 0 : i32
      %dma_start3A_2012 = tpu.memref_slice %arg4[%add3A_2002, %dma_start3A_2010, %dma_start3A_2011] : memref<16384x26x128xf32, #tpu.memory_space<hbm>> -> memref<1x26x128xf32, #tpu.memory_space<hbm>>
      %dma_start3A_2013 = tpu.memref_squeeze %dma_start3A_2012 : memref<1x26x128xf32, #tpu.memory_space<hbm>> -> memref<26x128xf32, #tpu.memory_space<hbm>>
      %dma_start3A_2014 = arith.constant 0 : i32
      %dma_start3A_2015 = arith.constant 0 : i32
      %dma_start3A_2016 = tpu.memref_slice %arg8[%dma_start3A_2014, %dma_start3A_2015] : memref<208x128xf32, #tpu.memory_space<vmem>> -> memref<26x128xf32, #tpu.memory_space<vmem>>
      tpu.enqueue_dma source(%dma_start3A_2016 : memref<26x128xf32, #tpu.memory_space<vmem>>) target(%dma_start3A_2013 : memref<26x128xf32, #tpu.memory_space<hbm>>) target_semaphore(%arg16 : memref<!tpu.dma_semaphore, #tpu.memory_space<semaphore_mem>>)
      %mul3A_2017 = arith.constant 8 : i32
      %mul3A_2018 = arith.muli %add3A_1893, %mul3A_2017 : i32
      %add3A_2019 = arith.addi %mul3A_2, %mul3A_2018 : i32
      %add3A_2020 = arith.constant 1 : i32
      %add3A_2021 = arith.addi %add3A_2019, %add3A_2020 : i32
      %dma_start3A_2022 = arith.constant 26 : i32
      %dma_start3A_2023 = arith.constant 0 : i32
      %dma_start3A_2024 = tpu.memref_slice %arg8[%dma_start3A_2022, %dma_start3A_2023] : memref<208x128xf32, #tpu.memory_space<vmem>> -> memref<26x128xf32, #tpu.memory_space<vmem>>
      %dma_start3A_2025 = arith.constant 0 : i32
      %dma_start3A_2026 = arith.constant 0 : i32
      %dma_start3A_2027 = tpu.memref_slice %arg4[%add3A_2021, %dma_start3A_2025, %dma_start3A_2026] : memref<16384x26x128xf32, #tpu.memory_space<hbm>> -> memref<1x26x128xf32, #tpu.memory_space<hbm>>
      %dma_start3A_2028 = tpu.memref_squeeze %dma_start3A_2027 : memref<1x26x128xf32, #tpu.memory_space<hbm>> -> memref<26x128xf32, #tpu.memory_space<hbm>>
      %dma_start3A_2029 = arith.constant 0 : i32
      %dma_start3A_2030 = arith.constant 0 : i32
      %dma_start3A_2031 = tpu.memref_slice %arg4[%add3A_2021, %dma_start3A_2029, %dma_start3A_2030] : memref<16384x26x128xf32, #tpu.memory_space<hbm>> -> memref<1x26x128xf32, #tpu.memory_space<hbm>>
      %dma_start3A_2032 = tpu.memref_squeeze %dma_start3A_2031 : memref<1x26x128xf32, #tpu.memory_space<hbm>> -> memref<26x128xf32, #tpu.memory_space<hbm>>
      %dma_start3A_2033 = arith.constant 26 : i32
      %dma_start3A_2034 = arith.constant 0 : i32
      %dma_start3A_2035 = tpu.memref_slice %arg8[%dma_start3A_2033, %dma_start3A_2034] : memref<208x128xf32, #tpu.memory_space<vmem>> -> memref<26x128xf32, #tpu.memory_space<vmem>>
      tpu.enqueue_dma source(%dma_start3A_2035 : memref<26x128xf32, #tpu.memory_space<vmem>>) target(%dma_start3A_2032 : memref<26x128xf32, #tpu.memory_space<hbm>>) target_semaphore(%arg16 : memref<!tpu.dma_semaphore, #tpu.memory_space<semaphore_mem>>)
      %mul3A_2036 = arith.constant 8 : i32
      %mul3A_2037 = arith.muli %add3A_1893, %mul3A_2036 : i32
      %add3A_2038 = arith.addi %mul3A_2, %mul3A_2037 : i32
      %add3A_2039 = arith.constant 2 : i32
      %add3A_2040 = arith.addi %add3A_2038, %add3A_2039 : i32
      %dma_start3A_2041 = arith.constant 52 : i32
      %dma_start3A_2042 = arith.constant 0 : i32
      %dma_start3A_2043 = tpu.memref_slice %arg8[%dma_start3A_2041, %dma_start3A_2042] : memref<208x128xf32, #tpu.memory_space<vmem>> -> memref<26x128xf32, #tpu.memory_space<vmem>>
      %dma_start3A_2044 = arith.constant 0 : i32
      %dma_start3A_2045 = arith.constant 0 : i32
      %dma_start3A_2046 = tpu.memref_slice %arg4[%add3A_2040, %dma_start3A_2044, %dma_start3A_2045] : memref<16384x26x128xf32, #tpu.memory_space<hbm>> -> memref<1x26x128xf32, #tpu.memory_space<hbm>>
      %dma_start3A_2047 = tpu.memref_squeeze %dma_start3A_2046 : memref<1x26x128xf32, #tpu.memory_space<hbm>> -> memref<26x128xf32, #tpu.memory_space<hbm>>
      %dma_start3A_2048 = arith.constant 0 : i32
      %dma_start3A_2049 = arith.constant 0 : i32
      %dma_start3A_2050 = tpu.memref_slice %arg4[%add3A_2040, %dma_start3A_2048, %dma_start3A_2049] : memref<16384x26x128xf32, #tpu.memory_space<hbm>> -> memref<1x26x128xf32, #tpu.memory_space<hbm>>
      %dma_start3A_2051 = tpu.memref_squeeze %dma_start3A_2050 : memref<1x26x128xf32, #tpu.memory_space<hbm>> -> memref<26x128xf32, #tpu.memory_space<hbm>>
      %dma_start3A_2052 = arith.constant 52 : i32
      %dma_start3A_2053 = arith.constant 0 : i32
      %dma_start3A_2054 = tpu.memref_slice %arg8[%dma_start3A_2052, %dma_start3A_2053] : memref<208x128xf32, #tpu.memory_space<vmem>> -> memref<26x128xf32, #tpu.memory_space<vmem>>
      tpu.enqueue_dma source(%dma_start3A_2054 : memref<26x128xf32, #tpu.memory_space<vmem>>) target(%dma_start3A_2051 : memref<26x128xf32, #tpu.memory_space<hbm>>) target_semaphore(%arg16 : memref<!tpu.dma_semaphore, #tpu.memory_space<semaphore_mem>>)
      %mul3A_2055 = arith.constant 8 : i32
      %mul3A_2056 = arith.muli %add3A_1893, %mul3A_2055 : i32
      %add3A_2057 = arith.addi %mul3A_2, %mul3A_2056 : i32
      %add3A_2058 = arith.constant 3 : i32
      %add3A_2059 = arith.addi %add3A_2057, %add3A_2058 : i32
      %dma_start3A_2060 = arith.constant 78 : i32
      %dma_start3A_2061 = arith.constant 0 : i32
      %dma_start3A_2062 = tpu.memref_slice %arg8[%dma_start3A_2060, %dma_start3A_2061] : memref<208x128xf32, #tpu.memory_space<vmem>> -> memref<26x128xf32, #tpu.memory_space<vmem>>
      %dma_start3A_2063 = arith.constant 0 : i32
      %dma_start3A_2064 = arith.constant 0 : i32
      %dma_start3A_2065 = tpu.memref_slice %arg4[%add3A_2059, %dma_start3A_2063, %dma_start3A_2064] : memref<16384x26x128xf32, #tpu.memory_space<hbm>> -> memref<1x26x128xf32, #tpu.memory_space<hbm>>
      %dma_start3A_2066 = tpu.memref_squeeze %dma_start3A_2065 : memref<1x26x128xf32, #tpu.memory_space<hbm>> -> memref<26x128xf32, #tpu.memory_space<hbm>>
      %dma_start3A_2067 = arith.constant 0 : i32
      %dma_start3A_2068 = arith.constant 0 : i32
      %dma_start3A_2069 = tpu.memref_slice %arg4[%add3A_2059, %dma_start3A_2067, %dma_start3A_2068] : memref<16384x26x128xf32, #tpu.memory_space<hbm>> -> memref<1x26x128xf32, #tpu.memory_space<hbm>>
      %dma_start3A_2070 = tpu.memref_squeeze %dma_start3A_2069 : memref<1x26x128xf32, #tpu.memory_space<hbm>> -> memref<26x128xf32, #tpu.memory_space<hbm>>
      %dma_start3A_2071 = arith.constant 78 : i32
      %dma_start3A_2072 = arith.constant 0 : i32
      %dma_start3A_2073 = tpu.memref_slice %arg8[%dma_start3A_2071, %dma_start3A_2072] : memref<208x128xf32, #tpu.memory_space<vmem>> -> memref<26x128xf32, #tpu.memory_space<vmem>>
      tpu.enqueue_dma source(%dma_start3A_2073 : memref<26x128xf32, #tpu.memory_space<vmem>>) target(%dma_start3A_2070 : memref<26x128xf32, #tpu.memory_space<hbm>>) target_semaphore(%arg16 : memref<!tpu.dma_semaphore, #tpu.memory_space<semaphore_mem>>)
      %mul3A_2074 = arith.constant 8 : i32
      %mul3A_2075 = arith.muli %add3A_1893, %mul3A_2074 : i32
      %add3A_2076 = arith.addi %mul3A_2, %mul3A_2075 : i32
      %add3A_2077 = arith.constant 4 : i32
      %add3A_2078 = arith.addi %add3A_2076, %add3A_2077 : i32
      %dma_start3A_2079 = arith.constant 104 : i32
      %dma_start3A_2080 = arith.constant 0 : i32
      %dma_start3A_2081 = tpu.memref_slice %arg8[%dma_start3A_2079, %dma_start3A_2080] : memref<208x128xf32, #tpu.memory_space<vmem>> -> memref<26x128xf32, #tpu.memory_space<vmem>>
      %dma_start3A_2082 = arith.constant 0 : i32
      %dma_start3A_2083 = arith.constant 0 : i32
      %dma_start3A_2084 = tpu.memref_slice %arg4[%add3A_2078, %dma_start3A_2082, %dma_start3A_2083] : memref<16384x26x128xf32, #tpu.memory_space<hbm>> -> memref<1x26x128xf32, #tpu.memory_space<hbm>>
      %dma_start3A_2085 = tpu.memref_squeeze %dma_start3A_2084 : memref<1x26x128xf32, #tpu.memory_space<hbm>> -> memref<26x128xf32, #tpu.memory_space<hbm>>
      %dma_start3A_2086 = arith.constant 0 : i32
      %dma_start3A_2087 = arith.constant 0 : i32
      %dma_start3A_2088 = tpu.memref_slice %arg4[%add3A_2078, %dma_start3A_2086, %dma_start3A_2087] : memref<16384x26x128xf32, #tpu.memory_space<hbm>> -> memref<1x26x128xf32, #tpu.memory_space<hbm>>
      %dma_start3A_2089 = tpu.memref_squeeze %dma_start3A_2088 : memref<1x26x128xf32, #tpu.memory_space<hbm>> -> memref<26x128xf32, #tpu.memory_space<hbm>>
      %dma_start3A_2090 = arith.constant 104 : i32
      %dma_start3A_2091 = arith.constant 0 : i32
      %dma_start3A_2092 = tpu.memref_slice %arg8[%dma_start3A_2090, %dma_start3A_2091] : memref<208x128xf32, #tpu.memory_space<vmem>> -> memref<26x128xf32, #tpu.memory_space<vmem>>
      tpu.enqueue_dma source(%dma_start3A_2092 : memref<26x128xf32, #tpu.memory_space<vmem>>) target(%dma_start3A_2089 : memref<26x128xf32, #tpu.memory_space<hbm>>) target_semaphore(%arg16 : memref<!tpu.dma_semaphore, #tpu.memory_space<semaphore_mem>>)
      %mul3A_2093 = arith.constant 8 : i32
      %mul3A_2094 = arith.muli %add3A_1893, %mul3A_2093 : i32
      %add3A_2095 = arith.addi %mul3A_2, %mul3A_2094 : i32
      %add3A_2096 = arith.constant 5 : i32
      %add3A_2097 = arith.addi %add3A_2095, %add3A_2096 : i32
      %dma_start3A_2098 = arith.constant 130 : i32
      %dma_start3A_2099 = arith.constant 0 : i32
      %dma_start3A_2100 = tpu.memref_slice %arg8[%dma_start3A_2098, %dma_start3A_2099] : memref<208x128xf32, #tpu.memory_space<vmem>> -> memref<26x128xf32, #tpu.memory_space<vmem>>
      %dma_start3A_2101 = arith.constant 0 : i32
      %dma_start3A_2102 = arith.constant 0 : i32
      %dma_start3A_2103 = tpu.memref_slice %arg4[%add3A_2097, %dma_start3A_2101, %dma_start3A_2102] : memref<16384x26x128xf32, #tpu.memory_space<hbm>> -> memref<1x26x128xf32, #tpu.memory_space<hbm>>
      %dma_start3A_2104 = tpu.memref_squeeze %dma_start3A_2103 : memref<1x26x128xf32, #tpu.memory_space<hbm>> -> memref<26x128xf32, #tpu.memory_space<hbm>>
      %dma_start3A_2105 = arith.constant 0 : i32
      %dma_start3A_2106 = arith.constant 0 : i32
      %dma_start3A_2107 = tpu.memref_slice %arg4[%add3A_2097, %dma_start3A_2105, %dma_start3A_2106] : memref<16384x26x128xf32, #tpu.memory_space<hbm>> -> memref<1x26x128xf32, #tpu.memory_space<hbm>>
      %dma_start3A_2108 = tpu.memref_squeeze %dma_start3A_2107 : memref<1x26x128xf32, #tpu.memory_space<hbm>> -> memref<26x128xf32, #tpu.memory_space<hbm>>
      %dma_start3A_2109 = arith.constant 130 : i32
      %dma_start3A_2110 = arith.constant 0 : i32
      %dma_start3A_2111 = tpu.memref_slice %arg8[%dma_start3A_2109, %dma_start3A_2110] : memref<208x128xf32, #tpu.memory_space<vmem>> -> memref<26x128xf32, #tpu.memory_space<vmem>>
      tpu.enqueue_dma source(%dma_start3A_2111 : memref<26x128xf32, #tpu.memory_space<vmem>>) target(%dma_start3A_2108 : memref<26x128xf32, #tpu.memory_space<hbm>>) target_semaphore(%arg16 : memref<!tpu.dma_semaphore, #tpu.memory_space<semaphore_mem>>)
      %mul3A_2112 = arith.constant 8 : i32
      %mul3A_2113 = arith.muli %add3A_1893, %mul3A_2112 : i32
      %add3A_2114 = arith.addi %mul3A_2, %mul3A_2113 : i32
      %add3A_2115 = arith.constant 6 : i32
      %add3A_2116 = arith.addi %add3A_2114, %add3A_2115 : i32
      %dma_start3A_2117 = arith.constant 156 : i32
      %dma_start3A_2118 = arith.constant 0 : i32
      %dma_start3A_2119 = tpu.memref_slice %arg8[%dma_start3A_2117, %dma_start3A_2118] : memref<208x128xf32, #tpu.memory_space<vmem>> -> memref<26x128xf32, #tpu.memory_space<vmem>>
      %dma_start3A_2120 = arith.constant 0 : i32
      %dma_start3A_2121 = arith.constant 0 : i32
      %dma_start3A_2122 = tpu.memref_slice %arg4[%add3A_2116, %dma_start3A_2120, %dma_start3A_2121] : memref<16384x26x128xf32, #tpu.memory_space<hbm>> -> memref<1x26x128xf32, #tpu.memory_space<hbm>>
      %dma_start3A_2123 = tpu.memref_squeeze %dma_start3A_2122 : memref<1x26x128xf32, #tpu.memory_space<hbm>> -> memref<26x128xf32, #tpu.memory_space<hbm>>
      %dma_start3A_2124 = arith.constant 0 : i32
      %dma_start3A_2125 = arith.constant 0 : i32
      %dma_start3A_2126 = tpu.memref_slice %arg4[%add3A_2116, %dma_start3A_2124, %dma_start3A_2125] : memref<16384x26x128xf32, #tpu.memory_space<hbm>> -> memref<1x26x128xf32, #tpu.memory_space<hbm>>
      %dma_start3A_2127 = tpu.memref_squeeze %dma_start3A_2126 : memref<1x26x128xf32, #tpu.memory_space<hbm>> -> memref<26x128xf32, #tpu.memory_space<hbm>>
      %dma_start3A_2128 = arith.constant 156 : i32
      %dma_start3A_2129 = arith.constant 0 : i32
      %dma_start3A_2130 = tpu.memref_slice %arg8[%dma_start3A_2128, %dma_start3A_2129] : memref<208x128xf32, #tpu.memory_space<vmem>> -> memref<26x128xf32, #tpu.memory_space<vmem>>
      tpu.enqueue_dma source(%dma_start3A_2130 : memref<26x128xf32, #tpu.memory_space<vmem>>) target(%dma_start3A_2127 : memref<26x128xf32, #tpu.memory_space<hbm>>) target_semaphore(%arg16 : memref<!tpu.dma_semaphore, #tpu.memory_space<semaphore_mem>>)
      %mul3A_2131 = arith.constant 8 : i32
      %mul3A_2132 = arith.muli %add3A_1893, %mul3A_2131 : i32
      %add3A_2133 = arith.addi %mul3A_2, %mul3A_2132 : i32
      %add3A_2134 = arith.constant 7 : i32
      %add3A_2135 = arith.addi %add3A_2133, %add3A_2134 : i32
      %dma_start3A_2136 = arith.constant 182 : i32
      %dma_start3A_2137 = arith.constant 0 : i32
      %dma_start3A_2138 = tpu.memref_slice %arg8[%dma_start3A_2136, %dma_start3A_2137] : memref<208x128xf32, #tpu.memory_space<vmem>> -> memref<26x128xf32, #tpu.memory_space<vmem>>
      %dma_start3A_2139 = arith.constant 0 : i32
      %dma_start3A_2140 = arith.constant 0 : i32
      %dma_start3A_2141 = tpu.memref_slice %arg4[%add3A_2135, %dma_start3A_2139, %dma_start3A_2140] : memref<16384x26x128xf32, #tpu.memory_space<hbm>> -> memref<1x26x128xf32, #tpu.memory_space<hbm>>
      %dma_start3A_2142 = tpu.memref_squeeze %dma_start3A_2141 : memref<1x26x128xf32, #tpu.memory_space<hbm>> -> memref<26x128xf32, #tpu.memory_space<hbm>>
      %dma_start3A_2143 = arith.constant 0 : i32
      %dma_start3A_2144 = arith.constant 0 : i32
      %dma_start3A_2145 = tpu.memref_slice %arg4[%add3A_2135, %dma_start3A_2143, %dma_start3A_2144] : memref<16384x26x128xf32, #tpu.memory_space<hbm>> -> memref<1x26x128xf32, #tpu.memory_space<hbm>>
      %dma_start3A_2146 = tpu.memref_squeeze %dma_start3A_2145 : memref<1x26x128xf32, #tpu.memory_space<hbm>> -> memref<26x128xf32, #tpu.memory_space<hbm>>
      %dma_start3A_2147 = arith.constant 182 : i32
      %dma_start3A_2148 = arith.constant 0 : i32
      %dma_start3A_2149 = tpu.memref_slice %arg8[%dma_start3A_2147, %dma_start3A_2148] : memref<208x128xf32, #tpu.memory_space<vmem>> -> memref<26x128xf32, #tpu.memory_space<vmem>>
      tpu.enqueue_dma source(%dma_start3A_2149 : memref<26x128xf32, #tpu.memory_space<vmem>>) target(%dma_start3A_2146 : memref<26x128xf32, #tpu.memory_space<hbm>>) target_semaphore(%arg16 : memref<!tpu.dma_semaphore, #tpu.memory_space<semaphore_mem>>)
      %add3A_2150 = arith.constant 4 : i32
      %add3A_2151 = arith.addi %add3A_1893, %add3A_2150 : i32
      %lt3A_2152 = arith.constant 64 : i32
      %lt3A_2153 = arith.cmpi slt, %add3A_2151, %lt3A_2152 : i32
      %convert_element_type3A_2154 = arith.extui %lt3A_2153 : i1 to i32
      %cond3A_2155 = arith.constant 0 : i32
      %cond3A_2156 = arith.cmpi ne, %convert_element_type3A_2154, %cond3A_2155 : i32
      scf.if %cond3A_2156 {
        %mul3A_2424 = arith.constant 8 : i32
        %mul3A_2425 = arith.muli %add3A_1893, %mul3A_2424 : i32
        %add3A_2426 = arith.addi %mul3A_2, %mul3A_2425 : i32
        %add3A_2427 = arith.constant 0 : i32
        %add3A_2428 = arith.addi %add3A_2426, %add3A_2427 : i32
        %dma_wait3A_2429 = arith.constant 0 : i32
        %dma_wait3A_2430 = arith.constant 0 : i32
        %dma_wait3A_2431 = tpu.memref_slice %arg8[%dma_wait3A_2429, %dma_wait3A_2430] : memref<208x128xf32, #tpu.memory_space<vmem>> -> memref<26x128xf32, #tpu.memory_space<vmem>>
        %dma_wait3A_2432 = arith.constant 0 : i32
        %dma_wait3A_2433 = arith.constant 0 : i32
        %dma_wait3A_2434 = tpu.memref_slice %arg4[%add3A_2428, %dma_wait3A_2432, %dma_wait3A_2433] : memref<16384x26x128xf32, #tpu.memory_space<hbm>> -> memref<1x26x128xf32, #tpu.memory_space<hbm>>
        %dma_wait3A_2435 = tpu.memref_squeeze %dma_wait3A_2434 : memref<1x26x128xf32, #tpu.memory_space<hbm>> -> memref<26x128xf32, #tpu.memory_space<hbm>>
        %dma_wait3A_2436 = arith.constant 0 : i32
        %dma_wait3A_2437 = arith.constant 0 : i32
        %dma_wait3A_2438 = tpu.memref_slice %arg4[%add3A_2428, %dma_wait3A_2436, %dma_wait3A_2437] : memref<16384x26x128xf32, #tpu.memory_space<hbm>> -> memref<1x26x128xf32, #tpu.memory_space<hbm>>
        %dma_wait3A_2439 = tpu.memref_squeeze %dma_wait3A_2438 : memref<1x26x128xf32, #tpu.memory_space<hbm>> -> memref<26x128xf32, #tpu.memory_space<hbm>>
        %dma_wait3A_2440 = arith.constant 0 : i32
        %dma_wait3A_2441 = arith.constant 0 : i32
        %dma_wait3A_2442 = tpu.memref_slice %arg8[%dma_wait3A_2440, %dma_wait3A_2441] : memref<208x128xf32, #tpu.memory_space<vmem>> -> memref<26x128xf32, #tpu.memory_space<vmem>>
        tpu.wait_dma2 semaphore(%arg16 : memref<!tpu.dma_semaphore, #tpu.memory_space<semaphore_mem>>) src(%dma_wait3A_2442 : memref<26x128xf32, #tpu.memory_space<vmem>>) dst(%dma_wait3A_2439 : memref<26x128xf32, #tpu.memory_space<hbm>>)
        %mul3A_2443 = arith.constant 8 : i32
        %mul3A_2444 = arith.muli %add3A_1893, %mul3A_2443 : i32
        %add3A_2445 = arith.addi %mul3A_2, %mul3A_2444 : i32
        %add3A_2446 = arith.constant 1 : i32
        %add3A_2447 = arith.addi %add3A_2445, %add3A_2446 : i32
        %dma_wait3A_2448 = arith.constant 26 : i32
        %dma_wait3A_2449 = arith.constant 0 : i32
        %dma_wait3A_2450 = tpu.memref_slice %arg8[%dma_wait3A_2448, %dma_wait3A_2449] : memref<208x128xf32, #tpu.memory_space<vmem>> -> memref<26x128xf32, #tpu.memory_space<vmem>>
        %dma_wait3A_2451 = arith.constant 0 : i32
        %dma_wait3A_2452 = arith.constant 0 : i32
        %dma_wait3A_2453 = tpu.memref_slice %arg4[%add3A_2447, %dma_wait3A_2451, %dma_wait3A_2452] : memref<16384x26x128xf32, #tpu.memory_space<hbm>> -> memref<1x26x128xf32, #tpu.memory_space<hbm>>
        %dma_wait3A_2454 = tpu.memref_squeeze %dma_wait3A_2453 : memref<1x26x128xf32, #tpu.memory_space<hbm>> -> memref<26x128xf32, #tpu.memory_space<hbm>>
        %dma_wait3A_2455 = arith.constant 0 : i32
        %dma_wait3A_2456 = arith.constant 0 : i32
        %dma_wait3A_2457 = tpu.memref_slice %arg4[%add3A_2447, %dma_wait3A_2455, %dma_wait3A_2456] : memref<16384x26x128xf32, #tpu.memory_space<hbm>> -> memref<1x26x128xf32, #tpu.memory_space<hbm>>
        %dma_wait3A_2458 = tpu.memref_squeeze %dma_wait3A_2457 : memref<1x26x128xf32, #tpu.memory_space<hbm>> -> memref<26x128xf32, #tpu.memory_space<hbm>>
        %dma_wait3A_2459 = arith.constant 26 : i32
        %dma_wait3A_2460 = arith.constant 0 : i32
        %dma_wait3A_2461 = tpu.memref_slice %arg8[%dma_wait3A_2459, %dma_wait3A_2460] : memref<208x128xf32, #tpu.memory_space<vmem>> -> memref<26x128xf32, #tpu.memory_space<vmem>>
        tpu.wait_dma2 semaphore(%arg16 : memref<!tpu.dma_semaphore, #tpu.memory_space<semaphore_mem>>) src(%dma_wait3A_2461 : memref<26x128xf32, #tpu.memory_space<vmem>>) dst(%dma_wait3A_2458 : memref<26x128xf32, #tpu.memory_space<hbm>>)
        %mul3A_2462 = arith.constant 8 : i32
        %mul3A_2463 = arith.muli %add3A_1893, %mul3A_2462 : i32
        %add3A_2464 = arith.addi %mul3A_2, %mul3A_2463 : i32
        %add3A_2465 = arith.constant 2 : i32
        %add3A_2466 = arith.addi %add3A_2464, %add3A_2465 : i32
        %dma_wait3A_2467 = arith.constant 52 : i32
        %dma_wait3A_2468 = arith.constant 0 : i32
        %dma_wait3A_2469 = tpu.memref_slice %arg8[%dma_wait3A_2467, %dma_wait3A_2468] : memref<208x128xf32, #tpu.memory_space<vmem>> -> memref<26x128xf32, #tpu.memory_space<vmem>>
        %dma_wait3A_2470 = arith.constant 0 : i32
        %dma_wait3A_2471 = arith.constant 0 : i32
        %dma_wait3A_2472 = tpu.memref_slice %arg4[%add3A_2466, %dma_wait3A_2470, %dma_wait3A_2471] : memref<16384x26x128xf32, #tpu.memory_space<hbm>> -> memref<1x26x128xf32, #tpu.memory_space<hbm>>
        %dma_wait3A_2473 = tpu.memref_squeeze %dma_wait3A_2472 : memref<1x26x128xf32, #tpu.memory_space<hbm>> -> memref<26x128xf32, #tpu.memory_space<hbm>>
        %dma_wait3A_2474 = arith.constant 0 : i32
        %dma_wait3A_2475 = arith.constant 0 : i32
        %dma_wait3A_2476 = tpu.memref_slice %arg4[%add3A_2466, %dma_wait3A_2474, %dma_wait3A_2475] : memref<16384x26x128xf32, #tpu.memory_space<hbm>> -> memref<1x26x128xf32, #tpu.memory_space<hbm>>
        %dma_wait3A_2477 = tpu.memref_squeeze %dma_wait3A_2476 : memref<1x26x128xf32, #tpu.memory_space<hbm>> -> memref<26x128xf32, #tpu.memory_space<hbm>>
        %dma_wait3A_2478 = arith.constant 52 : i32
        %dma_wait3A_2479 = arith.constant 0 : i32
        %dma_wait3A_2480 = tpu.memref_slice %arg8[%dma_wait3A_2478, %dma_wait3A_2479] : memref<208x128xf32, #tpu.memory_space<vmem>> -> memref<26x128xf32, #tpu.memory_space<vmem>>
        tpu.wait_dma2 semaphore(%arg16 : memref<!tpu.dma_semaphore, #tpu.memory_space<semaphore_mem>>) src(%dma_wait3A_2480 : memref<26x128xf32, #tpu.memory_space<vmem>>) dst(%dma_wait3A_2477 : memref<26x128xf32, #tpu.memory_space<hbm>>)
        %mul3A_2481 = arith.constant 8 : i32
        %mul3A_2482 = arith.muli %add3A_1893, %mul3A_2481 : i32
        %add3A_2483 = arith.addi %mul3A_2, %mul3A_2482 : i32
        %add3A_2484 = arith.constant 3 : i32
        %add3A_2485 = arith.addi %add3A_2483, %add3A_2484 : i32
        %dma_wait3A_2486 = arith.constant 78 : i32
        %dma_wait3A_2487 = arith.constant 0 : i32
        %dma_wait3A_2488 = tpu.memref_slice %arg8[%dma_wait3A_2486, %dma_wait3A_2487] : memref<208x128xf32, #tpu.memory_space<vmem>> -> memref<26x128xf32, #tpu.memory_space<vmem>>
        %dma_wait3A_2489 = arith.constant 0 : i32
        %dma_wait3A_2490 = arith.constant 0 : i32
        %dma_wait3A_2491 = tpu.memref_slice %arg4[%add3A_2485, %dma_wait3A_2489, %dma_wait3A_2490] : memref<16384x26x128xf32, #tpu.memory_space<hbm>> -> memref<1x26x128xf32, #tpu.memory_space<hbm>>
        %dma_wait3A_2492 = tpu.memref_squeeze %dma_wait3A_2491 : memref<1x26x128xf32, #tpu.memory_space<hbm>> -> memref<26x128xf32, #tpu.memory_space<hbm>>
        %dma_wait3A_2493 = arith.constant 0 : i32
        %dma_wait3A_2494 = arith.constant 0 : i32
        %dma_wait3A_2495 = tpu.memref_slice %arg4[%add3A_2485, %dma_wait3A_2493, %dma_wait3A_2494] : memref<16384x26x128xf32, #tpu.memory_space<hbm>> -> memref<1x26x128xf32, #tpu.memory_space<hbm>>
        %dma_wait3A_2496 = tpu.memref_squeeze %dma_wait3A_2495 : memref<1x26x128xf32, #tpu.memory_space<hbm>> -> memref<26x128xf32, #tpu.memory_space<hbm>>
        %dma_wait3A_2497 = arith.constant 78 : i32
        %dma_wait3A_2498 = arith.constant 0 : i32
        %dma_wait3A_2499 = tpu.memref_slice %arg8[%dma_wait3A_2497, %dma_wait3A_2498] : memref<208x128xf32, #tpu.memory_space<vmem>> -> memref<26x128xf32, #tpu.memory_space<vmem>>
        tpu.wait_dma2 semaphore(%arg16 : memref<!tpu.dma_semaphore, #tpu.memory_space<semaphore_mem>>) src(%dma_wait3A_2499 : memref<26x128xf32, #tpu.memory_space<vmem>>) dst(%dma_wait3A_2496 : memref<26x128xf32, #tpu.memory_space<hbm>>)
        %mul3A_2500 = arith.constant 8 : i32
        %mul3A_2501 = arith.muli %add3A_1893, %mul3A_2500 : i32
        %add3A_2502 = arith.addi %mul3A_2, %mul3A_2501 : i32
        %add3A_2503 = arith.constant 4 : i32
        %add3A_2504 = arith.addi %add3A_2502, %add3A_2503 : i32
        %dma_wait3A_2505 = arith.constant 104 : i32
        %dma_wait3A_2506 = arith.constant 0 : i32
        %dma_wait3A_2507 = tpu.memref_slice %arg8[%dma_wait3A_2505, %dma_wait3A_2506] : memref<208x128xf32, #tpu.memory_space<vmem>> -> memref<26x128xf32, #tpu.memory_space<vmem>>
        %dma_wait3A_2508 = arith.constant 0 : i32
        %dma_wait3A_2509 = arith.constant 0 : i32
        %dma_wait3A_2510 = tpu.memref_slice %arg4[%add3A_2504, %dma_wait3A_2508, %dma_wait3A_2509] : memref<16384x26x128xf32, #tpu.memory_space<hbm>> -> memref<1x26x128xf32, #tpu.memory_space<hbm>>
        %dma_wait3A_2511 = tpu.memref_squeeze %dma_wait3A_2510 : memref<1x26x128xf32, #tpu.memory_space<hbm>> -> memref<26x128xf32, #tpu.memory_space<hbm>>
        %dma_wait3A_2512 = arith.constant 0 : i32
        %dma_wait3A_2513 = arith.constant 0 : i32
        %dma_wait3A_2514 = tpu.memref_slice %arg4[%add3A_2504, %dma_wait3A_2512, %dma_wait3A_2513] : memref<16384x26x128xf32, #tpu.memory_space<hbm>> -> memref<1x26x128xf32, #tpu.memory_space<hbm>>
        %dma_wait3A_2515 = tpu.memref_squeeze %dma_wait3A_2514 : memref<1x26x128xf32, #tpu.memory_space<hbm>> -> memref<26x128xf32, #tpu.memory_space<hbm>>
        %dma_wait3A_2516 = arith.constant 104 : i32
        %dma_wait3A_2517 = arith.constant 0 : i32
        %dma_wait3A_2518 = tpu.memref_slice %arg8[%dma_wait3A_2516, %dma_wait3A_2517] : memref<208x128xf32, #tpu.memory_space<vmem>> -> memref<26x128xf32, #tpu.memory_space<vmem>>
        tpu.wait_dma2 semaphore(%arg16 : memref<!tpu.dma_semaphore, #tpu.memory_space<semaphore_mem>>) src(%dma_wait3A_2518 : memref<26x128xf32, #tpu.memory_space<vmem>>) dst(%dma_wait3A_2515 : memref<26x128xf32, #tpu.memory_space<hbm>>)
        %mul3A_2519 = arith.constant 8 : i32
        %mul3A_2520 = arith.muli %add3A_1893, %mul3A_2519 : i32
        %add3A_2521 = arith.addi %mul3A_2, %mul3A_2520 : i32
        %add3A_2522 = arith.constant 5 : i32
        %add3A_2523 = arith.addi %add3A_2521, %add3A_2522 : i32
        %dma_wait3A_2524 = arith.constant 130 : i32
        %dma_wait3A_2525 = arith.constant 0 : i32
        %dma_wait3A_2526 = tpu.memref_slice %arg8[%dma_wait3A_2524, %dma_wait3A_2525] : memref<208x128xf32, #tpu.memory_space<vmem>> -> memref<26x128xf32, #tpu.memory_space<vmem>>
        %dma_wait3A_2527 = arith.constant 0 : i32
        %dma_wait3A_2528 = arith.constant 0 : i32
        %dma_wait3A_2529 = tpu.memref_slice %arg4[%add3A_2523, %dma_wait3A_2527, %dma_wait3A_2528] : memref<16384x26x128xf32, #tpu.memory_space<hbm>> -> memref<1x26x128xf32, #tpu.memory_space<hbm>>
        %dma_wait3A_2530 = tpu.memref_squeeze %dma_wait3A_2529 : memref<1x26x128xf32, #tpu.memory_space<hbm>> -> memref<26x128xf32, #tpu.memory_space<hbm>>
        %dma_wait3A_2531 = arith.constant 0 : i32
        %dma_wait3A_2532 = arith.constant 0 : i32
        %dma_wait3A_2533 = tpu.memref_slice %arg4[%add3A_2523, %dma_wait3A_2531, %dma_wait3A_2532] : memref<16384x26x128xf32, #tpu.memory_space<hbm>> -> memref<1x26x128xf32, #tpu.memory_space<hbm>>
        %dma_wait3A_2534 = tpu.memref_squeeze %dma_wait3A_2533 : memref<1x26x128xf32, #tpu.memory_space<hbm>> -> memref<26x128xf32, #tpu.memory_space<hbm>>
        %dma_wait3A_2535 = arith.constant 130 : i32
        %dma_wait3A_2536 = arith.constant 0 : i32
        %dma_wait3A_2537 = tpu.memref_slice %arg8[%dma_wait3A_2535, %dma_wait3A_2536] : memref<208x128xf32, #tpu.memory_space<vmem>> -> memref<26x128xf32, #tpu.memory_space<vmem>>
        tpu.wait_dma2 semaphore(%arg16 : memref<!tpu.dma_semaphore, #tpu.memory_space<semaphore_mem>>) src(%dma_wait3A_2537 : memref<26x128xf32, #tpu.memory_space<vmem>>) dst(%dma_wait3A_2534 : memref<26x128xf32, #tpu.memory_space<hbm>>)
        %mul3A_2538 = arith.constant 8 : i32
        %mul3A_2539 = arith.muli %add3A_1893, %mul3A_2538 : i32
        %add3A_2540 = arith.addi %mul3A_2, %mul3A_2539 : i32
        %add3A_2541 = arith.constant 6 : i32
        %add3A_2542 = arith.addi %add3A_2540, %add3A_2541 : i32
        %dma_wait3A_2543 = arith.constant 156 : i32
        %dma_wait3A_2544 = arith.constant 0 : i32
        %dma_wait3A_2545 = tpu.memref_slice %arg8[%dma_wait3A_2543, %dma_wait3A_2544] : memref<208x128xf32, #tpu.memory_space<vmem>> -> memref<26x128xf32, #tpu.memory_space<vmem>>
        %dma_wait3A_2546 = arith.constant 0 : i32
        %dma_wait3A_2547 = arith.constant 0 : i32
        %dma_wait3A_2548 = tpu.memref_slice %arg4[%add3A_2542, %dma_wait3A_2546, %dma_wait3A_2547] : memref<16384x26x128xf32, #tpu.memory_space<hbm>> -> memref<1x26x128xf32, #tpu.memory_space<hbm>>
        %dma_wait3A_2549 = tpu.memref_squeeze %dma_wait3A_2548 : memref<1x26x128xf32, #tpu.memory_space<hbm>> -> memref<26x128xf32, #tpu.memory_space<hbm>>
        %dma_wait3A_2550 = arith.constant 0 : i32
        %dma_wait3A_2551 = arith.constant 0 : i32
        %dma_wait3A_2552 = tpu.memref_slice %arg4[%add3A_2542, %dma_wait3A_2550, %dma_wait3A_2551] : memref<16384x26x128xf32, #tpu.memory_space<hbm>> -> memref<1x26x128xf32, #tpu.memory_space<hbm>>
        %dma_wait3A_2553 = tpu.memref_squeeze %dma_wait3A_2552 : memref<1x26x128xf32, #tpu.memory_space<hbm>> -> memref<26x128xf32, #tpu.memory_space<hbm>>
        %dma_wait3A_2554 = arith.constant 156 : i32
        %dma_wait3A_2555 = arith.constant 0 : i32
        %dma_wait3A_2556 = tpu.memref_slice %arg8[%dma_wait3A_2554, %dma_wait3A_2555] : memref<208x128xf32, #tpu.memory_space<vmem>> -> memref<26x128xf32, #tpu.memory_space<vmem>>
        tpu.wait_dma2 semaphore(%arg16 : memref<!tpu.dma_semaphore, #tpu.memory_space<semaphore_mem>>) src(%dma_wait3A_2556 : memref<26x128xf32, #tpu.memory_space<vmem>>) dst(%dma_wait3A_2553 : memref<26x128xf32, #tpu.memory_space<hbm>>)
        %mul3A_2557 = arith.constant 8 : i32
        %mul3A_2558 = arith.muli %add3A_1893, %mul3A_2557 : i32
        %add3A_2559 = arith.addi %mul3A_2, %mul3A_2558 : i32
        %add3A_2560 = arith.constant 7 : i32
        %add3A_2561 = arith.addi %add3A_2559, %add3A_2560 : i32
        %dma_wait3A_2562 = arith.constant 182 : i32
        %dma_wait3A_2563 = arith.constant 0 : i32
        %dma_wait3A_2564 = tpu.memref_slice %arg8[%dma_wait3A_2562, %dma_wait3A_2563] : memref<208x128xf32, #tpu.memory_space<vmem>> -> memref<26x128xf32, #tpu.memory_space<vmem>>
        %dma_wait3A_2565 = arith.constant 0 : i32
        %dma_wait3A_2566 = arith.constant 0 : i32
        %dma_wait3A_2567 = tpu.memref_slice %arg4[%add3A_2561, %dma_wait3A_2565, %dma_wait3A_2566] : memref<16384x26x128xf32, #tpu.memory_space<hbm>> -> memref<1x26x128xf32, #tpu.memory_space<hbm>>
        %dma_wait3A_2568 = tpu.memref_squeeze %dma_wait3A_2567 : memref<1x26x128xf32, #tpu.memory_space<hbm>> -> memref<26x128xf32, #tpu.memory_space<hbm>>
        %dma_wait3A_2569 = arith.constant 0 : i32
        %dma_wait3A_2570 = arith.constant 0 : i32
        %dma_wait3A_2571 = tpu.memref_slice %arg4[%add3A_2561, %dma_wait3A_2569, %dma_wait3A_2570] : memref<16384x26x128xf32, #tpu.memory_space<hbm>> -> memref<1x26x128xf32, #tpu.memory_space<hbm>>
        %dma_wait3A_2572 = tpu.memref_squeeze %dma_wait3A_2571 : memref<1x26x128xf32, #tpu.memory_space<hbm>> -> memref<26x128xf32, #tpu.memory_space<hbm>>
        %dma_wait3A_2573 = arith.constant 182 : i32
        %dma_wait3A_2574 = arith.constant 0 : i32
        %dma_wait3A_2575 = tpu.memref_slice %arg8[%dma_wait3A_2573, %dma_wait3A_2574] : memref<208x128xf32, #tpu.memory_space<vmem>> -> memref<26x128xf32, #tpu.memory_space<vmem>>
        tpu.wait_dma2 semaphore(%arg16 : memref<!tpu.dma_semaphore, #tpu.memory_space<semaphore_mem>>) src(%dma_wait3A_2575 : memref<26x128xf32, #tpu.memory_space<vmem>>) dst(%dma_wait3A_2572 : memref<26x128xf32, #tpu.memory_space<hbm>>)
        %mul3A_2576 = arith.constant 8 : i32
        %mul3A_2577 = arith.muli %add3A_2151, %mul3A_2576 : i32
        %add3A_2578 = arith.constant 0 : i32
        %add3A_2579 = arith.addi %mul3A_2577, %add3A_2578 : i32
        %mul3A_2580 = arith.constant 32 : i32
        %mul3A_2581 = arith.muli %add3A_2579, %mul3A_2580 : i32
        %mul3A_2582 = arith.constant 32 : i32
        %mul3A_2583 = arith.muli %add3A_2579, %mul3A_2582 : i32
        %add3A_2584 = arith.constant 16 : i32
        %add3A_2585 = arith.addi %mul3A_2583, %add3A_2584 : i32
        %get3A_2586 = arith.index_cast %mul3A_2581 : i32 to index
        %get3A_2587 = tpu.vector_load %arg5[%get3A_2586] {strides = array<i32>} : memref<16384xi32, #tpu.memory_space<vmem>>, vector<16xi32>,
        %get3A_2588 = vector.shape_cast %get3A_2587 : vector<16xi32> to vector<16xi32>
        %add3A_2589 = arith.addi %get3A_2588, %mul3A_5 : vector<16xi32>
        %swap3A_2590 = arith.index_cast %mul3A_2581 : i32 to index
        %swap3A_2591 = tpu.vector_load %arg5[%swap3A_2590] {strides = array<i32>} : memref<16384xi32, #tpu.memory_space<vmem>>, vector<16xi32>,
        %swap3A_2592 = vector.shape_cast %swap3A_2591 : vector<16xi32> to vector<16xi32>
        %swap3A_2593 = vector.shape_cast %add3A_2589 : vector<16xi32> to vector<16xi32>
        tpu.vector_store %arg5[%swap3A_2590], %swap3A_2593 {strides = array<i32>} : memref<16384xi32, #tpu.memory_space<vmem>>, vector<16xi32>,
        %get3A_2594 = arith.index_cast %add3A_2585 : i32 to index
        %get3A_2595 = tpu.vector_load %arg5[%get3A_2594] {strides = array<i32>} : memref<16384xi32, #tpu.memory_space<vmem>>, vector<16xi32>,
        %get3A_2596 = vector.shape_cast %get3A_2595 : vector<16xi32> to vector<16xi32>
        %add3A_2597 = arith.addi %get3A_2596, %mul3A_11 : vector<16xi32>
        %swap3A_2598 = arith.index_cast %add3A_2585 : i32 to index
        %swap3A_2599 = tpu.vector_load %arg5[%swap3A_2598] {strides = array<i32>} : memref<16384xi32, #tpu.memory_space<vmem>>, vector<16xi32>,
        %swap3A_2600 = vector.shape_cast %swap3A_2599 : vector<16xi32> to vector<16xi32>
        %swap3A_2601 = vector.shape_cast %add3A_2597 : vector<16xi32> to vector<16xi32>
        tpu.vector_store %arg5[%swap3A_2598], %swap3A_2601 {strides = array<i32>} : memref<16384xi32, #tpu.memory_space<vmem>>, vector<16xi32>,
        %mul3A_2602 = arith.constant 32 : i32
        %mul3A_2603 = arith.muli %add3A_2579, %mul3A_2602 : i32
        %dma_start3A_2604 = arith.constant 0 : i32
        %dma_start3A_2605 = arith.constant 0 : i32
        %dma_start3A_2606 = tpu.memref_slice %arg8[%dma_start3A_2604, %dma_start3A_2605] : memref<208x128xf32, #tpu.memory_space<vmem>> -> memref<26x128xf32, #tpu.memory_space<vmem>>
        %dma_start3A_2607 = tpu.memref_slice %arg5[%mul3A_2603] : memref<16384xi32, #tpu.memory_space<vmem>> -> memref<26xi32, #tpu.memory_space<vmem>>
        %dma_start3A_2608 = arith.constant 0 : i32
        %dma_start3A_2609 = arith.constant 0 : i32
        %dma_start3A_2610 = tpu.memref_slice %arg3[%dma_start3A_2608, %dma_start3A_2609] : memref<100022x128xf32, #tpu.memory_space<hbm>> -> memref<100022x128xf32, #tpu.memory_space<hbm>>
        tpu.enqueue_indirect_dma source(%dma_start3A_2610 : memref<100022x128xf32, #tpu.memory_space<hbm>>) target(%dma_start3A_2606 : memref<26x128xf32, #tpu.memory_space<vmem>>) offsets(%dma_start3A_2607 : memref<26xi32, #tpu.memory_space<vmem>>) semaphore(%arg12 : memref<!tpu.dma_semaphore, #tpu.memory_space<semaphore_mem>>)
        %mul3A_2611 = arith.constant 8 : i32
        %mul3A_2612 = arith.muli %add3A_2151, %mul3A_2611 : i32
        %add3A_2613 = arith.constant 1 : i32
        %add3A_2614 = arith.addi %mul3A_2612, %add3A_2613 : i32
        %mul3A_2615 = arith.constant 32 : i32
        %mul3A_2616 = arith.muli %add3A_2614, %mul3A_2615 : i32
        %mul3A_2617 = arith.constant 32 : i32
        %mul3A_2618 = arith.muli %add3A_2614, %mul3A_2617 : i32
        %add3A_2619 = arith.constant 16 : i32
        %add3A_2620 = arith.addi %mul3A_2618, %add3A_2619 : i32
        %get3A_2621 = arith.index_cast %mul3A_2616 : i32 to index
        %get3A_2622 = tpu.vector_load %arg5[%get3A_2621] {strides = array<i32>} : memref<16384xi32, #tpu.memory_space<vmem>>, vector<16xi32>,
        %get3A_2623 = vector.shape_cast %get3A_2622 : vector<16xi32> to vector<16xi32>
        %add3A_2624 = arith.addi %get3A_2623, %mul3A_5 : vector<16xi32>
        %swap3A_2625 = arith.index_cast %mul3A_2616 : i32 to index
        %swap3A_2626 = tpu.vector_load %arg5[%swap3A_2625] {strides = array<i32>} : memref<16384xi32, #tpu.memory_space<vmem>>, vector<16xi32>,
        %swap3A_2627 = vector.shape_cast %swap3A_2626 : vector<16xi32> to vector<16xi32>
        %swap3A_2628 = vector.shape_cast %add3A_2624 : vector<16xi32> to vector<16xi32>
        tpu.vector_store %arg5[%swap3A_2625], %swap3A_2628 {strides = array<i32>} : memref<16384xi32, #tpu.memory_space<vmem>>, vector<16xi32>,
        %get3A_2629 = arith.index_cast %add3A_2620 : i32 to index
        %get3A_2630 = tpu.vector_load %arg5[%get3A_2629] {strides = array<i32>} : memref<16384xi32, #tpu.memory_space<vmem>>, vector<16xi32>,
        %get3A_2631 = vector.shape_cast %get3A_2630 : vector<16xi32> to vector<16xi32>
        %add3A_2632 = arith.addi %get3A_2631, %mul3A_11 : vector<16xi32>
        %swap3A_2633 = arith.index_cast %add3A_2620 : i32 to index
        %swap3A_2634 = tpu.vector_load %arg5[%swap3A_2633] {strides = array<i32>} : memref<16384xi32, #tpu.memory_space<vmem>>, vector<16xi32>,
        %swap3A_2635 = vector.shape_cast %swap3A_2634 : vector<16xi32> to vector<16xi32>
        %swap3A_2636 = vector.shape_cast %add3A_2632 : vector<16xi32> to vector<16xi32>
        tpu.vector_store %arg5[%swap3A_2633], %swap3A_2636 {strides = array<i32>} : memref<16384xi32, #tpu.memory_space<vmem>>, vector<16xi32>,
        %mul3A_2637 = arith.constant 32 : i32
        %mul3A_2638 = arith.muli %add3A_2614, %mul3A_2637 : i32
        %dma_start3A_2639 = arith.constant 26 : i32
        %dma_start3A_2640 = arith.constant 0 : i32
        %dma_start3A_2641 = tpu.memref_slice %arg8[%dma_start3A_2639, %dma_start3A_2640] : memref<208x128xf32, #tpu.memory_space<vmem>> -> memref<26x128xf32, #tpu.memory_space<vmem>>
        %dma_start3A_2642 = tpu.memref_slice %arg5[%mul3A_2638] : memref<16384xi32, #tpu.memory_space<vmem>> -> memref<26xi32, #tpu.memory_space<vmem>>
        %dma_start3A_2643 = arith.constant 0 : i32
        %dma_start3A_2644 = arith.constant 0 : i32
        %dma_start3A_2645 = tpu.memref_slice %arg3[%dma_start3A_2643, %dma_start3A_2644] : memref<100022x128xf32, #tpu.memory_space<hbm>> -> memref<100022x128xf32, #tpu.memory_space<hbm>>
        tpu.enqueue_indirect_dma source(%dma_start3A_2645 : memref<100022x128xf32, #tpu.memory_space<hbm>>) target(%dma_start3A_2641 : memref<26x128xf32, #tpu.memory_space<vmem>>) offsets(%dma_start3A_2642 : memref<26xi32, #tpu.memory_space<vmem>>) semaphore(%arg12 : memref<!tpu.dma_semaphore, #tpu.memory_space<semaphore_mem>>)
        %mul3A_2646 = arith.constant 8 : i32
        %mul3A_2647 = arith.muli %add3A_2151, %mul3A_2646 : i32
        %add3A_2648 = arith.constant 2 : i32
        %add3A_2649 = arith.addi %mul3A_2647, %add3A_2648 : i32
        %mul3A_2650 = arith.constant 32 : i32
        %mul3A_2651 = arith.muli %add3A_2649, %mul3A_2650 : i32
        %mul3A_2652 = arith.constant 32 : i32
        %mul3A_2653 = arith.muli %add3A_2649, %mul3A_2652 : i32
        %add3A_2654 = arith.constant 16 : i32
        %add3A_2655 = arith.addi %mul3A_2653, %add3A_2654 : i32
        %get3A_2656 = arith.index_cast %mul3A_2651 : i32 to index
        %get3A_2657 = tpu.vector_load %arg5[%get3A_2656] {strides = array<i32>} : memref<16384xi32, #tpu.memory_space<vmem>>, vector<16xi32>,
        %get3A_2658 = vector.shape_cast %get3A_2657 : vector<16xi32> to vector<16xi32>
        %add3A_2659 = arith.addi %get3A_2658, %mul3A_5 : vector<16xi32>
        %swap3A_2660 = arith.index_cast %mul3A_2651 : i32 to index
        %swap3A_2661 = tpu.vector_load %arg5[%swap3A_2660] {strides = array<i32>} : memref<16384xi32, #tpu.memory_space<vmem>>, vector<16xi32>,
        %swap3A_2662 = vector.shape_cast %swap3A_2661 : vector<16xi32> to vector<16xi32>
        %swap3A_2663 = vector.shape_cast %add3A_2659 : vector<16xi32> to vector<16xi32>
        tpu.vector_store %arg5[%swap3A_2660], %swap3A_2663 {strides = array<i32>} : memref<16384xi32, #tpu.memory_space<vmem>>, vector<16xi32>,
        %get3A_2664 = arith.index_cast %add3A_2655 : i32 to index
        %get3A_2665 = tpu.vector_load %arg5[%get3A_2664] {strides = array<i32>} : memref<16384xi32, #tpu.memory_space<vmem>>, vector<16xi32>,
        %get3A_2666 = vector.shape_cast %get3A_2665 : vector<16xi32> to vector<16xi32>
        %add3A_2667 = arith.addi %get3A_2666, %mul3A_11 : vector<16xi32>
        %swap3A_2668 = arith.index_cast %add3A_2655 : i32 to index
        %swap3A_2669 = tpu.vector_load %arg5[%swap3A_2668] {strides = array<i32>} : memref<16384xi32, #tpu.memory_space<vmem>>, vector<16xi32>,
        %swap3A_2670 = vector.shape_cast %swap3A_2669 : vector<16xi32> to vector<16xi32>
        %swap3A_2671 = vector.shape_cast %add3A_2667 : vector<16xi32> to vector<16xi32>
        tpu.vector_store %arg5[%swap3A_2668], %swap3A_2671 {strides = array<i32>} : memref<16384xi32, #tpu.memory_space<vmem>>, vector<16xi32>,
        %mul3A_2672 = arith.constant 32 : i32
        %mul3A_2673 = arith.muli %add3A_2649, %mul3A_2672 : i32
        %dma_start3A_2674 = arith.constant 52 : i32
        %dma_start3A_2675 = arith.constant 0 : i32
        %dma_start3A_2676 = tpu.memref_slice %arg8[%dma_start3A_2674, %dma_start3A_2675] : memref<208x128xf32, #tpu.memory_space<vmem>> -> memref<26x128xf32, #tpu.memory_space<vmem>>
        %dma_start3A_2677 = tpu.memref_slice %arg5[%mul3A_2673] : memref<16384xi32, #tpu.memory_space<vmem>> -> memref<26xi32, #tpu.memory_space<vmem>>
        %dma_start3A_2678 = arith.constant 0 : i32
        %dma_start3A_2679 = arith.constant 0 : i32
        %dma_start3A_2680 = tpu.memref_slice %arg3[%dma_start3A_2678, %dma_start3A_2679] : memref<100022x128xf32, #tpu.memory_space<hbm>> -> memref<100022x128xf32, #tpu.memory_space<hbm>>
        tpu.enqueue_indirect_dma source(%dma_start3A_2680 : memref<100022x128xf32, #tpu.memory_space<hbm>>) target(%dma_start3A_2676 : memref<26x128xf32, #tpu.memory_space<vmem>>) offsets(%dma_start3A_2677 : memref<26xi32, #tpu.memory_space<vmem>>) semaphore(%arg12 : memref<!tpu.dma_semaphore, #tpu.memory_space<semaphore_mem>>)
        %mul3A_2681 = arith.constant 8 : i32
        %mul3A_2682 = arith.muli %add3A_2151, %mul3A_2681 : i32
        %add3A_2683 = arith.constant 3 : i32
        %add3A_2684 = arith.addi %mul3A_2682, %add3A_2683 : i32
        %mul3A_2685 = arith.constant 32 : i32
        %mul3A_2686 = arith.muli %add3A_2684, %mul3A_2685 : i32
        %mul3A_2687 = arith.constant 32 : i32
        %mul3A_2688 = arith.muli %add3A_2684, %mul3A_2687 : i32
        %add3A_2689 = arith.constant 16 : i32
        %add3A_2690 = arith.addi %mul3A_2688, %add3A_2689 : i32
        %get3A_2691 = arith.index_cast %mul3A_2686 : i32 to index
        %get3A_2692 = tpu.vector_load %arg5[%get3A_2691] {strides = array<i32>} : memref<16384xi32, #tpu.memory_space<vmem>>, vector<16xi32>,
        %get3A_2693 = vector.shape_cast %get3A_2692 : vector<16xi32> to vector<16xi32>
        %add3A_2694 = arith.addi %get3A_2693, %mul3A_5 : vector<16xi32>
        %swap3A_2695 = arith.index_cast %mul3A_2686 : i32 to index
        %swap3A_2696 = tpu.vector_load %arg5[%swap3A_2695] {strides = array<i32>} : memref<16384xi32, #tpu.memory_space<vmem>>, vector<16xi32>,
        %swap3A_2697 = vector.shape_cast %swap3A_2696 : vector<16xi32> to vector<16xi32>
        %swap3A_2698 = vector.shape_cast %add3A_2694 : vector<16xi32> to vector<16xi32>
        tpu.vector_store %arg5[%swap3A_2695], %swap3A_2698 {strides = array<i32>} : memref<16384xi32, #tpu.memory_space<vmem>>, vector<16xi32>,
        %get3A_2699 = arith.index_cast %add3A_2690 : i32 to index
        %get3A_2700 = tpu.vector_load %arg5[%get3A_2699] {strides = array<i32>} : memref<16384xi32, #tpu.memory_space<vmem>>, vector<16xi32>,
        %get3A_2701 = vector.shape_cast %get3A_2700 : vector<16xi32> to vector<16xi32>
        %add3A_2702 = arith.addi %get3A_2701, %mul3A_11 : vector<16xi32>
        %swap3A_2703 = arith.index_cast %add3A_2690 : i32 to index
        %swap3A_2704 = tpu.vector_load %arg5[%swap3A_2703] {strides = array<i32>} : memref<16384xi32, #tpu.memory_space<vmem>>, vector<16xi32>,
        %swap3A_2705 = vector.shape_cast %swap3A_2704 : vector<16xi32> to vector<16xi32>
        %swap3A_2706 = vector.shape_cast %add3A_2702 : vector<16xi32> to vector<16xi32>
        tpu.vector_store %arg5[%swap3A_2703], %swap3A_2706 {strides = array<i32>} : memref<16384xi32, #tpu.memory_space<vmem>>, vector<16xi32>,
        %mul3A_2707 = arith.constant 32 : i32
        %mul3A_2708 = arith.muli %add3A_2684, %mul3A_2707 : i32
        %dma_start3A_2709 = arith.constant 78 : i32
        %dma_start3A_2710 = arith.constant 0 : i32
        %dma_start3A_2711 = tpu.memref_slice %arg8[%dma_start3A_2709, %dma_start3A_2710] : memref<208x128xf32, #tpu.memory_space<vmem>> -> memref<26x128xf32, #tpu.memory_space<vmem>>
        %dma_start3A_2712 = tpu.memref_slice %arg5[%mul3A_2708] : memref<16384xi32, #tpu.memory_space<vmem>> -> memref<26xi32, #tpu.memory_space<vmem>>
        %dma_start3A_2713 = arith.constant 0 : i32
        %dma_start3A_2714 = arith.constant 0 : i32
        %dma_start3A_2715 = tpu.memref_slice %arg3[%dma_start3A_2713, %dma_start3A_2714] : memref<100022x128xf32, #tpu.memory_space<hbm>> -> memref<100022x128xf32, #tpu.memory_space<hbm>>
        tpu.enqueue_indirect_dma source(%dma_start3A_2715 : memref<100022x128xf32, #tpu.memory_space<hbm>>) target(%dma_start3A_2711 : memref<26x128xf32, #tpu.memory_space<vmem>>) offsets(%dma_start3A_2712 : memref<26xi32, #tpu.memory_space<vmem>>) semaphore(%arg12 : memref<!tpu.dma_semaphore, #tpu.memory_space<semaphore_mem>>)
        %mul3A_2716 = arith.constant 8 : i32
        %mul3A_2717 = arith.muli %add3A_2151, %mul3A_2716 : i32
        %add3A_2718 = arith.constant 4 : i32
        %add3A_2719 = arith.addi %mul3A_2717, %add3A_2718 : i32
        %mul3A_2720 = arith.constant 32 : i32
        %mul3A_2721 = arith.muli %add3A_2719, %mul3A_2720 : i32
        %mul3A_2722 = arith.constant 32 : i32
        %mul3A_2723 = arith.muli %add3A_2719, %mul3A_2722 : i32
        %add3A_2724 = arith.constant 16 : i32
        %add3A_2725 = arith.addi %mul3A_2723, %add3A_2724 : i32
        %get3A_2726 = arith.index_cast %mul3A_2721 : i32 to index
        %get3A_2727 = tpu.vector_load %arg5[%get3A_2726] {strides = array<i32>} : memref<16384xi32, #tpu.memory_space<vmem>>, vector<16xi32>,
        %get3A_2728 = vector.shape_cast %get3A_2727 : vector<16xi32> to vector<16xi32>
        %add3A_2729 = arith.addi %get3A_2728, %mul3A_5 : vector<16xi32>
        %swap3A_2730 = arith.index_cast %mul3A_2721 : i32 to index
        %swap3A_2731 = tpu.vector_load %arg5[%swap3A_2730] {strides = array<i32>} : memref<16384xi32, #tpu.memory_space<vmem>>, vector<16xi32>,
        %swap3A_2732 = vector.shape_cast %swap3A_2731 : vector<16xi32> to vector<16xi32>
        %swap3A_2733 = vector.shape_cast %add3A_2729 : vector<16xi32> to vector<16xi32>
        tpu.vector_store %arg5[%swap3A_2730], %swap3A_2733 {strides = array<i32>} : memref<16384xi32, #tpu.memory_space<vmem>>, vector<16xi32>,
        %get3A_2734 = arith.index_cast %add3A_2725 : i32 to index
        %get3A_2735 = tpu.vector_load %arg5[%get3A_2734] {strides = array<i32>} : memref<16384xi32, #tpu.memory_space<vmem>>, vector<16xi32>,
        %get3A_2736 = vector.shape_cast %get3A_2735 : vector<16xi32> to vector<16xi32>
        %add3A_2737 = arith.addi %get3A_2736, %mul3A_11 : vector<16xi32>
        %swap3A_2738 = arith.index_cast %add3A_2725 : i32 to index
        %swap3A_2739 = tpu.vector_load %arg5[%swap3A_2738] {strides = array<i32>} : memref<16384xi32, #tpu.memory_space<vmem>>, vector<16xi32>,
        %swap3A_2740 = vector.shape_cast %swap3A_2739 : vector<16xi32> to vector<16xi32>
        %swap3A_2741 = vector.shape_cast %add3A_2737 : vector<16xi32> to vector<16xi32>
        tpu.vector_store %arg5[%swap3A_2738], %swap3A_2741 {strides = array<i32>} : memref<16384xi32, #tpu.memory_space<vmem>>, vector<16xi32>,
        %mul3A_2742 = arith.constant 32 : i32
        %mul3A_2743 = arith.muli %add3A_2719, %mul3A_2742 : i32
        %dma_start3A_2744 = arith.constant 104 : i32
        %dma_start3A_2745 = arith.constant 0 : i32
        %dma_start3A_2746 = tpu.memref_slice %arg8[%dma_start3A_2744, %dma_start3A_2745] : memref<208x128xf32, #tpu.memory_space<vmem>> -> memref<26x128xf32, #tpu.memory_space<vmem>>
        %dma_start3A_2747 = tpu.memref_slice %arg5[%mul3A_2743] : memref<16384xi32, #tpu.memory_space<vmem>> -> memref<26xi32, #tpu.memory_space<vmem>>
        %dma_start3A_2748 = arith.constant 0 : i32
        %dma_start3A_2749 = arith.constant 0 : i32
        %dma_start3A_2750 = tpu.memref_slice %arg3[%dma_start3A_2748, %dma_start3A_2749] : memref<100022x128xf32, #tpu.memory_space<hbm>> -> memref<100022x128xf32, #tpu.memory_space<hbm>>
        tpu.enqueue_indirect_dma source(%dma_start3A_2750 : memref<100022x128xf32, #tpu.memory_space<hbm>>) target(%dma_start3A_2746 : memref<26x128xf32, #tpu.memory_space<vmem>>) offsets(%dma_start3A_2747 : memref<26xi32, #tpu.memory_space<vmem>>) semaphore(%arg12 : memref<!tpu.dma_semaphore, #tpu.memory_space<semaphore_mem>>)
        %mul3A_2751 = arith.constant 8 : i32
        %mul3A_2752 = arith.muli %add3A_2151, %mul3A_2751 : i32
        %add3A_2753 = arith.constant 5 : i32
        %add3A_2754 = arith.addi %mul3A_2752, %add3A_2753 : i32
        %mul3A_2755 = arith.constant 32 : i32
        %mul3A_2756 = arith.muli %add3A_2754, %mul3A_2755 : i32
        %mul3A_2757 = arith.constant 32 : i32
        %mul3A_2758 = arith.muli %add3A_2754, %mul3A_2757 : i32
        %add3A_2759 = arith.constant 16 : i32
        %add3A_2760 = arith.addi %mul3A_2758, %add3A_2759 : i32
        %get3A_2761 = arith.index_cast %mul3A_2756 : i32 to index
        %get3A_2762 = tpu.vector_load %arg5[%get3A_2761] {strides = array<i32>} : memref<16384xi32, #tpu.memory_space<vmem>>, vector<16xi32>,
        %get3A_2763 = vector.shape_cast %get3A_2762 : vector<16xi32> to vector<16xi32>
        %add3A_2764 = arith.addi %get3A_2763, %mul3A_5 : vector<16xi32>
        %swap3A_2765 = arith.index_cast %mul3A_2756 : i32 to index
        %swap3A_2766 = tpu.vector_load %arg5[%swap3A_2765] {strides = array<i32>} : memref<16384xi32, #tpu.memory_space<vmem>>, vector<16xi32>,
        %swap3A_2767 = vector.shape_cast %swap3A_2766 : vector<16xi32> to vector<16xi32>
        %swap3A_2768 = vector.shape_cast %add3A_2764 : vector<16xi32> to vector<16xi32>
        tpu.vector_store %arg5[%swap3A_2765], %swap3A_2768 {strides = array<i32>} : memref<16384xi32, #tpu.memory_space<vmem>>, vector<16xi32>,
        %get3A_2769 = arith.index_cast %add3A_2760 : i32 to index
        %get3A_2770 = tpu.vector_load %arg5[%get3A_2769] {strides = array<i32>} : memref<16384xi32, #tpu.memory_space<vmem>>, vector<16xi32>,
        %get3A_2771 = vector.shape_cast %get3A_2770 : vector<16xi32> to vector<16xi32>
        %add3A_2772 = arith.addi %get3A_2771, %mul3A_11 : vector<16xi32>
        %swap3A_2773 = arith.index_cast %add3A_2760 : i32 to index
        %swap3A_2774 = tpu.vector_load %arg5[%swap3A_2773] {strides = array<i32>} : memref<16384xi32, #tpu.memory_space<vmem>>, vector<16xi32>,
        %swap3A_2775 = vector.shape_cast %swap3A_2774 : vector<16xi32> to vector<16xi32>
        %swap3A_2776 = vector.shape_cast %add3A_2772 : vector<16xi32> to vector<16xi32>
        tpu.vector_store %arg5[%swap3A_2773], %swap3A_2776 {strides = array<i32>} : memref<16384xi32, #tpu.memory_space<vmem>>, vector<16xi32>,
        %mul3A_2777 = arith.constant 32 : i32
        %mul3A_2778 = arith.muli %add3A_2754, %mul3A_2777 : i32
        %dma_start3A_2779 = arith.constant 130 : i32
        %dma_start3A_2780 = arith.constant 0 : i32
        %dma_start3A_2781 = tpu.memref_slice %arg8[%dma_start3A_2779, %dma_start3A_2780] : memref<208x128xf32, #tpu.memory_space<vmem>> -> memref<26x128xf32, #tpu.memory_space<vmem>>
        %dma_start3A_2782 = tpu.memref_slice %arg5[%mul3A_2778] : memref<16384xi32, #tpu.memory_space<vmem>> -> memref<26xi32, #tpu.memory_space<vmem>>
        %dma_start3A_2783 = arith.constant 0 : i32
        %dma_start3A_2784 = arith.constant 0 : i32
        %dma_start3A_2785 = tpu.memref_slice %arg3[%dma_start3A_2783, %dma_start3A_2784] : memref<100022x128xf32, #tpu.memory_space<hbm>> -> memref<100022x128xf32, #tpu.memory_space<hbm>>
        tpu.enqueue_indirect_dma source(%dma_start3A_2785 : memref<100022x128xf32, #tpu.memory_space<hbm>>) target(%dma_start3A_2781 : memref<26x128xf32, #tpu.memory_space<vmem>>) offsets(%dma_start3A_2782 : memref<26xi32, #tpu.memory_space<vmem>>) semaphore(%arg12 : memref<!tpu.dma_semaphore, #tpu.memory_space<semaphore_mem>>)
        %mul3A_2786 = arith.constant 8 : i32
        %mul3A_2787 = arith.muli %add3A_2151, %mul3A_2786 : i32
        %add3A_2788 = arith.constant 6 : i32
        %add3A_2789 = arith.addi %mul3A_2787, %add3A_2788 : i32
        %mul3A_2790 = arith.constant 32 : i32
        %mul3A_2791 = arith.muli %add3A_2789, %mul3A_2790 : i32
        %mul3A_2792 = arith.constant 32 : i32
        %mul3A_2793 = arith.muli %add3A_2789, %mul3A_2792 : i32
        %add3A_2794 = arith.constant 16 : i32
        %add3A_2795 = arith.addi %mul3A_2793, %add3A_2794 : i32
        %get3A_2796 = arith.index_cast %mul3A_2791 : i32 to index
        %get3A_2797 = tpu.vector_load %arg5[%get3A_2796] {strides = array<i32>} : memref<16384xi32, #tpu.memory_space<vmem>>, vector<16xi32>,
        %get3A_2798 = vector.shape_cast %get3A_2797 : vector<16xi32> to vector<16xi32>
        %add3A_2799 = arith.addi %get3A_2798, %mul3A_5 : vector<16xi32>
        %swap3A_2800 = arith.index_cast %mul3A_2791 : i32 to index
        %swap3A_2801 = tpu.vector_load %arg5[%swap3A_2800] {strides = array<i32>} : memref<16384xi32, #tpu.memory_space<vmem>>, vector<16xi32>,
        %swap3A_2802 = vector.shape_cast %swap3A_2801 : vector<16xi32> to vector<16xi32>
        %swap3A_2803 = vector.shape_cast %add3A_2799 : vector<16xi32> to vector<16xi32>
        tpu.vector_store %arg5[%swap3A_2800], %swap3A_2803 {strides = array<i32>} : memref<16384xi32, #tpu.memory_space<vmem>>, vector<16xi32>,
        %get3A_2804 = arith.index_cast %add3A_2795 : i32 to index
        %get3A_2805 = tpu.vector_load %arg5[%get3A_2804] {strides = array<i32>} : memref<16384xi32, #tpu.memory_space<vmem>>, vector<16xi32>,
        %get3A_2806 = vector.shape_cast %get3A_2805 : vector<16xi32> to vector<16xi32>
        %add3A_2807 = arith.addi %get3A_2806, %mul3A_11 : vector<16xi32>
        %swap3A_2808 = arith.index_cast %add3A_2795 : i32 to index
        %swap3A_2809 = tpu.vector_load %arg5[%swap3A_2808] {strides = array<i32>} : memref<16384xi32, #tpu.memory_space<vmem>>, vector<16xi32>,
        %swap3A_2810 = vector.shape_cast %swap3A_2809 : vector<16xi32> to vector<16xi32>
        %swap3A_2811 = vector.shape_cast %add3A_2807 : vector<16xi32> to vector<16xi32>
        tpu.vector_store %arg5[%swap3A_2808], %swap3A_2811 {strides = array<i32>} : memref<16384xi32, #tpu.memory_space<vmem>>, vector<16xi32>,
        %mul3A_2812 = arith.constant 32 : i32
        %mul3A_2813 = arith.muli %add3A_2789, %mul3A_2812 : i32
        %dma_start3A_2814 = arith.constant 156 : i32
        %dma_start3A_2815 = arith.constant 0 : i32
        %dma_start3A_2816 = tpu.memref_slice %arg8[%dma_start3A_2814, %dma_start3A_2815] : memref<208x128xf32, #tpu.memory_space<vmem>> -> memref<26x128xf32, #tpu.memory_space<vmem>>
        %dma_start3A_2817 = tpu.memref_slice %arg5[%mul3A_2813] : memref<16384xi32, #tpu.memory_space<vmem>> -> memref<26xi32, #tpu.memory_space<vmem>>
        %dma_start3A_2818 = arith.constant 0 : i32
        %dma_start3A_2819 = arith.constant 0 : i32
        %dma_start3A_2820 = tpu.memref_slice %arg3[%dma_start3A_2818, %dma_start3A_2819] : memref<100022x128xf32, #tpu.memory_space<hbm>> -> memref<100022x128xf32, #tpu.memory_space<hbm>>
        tpu.enqueue_indirect_dma source(%dma_start3A_2820 : memref<100022x128xf32, #tpu.memory_space<hbm>>) target(%dma_start3A_2816 : memref<26x128xf32, #tpu.memory_space<vmem>>) offsets(%dma_start3A_2817 : memref<26xi32, #tpu.memory_space<vmem>>) semaphore(%arg12 : memref<!tpu.dma_semaphore, #tpu.memory_space<semaphore_mem>>)
        %mul3A_2821 = arith.constant 8 : i32
        %mul3A_2822 = arith.muli %add3A_2151, %mul3A_2821 : i32
        %add3A_2823 = arith.constant 7 : i32
        %add3A_2824 = arith.addi %mul3A_2822, %add3A_2823 : i32
        %mul3A_2825 = arith.constant 32 : i32
        %mul3A_2826 = arith.muli %add3A_2824, %mul3A_2825 : i32
        %mul3A_2827 = arith.constant 32 : i32
        %mul3A_2828 = arith.muli %add3A_2824, %mul3A_2827 : i32
        %add3A_2829 = arith.constant 16 : i32
        %add3A_2830 = arith.addi %mul3A_2828, %add3A_2829 : i32
        %get3A_2831 = arith.index_cast %mul3A_2826 : i32 to index
        %get3A_2832 = tpu.vector_load %arg5[%get3A_2831] {strides = array<i32>} : memref<16384xi32, #tpu.memory_space<vmem>>, vector<16xi32>,
        %get3A_2833 = vector.shape_cast %get3A_2832 : vector<16xi32> to vector<16xi32>
        %add3A_2834 = arith.addi %get3A_2833, %mul3A_5 : vector<16xi32>
        %swap3A_2835 = arith.index_cast %mul3A_2826 : i32 to index
        %swap3A_2836 = tpu.vector_load %arg5[%swap3A_2835] {strides = array<i32>} : memref<16384xi32, #tpu.memory_space<vmem>>, vector<16xi32>,
        %swap3A_2837 = vector.shape_cast %swap3A_2836 : vector<16xi32> to vector<16xi32>
        %swap3A_2838 = vector.shape_cast %add3A_2834 : vector<16xi32> to vector<16xi32>
        tpu.vector_store %arg5[%swap3A_2835], %swap3A_2838 {strides = array<i32>} : memref<16384xi32, #tpu.memory_space<vmem>>, vector<16xi32>,
        %get3A_2839 = arith.index_cast %add3A_2830 : i32 to index
        %get3A_2840 = tpu.vector_load %arg5[%get3A_2839] {strides = array<i32>} : memref<16384xi32, #tpu.memory_space<vmem>>, vector<16xi32>,
        %get3A_2841 = vector.shape_cast %get3A_2840 : vector<16xi32> to vector<16xi32>
        %add3A_2842 = arith.addi %get3A_2841, %mul3A_11 : vector<16xi32>
        %swap3A_2843 = arith.index_cast %add3A_2830 : i32 to index
        %swap3A_2844 = tpu.vector_load %arg5[%swap3A_2843] {strides = array<i32>} : memref<16384xi32, #tpu.memory_space<vmem>>, vector<16xi32>,
        %swap3A_2845 = vector.shape_cast %swap3A_2844 : vector<16xi32> to vector<16xi32>
        %swap3A_2846 = vector.shape_cast %add3A_2842 : vector<16xi32> to vector<16xi32>
        tpu.vector_store %arg5[%swap3A_2843], %swap3A_2846 {strides = array<i32>} : memref<16384xi32, #tpu.memory_space<vmem>>, vector<16xi32>,
        %mul3A_2847 = arith.constant 32 : i32
        %mul3A_2848 = arith.muli %add3A_2824, %mul3A_2847 : i32
        %dma_start3A_2849 = arith.constant 182 : i32
        %dma_start3A_2850 = arith.constant 0 : i32
        %dma_start3A_2851 = tpu.memref_slice %arg8[%dma_start3A_2849, %dma_start3A_2850] : memref<208x128xf32, #tpu.memory_space<vmem>> -> memref<26x128xf32, #tpu.memory_space<vmem>>
        %dma_start3A_2852 = tpu.memref_slice %arg5[%mul3A_2848] : memref<16384xi32, #tpu.memory_space<vmem>> -> memref<26xi32, #tpu.memory_space<vmem>>
        %dma_start3A_2853 = arith.constant 0 : i32
        %dma_start3A_2854 = arith.constant 0 : i32
        %dma_start3A_2855 = tpu.memref_slice %arg3[%dma_start3A_2853, %dma_start3A_2854] : memref<100022x128xf32, #tpu.memory_space<hbm>> -> memref<100022x128xf32, #tpu.memory_space<hbm>>
        tpu.enqueue_indirect_dma source(%dma_start3A_2855 : memref<100022x128xf32, #tpu.memory_space<hbm>>) target(%dma_start3A_2851 : memref<26x128xf32, #tpu.memory_space<vmem>>) offsets(%dma_start3A_2852 : memref<26xi32, #tpu.memory_space<vmem>>) semaphore(%arg12 : memref<!tpu.dma_semaphore, #tpu.memory_space<semaphore_mem>>)
      } else {
      }
      %mul3A_2157 = arith.constant 4 : i32
      %mul3A_2158 = arith.muli %scan3A_1358, %mul3A_2157 : i32
      %add3A_2159 = arith.constant 3 : i32
      %add3A_2160 = arith.addi %mul3A_2158, %add3A_2159 : i32
      %mul3A_2161 = arith.constant 8 : i32
      %mul3A_2162 = arith.muli %add3A_2160, %mul3A_2161 : i32
      %add3A_2163 = arith.constant 0 : i32
      %add3A_2164 = arith.addi %mul3A_2162, %add3A_2163 : i32
      %mul3A_2165 = arith.constant 32 : i32
      %mul3A_2166 = arith.muli %add3A_2164, %mul3A_2165 : i32
      %dma_wait3A_2167 = arith.constant 0 : i32
      %dma_wait3A_2168 = arith.constant 0 : i32
      %dma_wait3A_2169 = tpu.memref_slice %arg9[%dma_wait3A_2167, %dma_wait3A_2168] : memref<208x128xf32, #tpu.memory_space<vmem>> -> memref<26x128xf32, #tpu.memory_space<vmem>>
      %dma_wait3A_2170 = tpu.memref_slice %arg5[%mul3A_2166] : memref<16384xi32, #tpu.memory_space<vmem>> -> memref<26xi32, #tpu.memory_space<vmem>>
      %dma_wait3A_2171 = arith.constant 0 : i32
      %dma_wait3A_2172 = arith.constant 0 : i32
      %dma_wait3A_2173 = tpu.memref_slice %arg3[%dma_wait3A_2171, %dma_wait3A_2172] : memref<100022x128xf32, #tpu.memory_space<hbm>> -> memref<100022x128xf32, #tpu.memory_space<hbm>>
      tpu.wait_indirect_dma semaphore(%arg13 : memref<!tpu.dma_semaphore, #tpu.memory_space<semaphore_mem>>) src(%dma_wait3A_2173 : memref<100022x128xf32, #tpu.memory_space<hbm>>) dst(%dma_wait3A_2169 : memref<26x128xf32, #tpu.memory_space<vmem>>)
      %mul3A_2174 = arith.constant 8 : i32
      %mul3A_2175 = arith.muli %add3A_2160, %mul3A_2174 : i32
      %add3A_2176 = arith.constant 1 : i32
      %add3A_2177 = arith.addi %mul3A_2175, %add3A_2176 : i32
      %mul3A_2178 = arith.constant 32 : i32
      %mul3A_2179 = arith.muli %add3A_2177, %mul3A_2178 : i32
      %dma_wait3A_2180 = arith.constant 26 : i32
      %dma_wait3A_2181 = arith.constant 0 : i32
      %dma_wait3A_2182 = tpu.memref_slice %arg9[%dma_wait3A_2180, %dma_wait3A_2181] : memref<208x128xf32, #tpu.memory_space<vmem>> -> memref<26x128xf32, #tpu.memory_space<vmem>>
      %dma_wait3A_2183 = tpu.memref_slice %arg5[%mul3A_2179] : memref<16384xi32, #tpu.memory_space<vmem>> -> memref<26xi32, #tpu.memory_space<vmem>>
      %dma_wait3A_2184 = arith.constant 0 : i32
      %dma_wait3A_2185 = arith.constant 0 : i32
      %dma_wait3A_2186 = tpu.memref_slice %arg3[%dma_wait3A_2184, %dma_wait3A_2185] : memref<100022x128xf32, #tpu.memory_space<hbm>> -> memref<100022x128xf32, #tpu.memory_space<hbm>>
      tpu.wait_indirect_dma semaphore(%arg13 : memref<!tpu.dma_semaphore, #tpu.memory_space<semaphore_mem>>) src(%dma_wait3A_2186 : memref<100022x128xf32, #tpu.memory_space<hbm>>) dst(%dma_wait3A_2182 : memref<26x128xf32, #tpu.memory_space<vmem>>)
      %mul3A_2187 = arith.constant 8 : i32
      %mul3A_2188 = arith.muli %add3A_2160, %mul3A_2187 : i32
      %add3A_2189 = arith.constant 2 : i32
      %add3A_2190 = arith.addi %mul3A_2188, %add3A_2189 : i32
      %mul3A_2191 = arith.constant 32 : i32
      %mul3A_2192 = arith.muli %add3A_2190, %mul3A_2191 : i32
      %dma_wait3A_2193 = arith.constant 52 : i32
      %dma_wait3A_2194 = arith.constant 0 : i32
      %dma_wait3A_2195 = tpu.memref_slice %arg9[%dma_wait3A_2193, %dma_wait3A_2194] : memref<208x128xf32, #tpu.memory_space<vmem>> -> memref<26x128xf32, #tpu.memory_space<vmem>>
      %dma_wait3A_2196 = tpu.memref_slice %arg5[%mul3A_2192] : memref<16384xi32, #tpu.memory_space<vmem>> -> memref<26xi32, #tpu.memory_space<vmem>>
      %dma_wait3A_2197 = arith.constant 0 : i32
      %dma_wait3A_2198 = arith.constant 0 : i32
      %dma_wait3A_2199 = tpu.memref_slice %arg3[%dma_wait3A_2197, %dma_wait3A_2198] : memref<100022x128xf32, #tpu.memory_space<hbm>> -> memref<100022x128xf32, #tpu.memory_space<hbm>>
      tpu.wait_indirect_dma semaphore(%arg13 : memref<!tpu.dma_semaphore, #tpu.memory_space<semaphore_mem>>) src(%dma_wait3A_2199 : memref<100022x128xf32, #tpu.memory_space<hbm>>) dst(%dma_wait3A_2195 : memref<26x128xf32, #tpu.memory_space<vmem>>)
      %mul3A_2200 = arith.constant 8 : i32
      %mul3A_2201 = arith.muli %add3A_2160, %mul3A_2200 : i32
      %add3A_2202 = arith.constant 3 : i32
      %add3A_2203 = arith.addi %mul3A_2201, %add3A_2202 : i32
      %mul3A_2204 = arith.constant 32 : i32
      %mul3A_2205 = arith.muli %add3A_2203, %mul3A_2204 : i32
      %dma_wait3A_2206 = arith.constant 78 : i32
      %dma_wait3A_2207 = arith.constant 0 : i32
      %dma_wait3A_2208 = tpu.memref_slice %arg9[%dma_wait3A_2206, %dma_wait3A_2207] : memref<208x128xf32, #tpu.memory_space<vmem>> -> memref<26x128xf32, #tpu.memory_space<vmem>>
      %dma_wait3A_2209 = tpu.memref_slice %arg5[%mul3A_2205] : memref<16384xi32, #tpu.memory_space<vmem>> -> memref<26xi32, #tpu.memory_space<vmem>>
      %dma_wait3A_2210 = arith.constant 0 : i32
      %dma_wait3A_2211 = arith.constant 0 : i32
      %dma_wait3A_2212 = tpu.memref_slice %arg3[%dma_wait3A_2210, %dma_wait3A_2211] : memref<100022x128xf32, #tpu.memory_space<hbm>> -> memref<100022x128xf32, #tpu.memory_space<hbm>>
      tpu.wait_indirect_dma semaphore(%arg13 : memref<!tpu.dma_semaphore, #tpu.memory_space<semaphore_mem>>) src(%dma_wait3A_2212 : memref<100022x128xf32, #tpu.memory_space<hbm>>) dst(%dma_wait3A_2208 : memref<26x128xf32, #tpu.memory_space<vmem>>)
      %mul3A_2213 = arith.constant 8 : i32
      %mul3A_2214 = arith.muli %add3A_2160, %mul3A_2213 : i32
      %add3A_2215 = arith.constant 4 : i32
      %add3A_2216 = arith.addi %mul3A_2214, %add3A_2215 : i32
      %mul3A_2217 = arith.constant 32 : i32
      %mul3A_2218 = arith.muli %add3A_2216, %mul3A_2217 : i32
      %dma_wait3A_2219 = arith.constant 104 : i32
      %dma_wait3A_2220 = arith.constant 0 : i32
      %dma_wait3A_2221 = tpu.memref_slice %arg9[%dma_wait3A_2219, %dma_wait3A_2220] : memref<208x128xf32, #tpu.memory_space<vmem>> -> memref<26x128xf32, #tpu.memory_space<vmem>>
      %dma_wait3A_2222 = tpu.memref_slice %arg5[%mul3A_2218] : memref<16384xi32, #tpu.memory_space<vmem>> -> memref<26xi32, #tpu.memory_space<vmem>>
      %dma_wait3A_2223 = arith.constant 0 : i32
      %dma_wait3A_2224 = arith.constant 0 : i32
      %dma_wait3A_2225 = tpu.memref_slice %arg3[%dma_wait3A_2223, %dma_wait3A_2224] : memref<100022x128xf32, #tpu.memory_space<hbm>> -> memref<100022x128xf32, #tpu.memory_space<hbm>>
      tpu.wait_indirect_dma semaphore(%arg13 : memref<!tpu.dma_semaphore, #tpu.memory_space<semaphore_mem>>) src(%dma_wait3A_2225 : memref<100022x128xf32, #tpu.memory_space<hbm>>) dst(%dma_wait3A_2221 : memref<26x128xf32, #tpu.memory_space<vmem>>)
      %mul3A_2226 = arith.constant 8 : i32
      %mul3A_2227 = arith.muli %add3A_2160, %mul3A_2226 : i32
      %add3A_2228 = arith.constant 5 : i32
      %add3A_2229 = arith.addi %mul3A_2227, %add3A_2228 : i32
      %mul3A_2230 = arith.constant 32 : i32
      %mul3A_2231 = arith.muli %add3A_2229, %mul3A_2230 : i32
      %dma_wait3A_2232 = arith.constant 130 : i32
      %dma_wait3A_2233 = arith.constant 0 : i32
      %dma_wait3A_2234 = tpu.memref_slice %arg9[%dma_wait3A_2232, %dma_wait3A_2233] : memref<208x128xf32, #tpu.memory_space<vmem>> -> memref<26x128xf32, #tpu.memory_space<vmem>>
      %dma_wait3A_2235 = tpu.memref_slice %arg5[%mul3A_2231] : memref<16384xi32, #tpu.memory_space<vmem>> -> memref<26xi32, #tpu.memory_space<vmem>>
      %dma_wait3A_2236 = arith.constant 0 : i32
      %dma_wait3A_2237 = arith.constant 0 : i32
      %dma_wait3A_2238 = tpu.memref_slice %arg3[%dma_wait3A_2236, %dma_wait3A_2237] : memref<100022x128xf32, #tpu.memory_space<hbm>> -> memref<100022x128xf32, #tpu.memory_space<hbm>>
      tpu.wait_indirect_dma semaphore(%arg13 : memref<!tpu.dma_semaphore, #tpu.memory_space<semaphore_mem>>) src(%dma_wait3A_2238 : memref<100022x128xf32, #tpu.memory_space<hbm>>) dst(%dma_wait3A_2234 : memref<26x128xf32, #tpu.memory_space<vmem>>)
      %mul3A_2239 = arith.constant 8 : i32
      %mul3A_2240 = arith.muli %add3A_2160, %mul3A_2239 : i32
      %add3A_2241 = arith.constant 6 : i32
      %add3A_2242 = arith.addi %mul3A_2240, %add3A_2241 : i32
      %mul3A_2243 = arith.constant 32 : i32
      %mul3A_2244 = arith.muli %add3A_2242, %mul3A_2243 : i32
      %dma_wait3A_2245 = arith.constant 156 : i32
      %dma_wait3A_2246 = arith.constant 0 : i32
      %dma_wait3A_2247 = tpu.memref_slice %arg9[%dma_wait3A_2245, %dma_wait3A_2246] : memref<208x128xf32, #tpu.memory_space<vmem>> -> memref<26x128xf32, #tpu.memory_space<vmem>>
      %dma_wait3A_2248 = tpu.memref_slice %arg5[%mul3A_2244] : memref<16384xi32, #tpu.memory_space<vmem>> -> memref<26xi32, #tpu.memory_space<vmem>>
      %dma_wait3A_2249 = arith.constant 0 : i32
      %dma_wait3A_2250 = arith.constant 0 : i32
      %dma_wait3A_2251 = tpu.memref_slice %arg3[%dma_wait3A_2249, %dma_wait3A_2250] : memref<100022x128xf32, #tpu.memory_space<hbm>> -> memref<100022x128xf32, #tpu.memory_space<hbm>>
      tpu.wait_indirect_dma semaphore(%arg13 : memref<!tpu.dma_semaphore, #tpu.memory_space<semaphore_mem>>) src(%dma_wait3A_2251 : memref<100022x128xf32, #tpu.memory_space<hbm>>) dst(%dma_wait3A_2247 : memref<26x128xf32, #tpu.memory_space<vmem>>)
      %mul3A_2252 = arith.constant 8 : i32
      %mul3A_2253 = arith.muli %add3A_2160, %mul3A_2252 : i32
      %add3A_2254 = arith.constant 7 : i32
      %add3A_2255 = arith.addi %mul3A_2253, %add3A_2254 : i32
      %mul3A_2256 = arith.constant 32 : i32
      %mul3A_2257 = arith.muli %add3A_2255, %mul3A_2256 : i32
      %dma_wait3A_2258 = arith.constant 182 : i32
      %dma_wait3A_2259 = arith.constant 0 : i32
      %dma_wait3A_2260 = tpu.memref_slice %arg9[%dma_wait3A_2258, %dma_wait3A_2259] : memref<208x128xf32, #tpu.memory_space<vmem>> -> memref<26x128xf32, #tpu.memory_space<vmem>>
      %dma_wait3A_2261 = tpu.memref_slice %arg5[%mul3A_2257] : memref<16384xi32, #tpu.memory_space<vmem>> -> memref<26xi32, #tpu.memory_space<vmem>>
      %dma_wait3A_2262 = arith.constant 0 : i32
      %dma_wait3A_2263 = arith.constant 0 : i32
      %dma_wait3A_2264 = tpu.memref_slice %arg3[%dma_wait3A_2262, %dma_wait3A_2263] : memref<100022x128xf32, #tpu.memory_space<hbm>> -> memref<100022x128xf32, #tpu.memory_space<hbm>>
      tpu.wait_indirect_dma semaphore(%arg13 : memref<!tpu.dma_semaphore, #tpu.memory_space<semaphore_mem>>) src(%dma_wait3A_2264 : memref<100022x128xf32, #tpu.memory_space<hbm>>) dst(%dma_wait3A_2260 : memref<26x128xf32, #tpu.memory_space<vmem>>)
      %mul3A_2265 = arith.constant 8 : i32
      %mul3A_2266 = arith.muli %add3A_2160, %mul3A_2265 : i32
      %add3A_2267 = arith.addi %mul3A_2, %mul3A_2266 : i32
      %add3A_2268 = arith.constant 0 : i32
      %add3A_2269 = arith.addi %add3A_2267, %add3A_2268 : i32
      %dma_start3A_2270 = arith.constant 0 : i32
      %dma_start3A_2271 = arith.constant 0 : i32
      %dma_start3A_2272 = tpu.memref_slice %arg9[%dma_start3A_2270, %dma_start3A_2271] : memref<208x128xf32, #tpu.memory_space<vmem>> -> memref<26x128xf32, #tpu.memory_space<vmem>>
      %dma_start3A_2273 = arith.constant 0 : i32
      %dma_start3A_2274 = arith.constant 0 : i32
      %dma_start3A_2275 = tpu.memref_slice %arg4[%add3A_2269, %dma_start3A_2273, %dma_start3A_2274] : memref<16384x26x128xf32, #tpu.memory_space<hbm>> -> memref<1x26x128xf32, #tpu.memory_space<hbm>>
      %dma_start3A_2276 = tpu.memref_squeeze %dma_start3A_2275 : memref<1x26x128xf32, #tpu.memory_space<hbm>> -> memref<26x128xf32, #tpu.memory_space<hbm>>
      %dma_start3A_2277 = arith.constant 0 : i32
      %dma_start3A_2278 = arith.constant 0 : i32
      %dma_start3A_2279 = tpu.memref_slice %arg4[%add3A_2269, %dma_start3A_2277, %dma_start3A_2278] : memref<16384x26x128xf32, #tpu.memory_space<hbm>> -> memref<1x26x128xf32, #tpu.memory_space<hbm>>
      %dma_start3A_2280 = tpu.memref_squeeze %dma_start3A_2279 : memref<1x26x128xf32, #tpu.memory_space<hbm>> -> memref<26x128xf32, #tpu.memory_space<hbm>>
      %dma_start3A_2281 = arith.constant 0 : i32
      %dma_start3A_2282 = arith.constant 0 : i32
      %dma_start3A_2283 = tpu.memref_slice %arg9[%dma_start3A_2281, %dma_start3A_2282] : memref<208x128xf32, #tpu.memory_space<vmem>> -> memref<26x128xf32, #tpu.memory_space<vmem>>
      tpu.enqueue_dma source(%dma_start3A_2283 : memref<26x128xf32, #tpu.memory_space<vmem>>) target(%dma_start3A_2280 : memref<26x128xf32, #tpu.memory_space<hbm>>) target_semaphore(%arg17 : memref<!tpu.dma_semaphore, #tpu.memory_space<semaphore_mem>>)
      %mul3A_2284 = arith.constant 8 : i32
      %mul3A_2285 = arith.muli %add3A_2160, %mul3A_2284 : i32
      %add3A_2286 = arith.addi %mul3A_2, %mul3A_2285 : i32
      %add3A_2287 = arith.constant 1 : i32
      %add3A_2288 = arith.addi %add3A_2286, %add3A_2287 : i32
      %dma_start3A_2289 = arith.constant 26 : i32
      %dma_start3A_2290 = arith.constant 0 : i32
      %dma_start3A_2291 = tpu.memref_slice %arg9[%dma_start3A_2289, %dma_start3A_2290] : memref<208x128xf32, #tpu.memory_space<vmem>> -> memref<26x128xf32, #tpu.memory_space<vmem>>
      %dma_start3A_2292 = arith.constant 0 : i32
      %dma_start3A_2293 = arith.constant 0 : i32
      %dma_start3A_2294 = tpu.memref_slice %arg4[%add3A_2288, %dma_start3A_2292, %dma_start3A_2293] : memref<16384x26x128xf32, #tpu.memory_space<hbm>> -> memref<1x26x128xf32, #tpu.memory_space<hbm>>
      %dma_start3A_2295 = tpu.memref_squeeze %dma_start3A_2294 : memref<1x26x128xf32, #tpu.memory_space<hbm>> -> memref<26x128xf32, #tpu.memory_space<hbm>>
      %dma_start3A_2296 = arith.constant 0 : i32
      %dma_start3A_2297 = arith.constant 0 : i32
      %dma_start3A_2298 = tpu.memref_slice %arg4[%add3A_2288, %dma_start3A_2296, %dma_start3A_2297] : memref<16384x26x128xf32, #tpu.memory_space<hbm>> -> memref<1x26x128xf32, #tpu.memory_space<hbm>>
      %dma_start3A_2299 = tpu.memref_squeeze %dma_start3A_2298 : memref<1x26x128xf32, #tpu.memory_space<hbm>> -> memref<26x128xf32, #tpu.memory_space<hbm>>
      %dma_start3A_2300 = arith.constant 26 : i32
      %dma_start3A_2301 = arith.constant 0 : i32
      %dma_start3A_2302 = tpu.memref_slice %arg9[%dma_start3A_2300, %dma_start3A_2301] : memref<208x128xf32, #tpu.memory_space<vmem>> -> memref<26x128xf32, #tpu.memory_space<vmem>>
      tpu.enqueue_dma source(%dma_start3A_2302 : memref<26x128xf32, #tpu.memory_space<vmem>>) target(%dma_start3A_2299 : memref<26x128xf32, #tpu.memory_space<hbm>>) target_semaphore(%arg17 : memref<!tpu.dma_semaphore, #tpu.memory_space<semaphore_mem>>)
      %mul3A_2303 = arith.constant 8 : i32
      %mul3A_2304 = arith.muli %add3A_2160, %mul3A_2303 : i32
      %add3A_2305 = arith.addi %mul3A_2, %mul3A_2304 : i32
      %add3A_2306 = arith.constant 2 : i32
      %add3A_2307 = arith.addi %add3A_2305, %add3A_2306 : i32
      %dma_start3A_2308 = arith.constant 52 : i32
      %dma_start3A_2309 = arith.constant 0 : i32
      %dma_start3A_2310 = tpu.memref_slice %arg9[%dma_start3A_2308, %dma_start3A_2309] : memref<208x128xf32, #tpu.memory_space<vmem>> -> memref<26x128xf32, #tpu.memory_space<vmem>>
      %dma_start3A_2311 = arith.constant 0 : i32
      %dma_start3A_2312 = arith.constant 0 : i32
      %dma_start3A_2313 = tpu.memref_slice %arg4[%add3A_2307, %dma_start3A_2311, %dma_start3A_2312] : memref<16384x26x128xf32, #tpu.memory_space<hbm>> -> memref<1x26x128xf32, #tpu.memory_space<hbm>>
      %dma_start3A_2314 = tpu.memref_squeeze %dma_start3A_2313 : memref<1x26x128xf32, #tpu.memory_space<hbm>> -> memref<26x128xf32, #tpu.memory_space<hbm>>
      %dma_start3A_2315 = arith.constant 0 : i32
      %dma_start3A_2316 = arith.constant 0 : i32
      %dma_start3A_2317 = tpu.memref_slice %arg4[%add3A_2307, %dma_start3A_2315, %dma_start3A_2316] : memref<16384x26x128xf32, #tpu.memory_space<hbm>> -> memref<1x26x128xf32, #tpu.memory_space<hbm>>
      %dma_start3A_2318 = tpu.memref_squeeze %dma_start3A_2317 : memref<1x26x128xf32, #tpu.memory_space<hbm>> -> memref<26x128xf32, #tpu.memory_space<hbm>>
      %dma_start3A_2319 = arith.constant 52 : i32
      %dma_start3A_2320 = arith.constant 0 : i32
      %dma_start3A_2321 = tpu.memref_slice %arg9[%dma_start3A_2319, %dma_start3A_2320] : memref<208x128xf32, #tpu.memory_space<vmem>> -> memref<26x128xf32, #tpu.memory_space<vmem>>
      tpu.enqueue_dma source(%dma_start3A_2321 : memref<26x128xf32, #tpu.memory_space<vmem>>) target(%dma_start3A_2318 : memref<26x128xf32, #tpu.memory_space<hbm>>) target_semaphore(%arg17 : memref<!tpu.dma_semaphore, #tpu.memory_space<semaphore_mem>>)
      %mul3A_2322 = arith.constant 8 : i32
      %mul3A_2323 = arith.muli %add3A_2160, %mul3A_2322 : i32
      %add3A_2324 = arith.addi %mul3A_2, %mul3A_2323 : i32
      %add3A_2325 = arith.constant 3 : i32
      %add3A_2326 = arith.addi %add3A_2324, %add3A_2325 : i32
      %dma_start3A_2327 = arith.constant 78 : i32
      %dma_start3A_2328 = arith.constant 0 : i32
      %dma_start3A_2329 = tpu.memref_slice %arg9[%dma_start3A_2327, %dma_start3A_2328] : memref<208x128xf32, #tpu.memory_space<vmem>> -> memref<26x128xf32, #tpu.memory_space<vmem>>
      %dma_start3A_2330 = arith.constant 0 : i32
      %dma_start3A_2331 = arith.constant 0 : i32
      %dma_start3A_2332 = tpu.memref_slice %arg4[%add3A_2326, %dma_start3A_2330, %dma_start3A_2331] : memref<16384x26x128xf32, #tpu.memory_space<hbm>> -> memref<1x26x128xf32, #tpu.memory_space<hbm>>
      %dma_start3A_2333 = tpu.memref_squeeze %dma_start3A_2332 : memref<1x26x128xf32, #tpu.memory_space<hbm>> -> memref<26x128xf32, #tpu.memory_space<hbm>>
      %dma_start3A_2334 = arith.constant 0 : i32
      %dma_start3A_2335 = arith.constant 0 : i32
      %dma_start3A_2336 = tpu.memref_slice %arg4[%add3A_2326, %dma_start3A_2334, %dma_start3A_2335] : memref<16384x26x128xf32, #tpu.memory_space<hbm>> -> memref<1x26x128xf32, #tpu.memory_space<hbm>>
      %dma_start3A_2337 = tpu.memref_squeeze %dma_start3A_2336 : memref<1x26x128xf32, #tpu.memory_space<hbm>> -> memref<26x128xf32, #tpu.memory_space<hbm>>
      %dma_start3A_2338 = arith.constant 78 : i32
      %dma_start3A_2339 = arith.constant 0 : i32
      %dma_start3A_2340 = tpu.memref_slice %arg9[%dma_start3A_2338, %dma_start3A_2339] : memref<208x128xf32, #tpu.memory_space<vmem>> -> memref<26x128xf32, #tpu.memory_space<vmem>>
      tpu.enqueue_dma source(%dma_start3A_2340 : memref<26x128xf32, #tpu.memory_space<vmem>>) target(%dma_start3A_2337 : memref<26x128xf32, #tpu.memory_space<hbm>>) target_semaphore(%arg17 : memref<!tpu.dma_semaphore, #tpu.memory_space<semaphore_mem>>)
      %mul3A_2341 = arith.constant 8 : i32
      %mul3A_2342 = arith.muli %add3A_2160, %mul3A_2341 : i32
      %add3A_2343 = arith.addi %mul3A_2, %mul3A_2342 : i32
      %add3A_2344 = arith.constant 4 : i32
      %add3A_2345 = arith.addi %add3A_2343, %add3A_2344 : i32
      %dma_start3A_2346 = arith.constant 104 : i32
      %dma_start3A_2347 = arith.constant 0 : i32
      %dma_start3A_2348 = tpu.memref_slice %arg9[%dma_start3A_2346, %dma_start3A_2347] : memref<208x128xf32, #tpu.memory_space<vmem>> -> memref<26x128xf32, #tpu.memory_space<vmem>>
      %dma_start3A_2349 = arith.constant 0 : i32
      %dma_start3A_2350 = arith.constant 0 : i32
      %dma_start3A_2351 = tpu.memref_slice %arg4[%add3A_2345, %dma_start3A_2349, %dma_start3A_2350] : memref<16384x26x128xf32, #tpu.memory_space<hbm>> -> memref<1x26x128xf32, #tpu.memory_space<hbm>>
      %dma_start3A_2352 = tpu.memref_squeeze %dma_start3A_2351 : memref<1x26x128xf32, #tpu.memory_space<hbm>> -> memref<26x128xf32, #tpu.memory_space<hbm>>
      %dma_start3A_2353 = arith.constant 0 : i32
      %dma_start3A_2354 = arith.constant 0 : i32
      %dma_start3A_2355 = tpu.memref_slice %arg4[%add3A_2345, %dma_start3A_2353, %dma_start3A_2354] : memref<16384x26x128xf32, #tpu.memory_space<hbm>> -> memref<1x26x128xf32, #tpu.memory_space<hbm>>
      %dma_start3A_2356 = tpu.memref_squeeze %dma_start3A_2355 : memref<1x26x128xf32, #tpu.memory_space<hbm>> -> memref<26x128xf32, #tpu.memory_space<hbm>>
      %dma_start3A_2357 = arith.constant 104 : i32
      %dma_start3A_2358 = arith.constant 0 : i32
      %dma_start3A_2359 = tpu.memref_slice %arg9[%dma_start3A_2357, %dma_start3A_2358] : memref<208x128xf32, #tpu.memory_space<vmem>> -> memref<26x128xf32, #tpu.memory_space<vmem>>
      tpu.enqueue_dma source(%dma_start3A_2359 : memref<26x128xf32, #tpu.memory_space<vmem>>) target(%dma_start3A_2356 : memref<26x128xf32, #tpu.memory_space<hbm>>) target_semaphore(%arg17 : memref<!tpu.dma_semaphore, #tpu.memory_space<semaphore_mem>>)
      %mul3A_2360 = arith.constant 8 : i32
      %mul3A_2361 = arith.muli %add3A_2160, %mul3A_2360 : i32
      %add3A_2362 = arith.addi %mul3A_2, %mul3A_2361 : i32
      %add3A_2363 = arith.constant 5 : i32
      %add3A_2364 = arith.addi %add3A_2362, %add3A_2363 : i32
      %dma_start3A_2365 = arith.constant 130 : i32
      %dma_start3A_2366 = arith.constant 0 : i32
      %dma_start3A_2367 = tpu.memref_slice %arg9[%dma_start3A_2365, %dma_start3A_2366] : memref<208x128xf32, #tpu.memory_space<vmem>> -> memref<26x128xf32, #tpu.memory_space<vmem>>
      %dma_start3A_2368 = arith.constant 0 : i32
      %dma_start3A_2369 = arith.constant 0 : i32
      %dma_start3A_2370 = tpu.memref_slice %arg4[%add3A_2364, %dma_start3A_2368, %dma_start3A_2369] : memref<16384x26x128xf32, #tpu.memory_space<hbm>> -> memref<1x26x128xf32, #tpu.memory_space<hbm>>
      %dma_start3A_2371 = tpu.memref_squeeze %dma_start3A_2370 : memref<1x26x128xf32, #tpu.memory_space<hbm>> -> memref<26x128xf32, #tpu.memory_space<hbm>>
      %dma_start3A_2372 = arith.constant 0 : i32
      %dma_start3A_2373 = arith.constant 0 : i32
      %dma_start3A_2374 = tpu.memref_slice %arg4[%add3A_2364, %dma_start3A_2372, %dma_start3A_2373] : memref<16384x26x128xf32, #tpu.memory_space<hbm>> -> memref<1x26x128xf32, #tpu.memory_space<hbm>>
      %dma_start3A_2375 = tpu.memref_squeeze %dma_start3A_2374 : memref<1x26x128xf32, #tpu.memory_space<hbm>> -> memref<26x128xf32, #tpu.memory_space<hbm>>
      %dma_start3A_2376 = arith.constant 130 : i32
      %dma_start3A_2377 = arith.constant 0 : i32
      %dma_start3A_2378 = tpu.memref_slice %arg9[%dma_start3A_2376, %dma_start3A_2377] : memref<208x128xf32, #tpu.memory_space<vmem>> -> memref<26x128xf32, #tpu.memory_space<vmem>>
      tpu.enqueue_dma source(%dma_start3A_2378 : memref<26x128xf32, #tpu.memory_space<vmem>>) target(%dma_start3A_2375 : memref<26x128xf32, #tpu.memory_space<hbm>>) target_semaphore(%arg17 : memref<!tpu.dma_semaphore, #tpu.memory_space<semaphore_mem>>)
      %mul3A_2379 = arith.constant 8 : i32
      %mul3A_2380 = arith.muli %add3A_2160, %mul3A_2379 : i32
      %add3A_2381 = arith.addi %mul3A_2, %mul3A_2380 : i32
      %add3A_2382 = arith.constant 6 : i32
      %add3A_2383 = arith.addi %add3A_2381, %add3A_2382 : i32
      %dma_start3A_2384 = arith.constant 156 : i32
      %dma_start3A_2385 = arith.constant 0 : i32
      %dma_start3A_2386 = tpu.memref_slice %arg9[%dma_start3A_2384, %dma_start3A_2385] : memref<208x128xf32, #tpu.memory_space<vmem>> -> memref<26x128xf32, #tpu.memory_space<vmem>>
      %dma_start3A_2387 = arith.constant 0 : i32
      %dma_start3A_2388 = arith.constant 0 : i32
      %dma_start3A_2389 = tpu.memref_slice %arg4[%add3A_2383, %dma_start3A_2387, %dma_start3A_2388] : memref<16384x26x128xf32, #tpu.memory_space<hbm>> -> memref<1x26x128xf32, #tpu.memory_space<hbm>>
      %dma_start3A_2390 = tpu.memref_squeeze %dma_start3A_2389 : memref<1x26x128xf32, #tpu.memory_space<hbm>> -> memref<26x128xf32, #tpu.memory_space<hbm>>
      %dma_start3A_2391 = arith.constant 0 : i32
      %dma_start3A_2392 = arith.constant 0 : i32
      %dma_start3A_2393 = tpu.memref_slice %arg4[%add3A_2383, %dma_start3A_2391, %dma_start3A_2392] : memref<16384x26x128xf32, #tpu.memory_space<hbm>> -> memref<1x26x128xf32, #tpu.memory_space<hbm>>
      %dma_start3A_2394 = tpu.memref_squeeze %dma_start3A_2393 : memref<1x26x128xf32, #tpu.memory_space<hbm>> -> memref<26x128xf32, #tpu.memory_space<hbm>>
      %dma_start3A_2395 = arith.constant 156 : i32
      %dma_start3A_2396 = arith.constant 0 : i32
      %dma_start3A_2397 = tpu.memref_slice %arg9[%dma_start3A_2395, %dma_start3A_2396] : memref<208x128xf32, #tpu.memory_space<vmem>> -> memref<26x128xf32, #tpu.memory_space<vmem>>
      tpu.enqueue_dma source(%dma_start3A_2397 : memref<26x128xf32, #tpu.memory_space<vmem>>) target(%dma_start3A_2394 : memref<26x128xf32, #tpu.memory_space<hbm>>) target_semaphore(%arg17 : memref<!tpu.dma_semaphore, #tpu.memory_space<semaphore_mem>>)
      %mul3A_2398 = arith.constant 8 : i32
      %mul3A_2399 = arith.muli %add3A_2160, %mul3A_2398 : i32
      %add3A_2400 = arith.addi %mul3A_2, %mul3A_2399 : i32
      %add3A_2401 = arith.constant 7 : i32
      %add3A_2402 = arith.addi %add3A_2400, %add3A_2401 : i32
      %dma_start3A_2403 = arith.constant 182 : i32
      %dma_start3A_2404 = arith.constant 0 : i32
      %dma_start3A_2405 = tpu.memref_slice %arg9[%dma_start3A_2403, %dma_start3A_2404] : memref<208x128xf32, #tpu.memory_space<vmem>> -> memref<26x128xf32, #tpu.memory_space<vmem>>
      %dma_start3A_2406 = arith.constant 0 : i32
      %dma_start3A_2407 = arith.constant 0 : i32
      %dma_start3A_2408 = tpu.memref_slice %arg4[%add3A_2402, %dma_start3A_2406, %dma_start3A_2407] : memref<16384x26x128xf32, #tpu.memory_space<hbm>> -> memref<1x26x128xf32, #tpu.memory_space<hbm>>
      %dma_start3A_2409 = tpu.memref_squeeze %dma_start3A_2408 : memref<1x26x128xf32, #tpu.memory_space<hbm>> -> memref<26x128xf32, #tpu.memory_space<hbm>>
      %dma_start3A_2410 = arith.constant 0 : i32
      %dma_start3A_2411 = arith.constant 0 : i32
      %dma_start3A_2412 = tpu.memref_slice %arg4[%add3A_2402, %dma_start3A_2410, %dma_start3A_2411] : memref<16384x26x128xf32, #tpu.memory_space<hbm>> -> memref<1x26x128xf32, #tpu.memory_space<hbm>>
      %dma_start3A_2413 = tpu.memref_squeeze %dma_start3A_2412 : memref<1x26x128xf32, #tpu.memory_space<hbm>> -> memref<26x128xf32, #tpu.memory_space<hbm>>
      %dma_start3A_2414 = arith.constant 182 : i32
      %dma_start3A_2415 = arith.constant 0 : i32
      %dma_start3A_2416 = tpu.memref_slice %arg9[%dma_start3A_2414, %dma_start3A_2415] : memref<208x128xf32, #tpu.memory_space<vmem>> -> memref<26x128xf32, #tpu.memory_space<vmem>>
      tpu.enqueue_dma source(%dma_start3A_2416 : memref<26x128xf32, #tpu.memory_space<vmem>>) target(%dma_start3A_2413 : memref<26x128xf32, #tpu.memory_space<hbm>>) target_semaphore(%arg17 : memref<!tpu.dma_semaphore, #tpu.memory_space<semaphore_mem>>)
      %add3A_2417 = arith.constant 4 : i32
      %add3A_2418 = arith.addi %add3A_2160, %add3A_2417 : i32
      %lt3A_2419 = arith.constant 64 : i32
      %lt3A_2420 = arith.cmpi slt, %add3A_2418, %lt3A_2419 : i32
      %convert_element_type3A_2421 = arith.extui %lt3A_2420 : i1 to i32
      %cond3A_2422 = arith.constant 0 : i32
      %cond3A_2423 = arith.cmpi ne, %convert_element_type3A_2421, %cond3A_2422 : i32
      scf.if %cond3A_2423 {
        %mul3A_2424 = arith.constant 8 : i32
        %mul3A_2425 = arith.muli %add3A_2160, %mul3A_2424 : i32
        %add3A_2426 = arith.addi %mul3A_2, %mul3A_2425 : i32
        %add3A_2427 = arith.constant 0 : i32
        %add3A_2428 = arith.addi %add3A_2426, %add3A_2427 : i32
        %dma_wait3A_2429 = arith.constant 0 : i32
        %dma_wait3A_2430 = arith.constant 0 : i32
        %dma_wait3A_2431 = tpu.memref_slice %arg9[%dma_wait3A_2429, %dma_wait3A_2430] : memref<208x128xf32, #tpu.memory_space<vmem>> -> memref<26x128xf32, #tpu.memory_space<vmem>>
        %dma_wait3A_2432 = arith.constant 0 : i32
        %dma_wait3A_2433 = arith.constant 0 : i32
        %dma_wait3A_2434 = tpu.memref_slice %arg4[%add3A_2428, %dma_wait3A_2432, %dma_wait3A_2433] : memref<16384x26x128xf32, #tpu.memory_space<hbm>> -> memref<1x26x128xf32, #tpu.memory_space<hbm>>
        %dma_wait3A_2435 = tpu.memref_squeeze %dma_wait3A_2434 : memref<1x26x128xf32, #tpu.memory_space<hbm>> -> memref<26x128xf32, #tpu.memory_space<hbm>>
        %dma_wait3A_2436 = arith.constant 0 : i32
        %dma_wait3A_2437 = arith.constant 0 : i32
        %dma_wait3A_2438 = tpu.memref_slice %arg4[%add3A_2428, %dma_wait3A_2436, %dma_wait3A_2437] : memref<16384x26x128xf32, #tpu.memory_space<hbm>> -> memref<1x26x128xf32, #tpu.memory_space<hbm>>
        %dma_wait3A_2439 = tpu.memref_squeeze %dma_wait3A_2438 : memref<1x26x128xf32, #tpu.memory_space<hbm>> -> memref<26x128xf32, #tpu.memory_space<hbm>>
        %dma_wait3A_2440 = arith.constant 0 : i32
        %dma_wait3A_2441 = arith.constant 0 : i32
        %dma_wait3A_2442 = tpu.memref_slice %arg9[%dma_wait3A_2440, %dma_wait3A_2441] : memref<208x128xf32, #tpu.memory_space<vmem>> -> memref<26x128xf32, #tpu.memory_space<vmem>>
        tpu.wait_dma2 semaphore(%arg17 : memref<!tpu.dma_semaphore, #tpu.memory_space<semaphore_mem>>) src(%dma_wait3A_2442 : memref<26x128xf32, #tpu.memory_space<vmem>>) dst(%dma_wait3A_2439 : memref<26x128xf32, #tpu.memory_space<hbm>>)
        %mul3A_2443 = arith.constant 8 : i32
        %mul3A_2444 = arith.muli %add3A_2160, %mul3A_2443 : i32
        %add3A_2445 = arith.addi %mul3A_2, %mul3A_2444 : i32
        %add3A_2446 = arith.constant 1 : i32
        %add3A_2447 = arith.addi %add3A_2445, %add3A_2446 : i32
        %dma_wait3A_2448 = arith.constant 26 : i32
        %dma_wait3A_2449 = arith.constant 0 : i32
        %dma_wait3A_2450 = tpu.memref_slice %arg9[%dma_wait3A_2448, %dma_wait3A_2449] : memref<208x128xf32, #tpu.memory_space<vmem>> -> memref<26x128xf32, #tpu.memory_space<vmem>>
        %dma_wait3A_2451 = arith.constant 0 : i32
        %dma_wait3A_2452 = arith.constant 0 : i32
        %dma_wait3A_2453 = tpu.memref_slice %arg4[%add3A_2447, %dma_wait3A_2451, %dma_wait3A_2452] : memref<16384x26x128xf32, #tpu.memory_space<hbm>> -> memref<1x26x128xf32, #tpu.memory_space<hbm>>
        %dma_wait3A_2454 = tpu.memref_squeeze %dma_wait3A_2453 : memref<1x26x128xf32, #tpu.memory_space<hbm>> -> memref<26x128xf32, #tpu.memory_space<hbm>>
        %dma_wait3A_2455 = arith.constant 0 : i32
        %dma_wait3A_2456 = arith.constant 0 : i32
        %dma_wait3A_2457 = tpu.memref_slice %arg4[%add3A_2447, %dma_wait3A_2455, %dma_wait3A_2456] : memref<16384x26x128xf32, #tpu.memory_space<hbm>> -> memref<1x26x128xf32, #tpu.memory_space<hbm>>
        %dma_wait3A_2458 = tpu.memref_squeeze %dma_wait3A_2457 : memref<1x26x128xf32, #tpu.memory_space<hbm>> -> memref<26x128xf32, #tpu.memory_space<hbm>>
        %dma_wait3A_2459 = arith.constant 26 : i32
        %dma_wait3A_2460 = arith.constant 0 : i32
        %dma_wait3A_2461 = tpu.memref_slice %arg9[%dma_wait3A_2459, %dma_wait3A_2460] : memref<208x128xf32, #tpu.memory_space<vmem>> -> memref<26x128xf32, #tpu.memory_space<vmem>>
        tpu.wait_dma2 semaphore(%arg17 : memref<!tpu.dma_semaphore, #tpu.memory_space<semaphore_mem>>) src(%dma_wait3A_2461 : memref<26x128xf32, #tpu.memory_space<vmem>>) dst(%dma_wait3A_2458 : memref<26x128xf32, #tpu.memory_space<hbm>>)
        %mul3A_2462 = arith.constant 8 : i32
        %mul3A_2463 = arith.muli %add3A_2160, %mul3A_2462 : i32
        %add3A_2464 = arith.addi %mul3A_2, %mul3A_2463 : i32
        %add3A_2465 = arith.constant 2 : i32
        %add3A_2466 = arith.addi %add3A_2464, %add3A_2465 : i32
        %dma_wait3A_2467 = arith.constant 52 : i32
        %dma_wait3A_2468 = arith.constant 0 : i32
        %dma_wait3A_2469 = tpu.memref_slice %arg9[%dma_wait3A_2467, %dma_wait3A_2468] : memref<208x128xf32, #tpu.memory_space<vmem>> -> memref<26x128xf32, #tpu.memory_space<vmem>>
        %dma_wait3A_2470 = arith.constant 0 : i32
        %dma_wait3A_2471 = arith.constant 0 : i32
        %dma_wait3A_2472 = tpu.memref_slice %arg4[%add3A_2466, %dma_wait3A_2470, %dma_wait3A_2471] : memref<16384x26x128xf32, #tpu.memory_space<hbm>> -> memref<1x26x128xf32, #tpu.memory_space<hbm>>
        %dma_wait3A_2473 = tpu.memref_squeeze %dma_wait3A_2472 : memref<1x26x128xf32, #tpu.memory_space<hbm>> -> memref<26x128xf32, #tpu.memory_space<hbm>>
        %dma_wait3A_2474 = arith.constant 0 : i32
        %dma_wait3A_2475 = arith.constant 0 : i32
        %dma_wait3A_2476 = tpu.memref_slice %arg4[%add3A_2466, %dma_wait3A_2474, %dma_wait3A_2475] : memref<16384x26x128xf32, #tpu.memory_space<hbm>> -> memref<1x26x128xf32, #tpu.memory_space<hbm>>
        %dma_wait3A_2477 = tpu.memref_squeeze %dma_wait3A_2476 : memref<1x26x128xf32, #tpu.memory_space<hbm>> -> memref<26x128xf32, #tpu.memory_space<hbm>>
        %dma_wait3A_2478 = arith.constant 52 : i32
        %dma_wait3A_2479 = arith.constant 0 : i32
        %dma_wait3A_2480 = tpu.memref_slice %arg9[%dma_wait3A_2478, %dma_wait3A_2479] : memref<208x128xf32, #tpu.memory_space<vmem>> -> memref<26x128xf32, #tpu.memory_space<vmem>>
        tpu.wait_dma2 semaphore(%arg17 : memref<!tpu.dma_semaphore, #tpu.memory_space<semaphore_mem>>) src(%dma_wait3A_2480 : memref<26x128xf32, #tpu.memory_space<vmem>>) dst(%dma_wait3A_2477 : memref<26x128xf32, #tpu.memory_space<hbm>>)
        %mul3A_2481 = arith.constant 8 : i32
        %mul3A_2482 = arith.muli %add3A_2160, %mul3A_2481 : i32
        %add3A_2483 = arith.addi %mul3A_2, %mul3A_2482 : i32
        %add3A_2484 = arith.constant 3 : i32
        %add3A_2485 = arith.addi %add3A_2483, %add3A_2484 : i32
        %dma_wait3A_2486 = arith.constant 78 : i32
        %dma_wait3A_2487 = arith.constant 0 : i32
        %dma_wait3A_2488 = tpu.memref_slice %arg9[%dma_wait3A_2486, %dma_wait3A_2487] : memref<208x128xf32, #tpu.memory_space<vmem>> -> memref<26x128xf32, #tpu.memory_space<vmem>>
        %dma_wait3A_2489 = arith.constant 0 : i32
        %dma_wait3A_2490 = arith.constant 0 : i32
        %dma_wait3A_2491 = tpu.memref_slice %arg4[%add3A_2485, %dma_wait3A_2489, %dma_wait3A_2490] : memref<16384x26x128xf32, #tpu.memory_space<hbm>> -> memref<1x26x128xf32, #tpu.memory_space<hbm>>
        %dma_wait3A_2492 = tpu.memref_squeeze %dma_wait3A_2491 : memref<1x26x128xf32, #tpu.memory_space<hbm>> -> memref<26x128xf32, #tpu.memory_space<hbm>>
        %dma_wait3A_2493 = arith.constant 0 : i32
        %dma_wait3A_2494 = arith.constant 0 : i32
        %dma_wait3A_2495 = tpu.memref_slice %arg4[%add3A_2485, %dma_wait3A_2493, %dma_wait3A_2494] : memref<16384x26x128xf32, #tpu.memory_space<hbm>> -> memref<1x26x128xf32, #tpu.memory_space<hbm>>
        %dma_wait3A_2496 = tpu.memref_squeeze %dma_wait3A_2495 : memref<1x26x128xf32, #tpu.memory_space<hbm>> -> memref<26x128xf32, #tpu.memory_space<hbm>>
        %dma_wait3A_2497 = arith.constant 78 : i32
        %dma_wait3A_2498 = arith.constant 0 : i32
        %dma_wait3A_2499 = tpu.memref_slice %arg9[%dma_wait3A_2497, %dma_wait3A_2498] : memref<208x128xf32, #tpu.memory_space<vmem>> -> memref<26x128xf32, #tpu.memory_space<vmem>>
        tpu.wait_dma2 semaphore(%arg17 : memref<!tpu.dma_semaphore, #tpu.memory_space<semaphore_mem>>) src(%dma_wait3A_2499 : memref<26x128xf32, #tpu.memory_space<vmem>>) dst(%dma_wait3A_2496 : memref<26x128xf32, #tpu.memory_space<hbm>>)
        %mul3A_2500 = arith.constant 8 : i32
        %mul3A_2501 = arith.muli %add3A_2160, %mul3A_2500 : i32
        %add3A_2502 = arith.addi %mul3A_2, %mul3A_2501 : i32
        %add3A_2503 = arith.constant 4 : i32
        %add3A_2504 = arith.addi %add3A_2502, %add3A_2503 : i32
        %dma_wait3A_2505 = arith.constant 104 : i32
        %dma_wait3A_2506 = arith.constant 0 : i32
        %dma_wait3A_2507 = tpu.memref_slice %arg9[%dma_wait3A_2505, %dma_wait3A_2506] : memref<208x128xf32, #tpu.memory_space<vmem>> -> memref<26x128xf32, #tpu.memory_space<vmem>>
        %dma_wait3A_2508 = arith.constant 0 : i32
        %dma_wait3A_2509 = arith.constant 0 : i32
        %dma_wait3A_2510 = tpu.memref_slice %arg4[%add3A_2504, %dma_wait3A_2508, %dma_wait3A_2509] : memref<16384x26x128xf32, #tpu.memory_space<hbm>> -> memref<1x26x128xf32, #tpu.memory_space<hbm>>
        %dma_wait3A_2511 = tpu.memref_squeeze %dma_wait3A_2510 : memref<1x26x128xf32, #tpu.memory_space<hbm>> -> memref<26x128xf32, #tpu.memory_space<hbm>>
        %dma_wait3A_2512 = arith.constant 0 : i32
        %dma_wait3A_2513 = arith.constant 0 : i32
        %dma_wait3A_2514 = tpu.memref_slice %arg4[%add3A_2504, %dma_wait3A_2512, %dma_wait3A_2513] : memref<16384x26x128xf32, #tpu.memory_space<hbm>> -> memref<1x26x128xf32, #tpu.memory_space<hbm>>
        %dma_wait3A_2515 = tpu.memref_squeeze %dma_wait3A_2514 : memref<1x26x128xf32, #tpu.memory_space<hbm>> -> memref<26x128xf32, #tpu.memory_space<hbm>>
        %dma_wait3A_2516 = arith.constant 104 : i32
        %dma_wait3A_2517 = arith.constant 0 : i32
        %dma_wait3A_2518 = tpu.memref_slice %arg9[%dma_wait3A_2516, %dma_wait3A_2517] : memref<208x128xf32, #tpu.memory_space<vmem>> -> memref<26x128xf32, #tpu.memory_space<vmem>>
        tpu.wait_dma2 semaphore(%arg17 : memref<!tpu.dma_semaphore, #tpu.memory_space<semaphore_mem>>) src(%dma_wait3A_2518 : memref<26x128xf32, #tpu.memory_space<vmem>>) dst(%dma_wait3A_2515 : memref<26x128xf32, #tpu.memory_space<hbm>>)
        %mul3A_2519 = arith.constant 8 : i32
        %mul3A_2520 = arith.muli %add3A_2160, %mul3A_2519 : i32
        %add3A_2521 = arith.addi %mul3A_2, %mul3A_2520 : i32
        %add3A_2522 = arith.constant 5 : i32
        %add3A_2523 = arith.addi %add3A_2521, %add3A_2522 : i32
        %dma_wait3A_2524 = arith.constant 130 : i32
        %dma_wait3A_2525 = arith.constant 0 : i32
        %dma_wait3A_2526 = tpu.memref_slice %arg9[%dma_wait3A_2524, %dma_wait3A_2525] : memref<208x128xf32, #tpu.memory_space<vmem>> -> memref<26x128xf32, #tpu.memory_space<vmem>>
        %dma_wait3A_2527 = arith.constant 0 : i32
        %dma_wait3A_2528 = arith.constant 0 : i32
        %dma_wait3A_2529 = tpu.memref_slice %arg4[%add3A_2523, %dma_wait3A_2527, %dma_wait3A_2528] : memref<16384x26x128xf32, #tpu.memory_space<hbm>> -> memref<1x26x128xf32, #tpu.memory_space<hbm>>
        %dma_wait3A_2530 = tpu.memref_squeeze %dma_wait3A_2529 : memref<1x26x128xf32, #tpu.memory_space<hbm>> -> memref<26x128xf32, #tpu.memory_space<hbm>>
        %dma_wait3A_2531 = arith.constant 0 : i32
        %dma_wait3A_2532 = arith.constant 0 : i32
        %dma_wait3A_2533 = tpu.memref_slice %arg4[%add3A_2523, %dma_wait3A_2531, %dma_wait3A_2532] : memref<16384x26x128xf32, #tpu.memory_space<hbm>> -> memref<1x26x128xf32, #tpu.memory_space<hbm>>
        %dma_wait3A_2534 = tpu.memref_squeeze %dma_wait3A_2533 : memref<1x26x128xf32, #tpu.memory_space<hbm>> -> memref<26x128xf32, #tpu.memory_space<hbm>>
        %dma_wait3A_2535 = arith.constant 130 : i32
        %dma_wait3A_2536 = arith.constant 0 : i32
        %dma_wait3A_2537 = tpu.memref_slice %arg9[%dma_wait3A_2535, %dma_wait3A_2536] : memref<208x128xf32, #tpu.memory_space<vmem>> -> memref<26x128xf32, #tpu.memory_space<vmem>>
        tpu.wait_dma2 semaphore(%arg17 : memref<!tpu.dma_semaphore, #tpu.memory_space<semaphore_mem>>) src(%dma_wait3A_2537 : memref<26x128xf32, #tpu.memory_space<vmem>>) dst(%dma_wait3A_2534 : memref<26x128xf32, #tpu.memory_space<hbm>>)
        %mul3A_2538 = arith.constant 8 : i32
        %mul3A_2539 = arith.muli %add3A_2160, %mul3A_2538 : i32
        %add3A_2540 = arith.addi %mul3A_2, %mul3A_2539 : i32
        %add3A_2541 = arith.constant 6 : i32
        %add3A_2542 = arith.addi %add3A_2540, %add3A_2541 : i32
        %dma_wait3A_2543 = arith.constant 156 : i32
        %dma_wait3A_2544 = arith.constant 0 : i32
        %dma_wait3A_2545 = tpu.memref_slice %arg9[%dma_wait3A_2543, %dma_wait3A_2544] : memref<208x128xf32, #tpu.memory_space<vmem>> -> memref<26x128xf32, #tpu.memory_space<vmem>>
        %dma_wait3A_2546 = arith.constant 0 : i32
        %dma_wait3A_2547 = arith.constant 0 : i32
        %dma_wait3A_2548 = tpu.memref_slice %arg4[%add3A_2542, %dma_wait3A_2546, %dma_wait3A_2547] : memref<16384x26x128xf32, #tpu.memory_space<hbm>> -> memref<1x26x128xf32, #tpu.memory_space<hbm>>
        %dma_wait3A_2549 = tpu.memref_squeeze %dma_wait3A_2548 : memref<1x26x128xf32, #tpu.memory_space<hbm>> -> memref<26x128xf32, #tpu.memory_space<hbm>>
        %dma_wait3A_2550 = arith.constant 0 : i32
        %dma_wait3A_2551 = arith.constant 0 : i32
        %dma_wait3A_2552 = tpu.memref_slice %arg4[%add3A_2542, %dma_wait3A_2550, %dma_wait3A_2551] : memref<16384x26x128xf32, #tpu.memory_space<hbm>> -> memref<1x26x128xf32, #tpu.memory_space<hbm>>
        %dma_wait3A_2553 = tpu.memref_squeeze %dma_wait3A_2552 : memref<1x26x128xf32, #tpu.memory_space<hbm>> -> memref<26x128xf32, #tpu.memory_space<hbm>>
        %dma_wait3A_2554 = arith.constant 156 : i32
        %dma_wait3A_2555 = arith.constant 0 : i32
        %dma_wait3A_2556 = tpu.memref_slice %arg9[%dma_wait3A_2554, %dma_wait3A_2555] : memref<208x128xf32, #tpu.memory_space<vmem>> -> memref<26x128xf32, #tpu.memory_space<vmem>>
        tpu.wait_dma2 semaphore(%arg17 : memref<!tpu.dma_semaphore, #tpu.memory_space<semaphore_mem>>) src(%dma_wait3A_2556 : memref<26x128xf32, #tpu.memory_space<vmem>>) dst(%dma_wait3A_2553 : memref<26x128xf32, #tpu.memory_space<hbm>>)
        %mul3A_2557 = arith.constant 8 : i32
        %mul3A_2558 = arith.muli %add3A_2160, %mul3A_2557 : i32
        %add3A_2559 = arith.addi %mul3A_2, %mul3A_2558 : i32
        %add3A_2560 = arith.constant 7 : i32
        %add3A_2561 = arith.addi %add3A_2559, %add3A_2560 : i32
        %dma_wait3A_2562 = arith.constant 182 : i32
        %dma_wait3A_2563 = arith.constant 0 : i32
        %dma_wait3A_2564 = tpu.memref_slice %arg9[%dma_wait3A_2562, %dma_wait3A_2563] : memref<208x128xf32, #tpu.memory_space<vmem>> -> memref<26x128xf32, #tpu.memory_space<vmem>>
        %dma_wait3A_2565 = arith.constant 0 : i32
        %dma_wait3A_2566 = arith.constant 0 : i32
        %dma_wait3A_2567 = tpu.memref_slice %arg4[%add3A_2561, %dma_wait3A_2565, %dma_wait3A_2566] : memref<16384x26x128xf32, #tpu.memory_space<hbm>> -> memref<1x26x128xf32, #tpu.memory_space<hbm>>
        %dma_wait3A_2568 = tpu.memref_squeeze %dma_wait3A_2567 : memref<1x26x128xf32, #tpu.memory_space<hbm>> -> memref<26x128xf32, #tpu.memory_space<hbm>>
        %dma_wait3A_2569 = arith.constant 0 : i32
        %dma_wait3A_2570 = arith.constant 0 : i32
        %dma_wait3A_2571 = tpu.memref_slice %arg4[%add3A_2561, %dma_wait3A_2569, %dma_wait3A_2570] : memref<16384x26x128xf32, #tpu.memory_space<hbm>> -> memref<1x26x128xf32, #tpu.memory_space<hbm>>
        %dma_wait3A_2572 = tpu.memref_squeeze %dma_wait3A_2571 : memref<1x26x128xf32, #tpu.memory_space<hbm>> -> memref<26x128xf32, #tpu.memory_space<hbm>>
        %dma_wait3A_2573 = arith.constant 182 : i32
        %dma_wait3A_2574 = arith.constant 0 : i32
        %dma_wait3A_2575 = tpu.memref_slice %arg9[%dma_wait3A_2573, %dma_wait3A_2574] : memref<208x128xf32, #tpu.memory_space<vmem>> -> memref<26x128xf32, #tpu.memory_space<vmem>>
        tpu.wait_dma2 semaphore(%arg17 : memref<!tpu.dma_semaphore, #tpu.memory_space<semaphore_mem>>) src(%dma_wait3A_2575 : memref<26x128xf32, #tpu.memory_space<vmem>>) dst(%dma_wait3A_2572 : memref<26x128xf32, #tpu.memory_space<hbm>>)
        %mul3A_2576 = arith.constant 8 : i32
        %mul3A_2577 = arith.muli %add3A_2418, %mul3A_2576 : i32
        %add3A_2578 = arith.constant 0 : i32
        %add3A_2579 = arith.addi %mul3A_2577, %add3A_2578 : i32
        %mul3A_2580 = arith.constant 32 : i32
        %mul3A_2581 = arith.muli %add3A_2579, %mul3A_2580 : i32
        %mul3A_2582 = arith.constant 32 : i32
        %mul3A_2583 = arith.muli %add3A_2579, %mul3A_2582 : i32
        %add3A_2584 = arith.constant 16 : i32
        %add3A_2585 = arith.addi %mul3A_2583, %add3A_2584 : i32
        %get3A_2586 = arith.index_cast %mul3A_2581 : i32 to index
        %get3A_2587 = tpu.vector_load %arg5[%get3A_2586] {strides = array<i32>} : memref<16384xi32, #tpu.memory_space<vmem>>, vector<16xi32>,
        %get3A_2588 = vector.shape_cast %get3A_2587 : vector<16xi32> to vector<16xi32>
        %add3A_2589 = arith.addi %get3A_2588, %mul3A_5 : vector<16xi32>
        %swap3A_2590 = arith.index_cast %mul3A_2581 : i32 to index
        %swap3A_2591 = tpu.vector_load %arg5[%swap3A_2590] {strides = array<i32>} : memref<16384xi32, #tpu.memory_space<vmem>>, vector<16xi32>,
        %swap3A_2592 = vector.shape_cast %swap3A_2591 : vector<16xi32> to vector<16xi32>
        %swap3A_2593 = vector.shape_cast %add3A_2589 : vector<16xi32> to vector<16xi32>
        tpu.vector_store %arg5[%swap3A_2590], %swap3A_2593 {strides = array<i32>} : memref<16384xi32, #tpu.memory_space<vmem>>, vector<16xi32>,
        %get3A_2594 = arith.index_cast %add3A_2585 : i32 to index
        %get3A_2595 = tpu.vector_load %arg5[%get3A_2594] {strides = array<i32>} : memref<16384xi32, #tpu.memory_space<vmem>>, vector<16xi32>,
        %get3A_2596 = vector.shape_cast %get3A_2595 : vector<16xi32> to vector<16xi32>
        %add3A_2597 = arith.addi %get3A_2596, %mul3A_11 : vector<16xi32>
        %swap3A_2598 = arith.index_cast %add3A_2585 : i32 to index
        %swap3A_2599 = tpu.vector_load %arg5[%swap3A_2598] {strides = array<i32>} : memref<16384xi32, #tpu.memory_space<vmem>>, vector<16xi32>,
        %swap3A_2600 = vector.shape_cast %swap3A_2599 : vector<16xi32> to vector<16xi32>
        %swap3A_2601 = vector.shape_cast %add3A_2597 : vector<16xi32> to vector<16xi32>
        tpu.vector_store %arg5[%swap3A_2598], %swap3A_2601 {strides = array<i32>} : memref<16384xi32, #tpu.memory_space<vmem>>, vector<16xi32>,
        %mul3A_2602 = arith.constant 32 : i32
        %mul3A_2603 = arith.muli %add3A_2579, %mul3A_2602 : i32
        %dma_start3A_2604 = arith.constant 0 : i32
        %dma_start3A_2605 = arith.constant 0 : i32
        %dma_start3A_2606 = tpu.memref_slice %arg9[%dma_start3A_2604, %dma_start3A_2605] : memref<208x128xf32, #tpu.memory_space<vmem>> -> memref<26x128xf32, #tpu.memory_space<vmem>>
        %dma_start3A_2607 = tpu.memref_slice %arg5[%mul3A_2603] : memref<16384xi32, #tpu.memory_space<vmem>> -> memref<26xi32, #tpu.memory_space<vmem>>
        %dma_start3A_2608 = arith.constant 0 : i32
        %dma_start3A_2609 = arith.constant 0 : i32
        %dma_start3A_2610 = tpu.memref_slice %arg3[%dma_start3A_2608, %dma_start3A_2609] : memref<100022x128xf32, #tpu.memory_space<hbm>> -> memref<100022x128xf32, #tpu.memory_space<hbm>>
        tpu.enqueue_indirect_dma source(%dma_start3A_2610 : memref<100022x128xf32, #tpu.memory_space<hbm>>) target(%dma_start3A_2606 : memref<26x128xf32, #tpu.memory_space<vmem>>) offsets(%dma_start3A_2607 : memref<26xi32, #tpu.memory_space<vmem>>) semaphore(%arg13 : memref<!tpu.dma_semaphore, #tpu.memory_space<semaphore_mem>>)
        %mul3A_2611 = arith.constant 8 : i32
        %mul3A_2612 = arith.muli %add3A_2418, %mul3A_2611 : i32
        %add3A_2613 = arith.constant 1 : i32
        %add3A_2614 = arith.addi %mul3A_2612, %add3A_2613 : i32
        %mul3A_2615 = arith.constant 32 : i32
        %mul3A_2616 = arith.muli %add3A_2614, %mul3A_2615 : i32
        %mul3A_2617 = arith.constant 32 : i32
        %mul3A_2618 = arith.muli %add3A_2614, %mul3A_2617 : i32
        %add3A_2619 = arith.constant 16 : i32
        %add3A_2620 = arith.addi %mul3A_2618, %add3A_2619 : i32
        %get3A_2621 = arith.index_cast %mul3A_2616 : i32 to index
        %get3A_2622 = tpu.vector_load %arg5[%get3A_2621] {strides = array<i32>} : memref<16384xi32, #tpu.memory_space<vmem>>, vector<16xi32>,
        %get3A_2623 = vector.shape_cast %get3A_2622 : vector<16xi32> to vector<16xi32>
        %add3A_2624 = arith.addi %get3A_2623, %mul3A_5 : vector<16xi32>
        %swap3A_2625 = arith.index_cast %mul3A_2616 : i32 to index
        %swap3A_2626 = tpu.vector_load %arg5[%swap3A_2625] {strides = array<i32>} : memref<16384xi32, #tpu.memory_space<vmem>>, vector<16xi32>,
        %swap3A_2627 = vector.shape_cast %swap3A_2626 : vector<16xi32> to vector<16xi32>
        %swap3A_2628 = vector.shape_cast %add3A_2624 : vector<16xi32> to vector<16xi32>
        tpu.vector_store %arg5[%swap3A_2625], %swap3A_2628 {strides = array<i32>} : memref<16384xi32, #tpu.memory_space<vmem>>, vector<16xi32>,
        %get3A_2629 = arith.index_cast %add3A_2620 : i32 to index
        %get3A_2630 = tpu.vector_load %arg5[%get3A_2629] {strides = array<i32>} : memref<16384xi32, #tpu.memory_space<vmem>>, vector<16xi32>,
        %get3A_2631 = vector.shape_cast %get3A_2630 : vector<16xi32> to vector<16xi32>
        %add3A_2632 = arith.addi %get3A_2631, %mul3A_11 : vector<16xi32>
        %swap3A_2633 = arith.index_cast %add3A_2620 : i32 to index
        %swap3A_2634 = tpu.vector_load %arg5[%swap3A_2633] {strides = array<i32>} : memref<16384xi32, #tpu.memory_space<vmem>>, vector<16xi32>,
        %swap3A_2635 = vector.shape_cast %swap3A_2634 : vector<16xi32> to vector<16xi32>
        %swap3A_2636 = vector.shape_cast %add3A_2632 : vector<16xi32> to vector<16xi32>
        tpu.vector_store %arg5[%swap3A_2633], %swap3A_2636 {strides = array<i32>} : memref<16384xi32, #tpu.memory_space<vmem>>, vector<16xi32>,
        %mul3A_2637 = arith.constant 32 : i32
        %mul3A_2638 = arith.muli %add3A_2614, %mul3A_2637 : i32
        %dma_start3A_2639 = arith.constant 26 : i32
        %dma_start3A_2640 = arith.constant 0 : i32
        %dma_start3A_2641 = tpu.memref_slice %arg9[%dma_start3A_2639, %dma_start3A_2640] : memref<208x128xf32, #tpu.memory_space<vmem>> -> memref<26x128xf32, #tpu.memory_space<vmem>>
        %dma_start3A_2642 = tpu.memref_slice %arg5[%mul3A_2638] : memref<16384xi32, #tpu.memory_space<vmem>> -> memref<26xi32, #tpu.memory_space<vmem>>
        %dma_start3A_2643 = arith.constant 0 : i32
        %dma_start3A_2644 = arith.constant 0 : i32
        %dma_start3A_2645 = tpu.memref_slice %arg3[%dma_start3A_2643, %dma_start3A_2644] : memref<100022x128xf32, #tpu.memory_space<hbm>> -> memref<100022x128xf32, #tpu.memory_space<hbm>>
        tpu.enqueue_indirect_dma source(%dma_start3A_2645 : memref<100022x128xf32, #tpu.memory_space<hbm>>) target(%dma_start3A_2641 : memref<26x128xf32, #tpu.memory_space<vmem>>) offsets(%dma_start3A_2642 : memref<26xi32, #tpu.memory_space<vmem>>) semaphore(%arg13 : memref<!tpu.dma_semaphore, #tpu.memory_space<semaphore_mem>>)
        %mul3A_2646 = arith.constant 8 : i32
        %mul3A_2647 = arith.muli %add3A_2418, %mul3A_2646 : i32
        %add3A_2648 = arith.constant 2 : i32
        %add3A_2649 = arith.addi %mul3A_2647, %add3A_2648 : i32
        %mul3A_2650 = arith.constant 32 : i32
        %mul3A_2651 = arith.muli %add3A_2649, %mul3A_2650 : i32
        %mul3A_2652 = arith.constant 32 : i32
        %mul3A_2653 = arith.muli %add3A_2649, %mul3A_2652 : i32
        %add3A_2654 = arith.constant 16 : i32
        %add3A_2655 = arith.addi %mul3A_2653, %add3A_2654 : i32
        %get3A_2656 = arith.index_cast %mul3A_2651 : i32 to index
        %get3A_2657 = tpu.vector_load %arg5[%get3A_2656] {strides = array<i32>} : memref<16384xi32, #tpu.memory_space<vmem>>, vector<16xi32>,
        %get3A_2658 = vector.shape_cast %get3A_2657 : vector<16xi32> to vector<16xi32>
        %add3A_2659 = arith.addi %get3A_2658, %mul3A_5 : vector<16xi32>
        %swap3A_2660 = arith.index_cast %mul3A_2651 : i32 to index
        %swap3A_2661 = tpu.vector_load %arg5[%swap3A_2660] {strides = array<i32>} : memref<16384xi32, #tpu.memory_space<vmem>>, vector<16xi32>,
        %swap3A_2662 = vector.shape_cast %swap3A_2661 : vector<16xi32> to vector<16xi32>
        %swap3A_2663 = vector.shape_cast %add3A_2659 : vector<16xi32> to vector<16xi32>
        tpu.vector_store %arg5[%swap3A_2660], %swap3A_2663 {strides = array<i32>} : memref<16384xi32, #tpu.memory_space<vmem>>, vector<16xi32>,
        %get3A_2664 = arith.index_cast %add3A_2655 : i32 to index
        %get3A_2665 = tpu.vector_load %arg5[%get3A_2664] {strides = array<i32>} : memref<16384xi32, #tpu.memory_space<vmem>>, vector<16xi32>,
        %get3A_2666 = vector.shape_cast %get3A_2665 : vector<16xi32> to vector<16xi32>
        %add3A_2667 = arith.addi %get3A_2666, %mul3A_11 : vector<16xi32>
        %swap3A_2668 = arith.index_cast %add3A_2655 : i32 to index
        %swap3A_2669 = tpu.vector_load %arg5[%swap3A_2668] {strides = array<i32>} : memref<16384xi32, #tpu.memory_space<vmem>>, vector<16xi32>,
        %swap3A_2670 = vector.shape_cast %swap3A_2669 : vector<16xi32> to vector<16xi32>
        %swap3A_2671 = vector.shape_cast %add3A_2667 : vector<16xi32> to vector<16xi32>
        tpu.vector_store %arg5[%swap3A_2668], %swap3A_2671 {strides = array<i32>} : memref<16384xi32, #tpu.memory_space<vmem>>, vector<16xi32>,
        %mul3A_2672 = arith.constant 32 : i32
        %mul3A_2673 = arith.muli %add3A_2649, %mul3A_2672 : i32
        %dma_start3A_2674 = arith.constant 52 : i32
        %dma_start3A_2675 = arith.constant 0 : i32
        %dma_start3A_2676 = tpu.memref_slice %arg9[%dma_start3A_2674, %dma_start3A_2675] : memref<208x128xf32, #tpu.memory_space<vmem>> -> memref<26x128xf32, #tpu.memory_space<vmem>>
        %dma_start3A_2677 = tpu.memref_slice %arg5[%mul3A_2673] : memref<16384xi32, #tpu.memory_space<vmem>> -> memref<26xi32, #tpu.memory_space<vmem>>
        %dma_start3A_2678 = arith.constant 0 : i32
        %dma_start3A_2679 = arith.constant 0 : i32
        %dma_start3A_2680 = tpu.memref_slice %arg3[%dma_start3A_2678, %dma_start3A_2679] : memref<100022x128xf32, #tpu.memory_space<hbm>> -> memref<100022x128xf32, #tpu.memory_space<hbm>>
        tpu.enqueue_indirect_dma source(%dma_start3A_2680 : memref<100022x128xf32, #tpu.memory_space<hbm>>) target(%dma_start3A_2676 : memref<26x128xf32, #tpu.memory_space<vmem>>) offsets(%dma_start3A_2677 : memref<26xi32, #tpu.memory_space<vmem>>) semaphore(%arg13 : memref<!tpu.dma_semaphore, #tpu.memory_space<semaphore_mem>>)
        %mul3A_2681 = arith.constant 8 : i32
        %mul3A_2682 = arith.muli %add3A_2418, %mul3A_2681 : i32
        %add3A_2683 = arith.constant 3 : i32
        %add3A_2684 = arith.addi %mul3A_2682, %add3A_2683 : i32
        %mul3A_2685 = arith.constant 32 : i32
        %mul3A_2686 = arith.muli %add3A_2684, %mul3A_2685 : i32
        %mul3A_2687 = arith.constant 32 : i32
        %mul3A_2688 = arith.muli %add3A_2684, %mul3A_2687 : i32
        %add3A_2689 = arith.constant 16 : i32
        %add3A_2690 = arith.addi %mul3A_2688, %add3A_2689 : i32
        %get3A_2691 = arith.index_cast %mul3A_2686 : i32 to index
        %get3A_2692 = tpu.vector_load %arg5[%get3A_2691] {strides = array<i32>} : memref<16384xi32, #tpu.memory_space<vmem>>, vector<16xi32>,
        %get3A_2693 = vector.shape_cast %get3A_2692 : vector<16xi32> to vector<16xi32>
        %add3A_2694 = arith.addi %get3A_2693, %mul3A_5 : vector<16xi32>
        %swap3A_2695 = arith.index_cast %mul3A_2686 : i32 to index
        %swap3A_2696 = tpu.vector_load %arg5[%swap3A_2695] {strides = array<i32>} : memref<16384xi32, #tpu.memory_space<vmem>>, vector<16xi32>,
        %swap3A_2697 = vector.shape_cast %swap3A_2696 : vector<16xi32> to vector<16xi32>
        %swap3A_2698 = vector.shape_cast %add3A_2694 : vector<16xi32> to vector<16xi32>
        tpu.vector_store %arg5[%swap3A_2695], %swap3A_2698 {strides = array<i32>} : memref<16384xi32, #tpu.memory_space<vmem>>, vector<16xi32>,
        %get3A_2699 = arith.index_cast %add3A_2690 : i32 to index
        %get3A_2700 = tpu.vector_load %arg5[%get3A_2699] {strides = array<i32>} : memref<16384xi32, #tpu.memory_space<vmem>>, vector<16xi32>,
        %get3A_2701 = vector.shape_cast %get3A_2700 : vector<16xi32> to vector<16xi32>
        %add3A_2702 = arith.addi %get3A_2701, %mul3A_11 : vector<16xi32>
        %swap3A_2703 = arith.index_cast %add3A_2690 : i32 to index
        %swap3A_2704 = tpu.vector_load %arg5[%swap3A_2703] {strides = array<i32>} : memref<16384xi32, #tpu.memory_space<vmem>>, vector<16xi32>,
        %swap3A_2705 = vector.shape_cast %swap3A_2704 : vector<16xi32> to vector<16xi32>
        %swap3A_2706 = vector.shape_cast %add3A_2702 : vector<16xi32> to vector<16xi32>
        tpu.vector_store %arg5[%swap3A_2703], %swap3A_2706 {strides = array<i32>} : memref<16384xi32, #tpu.memory_space<vmem>>, vector<16xi32>,
        %mul3A_2707 = arith.constant 32 : i32
        %mul3A_2708 = arith.muli %add3A_2684, %mul3A_2707 : i32
        %dma_start3A_2709 = arith.constant 78 : i32
        %dma_start3A_2710 = arith.constant 0 : i32
        %dma_start3A_2711 = tpu.memref_slice %arg9[%dma_start3A_2709, %dma_start3A_2710] : memref<208x128xf32, #tpu.memory_space<vmem>> -> memref<26x128xf32, #tpu.memory_space<vmem>>
        %dma_start3A_2712 = tpu.memref_slice %arg5[%mul3A_2708] : memref<16384xi32, #tpu.memory_space<vmem>> -> memref<26xi32, #tpu.memory_space<vmem>>
        %dma_start3A_2713 = arith.constant 0 : i32
        %dma_start3A_2714 = arith.constant 0 : i32
        %dma_start3A_2715 = tpu.memref_slice %arg3[%dma_start3A_2713, %dma_start3A_2714] : memref<100022x128xf32, #tpu.memory_space<hbm>> -> memref<100022x128xf32, #tpu.memory_space<hbm>>
        tpu.enqueue_indirect_dma source(%dma_start3A_2715 : memref<100022x128xf32, #tpu.memory_space<hbm>>) target(%dma_start3A_2711 : memref<26x128xf32, #tpu.memory_space<vmem>>) offsets(%dma_start3A_2712 : memref<26xi32, #tpu.memory_space<vmem>>) semaphore(%arg13 : memref<!tpu.dma_semaphore, #tpu.memory_space<semaphore_mem>>)
        %mul3A_2716 = arith.constant 8 : i32
        %mul3A_2717 = arith.muli %add3A_2418, %mul3A_2716 : i32
        %add3A_2718 = arith.constant 4 : i32
        %add3A_2719 = arith.addi %mul3A_2717, %add3A_2718 : i32
        %mul3A_2720 = arith.constant 32 : i32
        %mul3A_2721 = arith.muli %add3A_2719, %mul3A_2720 : i32
        %mul3A_2722 = arith.constant 32 : i32
        %mul3A_2723 = arith.muli %add3A_2719, %mul3A_2722 : i32
        %add3A_2724 = arith.constant 16 : i32
        %add3A_2725 = arith.addi %mul3A_2723, %add3A_2724 : i32
        %get3A_2726 = arith.index_cast %mul3A_2721 : i32 to index
        %get3A_2727 = tpu.vector_load %arg5[%get3A_2726] {strides = array<i32>} : memref<16384xi32, #tpu.memory_space<vmem>>, vector<16xi32>,
        %get3A_2728 = vector.shape_cast %get3A_2727 : vector<16xi32> to vector<16xi32>
        %add3A_2729 = arith.addi %get3A_2728, %mul3A_5 : vector<16xi32>
        %swap3A_2730 = arith.index_cast %mul3A_2721 : i32 to index
        %swap3A_2731 = tpu.vector_load %arg5[%swap3A_2730] {strides = array<i32>} : memref<16384xi32, #tpu.memory_space<vmem>>, vector<16xi32>,
        %swap3A_2732 = vector.shape_cast %swap3A_2731 : vector<16xi32> to vector<16xi32>
        %swap3A_2733 = vector.shape_cast %add3A_2729 : vector<16xi32> to vector<16xi32>
        tpu.vector_store %arg5[%swap3A_2730], %swap3A_2733 {strides = array<i32>} : memref<16384xi32, #tpu.memory_space<vmem>>, vector<16xi32>,
        %get3A_2734 = arith.index_cast %add3A_2725 : i32 to index
        %get3A_2735 = tpu.vector_load %arg5[%get3A_2734] {strides = array<i32>} : memref<16384xi32, #tpu.memory_space<vmem>>, vector<16xi32>,
        %get3A_2736 = vector.shape_cast %get3A_2735 : vector<16xi32> to vector<16xi32>
        %add3A_2737 = arith.addi %get3A_2736, %mul3A_11 : vector<16xi32>
        %swap3A_2738 = arith.index_cast %add3A_2725 : i32 to index
        %swap3A_2739 = tpu.vector_load %arg5[%swap3A_2738] {strides = array<i32>} : memref<16384xi32, #tpu.memory_space<vmem>>, vector<16xi32>,
        %swap3A_2740 = vector.shape_cast %swap3A_2739 : vector<16xi32> to vector<16xi32>
        %swap3A_2741 = vector.shape_cast %add3A_2737 : vector<16xi32> to vector<16xi32>
        tpu.vector_store %arg5[%swap3A_2738], %swap3A_2741 {strides = array<i32>} : memref<16384xi32, #tpu.memory_space<vmem>>, vector<16xi32>,
        %mul3A_2742 = arith.constant 32 : i32
        %mul3A_2743 = arith.muli %add3A_2719, %mul3A_2742 : i32
        %dma_start3A_2744 = arith.constant 104 : i32
        %dma_start3A_2745 = arith.constant 0 : i32
        %dma_start3A_2746 = tpu.memref_slice %arg9[%dma_start3A_2744, %dma_start3A_2745] : memref<208x128xf32, #tpu.memory_space<vmem>> -> memref<26x128xf32, #tpu.memory_space<vmem>>
        %dma_start3A_2747 = tpu.memref_slice %arg5[%mul3A_2743] : memref<16384xi32, #tpu.memory_space<vmem>> -> memref<26xi32, #tpu.memory_space<vmem>>
        %dma_start3A_2748 = arith.constant 0 : i32
        %dma_start3A_2749 = arith.constant 0 : i32
        %dma_start3A_2750 = tpu.memref_slice %arg3[%dma_start3A_2748, %dma_start3A_2749] : memref<100022x128xf32, #tpu.memory_space<hbm>> -> memref<100022x128xf32, #tpu.memory_space<hbm>>
        tpu.enqueue_indirect_dma source(%dma_start3A_2750 : memref<100022x128xf32, #tpu.memory_space<hbm>>) target(%dma_start3A_2746 : memref<26x128xf32, #tpu.memory_space<vmem>>) offsets(%dma_start3A_2747 : memref<26xi32, #tpu.memory_space<vmem>>) semaphore(%arg13 : memref<!tpu.dma_semaphore, #tpu.memory_space<semaphore_mem>>)
        %mul3A_2751 = arith.constant 8 : i32
        %mul3A_2752 = arith.muli %add3A_2418, %mul3A_2751 : i32
        %add3A_2753 = arith.constant 5 : i32
        %add3A_2754 = arith.addi %mul3A_2752, %add3A_2753 : i32
        %mul3A_2755 = arith.constant 32 : i32
        %mul3A_2756 = arith.muli %add3A_2754, %mul3A_2755 : i32
        %mul3A_2757 = arith.constant 32 : i32
        %mul3A_2758 = arith.muli %add3A_2754, %mul3A_2757 : i32
        %add3A_2759 = arith.constant 16 : i32
        %add3A_2760 = arith.addi %mul3A_2758, %add3A_2759 : i32
        %get3A_2761 = arith.index_cast %mul3A_2756 : i32 to index
        %get3A_2762 = tpu.vector_load %arg5[%get3A_2761] {strides = array<i32>} : memref<16384xi32, #tpu.memory_space<vmem>>, vector<16xi32>,
        %get3A_2763 = vector.shape_cast %get3A_2762 : vector<16xi32> to vector<16xi32>
        %add3A_2764 = arith.addi %get3A_2763, %mul3A_5 : vector<16xi32>
        %swap3A_2765 = arith.index_cast %mul3A_2756 : i32 to index
        %swap3A_2766 = tpu.vector_load %arg5[%swap3A_2765] {strides = array<i32>} : memref<16384xi32, #tpu.memory_space<vmem>>, vector<16xi32>,
        %swap3A_2767 = vector.shape_cast %swap3A_2766 : vector<16xi32> to vector<16xi32>
        %swap3A_2768 = vector.shape_cast %add3A_2764 : vector<16xi32> to vector<16xi32>
        tpu.vector_store %arg5[%swap3A_2765], %swap3A_2768 {strides = array<i32>} : memref<16384xi32, #tpu.memory_space<vmem>>, vector<16xi32>,
        %get3A_2769 = arith.index_cast %add3A_2760 : i32 to index
        %get3A_2770 = tpu.vector_load %arg5[%get3A_2769] {strides = array<i32>} : memref<16384xi32, #tpu.memory_space<vmem>>, vector<16xi32>,
        %get3A_2771 = vector.shape_cast %get3A_2770 : vector<16xi32> to vector<16xi32>
        %add3A_2772 = arith.addi %get3A_2771, %mul3A_11 : vector<16xi32>
        %swap3A_2773 = arith.index_cast %add3A_2760 : i32 to index
        %swap3A_2774 = tpu.vector_load %arg5[%swap3A_2773] {strides = array<i32>} : memref<16384xi32, #tpu.memory_space<vmem>>, vector<16xi32>,
        %swap3A_2775 = vector.shape_cast %swap3A_2774 : vector<16xi32> to vector<16xi32>
        %swap3A_2776 = vector.shape_cast %add3A_2772 : vector<16xi32> to vector<16xi32>
        tpu.vector_store %arg5[%swap3A_2773], %swap3A_2776 {strides = array<i32>} : memref<16384xi32, #tpu.memory_space<vmem>>, vector<16xi32>,
        %mul3A_2777 = arith.constant 32 : i32
        %mul3A_2778 = arith.muli %add3A_2754, %mul3A_2777 : i32
        %dma_start3A_2779 = arith.constant 130 : i32
        %dma_start3A_2780 = arith.constant 0 : i32
        %dma_start3A_2781 = tpu.memref_slice %arg9[%dma_start3A_2779, %dma_start3A_2780] : memref<208x128xf32, #tpu.memory_space<vmem>> -> memref<26x128xf32, #tpu.memory_space<vmem>>
        %dma_start3A_2782 = tpu.memref_slice %arg5[%mul3A_2778] : memref<16384xi32, #tpu.memory_space<vmem>> -> memref<26xi32, #tpu.memory_space<vmem>>
        %dma_start3A_2783 = arith.constant 0 : i32
        %dma_start3A_2784 = arith.constant 0 : i32
        %dma_start3A_2785 = tpu.memref_slice %arg3[%dma_start3A_2783, %dma_start3A_2784] : memref<100022x128xf32, #tpu.memory_space<hbm>> -> memref<100022x128xf32, #tpu.memory_space<hbm>>
        tpu.enqueue_indirect_dma source(%dma_start3A_2785 : memref<100022x128xf32, #tpu.memory_space<hbm>>) target(%dma_start3A_2781 : memref<26x128xf32, #tpu.memory_space<vmem>>) offsets(%dma_start3A_2782 : memref<26xi32, #tpu.memory_space<vmem>>) semaphore(%arg13 : memref<!tpu.dma_semaphore, #tpu.memory_space<semaphore_mem>>)
        %mul3A_2786 = arith.constant 8 : i32
        %mul3A_2787 = arith.muli %add3A_2418, %mul3A_2786 : i32
        %add3A_2788 = arith.constant 6 : i32
        %add3A_2789 = arith.addi %mul3A_2787, %add3A_2788 : i32
        %mul3A_2790 = arith.constant 32 : i32
        %mul3A_2791 = arith.muli %add3A_2789, %mul3A_2790 : i32
        %mul3A_2792 = arith.constant 32 : i32
        %mul3A_2793 = arith.muli %add3A_2789, %mul3A_2792 : i32
        %add3A_2794 = arith.constant 16 : i32
        %add3A_2795 = arith.addi %mul3A_2793, %add3A_2794 : i32
        %get3A_2796 = arith.index_cast %mul3A_2791 : i32 to index
        %get3A_2797 = tpu.vector_load %arg5[%get3A_2796] {strides = array<i32>} : memref<16384xi32, #tpu.memory_space<vmem>>, vector<16xi32>,
        %get3A_2798 = vector.shape_cast %get3A_2797 : vector<16xi32> to vector<16xi32>
        %add3A_2799 = arith.addi %get3A_2798, %mul3A_5 : vector<16xi32>
        %swap3A_2800 = arith.index_cast %mul3A_2791 : i32 to index
        %swap3A_2801 = tpu.vector_load %arg5[%swap3A_2800] {strides = array<i32>} : memref<16384xi32, #tpu.memory_space<vmem>>, vector<16xi32>,
        %swap3A_2802 = vector.shape_cast %swap3A_2801 : vector<16xi32> to vector<16xi32>
        %swap3A_2803 = vector.shape_cast %add3A_2799 : vector<16xi32> to vector<16xi32>
        tpu.vector_store %arg5[%swap3A_2800], %swap3A_2803 {strides = array<i32>} : memref<16384xi32, #tpu.memory_space<vmem>>, vector<16xi32>,
        %get3A_2804 = arith.index_cast %add3A_2795 : i32 to index
        %get3A_2805 = tpu.vector_load %arg5[%get3A_2804] {strides = array<i32>} : memref<16384xi32, #tpu.memory_space<vmem>>, vector<16xi32>,
        %get3A_2806 = vector.shape_cast %get3A_2805 : vector<16xi32> to vector<16xi32>
        %add3A_2807 = arith.addi %get3A_2806, %mul3A_11 : vector<16xi32>
        %swap3A_2808 = arith.index_cast %add3A_2795 : i32 to index
        %swap3A_2809 = tpu.vector_load %arg5[%swap3A_2808] {strides = array<i32>} : memref<16384xi32, #tpu.memory_space<vmem>>, vector<16xi32>,
        %swap3A_2810 = vector.shape_cast %swap3A_2809 : vector<16xi32> to vector<16xi32>
        %swap3A_2811 = vector.shape_cast %add3A_2807 : vector<16xi32> to vector<16xi32>
        tpu.vector_store %arg5[%swap3A_2808], %swap3A_2811 {strides = array<i32>} : memref<16384xi32, #tpu.memory_space<vmem>>, vector<16xi32>,
        %mul3A_2812 = arith.constant 32 : i32
        %mul3A_2813 = arith.muli %add3A_2789, %mul3A_2812 : i32
        %dma_start3A_2814 = arith.constant 156 : i32
        %dma_start3A_2815 = arith.constant 0 : i32
        %dma_start3A_2816 = tpu.memref_slice %arg9[%dma_start3A_2814, %dma_start3A_2815] : memref<208x128xf32, #tpu.memory_space<vmem>> -> memref<26x128xf32, #tpu.memory_space<vmem>>
        %dma_start3A_2817 = tpu.memref_slice %arg5[%mul3A_2813] : memref<16384xi32, #tpu.memory_space<vmem>> -> memref<26xi32, #tpu.memory_space<vmem>>
        %dma_start3A_2818 = arith.constant 0 : i32
        %dma_start3A_2819 = arith.constant 0 : i32
        %dma_start3A_2820 = tpu.memref_slice %arg3[%dma_start3A_2818, %dma_start3A_2819] : memref<100022x128xf32, #tpu.memory_space<hbm>> -> memref<100022x128xf32, #tpu.memory_space<hbm>>
        tpu.enqueue_indirect_dma source(%dma_start3A_2820 : memref<100022x128xf32, #tpu.memory_space<hbm>>) target(%dma_start3A_2816 : memref<26x128xf32, #tpu.memory_space<vmem>>) offsets(%dma_start3A_2817 : memref<26xi32, #tpu.memory_space<vmem>>) semaphore(%arg13 : memref<!tpu.dma_semaphore, #tpu.memory_space<semaphore_mem>>)
        %mul3A_2821 = arith.constant 8 : i32
        %mul3A_2822 = arith.muli %add3A_2418, %mul3A_2821 : i32
        %add3A_2823 = arith.constant 7 : i32
        %add3A_2824 = arith.addi %mul3A_2822, %add3A_2823 : i32
        %mul3A_2825 = arith.constant 32 : i32
        %mul3A_2826 = arith.muli %add3A_2824, %mul3A_2825 : i32
        %mul3A_2827 = arith.constant 32 : i32
        %mul3A_2828 = arith.muli %add3A_2824, %mul3A_2827 : i32
        %add3A_2829 = arith.constant 16 : i32
        %add3A_2830 = arith.addi %mul3A_2828, %add3A_2829 : i32
        %get3A_2831 = arith.index_cast %mul3A_2826 : i32 to index
        %get3A_2832 = tpu.vector_load %arg5[%get3A_2831] {strides = array<i32>} : memref<16384xi32, #tpu.memory_space<vmem>>, vector<16xi32>,
        %get3A_2833 = vector.shape_cast %get3A_2832 : vector<16xi32> to vector<16xi32>
        %add3A_2834 = arith.addi %get3A_2833, %mul3A_5 : vector<16xi32>
        %swap3A_2835 = arith.index_cast %mul3A_2826 : i32 to index
        %swap3A_2836 = tpu.vector_load %arg5[%swap3A_2835] {strides = array<i32>} : memref<16384xi32, #tpu.memory_space<vmem>>, vector<16xi32>,
        %swap3A_2837 = vector.shape_cast %swap3A_2836 : vector<16xi32> to vector<16xi32>
        %swap3A_2838 = vector.shape_cast %add3A_2834 : vector<16xi32> to vector<16xi32>
        tpu.vector_store %arg5[%swap3A_2835], %swap3A_2838 {strides = array<i32>} : memref<16384xi32, #tpu.memory_space<vmem>>, vector<16xi32>,
        %get3A_2839 = arith.index_cast %add3A_2830 : i32 to index
        %get3A_2840 = tpu.vector_load %arg5[%get3A_2839] {strides = array<i32>} : memref<16384xi32, #tpu.memory_space<vmem>>, vector<16xi32>,
        %get3A_2841 = vector.shape_cast %get3A_2840 : vector<16xi32> to vector<16xi32>
        %add3A_2842 = arith.addi %get3A_2841, %mul3A_11 : vector<16xi32>
        %swap3A_2843 = arith.index_cast %add3A_2830 : i32 to index
        %swap3A_2844 = tpu.vector_load %arg5[%swap3A_2843] {strides = array<i32>} : memref<16384xi32, #tpu.memory_space<vmem>>, vector<16xi32>,
        %swap3A_2845 = vector.shape_cast %swap3A_2844 : vector<16xi32> to vector<16xi32>
        %swap3A_2846 = vector.shape_cast %add3A_2842 : vector<16xi32> to vector<16xi32>
        tpu.vector_store %arg5[%swap3A_2843], %swap3A_2846 {strides = array<i32>} : memref<16384xi32, #tpu.memory_space<vmem>>, vector<16xi32>,
        %mul3A_2847 = arith.constant 32 : i32
        %mul3A_2848 = arith.muli %add3A_2824, %mul3A_2847 : i32
        %dma_start3A_2849 = arith.constant 182 : i32
        %dma_start3A_2850 = arith.constant 0 : i32
        %dma_start3A_2851 = tpu.memref_slice %arg9[%dma_start3A_2849, %dma_start3A_2850] : memref<208x128xf32, #tpu.memory_space<vmem>> -> memref<26x128xf32, #tpu.memory_space<vmem>>
        %dma_start3A_2852 = tpu.memref_slice %arg5[%mul3A_2848] : memref<16384xi32, #tpu.memory_space<vmem>> -> memref<26xi32, #tpu.memory_space<vmem>>
        %dma_start3A_2853 = arith.constant 0 : i32
        %dma_start3A_2854 = arith.constant 0 : i32
        %dma_start3A_2855 = tpu.memref_slice %arg3[%dma_start3A_2853, %dma_start3A_2854] : memref<100022x128xf32, #tpu.memory_space<hbm>> -> memref<100022x128xf32, #tpu.memory_space<hbm>>
        tpu.enqueue_indirect_dma source(%dma_start3A_2855 : memref<100022x128xf32, #tpu.memory_space<hbm>>) target(%dma_start3A_2851 : memref<26x128xf32, #tpu.memory_space<vmem>>) offsets(%dma_start3A_2852 : memref<26xi32, #tpu.memory_space<vmem>>) semaphore(%arg13 : memref<!tpu.dma_semaphore, #tpu.memory_space<semaphore_mem>>)
      } else {
      }
    }
    %scan3A_782 = arith.constant 16 : i32
    %add3A_783 = arith.constant 480 : i32
    %add3A_784 = arith.addi %mul3A_2, %add3A_783 : i32
    %add3A_785 = arith.constant 0 : i32
    %add3A_786 = arith.addi %add3A_784, %add3A_785 : i32
    %dma_wait3A = arith.constant 0 : i32
    %dma_wait3A_787 = arith.constant 0 : i32
    %dma_wait3A_788 = tpu.memref_slice %arg6[%dma_wait3A, %dma_wait3A_787] : memref<208x128xf32, #tpu.memory_space<vmem>> -> memref<26x128xf32, #tpu.memory_space<vmem>>
    %dma_wait3A_789 = arith.constant 0 : i32
    %dma_wait3A_790 = arith.constant 0 : i32
    %dma_wait3A_791 = tpu.memref_slice %arg4[%add3A_786, %dma_wait3A_789, %dma_wait3A_790] : memref<16384x26x128xf32, #tpu.memory_space<hbm>> -> memref<1x26x128xf32, #tpu.memory_space<hbm>>
    %dma_wait3A_792 = tpu.memref_squeeze %dma_wait3A_791 : memref<1x26x128xf32, #tpu.memory_space<hbm>> -> memref<26x128xf32, #tpu.memory_space<hbm>>
    %dma_wait3A_793 = arith.constant 0 : i32
    %dma_wait3A_794 = arith.constant 0 : i32
    %dma_wait3A_795 = tpu.memref_slice %arg4[%add3A_786, %dma_wait3A_793, %dma_wait3A_794] : memref<16384x26x128xf32, #tpu.memory_space<hbm>> -> memref<1x26x128xf32, #tpu.memory_space<hbm>>
    %dma_wait3A_796 = tpu.memref_squeeze %dma_wait3A_795 : memref<1x26x128xf32, #tpu.memory_space<hbm>> -> memref<26x128xf32, #tpu.memory_space<hbm>>
    %dma_wait3A_797 = arith.constant 0 : i32
    %dma_wait3A_798 = arith.constant 0 : i32
    %dma_wait3A_799 = tpu.memref_slice %arg6[%dma_wait3A_797, %dma_wait3A_798] : memref<208x128xf32, #tpu.memory_space<vmem>> -> memref<26x128xf32, #tpu.memory_space<vmem>>
    tpu.wait_dma2 semaphore(%arg14 : memref<!tpu.dma_semaphore, #tpu.memory_space<semaphore_mem>>) src(%dma_wait3A_799 : memref<26x128xf32, #tpu.memory_space<vmem>>) dst(%dma_wait3A_796 : memref<26x128xf32, #tpu.memory_space<hbm>>)
    %add3A_800 = arith.constant 480 : i32
    %add3A_801 = arith.addi %mul3A_2, %add3A_800 : i32
    %add3A_802 = arith.constant 1 : i32
    %add3A_803 = arith.addi %add3A_801, %add3A_802 : i32
    %dma_wait3A_804 = arith.constant 26 : i32
    %dma_wait3A_805 = arith.constant 0 : i32
    %dma_wait3A_806 = tpu.memref_slice %arg6[%dma_wait3A_804, %dma_wait3A_805] : memref<208x128xf32, #tpu.memory_space<vmem>> -> memref<26x128xf32, #tpu.memory_space<vmem>>
    %dma_wait3A_807 = arith.constant 0 : i32
    %dma_wait3A_808 = arith.constant 0 : i32
    %dma_wait3A_809 = tpu.memref_slice %arg4[%add3A_803, %dma_wait3A_807, %dma_wait3A_808] : memref<16384x26x128xf32, #tpu.memory_space<hbm>> -> memref<1x26x128xf32, #tpu.memory_space<hbm>>
    %dma_wait3A_810 = tpu.memref_squeeze %dma_wait3A_809 : memref<1x26x128xf32, #tpu.memory_space<hbm>> -> memref<26x128xf32, #tpu.memory_space<hbm>>
    %dma_wait3A_811 = arith.constant 0 : i32
    %dma_wait3A_812 = arith.constant 0 : i32
    %dma_wait3A_813 = tpu.memref_slice %arg4[%add3A_803, %dma_wait3A_811, %dma_wait3A_812] : memref<16384x26x128xf32, #tpu.memory_space<hbm>> -> memref<1x26x128xf32, #tpu.memory_space<hbm>>
    %dma_wait3A_814 = tpu.memref_squeeze %dma_wait3A_813 : memref<1x26x128xf32, #tpu.memory_space<hbm>> -> memref<26x128xf32, #tpu.memory_space<hbm>>
    %dma_wait3A_815 = arith.constant 26 : i32
    %dma_wait3A_816 = arith.constant 0 : i32
    %dma_wait3A_817 = tpu.memref_slice %arg6[%dma_wait3A_815, %dma_wait3A_816] : memref<208x128xf32, #tpu.memory_space<vmem>> -> memref<26x128xf32, #tpu.memory_space<vmem>>
    tpu.wait_dma2 semaphore(%arg14 : memref<!tpu.dma_semaphore, #tpu.memory_space<semaphore_mem>>) src(%dma_wait3A_817 : memref<26x128xf32, #tpu.memory_space<vmem>>) dst(%dma_wait3A_814 : memref<26x128xf32, #tpu.memory_space<hbm>>)
    %add3A_818 = arith.constant 480 : i32
    %add3A_819 = arith.addi %mul3A_2, %add3A_818 : i32
    %add3A_820 = arith.constant 2 : i32
    %add3A_821 = arith.addi %add3A_819, %add3A_820 : i32
    %dma_wait3A_822 = arith.constant 52 : i32
    %dma_wait3A_823 = arith.constant 0 : i32
    %dma_wait3A_824 = tpu.memref_slice %arg6[%dma_wait3A_822, %dma_wait3A_823] : memref<208x128xf32, #tpu.memory_space<vmem>> -> memref<26x128xf32, #tpu.memory_space<vmem>>
    %dma_wait3A_825 = arith.constant 0 : i32
    %dma_wait3A_826 = arith.constant 0 : i32
    %dma_wait3A_827 = tpu.memref_slice %arg4[%add3A_821, %dma_wait3A_825, %dma_wait3A_826] : memref<16384x26x128xf32, #tpu.memory_space<hbm>> -> memref<1x26x128xf32, #tpu.memory_space<hbm>>
    %dma_wait3A_828 = tpu.memref_squeeze %dma_wait3A_827 : memref<1x26x128xf32, #tpu.memory_space<hbm>> -> memref<26x128xf32, #tpu.memory_space<hbm>>
    %dma_wait3A_829 = arith.constant 0 : i32
    %dma_wait3A_830 = arith.constant 0 : i32
    %dma_wait3A_831 = tpu.memref_slice %arg4[%add3A_821, %dma_wait3A_829, %dma_wait3A_830] : memref<16384x26x128xf32, #tpu.memory_space<hbm>> -> memref<1x26x128xf32, #tpu.memory_space<hbm>>
    %dma_wait3A_832 = tpu.memref_squeeze %dma_wait3A_831 : memref<1x26x128xf32, #tpu.memory_space<hbm>> -> memref<26x128xf32, #tpu.memory_space<hbm>>
    %dma_wait3A_833 = arith.constant 52 : i32
    %dma_wait3A_834 = arith.constant 0 : i32
    %dma_wait3A_835 = tpu.memref_slice %arg6[%dma_wait3A_833, %dma_wait3A_834] : memref<208x128xf32, #tpu.memory_space<vmem>> -> memref<26x128xf32, #tpu.memory_space<vmem>>
    tpu.wait_dma2 semaphore(%arg14 : memref<!tpu.dma_semaphore, #tpu.memory_space<semaphore_mem>>) src(%dma_wait3A_835 : memref<26x128xf32, #tpu.memory_space<vmem>>) dst(%dma_wait3A_832 : memref<26x128xf32, #tpu.memory_space<hbm>>)
    %add3A_836 = arith.constant 480 : i32
    %add3A_837 = arith.addi %mul3A_2, %add3A_836 : i32
    %add3A_838 = arith.constant 3 : i32
    %add3A_839 = arith.addi %add3A_837, %add3A_838 : i32
    %dma_wait3A_840 = arith.constant 78 : i32
    %dma_wait3A_841 = arith.constant 0 : i32
    %dma_wait3A_842 = tpu.memref_slice %arg6[%dma_wait3A_840, %dma_wait3A_841] : memref<208x128xf32, #tpu.memory_space<vmem>> -> memref<26x128xf32, #tpu.memory_space<vmem>>
    %dma_wait3A_843 = arith.constant 0 : i32
    %dma_wait3A_844 = arith.constant 0 : i32
    %dma_wait3A_845 = tpu.memref_slice %arg4[%add3A_839, %dma_wait3A_843, %dma_wait3A_844] : memref<16384x26x128xf32, #tpu.memory_space<hbm>> -> memref<1x26x128xf32, #tpu.memory_space<hbm>>
    %dma_wait3A_846 = tpu.memref_squeeze %dma_wait3A_845 : memref<1x26x128xf32, #tpu.memory_space<hbm>> -> memref<26x128xf32, #tpu.memory_space<hbm>>
    %dma_wait3A_847 = arith.constant 0 : i32
    %dma_wait3A_848 = arith.constant 0 : i32
    %dma_wait3A_849 = tpu.memref_slice %arg4[%add3A_839, %dma_wait3A_847, %dma_wait3A_848] : memref<16384x26x128xf32, #tpu.memory_space<hbm>> -> memref<1x26x128xf32, #tpu.memory_space<hbm>>
    %dma_wait3A_850 = tpu.memref_squeeze %dma_wait3A_849 : memref<1x26x128xf32, #tpu.memory_space<hbm>> -> memref<26x128xf32, #tpu.memory_space<hbm>>
    %dma_wait3A_851 = arith.constant 78 : i32
    %dma_wait3A_852 = arith.constant 0 : i32
    %dma_wait3A_853 = tpu.memref_slice %arg6[%dma_wait3A_851, %dma_wait3A_852] : memref<208x128xf32, #tpu.memory_space<vmem>> -> memref<26x128xf32, #tpu.memory_space<vmem>>
    tpu.wait_dma2 semaphore(%arg14 : memref<!tpu.dma_semaphore, #tpu.memory_space<semaphore_mem>>) src(%dma_wait3A_853 : memref<26x128xf32, #tpu.memory_space<vmem>>) dst(%dma_wait3A_850 : memref<26x128xf32, #tpu.memory_space<hbm>>)
    %add3A_854 = arith.constant 480 : i32
    %add3A_855 = arith.addi %mul3A_2, %add3A_854 : i32
    %add3A_856 = arith.constant 4 : i32
    %add3A_857 = arith.addi %add3A_855, %add3A_856 : i32
    %dma_wait3A_858 = arith.constant 104 : i32
    %dma_wait3A_859 = arith.constant 0 : i32
    %dma_wait3A_860 = tpu.memref_slice %arg6[%dma_wait3A_858, %dma_wait3A_859] : memref<208x128xf32, #tpu.memory_space<vmem>> -> memref<26x128xf32, #tpu.memory_space<vmem>>
    %dma_wait3A_861 = arith.constant 0 : i32
    %dma_wait3A_862 = arith.constant 0 : i32
    %dma_wait3A_863 = tpu.memref_slice %arg4[%add3A_857, %dma_wait3A_861, %dma_wait3A_862] : memref<16384x26x128xf32, #tpu.memory_space<hbm>> -> memref<1x26x128xf32, #tpu.memory_space<hbm>>
    %dma_wait3A_864 = tpu.memref_squeeze %dma_wait3A_863 : memref<1x26x128xf32, #tpu.memory_space<hbm>> -> memref<26x128xf32, #tpu.memory_space<hbm>>
    %dma_wait3A_865 = arith.constant 0 : i32
    %dma_wait3A_866 = arith.constant 0 : i32
    %dma_wait3A_867 = tpu.memref_slice %arg4[%add3A_857, %dma_wait3A_865, %dma_wait3A_866] : memref<16384x26x128xf32, #tpu.memory_space<hbm>> -> memref<1x26x128xf32, #tpu.memory_space<hbm>>
    %dma_wait3A_868 = tpu.memref_squeeze %dma_wait3A_867 : memref<1x26x128xf32, #tpu.memory_space<hbm>> -> memref<26x128xf32, #tpu.memory_space<hbm>>
    %dma_wait3A_869 = arith.constant 104 : i32
    %dma_wait3A_870 = arith.constant 0 : i32
    %dma_wait3A_871 = tpu.memref_slice %arg6[%dma_wait3A_869, %dma_wait3A_870] : memref<208x128xf32, #tpu.memory_space<vmem>> -> memref<26x128xf32, #tpu.memory_space<vmem>>
    tpu.wait_dma2 semaphore(%arg14 : memref<!tpu.dma_semaphore, #tpu.memory_space<semaphore_mem>>) src(%dma_wait3A_871 : memref<26x128xf32, #tpu.memory_space<vmem>>) dst(%dma_wait3A_868 : memref<26x128xf32, #tpu.memory_space<hbm>>)
    %add3A_872 = arith.constant 480 : i32
    %add3A_873 = arith.addi %mul3A_2, %add3A_872 : i32
    %add3A_874 = arith.constant 5 : i32
    %add3A_875 = arith.addi %add3A_873, %add3A_874 : i32
    %dma_wait3A_876 = arith.constant 130 : i32
    %dma_wait3A_877 = arith.constant 0 : i32
    %dma_wait3A_878 = tpu.memref_slice %arg6[%dma_wait3A_876, %dma_wait3A_877] : memref<208x128xf32, #tpu.memory_space<vmem>> -> memref<26x128xf32, #tpu.memory_space<vmem>>
    %dma_wait3A_879 = arith.constant 0 : i32
    %dma_wait3A_880 = arith.constant 0 : i32
    %dma_wait3A_881 = tpu.memref_slice %arg4[%add3A_875, %dma_wait3A_879, %dma_wait3A_880] : memref<16384x26x128xf32, #tpu.memory_space<hbm>> -> memref<1x26x128xf32, #tpu.memory_space<hbm>>
    %dma_wait3A_882 = tpu.memref_squeeze %dma_wait3A_881 : memref<1x26x128xf32, #tpu.memory_space<hbm>> -> memref<26x128xf32, #tpu.memory_space<hbm>>
    %dma_wait3A_883 = arith.constant 0 : i32
    %dma_wait3A_884 = arith.constant 0 : i32
    %dma_wait3A_885 = tpu.memref_slice %arg4[%add3A_875, %dma_wait3A_883, %dma_wait3A_884] : memref<16384x26x128xf32, #tpu.memory_space<hbm>> -> memref<1x26x128xf32, #tpu.memory_space<hbm>>
    %dma_wait3A_886 = tpu.memref_squeeze %dma_wait3A_885 : memref<1x26x128xf32, #tpu.memory_space<hbm>> -> memref<26x128xf32, #tpu.memory_space<hbm>>
    %dma_wait3A_887 = arith.constant 130 : i32
    %dma_wait3A_888 = arith.constant 0 : i32
    %dma_wait3A_889 = tpu.memref_slice %arg6[%dma_wait3A_887, %dma_wait3A_888] : memref<208x128xf32, #tpu.memory_space<vmem>> -> memref<26x128xf32, #tpu.memory_space<vmem>>
    tpu.wait_dma2 semaphore(%arg14 : memref<!tpu.dma_semaphore, #tpu.memory_space<semaphore_mem>>) src(%dma_wait3A_889 : memref<26x128xf32, #tpu.memory_space<vmem>>) dst(%dma_wait3A_886 : memref<26x128xf32, #tpu.memory_space<hbm>>)
    %add3A_890 = arith.constant 480 : i32
    %add3A_891 = arith.addi %mul3A_2, %add3A_890 : i32
    %add3A_892 = arith.constant 6 : i32
    %add3A_893 = arith.addi %add3A_891, %add3A_892 : i32
    %dma_wait3A_894 = arith.constant 156 : i32
    %dma_wait3A_895 = arith.constant 0 : i32
    %dma_wait3A_896 = tpu.memref_slice %arg6[%dma_wait3A_894, %dma_wait3A_895] : memref<208x128xf32, #tpu.memory_space<vmem>> -> memref<26x128xf32, #tpu.memory_space<vmem>>
    %dma_wait3A_897 = arith.constant 0 : i32
    %dma_wait3A_898 = arith.constant 0 : i32
    %dma_wait3A_899 = tpu.memref_slice %arg4[%add3A_893, %dma_wait3A_897, %dma_wait3A_898] : memref<16384x26x128xf32, #tpu.memory_space<hbm>> -> memref<1x26x128xf32, #tpu.memory_space<hbm>>
    %dma_wait3A_900 = tpu.memref_squeeze %dma_wait3A_899 : memref<1x26x128xf32, #tpu.memory_space<hbm>> -> memref<26x128xf32, #tpu.memory_space<hbm>>
    %dma_wait3A_901 = arith.constant 0 : i32
    %dma_wait3A_902 = arith.constant 0 : i32
    %dma_wait3A_903 = tpu.memref_slice %arg4[%add3A_893, %dma_wait3A_901, %dma_wait3A_902] : memref<16384x26x128xf32, #tpu.memory_space<hbm>> -> memref<1x26x128xf32, #tpu.memory_space<hbm>>
    %dma_wait3A_904 = tpu.memref_squeeze %dma_wait3A_903 : memref<1x26x128xf32, #tpu.memory_space<hbm>> -> memref<26x128xf32, #tpu.memory_space<hbm>>
    %dma_wait3A_905 = arith.constant 156 : i32
    %dma_wait3A_906 = arith.constant 0 : i32
    %dma_wait3A_907 = tpu.memref_slice %arg6[%dma_wait3A_905, %dma_wait3A_906] : memref<208x128xf32, #tpu.memory_space<vmem>> -> memref<26x128xf32, #tpu.memory_space<vmem>>
    tpu.wait_dma2 semaphore(%arg14 : memref<!tpu.dma_semaphore, #tpu.memory_space<semaphore_mem>>) src(%dma_wait3A_907 : memref<26x128xf32, #tpu.memory_space<vmem>>) dst(%dma_wait3A_904 : memref<26x128xf32, #tpu.memory_space<hbm>>)
    %add3A_908 = arith.constant 480 : i32
    %add3A_909 = arith.addi %mul3A_2, %add3A_908 : i32
    %add3A_910 = arith.constant 7 : i32
    %add3A_911 = arith.addi %add3A_909, %add3A_910 : i32
    %dma_wait3A_912 = arith.constant 182 : i32
    %dma_wait3A_913 = arith.constant 0 : i32
    %dma_wait3A_914 = tpu.memref_slice %arg6[%dma_wait3A_912, %dma_wait3A_913] : memref<208x128xf32, #tpu.memory_space<vmem>> -> memref<26x128xf32, #tpu.memory_space<vmem>>
    %dma_wait3A_915 = arith.constant 0 : i32
    %dma_wait3A_916 = arith.constant 0 : i32
    %dma_wait3A_917 = tpu.memref_slice %arg4[%add3A_911, %dma_wait3A_915, %dma_wait3A_916] : memref<16384x26x128xf32, #tpu.memory_space<hbm>> -> memref<1x26x128xf32, #tpu.memory_space<hbm>>
    %dma_wait3A_918 = tpu.memref_squeeze %dma_wait3A_917 : memref<1x26x128xf32, #tpu.memory_space<hbm>> -> memref<26x128xf32, #tpu.memory_space<hbm>>
    %dma_wait3A_919 = arith.constant 0 : i32
    %dma_wait3A_920 = arith.constant 0 : i32
    %dma_wait3A_921 = tpu.memref_slice %arg4[%add3A_911, %dma_wait3A_919, %dma_wait3A_920] : memref<16384x26x128xf32, #tpu.memory_space<hbm>> -> memref<1x26x128xf32, #tpu.memory_space<hbm>>
    %dma_wait3A_922 = tpu.memref_squeeze %dma_wait3A_921 : memref<1x26x128xf32, #tpu.memory_space<hbm>> -> memref<26x128xf32, #tpu.memory_space<hbm>>
    %dma_wait3A_923 = arith.constant 182 : i32
    %dma_wait3A_924 = arith.constant 0 : i32
    %dma_wait3A_925 = tpu.memref_slice %arg6[%dma_wait3A_923, %dma_wait3A_924] : memref<208x128xf32, #tpu.memory_space<vmem>> -> memref<26x128xf32, #tpu.memory_space<vmem>>
    tpu.wait_dma2 semaphore(%arg14 : memref<!tpu.dma_semaphore, #tpu.memory_space<semaphore_mem>>) src(%dma_wait3A_925 : memref<26x128xf32, #tpu.memory_space<vmem>>) dst(%dma_wait3A_922 : memref<26x128xf32, #tpu.memory_space<hbm>>)
    %add3A_926 = arith.constant 488 : i32
    %add3A_927 = arith.addi %mul3A_2, %add3A_926 : i32
    %add3A_928 = arith.constant 0 : i32
    %add3A_929 = arith.addi %add3A_927, %add3A_928 : i32
    %dma_wait3A_930 = arith.constant 0 : i32
    %dma_wait3A_931 = arith.constant 0 : i32
    %dma_wait3A_932 = tpu.memref_slice %arg7[%dma_wait3A_930, %dma_wait3A_931] : memref<208x128xf32, #tpu.memory_space<vmem>> -> memref<26x128xf32, #tpu.memory_space<vmem>>
    %dma_wait3A_933 = arith.constant 0 : i32
    %dma_wait3A_934 = arith.constant 0 : i32
    %dma_wait3A_935 = tpu.memref_slice %arg4[%add3A_929, %dma_wait3A_933, %dma_wait3A_934] : memref<16384x26x128xf32, #tpu.memory_space<hbm>> -> memref<1x26x128xf32, #tpu.memory_space<hbm>>
    %dma_wait3A_936 = tpu.memref_squeeze %dma_wait3A_935 : memref<1x26x128xf32, #tpu.memory_space<hbm>> -> memref<26x128xf32, #tpu.memory_space<hbm>>
    %dma_wait3A_937 = arith.constant 0 : i32
    %dma_wait3A_938 = arith.constant 0 : i32
    %dma_wait3A_939 = tpu.memref_slice %arg4[%add3A_929, %dma_wait3A_937, %dma_wait3A_938] : memref<16384x26x128xf32, #tpu.memory_space<hbm>> -> memref<1x26x128xf32, #tpu.memory_space<hbm>>
    %dma_wait3A_940 = tpu.memref_squeeze %dma_wait3A_939 : memref<1x26x128xf32, #tpu.memory_space<hbm>> -> memref<26x128xf32, #tpu.memory_space<hbm>>
    %dma_wait3A_941 = arith.constant 0 : i32
    %dma_wait3A_942 = arith.constant 0 : i32
    %dma_wait3A_943 = tpu.memref_slice %arg7[%dma_wait3A_941, %dma_wait3A_942] : memref<208x128xf32, #tpu.memory_space<vmem>> -> memref<26x128xf32, #tpu.memory_space<vmem>>
    tpu.wait_dma2 semaphore(%arg15 : memref<!tpu.dma_semaphore, #tpu.memory_space<semaphore_mem>>) src(%dma_wait3A_943 : memref<26x128xf32, #tpu.memory_space<vmem>>) dst(%dma_wait3A_940 : memref<26x128xf32, #tpu.memory_space<hbm>>)
    %add3A_944 = arith.constant 488 : i32
    %add3A_945 = arith.addi %mul3A_2, %add3A_944 : i32
    %add3A_946 = arith.constant 1 : i32
    %add3A_947 = arith.addi %add3A_945, %add3A_946 : i32
    %dma_wait3A_948 = arith.constant 26 : i32
    %dma_wait3A_949 = arith.constant 0 : i32
    %dma_wait3A_950 = tpu.memref_slice %arg7[%dma_wait3A_948, %dma_wait3A_949] : memref<208x128xf32, #tpu.memory_space<vmem>> -> memref<26x128xf32, #tpu.memory_space<vmem>>
    %dma_wait3A_951 = arith.constant 0 : i32
    %dma_wait3A_952 = arith.constant 0 : i32
    %dma_wait3A_953 = tpu.memref_slice %arg4[%add3A_947, %dma_wait3A_951, %dma_wait3A_952] : memref<16384x26x128xf32, #tpu.memory_space<hbm>> -> memref<1x26x128xf32, #tpu.memory_space<hbm>>
    %dma_wait3A_954 = tpu.memref_squeeze %dma_wait3A_953 : memref<1x26x128xf32, #tpu.memory_space<hbm>> -> memref<26x128xf32, #tpu.memory_space<hbm>>
    %dma_wait3A_955 = arith.constant 0 : i32
    %dma_wait3A_956 = arith.constant 0 : i32
    %dma_wait3A_957 = tpu.memref_slice %arg4[%add3A_947, %dma_wait3A_955, %dma_wait3A_956] : memref<16384x26x128xf32, #tpu.memory_space<hbm>> -> memref<1x26x128xf32, #tpu.memory_space<hbm>>
    %dma_wait3A_958 = tpu.memref_squeeze %dma_wait3A_957 : memref<1x26x128xf32, #tpu.memory_space<hbm>> -> memref<26x128xf32, #tpu.memory_space<hbm>>
    %dma_wait3A_959 = arith.constant 26 : i32
    %dma_wait3A_960 = arith.constant 0 : i32
    %dma_wait3A_961 = tpu.memref_slice %arg7[%dma_wait3A_959, %dma_wait3A_960] : memref<208x128xf32, #tpu.memory_space<vmem>> -> memref<26x128xf32, #tpu.memory_space<vmem>>
    tpu.wait_dma2 semaphore(%arg15 : memref<!tpu.dma_semaphore, #tpu.memory_space<semaphore_mem>>) src(%dma_wait3A_961 : memref<26x128xf32, #tpu.memory_space<vmem>>) dst(%dma_wait3A_958 : memref<26x128xf32, #tpu.memory_space<hbm>>)
    %add3A_962 = arith.constant 488 : i32
    %add3A_963 = arith.addi %mul3A_2, %add3A_962 : i32
    %add3A_964 = arith.constant 2 : i32
    %add3A_965 = arith.addi %add3A_963, %add3A_964 : i32
    %dma_wait3A_966 = arith.constant 52 : i32
    %dma_wait3A_967 = arith.constant 0 : i32
    %dma_wait3A_968 = tpu.memref_slice %arg7[%dma_wait3A_966, %dma_wait3A_967] : memref<208x128xf32, #tpu.memory_space<vmem>> -> memref<26x128xf32, #tpu.memory_space<vmem>>
    %dma_wait3A_969 = arith.constant 0 : i32
    %dma_wait3A_970 = arith.constant 0 : i32
    %dma_wait3A_971 = tpu.memref_slice %arg4[%add3A_965, %dma_wait3A_969, %dma_wait3A_970] : memref<16384x26x128xf32, #tpu.memory_space<hbm>> -> memref<1x26x128xf32, #tpu.memory_space<hbm>>
    %dma_wait3A_972 = tpu.memref_squeeze %dma_wait3A_971 : memref<1x26x128xf32, #tpu.memory_space<hbm>> -> memref<26x128xf32, #tpu.memory_space<hbm>>
    %dma_wait3A_973 = arith.constant 0 : i32
    %dma_wait3A_974 = arith.constant 0 : i32
    %dma_wait3A_975 = tpu.memref_slice %arg4[%add3A_965, %dma_wait3A_973, %dma_wait3A_974] : memref<16384x26x128xf32, #tpu.memory_space<hbm>> -> memref<1x26x128xf32, #tpu.memory_space<hbm>>
    %dma_wait3A_976 = tpu.memref_squeeze %dma_wait3A_975 : memref<1x26x128xf32, #tpu.memory_space<hbm>> -> memref<26x128xf32, #tpu.memory_space<hbm>>
    %dma_wait3A_977 = arith.constant 52 : i32
    %dma_wait3A_978 = arith.constant 0 : i32
    %dma_wait3A_979 = tpu.memref_slice %arg7[%dma_wait3A_977, %dma_wait3A_978] : memref<208x128xf32, #tpu.memory_space<vmem>> -> memref<26x128xf32, #tpu.memory_space<vmem>>
    tpu.wait_dma2 semaphore(%arg15 : memref<!tpu.dma_semaphore, #tpu.memory_space<semaphore_mem>>) src(%dma_wait3A_979 : memref<26x128xf32, #tpu.memory_space<vmem>>) dst(%dma_wait3A_976 : memref<26x128xf32, #tpu.memory_space<hbm>>)
    %add3A_980 = arith.constant 488 : i32
    %add3A_981 = arith.addi %mul3A_2, %add3A_980 : i32
    %add3A_982 = arith.constant 3 : i32
    %add3A_983 = arith.addi %add3A_981, %add3A_982 : i32
    %dma_wait3A_984 = arith.constant 78 : i32
    %dma_wait3A_985 = arith.constant 0 : i32
    %dma_wait3A_986 = tpu.memref_slice %arg7[%dma_wait3A_984, %dma_wait3A_985] : memref<208x128xf32, #tpu.memory_space<vmem>> -> memref<26x128xf32, #tpu.memory_space<vmem>>
    %dma_wait3A_987 = arith.constant 0 : i32
    %dma_wait3A_988 = arith.constant 0 : i32
    %dma_wait3A_989 = tpu.memref_slice %arg4[%add3A_983, %dma_wait3A_987, %dma_wait3A_988] : memref<16384x26x128xf32, #tpu.memory_space<hbm>> -> memref<1x26x128xf32, #tpu.memory_space<hbm>>
    %dma_wait3A_990 = tpu.memref_squeeze %dma_wait3A_989 : memref<1x26x128xf32, #tpu.memory_space<hbm>> -> memref<26x128xf32, #tpu.memory_space<hbm>>
    %dma_wait3A_991 = arith.constant 0 : i32
    %dma_wait3A_992 = arith.constant 0 : i32
    %dma_wait3A_993 = tpu.memref_slice %arg4[%add3A_983, %dma_wait3A_991, %dma_wait3A_992] : memref<16384x26x128xf32, #tpu.memory_space<hbm>> -> memref<1x26x128xf32, #tpu.memory_space<hbm>>
    %dma_wait3A_994 = tpu.memref_squeeze %dma_wait3A_993 : memref<1x26x128xf32, #tpu.memory_space<hbm>> -> memref<26x128xf32, #tpu.memory_space<hbm>>
    %dma_wait3A_995 = arith.constant 78 : i32
    %dma_wait3A_996 = arith.constant 0 : i32
    %dma_wait3A_997 = tpu.memref_slice %arg7[%dma_wait3A_995, %dma_wait3A_996] : memref<208x128xf32, #tpu.memory_space<vmem>> -> memref<26x128xf32, #tpu.memory_space<vmem>>
    tpu.wait_dma2 semaphore(%arg15 : memref<!tpu.dma_semaphore, #tpu.memory_space<semaphore_mem>>) src(%dma_wait3A_997 : memref<26x128xf32, #tpu.memory_space<vmem>>) dst(%dma_wait3A_994 : memref<26x128xf32, #tpu.memory_space<hbm>>)
    %add3A_998 = arith.constant 488 : i32
    %add3A_999 = arith.addi %mul3A_2, %add3A_998 : i32
    %add3A_1000 = arith.constant 4 : i32
    %add3A_1001 = arith.addi %add3A_999, %add3A_1000 : i32
    %dma_wait3A_1002 = arith.constant 104 : i32
    %dma_wait3A_1003 = arith.constant 0 : i32
    %dma_wait3A_1004 = tpu.memref_slice %arg7[%dma_wait3A_1002, %dma_wait3A_1003] : memref<208x128xf32, #tpu.memory_space<vmem>> -> memref<26x128xf32, #tpu.memory_space<vmem>>
    %dma_wait3A_1005 = arith.constant 0 : i32
    %dma_wait3A_1006 = arith.constant 0 : i32
    %dma_wait3A_1007 = tpu.memref_slice %arg4[%add3A_1001, %dma_wait3A_1005, %dma_wait3A_1006] : memref<16384x26x128xf32, #tpu.memory_space<hbm>> -> memref<1x26x128xf32, #tpu.memory_space<hbm>>
    %dma_wait3A_1008 = tpu.memref_squeeze %dma_wait3A_1007 : memref<1x26x128xf32, #tpu.memory_space<hbm>> -> memref<26x128xf32, #tpu.memory_space<hbm>>
    %dma_wait3A_1009 = arith.constant 0 : i32
    %dma_wait3A_1010 = arith.constant 0 : i32
    %dma_wait3A_1011 = tpu.memref_slice %arg4[%add3A_1001, %dma_wait3A_1009, %dma_wait3A_1010] : memref<16384x26x128xf32, #tpu.memory_space<hbm>> -> memref<1x26x128xf32, #tpu.memory_space<hbm>>
    %dma_wait3A_1012 = tpu.memref_squeeze %dma_wait3A_1011 : memref<1x26x128xf32, #tpu.memory_space<hbm>> -> memref<26x128xf32, #tpu.memory_space<hbm>>
    %dma_wait3A_1013 = arith.constant 104 : i32
    %dma_wait3A_1014 = arith.constant 0 : i32
    %dma_wait3A_1015 = tpu.memref_slice %arg7[%dma_wait3A_1013, %dma_wait3A_1014] : memref<208x128xf32, #tpu.memory_space<vmem>> -> memref<26x128xf32, #tpu.memory_space<vmem>>
    tpu.wait_dma2 semaphore(%arg15 : memref<!tpu.dma_semaphore, #tpu.memory_space<semaphore_mem>>) src(%dma_wait3A_1015 : memref<26x128xf32, #tpu.memory_space<vmem>>) dst(%dma_wait3A_1012 : memref<26x128xf32, #tpu.memory_space<hbm>>)
    %add3A_1016 = arith.constant 488 : i32
    %add3A_1017 = arith.addi %mul3A_2, %add3A_1016 : i32
    %add3A_1018 = arith.constant 5 : i32
    %add3A_1019 = arith.addi %add3A_1017, %add3A_1018 : i32
    %dma_wait3A_1020 = arith.constant 130 : i32
    %dma_wait3A_1021 = arith.constant 0 : i32
    %dma_wait3A_1022 = tpu.memref_slice %arg7[%dma_wait3A_1020, %dma_wait3A_1021] : memref<208x128xf32, #tpu.memory_space<vmem>> -> memref<26x128xf32, #tpu.memory_space<vmem>>
    %dma_wait3A_1023 = arith.constant 0 : i32
    %dma_wait3A_1024 = arith.constant 0 : i32
    %dma_wait3A_1025 = tpu.memref_slice %arg4[%add3A_1019, %dma_wait3A_1023, %dma_wait3A_1024] : memref<16384x26x128xf32, #tpu.memory_space<hbm>> -> memref<1x26x128xf32, #tpu.memory_space<hbm>>
    %dma_wait3A_1026 = tpu.memref_squeeze %dma_wait3A_1025 : memref<1x26x128xf32, #tpu.memory_space<hbm>> -> memref<26x128xf32, #tpu.memory_space<hbm>>
    %dma_wait3A_1027 = arith.constant 0 : i32
    %dma_wait3A_1028 = arith.constant 0 : i32
    %dma_wait3A_1029 = tpu.memref_slice %arg4[%add3A_1019, %dma_wait3A_1027, %dma_wait3A_1028] : memref<16384x26x128xf32, #tpu.memory_space<hbm>> -> memref<1x26x128xf32, #tpu.memory_space<hbm>>
    %dma_wait3A_1030 = tpu.memref_squeeze %dma_wait3A_1029 : memref<1x26x128xf32, #tpu.memory_space<hbm>> -> memref<26x128xf32, #tpu.memory_space<hbm>>
    %dma_wait3A_1031 = arith.constant 130 : i32
    %dma_wait3A_1032 = arith.constant 0 : i32
    %dma_wait3A_1033 = tpu.memref_slice %arg7[%dma_wait3A_1031, %dma_wait3A_1032] : memref<208x128xf32, #tpu.memory_space<vmem>> -> memref<26x128xf32, #tpu.memory_space<vmem>>
    tpu.wait_dma2 semaphore(%arg15 : memref<!tpu.dma_semaphore, #tpu.memory_space<semaphore_mem>>) src(%dma_wait3A_1033 : memref<26x128xf32, #tpu.memory_space<vmem>>) dst(%dma_wait3A_1030 : memref<26x128xf32, #tpu.memory_space<hbm>>)
    %add3A_1034 = arith.constant 488 : i32
    %add3A_1035 = arith.addi %mul3A_2, %add3A_1034 : i32
    %add3A_1036 = arith.constant 6 : i32
    %add3A_1037 = arith.addi %add3A_1035, %add3A_1036 : i32
    %dma_wait3A_1038 = arith.constant 156 : i32
    %dma_wait3A_1039 = arith.constant 0 : i32
    %dma_wait3A_1040 = tpu.memref_slice %arg7[%dma_wait3A_1038, %dma_wait3A_1039] : memref<208x128xf32, #tpu.memory_space<vmem>> -> memref<26x128xf32, #tpu.memory_space<vmem>>
    %dma_wait3A_1041 = arith.constant 0 : i32
    %dma_wait3A_1042 = arith.constant 0 : i32
    %dma_wait3A_1043 = tpu.memref_slice %arg4[%add3A_1037, %dma_wait3A_1041, %dma_wait3A_1042] : memref<16384x26x128xf32, #tpu.memory_space<hbm>> -> memref<1x26x128xf32, #tpu.memory_space<hbm>>
    %dma_wait3A_1044 = tpu.memref_squeeze %dma_wait3A_1043 : memref<1x26x128xf32, #tpu.memory_space<hbm>> -> memref<26x128xf32, #tpu.memory_space<hbm>>
    %dma_wait3A_1045 = arith.constant 0 : i32
    %dma_wait3A_1046 = arith.constant 0 : i32
    %dma_wait3A_1047 = tpu.memref_slice %arg4[%add3A_1037, %dma_wait3A_1045, %dma_wait3A_1046] : memref<16384x26x128xf32, #tpu.memory_space<hbm>> -> memref<1x26x128xf32, #tpu.memory_space<hbm>>
    %dma_wait3A_1048 = tpu.memref_squeeze %dma_wait3A_1047 : memref<1x26x128xf32, #tpu.memory_space<hbm>> -> memref<26x128xf32, #tpu.memory_space<hbm>>
    %dma_wait3A_1049 = arith.constant 156 : i32
    %dma_wait3A_1050 = arith.constant 0 : i32
    %dma_wait3A_1051 = tpu.memref_slice %arg7[%dma_wait3A_1049, %dma_wait3A_1050] : memref<208x128xf32, #tpu.memory_space<vmem>> -> memref<26x128xf32, #tpu.memory_space<vmem>>
    tpu.wait_dma2 semaphore(%arg15 : memref<!tpu.dma_semaphore, #tpu.memory_space<semaphore_mem>>) src(%dma_wait3A_1051 : memref<26x128xf32, #tpu.memory_space<vmem>>) dst(%dma_wait3A_1048 : memref<26x128xf32, #tpu.memory_space<hbm>>)
    %add3A_1052 = arith.constant 488 : i32
    %add3A_1053 = arith.addi %mul3A_2, %add3A_1052 : i32
    %add3A_1054 = arith.constant 7 : i32
    %add3A_1055 = arith.addi %add3A_1053, %add3A_1054 : i32
    %dma_wait3A_1056 = arith.constant 182 : i32
    %dma_wait3A_1057 = arith.constant 0 : i32
    %dma_wait3A_1058 = tpu.memref_slice %arg7[%dma_wait3A_1056, %dma_wait3A_1057] : memref<208x128xf32, #tpu.memory_space<vmem>> -> memref<26x128xf32, #tpu.memory_space<vmem>>
    %dma_wait3A_1059 = arith.constant 0 : i32
    %dma_wait3A_1060 = arith.constant 0 : i32
    %dma_wait3A_1061 = tpu.memref_slice %arg4[%add3A_1055, %dma_wait3A_1059, %dma_wait3A_1060] : memref<16384x26x128xf32, #tpu.memory_space<hbm>> -> memref<1x26x128xf32, #tpu.memory_space<hbm>>
    %dma_wait3A_1062 = tpu.memref_squeeze %dma_wait3A_1061 : memref<1x26x128xf32, #tpu.memory_space<hbm>> -> memref<26x128xf32, #tpu.memory_space<hbm>>
    %dma_wait3A_1063 = arith.constant 0 : i32
    %dma_wait3A_1064 = arith.constant 0 : i32
    %dma_wait3A_1065 = tpu.memref_slice %arg4[%add3A_1055, %dma_wait3A_1063, %dma_wait3A_1064] : memref<16384x26x128xf32, #tpu.memory_space<hbm>> -> memref<1x26x128xf32, #tpu.memory_space<hbm>>
    %dma_wait3A_1066 = tpu.memref_squeeze %dma_wait3A_1065 : memref<1x26x128xf32, #tpu.memory_space<hbm>> -> memref<26x128xf32, #tpu.memory_space<hbm>>
    %dma_wait3A_1067 = arith.constant 182 : i32
    %dma_wait3A_1068 = arith.constant 0 : i32
    %dma_wait3A_1069 = tpu.memref_slice %arg7[%dma_wait3A_1067, %dma_wait3A_1068] : memref<208x128xf32, #tpu.memory_space<vmem>> -> memref<26x128xf32, #tpu.memory_space<vmem>>
    tpu.wait_dma2 semaphore(%arg15 : memref<!tpu.dma_semaphore, #tpu.memory_space<semaphore_mem>>) src(%dma_wait3A_1069 : memref<26x128xf32, #tpu.memory_space<vmem>>) dst(%dma_wait3A_1066 : memref<26x128xf32, #tpu.memory_space<hbm>>)
    %add3A_1070 = arith.constant 496 : i32
    %add3A_1071 = arith.addi %mul3A_2, %add3A_1070 : i32
    %add3A_1072 = arith.constant 0 : i32
    %add3A_1073 = arith.addi %add3A_1071, %add3A_1072 : i32
    %dma_wait3A_1074 = arith.constant 0 : i32
    %dma_wait3A_1075 = arith.constant 0 : i32
    %dma_wait3A_1076 = tpu.memref_slice %arg8[%dma_wait3A_1074, %dma_wait3A_1075] : memref<208x128xf32, #tpu.memory_space<vmem>> -> memref<26x128xf32, #tpu.memory_space<vmem>>
    %dma_wait3A_1077 = arith.constant 0 : i32
    %dma_wait3A_1078 = arith.constant 0 : i32
    %dma_wait3A_1079 = tpu.memref_slice %arg4[%add3A_1073, %dma_wait3A_1077, %dma_wait3A_1078] : memref<16384x26x128xf32, #tpu.memory_space<hbm>> -> memref<1x26x128xf32, #tpu.memory_space<hbm>>
    %dma_wait3A_1080 = tpu.memref_squeeze %dma_wait3A_1079 : memref<1x26x128xf32, #tpu.memory_space<hbm>> -> memref<26x128xf32, #tpu.memory_space<hbm>>
    %dma_wait3A_1081 = arith.constant 0 : i32
    %dma_wait3A_1082 = arith.constant 0 : i32
    %dma_wait3A_1083 = tpu.memref_slice %arg4[%add3A_1073, %dma_wait3A_1081, %dma_wait3A_1082] : memref<16384x26x128xf32, #tpu.memory_space<hbm>> -> memref<1x26x128xf32, #tpu.memory_space<hbm>>
    %dma_wait3A_1084 = tpu.memref_squeeze %dma_wait3A_1083 : memref<1x26x128xf32, #tpu.memory_space<hbm>> -> memref<26x128xf32, #tpu.memory_space<hbm>>
    %dma_wait3A_1085 = arith.constant 0 : i32
    %dma_wait3A_1086 = arith.constant 0 : i32
    %dma_wait3A_1087 = tpu.memref_slice %arg8[%dma_wait3A_1085, %dma_wait3A_1086] : memref<208x128xf32, #tpu.memory_space<vmem>> -> memref<26x128xf32, #tpu.memory_space<vmem>>
    tpu.wait_dma2 semaphore(%arg16 : memref<!tpu.dma_semaphore, #tpu.memory_space<semaphore_mem>>) src(%dma_wait3A_1087 : memref<26x128xf32, #tpu.memory_space<vmem>>) dst(%dma_wait3A_1084 : memref<26x128xf32, #tpu.memory_space<hbm>>)
    %add3A_1088 = arith.constant 496 : i32
    %add3A_1089 = arith.addi %mul3A_2, %add3A_1088 : i32
    %add3A_1090 = arith.constant 1 : i32
    %add3A_1091 = arith.addi %add3A_1089, %add3A_1090 : i32
    %dma_wait3A_1092 = arith.constant 26 : i32
    %dma_wait3A_1093 = arith.constant 0 : i32
    %dma_wait3A_1094 = tpu.memref_slice %arg8[%dma_wait3A_1092, %dma_wait3A_1093] : memref<208x128xf32, #tpu.memory_space<vmem>> -> memref<26x128xf32, #tpu.memory_space<vmem>>
    %dma_wait3A_1095 = arith.constant 0 : i32
    %dma_wait3A_1096 = arith.constant 0 : i32
    %dma_wait3A_1097 = tpu.memref_slice %arg4[%add3A_1091, %dma_wait3A_1095, %dma_wait3A_1096] : memref<16384x26x128xf32, #tpu.memory_space<hbm>> -> memref<1x26x128xf32, #tpu.memory_space<hbm>>
    %dma_wait3A_1098 = tpu.memref_squeeze %dma_wait3A_1097 : memref<1x26x128xf32, #tpu.memory_space<hbm>> -> memref<26x128xf32, #tpu.memory_space<hbm>>
    %dma_wait3A_1099 = arith.constant 0 : i32
    %dma_wait3A_1100 = arith.constant 0 : i32
    %dma_wait3A_1101 = tpu.memref_slice %arg4[%add3A_1091, %dma_wait3A_1099, %dma_wait3A_1100] : memref<16384x26x128xf32, #tpu.memory_space<hbm>> -> memref<1x26x128xf32, #tpu.memory_space<hbm>>
    %dma_wait3A_1102 = tpu.memref_squeeze %dma_wait3A_1101 : memref<1x26x128xf32, #tpu.memory_space<hbm>> -> memref<26x128xf32, #tpu.memory_space<hbm>>
    %dma_wait3A_1103 = arith.constant 26 : i32
    %dma_wait3A_1104 = arith.constant 0 : i32
    %dma_wait3A_1105 = tpu.memref_slice %arg8[%dma_wait3A_1103, %dma_wait3A_1104] : memref<208x128xf32, #tpu.memory_space<vmem>> -> memref<26x128xf32, #tpu.memory_space<vmem>>
    tpu.wait_dma2 semaphore(%arg16 : memref<!tpu.dma_semaphore, #tpu.memory_space<semaphore_mem>>) src(%dma_wait3A_1105 : memref<26x128xf32, #tpu.memory_space<vmem>>) dst(%dma_wait3A_1102 : memref<26x128xf32, #tpu.memory_space<hbm>>)
    %add3A_1106 = arith.constant 496 : i32
    %add3A_1107 = arith.addi %mul3A_2, %add3A_1106 : i32
    %add3A_1108 = arith.constant 2 : i32
    %add3A_1109 = arith.addi %add3A_1107, %add3A_1108 : i32
    %dma_wait3A_1110 = arith.constant 52 : i32
    %dma_wait3A_1111 = arith.constant 0 : i32
    %dma_wait3A_1112 = tpu.memref_slice %arg8[%dma_wait3A_1110, %dma_wait3A_1111] : memref<208x128xf32, #tpu.memory_space<vmem>> -> memref<26x128xf32, #tpu.memory_space<vmem>>
    %dma_wait3A_1113 = arith.constant 0 : i32
    %dma_wait3A_1114 = arith.constant 0 : i32
    %dma_wait3A_1115 = tpu.memref_slice %arg4[%add3A_1109, %dma_wait3A_1113, %dma_wait3A_1114] : memref<16384x26x128xf32, #tpu.memory_space<hbm>> -> memref<1x26x128xf32, #tpu.memory_space<hbm>>
    %dma_wait3A_1116 = tpu.memref_squeeze %dma_wait3A_1115 : memref<1x26x128xf32, #tpu.memory_space<hbm>> -> memref<26x128xf32, #tpu.memory_space<hbm>>
    %dma_wait3A_1117 = arith.constant 0 : i32
    %dma_wait3A_1118 = arith.constant 0 : i32
    %dma_wait3A_1119 = tpu.memref_slice %arg4[%add3A_1109, %dma_wait3A_1117, %dma_wait3A_1118] : memref<16384x26x128xf32, #tpu.memory_space<hbm>> -> memref<1x26x128xf32, #tpu.memory_space<hbm>>
    %dma_wait3A_1120 = tpu.memref_squeeze %dma_wait3A_1119 : memref<1x26x128xf32, #tpu.memory_space<hbm>> -> memref<26x128xf32, #tpu.memory_space<hbm>>
    %dma_wait3A_1121 = arith.constant 52 : i32
    %dma_wait3A_1122 = arith.constant 0 : i32
    %dma_wait3A_1123 = tpu.memref_slice %arg8[%dma_wait3A_1121, %dma_wait3A_1122] : memref<208x128xf32, #tpu.memory_space<vmem>> -> memref<26x128xf32, #tpu.memory_space<vmem>>
    tpu.wait_dma2 semaphore(%arg16 : memref<!tpu.dma_semaphore, #tpu.memory_space<semaphore_mem>>) src(%dma_wait3A_1123 : memref<26x128xf32, #tpu.memory_space<vmem>>) dst(%dma_wait3A_1120 : memref<26x128xf32, #tpu.memory_space<hbm>>)
    %add3A_1124 = arith.constant 496 : i32
    %add3A_1125 = arith.addi %mul3A_2, %add3A_1124 : i32
    %add3A_1126 = arith.constant 3 : i32
    %add3A_1127 = arith.addi %add3A_1125, %add3A_1126 : i32
    %dma_wait3A_1128 = arith.constant 78 : i32
    %dma_wait3A_1129 = arith.constant 0 : i32
    %dma_wait3A_1130 = tpu.memref_slice %arg8[%dma_wait3A_1128, %dma_wait3A_1129] : memref<208x128xf32, #tpu.memory_space<vmem>> -> memref<26x128xf32, #tpu.memory_space<vmem>>
    %dma_wait3A_1131 = arith.constant 0 : i32
    %dma_wait3A_1132 = arith.constant 0 : i32
    %dma_wait3A_1133 = tpu.memref_slice %arg4[%add3A_1127, %dma_wait3A_1131, %dma_wait3A_1132] : memref<16384x26x128xf32, #tpu.memory_space<hbm>> -> memref<1x26x128xf32, #tpu.memory_space<hbm>>
    %dma_wait3A_1134 = tpu.memref_squeeze %dma_wait3A_1133 : memref<1x26x128xf32, #tpu.memory_space<hbm>> -> memref<26x128xf32, #tpu.memory_space<hbm>>
    %dma_wait3A_1135 = arith.constant 0 : i32
    %dma_wait3A_1136 = arith.constant 0 : i32
    %dma_wait3A_1137 = tpu.memref_slice %arg4[%add3A_1127, %dma_wait3A_1135, %dma_wait3A_1136] : memref<16384x26x128xf32, #tpu.memory_space<hbm>> -> memref<1x26x128xf32, #tpu.memory_space<hbm>>
    %dma_wait3A_1138 = tpu.memref_squeeze %dma_wait3A_1137 : memref<1x26x128xf32, #tpu.memory_space<hbm>> -> memref<26x128xf32, #tpu.memory_space<hbm>>
    %dma_wait3A_1139 = arith.constant 78 : i32
    %dma_wait3A_1140 = arith.constant 0 : i32
    %dma_wait3A_1141 = tpu.memref_slice %arg8[%dma_wait3A_1139, %dma_wait3A_1140] : memref<208x128xf32, #tpu.memory_space<vmem>> -> memref<26x128xf32, #tpu.memory_space<vmem>>
    tpu.wait_dma2 semaphore(%arg16 : memref<!tpu.dma_semaphore, #tpu.memory_space<semaphore_mem>>) src(%dma_wait3A_1141 : memref<26x128xf32, #tpu.memory_space<vmem>>) dst(%dma_wait3A_1138 : memref<26x128xf32, #tpu.memory_space<hbm>>)
    %add3A_1142 = arith.constant 496 : i32
    %add3A_1143 = arith.addi %mul3A_2, %add3A_1142 : i32
    %add3A_1144 = arith.constant 4 : i32
    %add3A_1145 = arith.addi %add3A_1143, %add3A_1144 : i32
    %dma_wait3A_1146 = arith.constant 104 : i32
    %dma_wait3A_1147 = arith.constant 0 : i32
    %dma_wait3A_1148 = tpu.memref_slice %arg8[%dma_wait3A_1146, %dma_wait3A_1147] : memref<208x128xf32, #tpu.memory_space<vmem>> -> memref<26x128xf32, #tpu.memory_space<vmem>>
    %dma_wait3A_1149 = arith.constant 0 : i32
    %dma_wait3A_1150 = arith.constant 0 : i32
    %dma_wait3A_1151 = tpu.memref_slice %arg4[%add3A_1145, %dma_wait3A_1149, %dma_wait3A_1150] : memref<16384x26x128xf32, #tpu.memory_space<hbm>> -> memref<1x26x128xf32, #tpu.memory_space<hbm>>
    %dma_wait3A_1152 = tpu.memref_squeeze %dma_wait3A_1151 : memref<1x26x128xf32, #tpu.memory_space<hbm>> -> memref<26x128xf32, #tpu.memory_space<hbm>>
    %dma_wait3A_1153 = arith.constant 0 : i32
    %dma_wait3A_1154 = arith.constant 0 : i32
    %dma_wait3A_1155 = tpu.memref_slice %arg4[%add3A_1145, %dma_wait3A_1153, %dma_wait3A_1154] : memref<16384x26x128xf32, #tpu.memory_space<hbm>> -> memref<1x26x128xf32, #tpu.memory_space<hbm>>
    %dma_wait3A_1156 = tpu.memref_squeeze %dma_wait3A_1155 : memref<1x26x128xf32, #tpu.memory_space<hbm>> -> memref<26x128xf32, #tpu.memory_space<hbm>>
    %dma_wait3A_1157 = arith.constant 104 : i32
    %dma_wait3A_1158 = arith.constant 0 : i32
    %dma_wait3A_1159 = tpu.memref_slice %arg8[%dma_wait3A_1157, %dma_wait3A_1158] : memref<208x128xf32, #tpu.memory_space<vmem>> -> memref<26x128xf32, #tpu.memory_space<vmem>>
    tpu.wait_dma2 semaphore(%arg16 : memref<!tpu.dma_semaphore, #tpu.memory_space<semaphore_mem>>) src(%dma_wait3A_1159 : memref<26x128xf32, #tpu.memory_space<vmem>>) dst(%dma_wait3A_1156 : memref<26x128xf32, #tpu.memory_space<hbm>>)
    %add3A_1160 = arith.constant 496 : i32
    %add3A_1161 = arith.addi %mul3A_2, %add3A_1160 : i32
    %add3A_1162 = arith.constant 5 : i32
    %add3A_1163 = arith.addi %add3A_1161, %add3A_1162 : i32
    %dma_wait3A_1164 = arith.constant 130 : i32
    %dma_wait3A_1165 = arith.constant 0 : i32
    %dma_wait3A_1166 = tpu.memref_slice %arg8[%dma_wait3A_1164, %dma_wait3A_1165] : memref<208x128xf32, #tpu.memory_space<vmem>> -> memref<26x128xf32, #tpu.memory_space<vmem>>
    %dma_wait3A_1167 = arith.constant 0 : i32
    %dma_wait3A_1168 = arith.constant 0 : i32
    %dma_wait3A_1169 = tpu.memref_slice %arg4[%add3A_1163, %dma_wait3A_1167, %dma_wait3A_1168] : memref<16384x26x128xf32, #tpu.memory_space<hbm>> -> memref<1x26x128xf32, #tpu.memory_space<hbm>>
    %dma_wait3A_1170 = tpu.memref_squeeze %dma_wait3A_1169 : memref<1x26x128xf32, #tpu.memory_space<hbm>> -> memref<26x128xf32, #tpu.memory_space<hbm>>
    %dma_wait3A_1171 = arith.constant 0 : i32
    %dma_wait3A_1172 = arith.constant 0 : i32
    %dma_wait3A_1173 = tpu.memref_slice %arg4[%add3A_1163, %dma_wait3A_1171, %dma_wait3A_1172] : memref<16384x26x128xf32, #tpu.memory_space<hbm>> -> memref<1x26x128xf32, #tpu.memory_space<hbm>>
    %dma_wait3A_1174 = tpu.memref_squeeze %dma_wait3A_1173 : memref<1x26x128xf32, #tpu.memory_space<hbm>> -> memref<26x128xf32, #tpu.memory_space<hbm>>
    %dma_wait3A_1175 = arith.constant 130 : i32
    %dma_wait3A_1176 = arith.constant 0 : i32
    %dma_wait3A_1177 = tpu.memref_slice %arg8[%dma_wait3A_1175, %dma_wait3A_1176] : memref<208x128xf32, #tpu.memory_space<vmem>> -> memref<26x128xf32, #tpu.memory_space<vmem>>
    tpu.wait_dma2 semaphore(%arg16 : memref<!tpu.dma_semaphore, #tpu.memory_space<semaphore_mem>>) src(%dma_wait3A_1177 : memref<26x128xf32, #tpu.memory_space<vmem>>) dst(%dma_wait3A_1174 : memref<26x128xf32, #tpu.memory_space<hbm>>)
    %add3A_1178 = arith.constant 496 : i32
    %add3A_1179 = arith.addi %mul3A_2, %add3A_1178 : i32
    %add3A_1180 = arith.constant 6 : i32
    %add3A_1181 = arith.addi %add3A_1179, %add3A_1180 : i32
    %dma_wait3A_1182 = arith.constant 156 : i32
    %dma_wait3A_1183 = arith.constant 0 : i32
    %dma_wait3A_1184 = tpu.memref_slice %arg8[%dma_wait3A_1182, %dma_wait3A_1183] : memref<208x128xf32, #tpu.memory_space<vmem>> -> memref<26x128xf32, #tpu.memory_space<vmem>>
    %dma_wait3A_1185 = arith.constant 0 : i32
    %dma_wait3A_1186 = arith.constant 0 : i32
    %dma_wait3A_1187 = tpu.memref_slice %arg4[%add3A_1181, %dma_wait3A_1185, %dma_wait3A_1186] : memref<16384x26x128xf32, #tpu.memory_space<hbm>> -> memref<1x26x128xf32, #tpu.memory_space<hbm>>
    %dma_wait3A_1188 = tpu.memref_squeeze %dma_wait3A_1187 : memref<1x26x128xf32, #tpu.memory_space<hbm>> -> memref<26x128xf32, #tpu.memory_space<hbm>>
    %dma_wait3A_1189 = arith.constant 0 : i32
    %dma_wait3A_1190 = arith.constant 0 : i32
    %dma_wait3A_1191 = tpu.memref_slice %arg4[%add3A_1181, %dma_wait3A_1189, %dma_wait3A_1190] : memref<16384x26x128xf32, #tpu.memory_space<hbm>> -> memref<1x26x128xf32, #tpu.memory_space<hbm>>
    %dma_wait3A_1192 = tpu.memref_squeeze %dma_wait3A_1191 : memref<1x26x128xf32, #tpu.memory_space<hbm>> -> memref<26x128xf32, #tpu.memory_space<hbm>>
    %dma_wait3A_1193 = arith.constant 156 : i32
    %dma_wait3A_1194 = arith.constant 0 : i32
    %dma_wait3A_1195 = tpu.memref_slice %arg8[%dma_wait3A_1193, %dma_wait3A_1194] : memref<208x128xf32, #tpu.memory_space<vmem>> -> memref<26x128xf32, #tpu.memory_space<vmem>>
    tpu.wait_dma2 semaphore(%arg16 : memref<!tpu.dma_semaphore, #tpu.memory_space<semaphore_mem>>) src(%dma_wait3A_1195 : memref<26x128xf32, #tpu.memory_space<vmem>>) dst(%dma_wait3A_1192 : memref<26x128xf32, #tpu.memory_space<hbm>>)
    %add3A_1196 = arith.constant 496 : i32
    %add3A_1197 = arith.addi %mul3A_2, %add3A_1196 : i32
    %add3A_1198 = arith.constant 7 : i32
    %add3A_1199 = arith.addi %add3A_1197, %add3A_1198 : i32
    %dma_wait3A_1200 = arith.constant 182 : i32
    %dma_wait3A_1201 = arith.constant 0 : i32
    %dma_wait3A_1202 = tpu.memref_slice %arg8[%dma_wait3A_1200, %dma_wait3A_1201] : memref<208x128xf32, #tpu.memory_space<vmem>> -> memref<26x128xf32, #tpu.memory_space<vmem>>
    %dma_wait3A_1203 = arith.constant 0 : i32
    %dma_wait3A_1204 = arith.constant 0 : i32
    %dma_wait3A_1205 = tpu.memref_slice %arg4[%add3A_1199, %dma_wait3A_1203, %dma_wait3A_1204] : memref<16384x26x128xf32, #tpu.memory_space<hbm>> -> memref<1x26x128xf32, #tpu.memory_space<hbm>>
    %dma_wait3A_1206 = tpu.memref_squeeze %dma_wait3A_1205 : memref<1x26x128xf32, #tpu.memory_space<hbm>> -> memref<26x128xf32, #tpu.memory_space<hbm>>
    %dma_wait3A_1207 = arith.constant 0 : i32
    %dma_wait3A_1208 = arith.constant 0 : i32
    %dma_wait3A_1209 = tpu.memref_slice %arg4[%add3A_1199, %dma_wait3A_1207, %dma_wait3A_1208] : memref<16384x26x128xf32, #tpu.memory_space<hbm>> -> memref<1x26x128xf32, #tpu.memory_space<hbm>>
    %dma_wait3A_1210 = tpu.memref_squeeze %dma_wait3A_1209 : memref<1x26x128xf32, #tpu.memory_space<hbm>> -> memref<26x128xf32, #tpu.memory_space<hbm>>
    %dma_wait3A_1211 = arith.constant 182 : i32
    %dma_wait3A_1212 = arith.constant 0 : i32
    %dma_wait3A_1213 = tpu.memref_slice %arg8[%dma_wait3A_1211, %dma_wait3A_1212] : memref<208x128xf32, #tpu.memory_space<vmem>> -> memref<26x128xf32, #tpu.memory_space<vmem>>
    tpu.wait_dma2 semaphore(%arg16 : memref<!tpu.dma_semaphore, #tpu.memory_space<semaphore_mem>>) src(%dma_wait3A_1213 : memref<26x128xf32, #tpu.memory_space<vmem>>) dst(%dma_wait3A_1210 : memref<26x128xf32, #tpu.memory_space<hbm>>)
    %add3A_1214 = arith.constant 504 : i32
    %add3A_1215 = arith.addi %mul3A_2, %add3A_1214 : i32
    %add3A_1216 = arith.constant 0 : i32
    %add3A_1217 = arith.addi %add3A_1215, %add3A_1216 : i32
    %dma_wait3A_1218 = arith.constant 0 : i32
    %dma_wait3A_1219 = arith.constant 0 : i32
    %dma_wait3A_1220 = tpu.memref_slice %arg9[%dma_wait3A_1218, %dma_wait3A_1219] : memref<208x128xf32, #tpu.memory_space<vmem>> -> memref<26x128xf32, #tpu.memory_space<vmem>>
    %dma_wait3A_1221 = arith.constant 0 : i32
    %dma_wait3A_1222 = arith.constant 0 : i32
    %dma_wait3A_1223 = tpu.memref_slice %arg4[%add3A_1217, %dma_wait3A_1221, %dma_wait3A_1222] : memref<16384x26x128xf32, #tpu.memory_space<hbm>> -> memref<1x26x128xf32, #tpu.memory_space<hbm>>
    %dma_wait3A_1224 = tpu.memref_squeeze %dma_wait3A_1223 : memref<1x26x128xf32, #tpu.memory_space<hbm>> -> memref<26x128xf32, #tpu.memory_space<hbm>>
    %dma_wait3A_1225 = arith.constant 0 : i32
    %dma_wait3A_1226 = arith.constant 0 : i32
    %dma_wait3A_1227 = tpu.memref_slice %arg4[%add3A_1217, %dma_wait3A_1225, %dma_wait3A_1226] : memref<16384x26x128xf32, #tpu.memory_space<hbm>> -> memref<1x26x128xf32, #tpu.memory_space<hbm>>
    %dma_wait3A_1228 = tpu.memref_squeeze %dma_wait3A_1227 : memref<1x26x128xf32, #tpu.memory_space<hbm>> -> memref<26x128xf32, #tpu.memory_space<hbm>>
    %dma_wait3A_1229 = arith.constant 0 : i32
    %dma_wait3A_1230 = arith.constant 0 : i32
    %dma_wait3A_1231 = tpu.memref_slice %arg9[%dma_wait3A_1229, %dma_wait3A_1230] : memref<208x128xf32, #tpu.memory_space<vmem>> -> memref<26x128xf32, #tpu.memory_space<vmem>>
    tpu.wait_dma2 semaphore(%arg17 : memref<!tpu.dma_semaphore, #tpu.memory_space<semaphore_mem>>) src(%dma_wait3A_1231 : memref<26x128xf32, #tpu.memory_space<vmem>>) dst(%dma_wait3A_1228 : memref<26x128xf32, #tpu.memory_space<hbm>>)
    %add3A_1232 = arith.constant 504 : i32
    %add3A_1233 = arith.addi %mul3A_2, %add3A_1232 : i32
    %add3A_1234 = arith.constant 1 : i32
    %add3A_1235 = arith.addi %add3A_1233, %add3A_1234 : i32
    %dma_wait3A_1236 = arith.constant 26 : i32
    %dma_wait3A_1237 = arith.constant 0 : i32
    %dma_wait3A_1238 = tpu.memref_slice %arg9[%dma_wait3A_1236, %dma_wait3A_1237] : memref<208x128xf32, #tpu.memory_space<vmem>> -> memref<26x128xf32, #tpu.memory_space<vmem>>
    %dma_wait3A_1239 = arith.constant 0 : i32
    %dma_wait3A_1240 = arith.constant 0 : i32
    %dma_wait3A_1241 = tpu.memref_slice %arg4[%add3A_1235, %dma_wait3A_1239, %dma_wait3A_1240] : memref<16384x26x128xf32, #tpu.memory_space<hbm>> -> memref<1x26x128xf32, #tpu.memory_space<hbm>>
    %dma_wait3A_1242 = tpu.memref_squeeze %dma_wait3A_1241 : memref<1x26x128xf32, #tpu.memory_space<hbm>> -> memref<26x128xf32, #tpu.memory_space<hbm>>
    %dma_wait3A_1243 = arith.constant 0 : i32
    %dma_wait3A_1244 = arith.constant 0 : i32
    %dma_wait3A_1245 = tpu.memref_slice %arg4[%add3A_1235, %dma_wait3A_1243, %dma_wait3A_1244] : memref<16384x26x128xf32, #tpu.memory_space<hbm>> -> memref<1x26x128xf32, #tpu.memory_space<hbm>>
    %dma_wait3A_1246 = tpu.memref_squeeze %dma_wait3A_1245 : memref<1x26x128xf32, #tpu.memory_space<hbm>> -> memref<26x128xf32, #tpu.memory_space<hbm>>
    %dma_wait3A_1247 = arith.constant 26 : i32
    %dma_wait3A_1248 = arith.constant 0 : i32
    %dma_wait3A_1249 = tpu.memref_slice %arg9[%dma_wait3A_1247, %dma_wait3A_1248] : memref<208x128xf32, #tpu.memory_space<vmem>> -> memref<26x128xf32, #tpu.memory_space<vmem>>
    tpu.wait_dma2 semaphore(%arg17 : memref<!tpu.dma_semaphore, #tpu.memory_space<semaphore_mem>>) src(%dma_wait3A_1249 : memref<26x128xf32, #tpu.memory_space<vmem>>) dst(%dma_wait3A_1246 : memref<26x128xf32, #tpu.memory_space<hbm>>)
    %add3A_1250 = arith.constant 504 : i32
    %add3A_1251 = arith.addi %mul3A_2, %add3A_1250 : i32
    %add3A_1252 = arith.constant 2 : i32
    %add3A_1253 = arith.addi %add3A_1251, %add3A_1252 : i32
    %dma_wait3A_1254 = arith.constant 52 : i32
    %dma_wait3A_1255 = arith.constant 0 : i32
    %dma_wait3A_1256 = tpu.memref_slice %arg9[%dma_wait3A_1254, %dma_wait3A_1255] : memref<208x128xf32, #tpu.memory_space<vmem>> -> memref<26x128xf32, #tpu.memory_space<vmem>>
    %dma_wait3A_1257 = arith.constant 0 : i32
    %dma_wait3A_1258 = arith.constant 0 : i32
    %dma_wait3A_1259 = tpu.memref_slice %arg4[%add3A_1253, %dma_wait3A_1257, %dma_wait3A_1258] : memref<16384x26x128xf32, #tpu.memory_space<hbm>> -> memref<1x26x128xf32, #tpu.memory_space<hbm>>
    %dma_wait3A_1260 = tpu.memref_squeeze %dma_wait3A_1259 : memref<1x26x128xf32, #tpu.memory_space<hbm>> -> memref<26x128xf32, #tpu.memory_space<hbm>>
    %dma_wait3A_1261 = arith.constant 0 : i32
    %dma_wait3A_1262 = arith.constant 0 : i32
    %dma_wait3A_1263 = tpu.memref_slice %arg4[%add3A_1253, %dma_wait3A_1261, %dma_wait3A_1262] : memref<16384x26x128xf32, #tpu.memory_space<hbm>> -> memref<1x26x128xf32, #tpu.memory_space<hbm>>
    %dma_wait3A_1264 = tpu.memref_squeeze %dma_wait3A_1263 : memref<1x26x128xf32, #tpu.memory_space<hbm>> -> memref<26x128xf32, #tpu.memory_space<hbm>>
    %dma_wait3A_1265 = arith.constant 52 : i32
    %dma_wait3A_1266 = arith.constant 0 : i32
    %dma_wait3A_1267 = tpu.memref_slice %arg9[%dma_wait3A_1265, %dma_wait3A_1266] : memref<208x128xf32, #tpu.memory_space<vmem>> -> memref<26x128xf32, #tpu.memory_space<vmem>>
    tpu.wait_dma2 semaphore(%arg17 : memref<!tpu.dma_semaphore, #tpu.memory_space<semaphore_mem>>) src(%dma_wait3A_1267 : memref<26x128xf32, #tpu.memory_space<vmem>>) dst(%dma_wait3A_1264 : memref<26x128xf32, #tpu.memory_space<hbm>>)
    %add3A_1268 = arith.constant 504 : i32
    %add3A_1269 = arith.addi %mul3A_2, %add3A_1268 : i32
    %add3A_1270 = arith.constant 3 : i32
    %add3A_1271 = arith.addi %add3A_1269, %add3A_1270 : i32
    %dma_wait3A_1272 = arith.constant 78 : i32
    %dma_wait3A_1273 = arith.constant 0 : i32
    %dma_wait3A_1274 = tpu.memref_slice %arg9[%dma_wait3A_1272, %dma_wait3A_1273] : memref<208x128xf32, #tpu.memory_space<vmem>> -> memref<26x128xf32, #tpu.memory_space<vmem>>
    %dma_wait3A_1275 = arith.constant 0 : i32
    %dma_wait3A_1276 = arith.constant 0 : i32
    %dma_wait3A_1277 = tpu.memref_slice %arg4[%add3A_1271, %dma_wait3A_1275, %dma_wait3A_1276] : memref<16384x26x128xf32, #tpu.memory_space<hbm>> -> memref<1x26x128xf32, #tpu.memory_space<hbm>>
    %dma_wait3A_1278 = tpu.memref_squeeze %dma_wait3A_1277 : memref<1x26x128xf32, #tpu.memory_space<hbm>> -> memref<26x128xf32, #tpu.memory_space<hbm>>
    %dma_wait3A_1279 = arith.constant 0 : i32
    %dma_wait3A_1280 = arith.constant 0 : i32
    %dma_wait3A_1281 = tpu.memref_slice %arg4[%add3A_1271, %dma_wait3A_1279, %dma_wait3A_1280] : memref<16384x26x128xf32, #tpu.memory_space<hbm>> -> memref<1x26x128xf32, #tpu.memory_space<hbm>>
    %dma_wait3A_1282 = tpu.memref_squeeze %dma_wait3A_1281 : memref<1x26x128xf32, #tpu.memory_space<hbm>> -> memref<26x128xf32, #tpu.memory_space<hbm>>
    %dma_wait3A_1283 = arith.constant 78 : i32
    %dma_wait3A_1284 = arith.constant 0 : i32
    %dma_wait3A_1285 = tpu.memref_slice %arg9[%dma_wait3A_1283, %dma_wait3A_1284] : memref<208x128xf32, #tpu.memory_space<vmem>> -> memref<26x128xf32, #tpu.memory_space<vmem>>
    tpu.wait_dma2 semaphore(%arg17 : memref<!tpu.dma_semaphore, #tpu.memory_space<semaphore_mem>>) src(%dma_wait3A_1285 : memref<26x128xf32, #tpu.memory_space<vmem>>) dst(%dma_wait3A_1282 : memref<26x128xf32, #tpu.memory_space<hbm>>)
    %add3A_1286 = arith.constant 504 : i32
    %add3A_1287 = arith.addi %mul3A_2, %add3A_1286 : i32
    %add3A_1288 = arith.constant 4 : i32
    %add3A_1289 = arith.addi %add3A_1287, %add3A_1288 : i32
    %dma_wait3A_1290 = arith.constant 104 : i32
    %dma_wait3A_1291 = arith.constant 0 : i32
    %dma_wait3A_1292 = tpu.memref_slice %arg9[%dma_wait3A_1290, %dma_wait3A_1291] : memref<208x128xf32, #tpu.memory_space<vmem>> -> memref<26x128xf32, #tpu.memory_space<vmem>>
    %dma_wait3A_1293 = arith.constant 0 : i32
    %dma_wait3A_1294 = arith.constant 0 : i32
    %dma_wait3A_1295 = tpu.memref_slice %arg4[%add3A_1289, %dma_wait3A_1293, %dma_wait3A_1294] : memref<16384x26x128xf32, #tpu.memory_space<hbm>> -> memref<1x26x128xf32, #tpu.memory_space<hbm>>
    %dma_wait3A_1296 = tpu.memref_squeeze %dma_wait3A_1295 : memref<1x26x128xf32, #tpu.memory_space<hbm>> -> memref<26x128xf32, #tpu.memory_space<hbm>>
    %dma_wait3A_1297 = arith.constant 0 : i32
    %dma_wait3A_1298 = arith.constant 0 : i32
    %dma_wait3A_1299 = tpu.memref_slice %arg4[%add3A_1289, %dma_wait3A_1297, %dma_wait3A_1298] : memref<16384x26x128xf32, #tpu.memory_space<hbm>> -> memref<1x26x128xf32, #tpu.memory_space<hbm>>
    %dma_wait3A_1300 = tpu.memref_squeeze %dma_wait3A_1299 : memref<1x26x128xf32, #tpu.memory_space<hbm>> -> memref<26x128xf32, #tpu.memory_space<hbm>>
    %dma_wait3A_1301 = arith.constant 104 : i32
    %dma_wait3A_1302 = arith.constant 0 : i32
    %dma_wait3A_1303 = tpu.memref_slice %arg9[%dma_wait3A_1301, %dma_wait3A_1302] : memref<208x128xf32, #tpu.memory_space<vmem>> -> memref<26x128xf32, #tpu.memory_space<vmem>>
    tpu.wait_dma2 semaphore(%arg17 : memref<!tpu.dma_semaphore, #tpu.memory_space<semaphore_mem>>) src(%dma_wait3A_1303 : memref<26x128xf32, #tpu.memory_space<vmem>>) dst(%dma_wait3A_1300 : memref<26x128xf32, #tpu.memory_space<hbm>>)
    %add3A_1304 = arith.constant 504 : i32
    %add3A_1305 = arith.addi %mul3A_2, %add3A_1304 : i32
    %add3A_1306 = arith.constant 5 : i32
    %add3A_1307 = arith.addi %add3A_1305, %add3A_1306 : i32
    %dma_wait3A_1308 = arith.constant 130 : i32
    %dma_wait3A_1309 = arith.constant 0 : i32
    %dma_wait3A_1310 = tpu.memref_slice %arg9[%dma_wait3A_1308, %dma_wait3A_1309] : memref<208x128xf32, #tpu.memory_space<vmem>> -> memref<26x128xf32, #tpu.memory_space<vmem>>
    %dma_wait3A_1311 = arith.constant 0 : i32
    %dma_wait3A_1312 = arith.constant 0 : i32
    %dma_wait3A_1313 = tpu.memref_slice %arg4[%add3A_1307, %dma_wait3A_1311, %dma_wait3A_1312] : memref<16384x26x128xf32, #tpu.memory_space<hbm>> -> memref<1x26x128xf32, #tpu.memory_space<hbm>>
    %dma_wait3A_1314 = tpu.memref_squeeze %dma_wait3A_1313 : memref<1x26x128xf32, #tpu.memory_space<hbm>> -> memref<26x128xf32, #tpu.memory_space<hbm>>
    %dma_wait3A_1315 = arith.constant 0 : i32
    %dma_wait3A_1316 = arith.constant 0 : i32
    %dma_wait3A_1317 = tpu.memref_slice %arg4[%add3A_1307, %dma_wait3A_1315, %dma_wait3A_1316] : memref<16384x26x128xf32, #tpu.memory_space<hbm>> -> memref<1x26x128xf32, #tpu.memory_space<hbm>>
    %dma_wait3A_1318 = tpu.memref_squeeze %dma_wait3A_1317 : memref<1x26x128xf32, #tpu.memory_space<hbm>> -> memref<26x128xf32, #tpu.memory_space<hbm>>
    %dma_wait3A_1319 = arith.constant 130 : i32
    %dma_wait3A_1320 = arith.constant 0 : i32
    %dma_wait3A_1321 = tpu.memref_slice %arg9[%dma_wait3A_1319, %dma_wait3A_1320] : memref<208x128xf32, #tpu.memory_space<vmem>> -> memref<26x128xf32, #tpu.memory_space<vmem>>
    tpu.wait_dma2 semaphore(%arg17 : memref<!tpu.dma_semaphore, #tpu.memory_space<semaphore_mem>>) src(%dma_wait3A_1321 : memref<26x128xf32, #tpu.memory_space<vmem>>) dst(%dma_wait3A_1318 : memref<26x128xf32, #tpu.memory_space<hbm>>)
    %add3A_1322 = arith.constant 504 : i32
    %add3A_1323 = arith.addi %mul3A_2, %add3A_1322 : i32
    %add3A_1324 = arith.constant 6 : i32
    %add3A_1325 = arith.addi %add3A_1323, %add3A_1324 : i32
    %dma_wait3A_1326 = arith.constant 156 : i32
    %dma_wait3A_1327 = arith.constant 0 : i32
    %dma_wait3A_1328 = tpu.memref_slice %arg9[%dma_wait3A_1326, %dma_wait3A_1327] : memref<208x128xf32, #tpu.memory_space<vmem>> -> memref<26x128xf32, #tpu.memory_space<vmem>>
    %dma_wait3A_1329 = arith.constant 0 : i32
    %dma_wait3A_1330 = arith.constant 0 : i32
    %dma_wait3A_1331 = tpu.memref_slice %arg4[%add3A_1325, %dma_wait3A_1329, %dma_wait3A_1330] : memref<16384x26x128xf32, #tpu.memory_space<hbm>> -> memref<1x26x128xf32, #tpu.memory_space<hbm>>
    %dma_wait3A_1332 = tpu.memref_squeeze %dma_wait3A_1331 : memref<1x26x128xf32, #tpu.memory_space<hbm>> -> memref<26x128xf32, #tpu.memory_space<hbm>>
    %dma_wait3A_1333 = arith.constant 0 : i32
    %dma_wait3A_1334 = arith.constant 0 : i32
    %dma_wait3A_1335 = tpu.memref_slice %arg4[%add3A_1325, %dma_wait3A_1333, %dma_wait3A_1334] : memref<16384x26x128xf32, #tpu.memory_space<hbm>> -> memref<1x26x128xf32, #tpu.memory_space<hbm>>
    %dma_wait3A_1336 = tpu.memref_squeeze %dma_wait3A_1335 : memref<1x26x128xf32, #tpu.memory_space<hbm>> -> memref<26x128xf32, #tpu.memory_space<hbm>>
    %dma_wait3A_1337 = arith.constant 156 : i32
    %dma_wait3A_1338 = arith.constant 0 : i32
    %dma_wait3A_1339 = tpu.memref_slice %arg9[%dma_wait3A_1337, %dma_wait3A_1338] : memref<208x128xf32, #tpu.memory_space<vmem>> -> memref<26x128xf32, #tpu.memory_space<vmem>>
    tpu.wait_dma2 semaphore(%arg17 : memref<!tpu.dma_semaphore, #tpu.memory_space<semaphore_mem>>) src(%dma_wait3A_1339 : memref<26x128xf32, #tpu.memory_space<vmem>>) dst(%dma_wait3A_1336 : memref<26x128xf32, #tpu.memory_space<hbm>>)
    %add3A_1340 = arith.constant 504 : i32
    %add3A_1341 = arith.addi %mul3A_2, %add3A_1340 : i32
    %add3A_1342 = arith.constant 7 : i32
    %add3A_1343 = arith.addi %add3A_1341, %add3A_1342 : i32
    %dma_wait3A_1344 = arith.constant 182 : i32
    %dma_wait3A_1345 = arith.constant 0 : i32
    %dma_wait3A_1346 = tpu.memref_slice %arg9[%dma_wait3A_1344, %dma_wait3A_1345] : memref<208x128xf32, #tpu.memory_space<vmem>> -> memref<26x128xf32, #tpu.memory_space<vmem>>
    %dma_wait3A_1347 = arith.constant 0 : i32
    %dma_wait3A_1348 = arith.constant 0 : i32
    %dma_wait3A_1349 = tpu.memref_slice %arg4[%add3A_1343, %dma_wait3A_1347, %dma_wait3A_1348] : memref<16384x26x128xf32, #tpu.memory_space<hbm>> -> memref<1x26x128xf32, #tpu.memory_space<hbm>>
    %dma_wait3A_1350 = tpu.memref_squeeze %dma_wait3A_1349 : memref<1x26x128xf32, #tpu.memory_space<hbm>> -> memref<26x128xf32, #tpu.memory_space<hbm>>
    %dma_wait3A_1351 = arith.constant 0 : i32
    %dma_wait3A_1352 = arith.constant 0 : i32
    %dma_wait3A_1353 = tpu.memref_slice %arg4[%add3A_1343, %dma_wait3A_1351, %dma_wait3A_1352] : memref<16384x26x128xf32, #tpu.memory_space<hbm>> -> memref<1x26x128xf32, #tpu.memory_space<hbm>>
    %dma_wait3A_1354 = tpu.memref_squeeze %dma_wait3A_1353 : memref<1x26x128xf32, #tpu.memory_space<hbm>> -> memref<26x128xf32, #tpu.memory_space<hbm>>
    %dma_wait3A_1355 = arith.constant 182 : i32
    %dma_wait3A_1356 = arith.constant 0 : i32
    %dma_wait3A_1357 = tpu.memref_slice %arg9[%dma_wait3A_1355, %dma_wait3A_1356] : memref<208x128xf32, #tpu.memory_space<vmem>> -> memref<26x128xf32, #tpu.memory_space<vmem>>
    tpu.wait_dma2 semaphore(%arg17 : memref<!tpu.dma_semaphore, #tpu.memory_space<semaphore_mem>>) src(%dma_wait3A_1357 : memref<26x128xf32, #tpu.memory_space<vmem>>) dst(%dma_wait3A_1354 : memref<26x128xf32, #tpu.memory_space<hbm>>)
    return
  }
}

</mosaic_0001>

<sc_bundles>
// kernel: kernel.3.cloned.1.call-start
scs
__scs_entry_jumppad:
0x0: {  	(pc) =	sbr.rel $0x88, $3  }
0x1: {  	(tag) =	ssettag $0x0;
	lr =	simm.s32 $0x1  }
0x2: {  	[smem:$0x3F9F] =	sst lr;
	_ =	strace $0xD0000000  }
0x3: {  	_ = 	snop  }
0x4: {  	_ = 	snop  }
0x5: {  	_ = 	snop  }
0x6: {  	_ = 	snop  }
0x7: {  	_ = 	snop  }
__scs_overlays_trampoline_lowered:
0x8: {  	[smem:$0x3FAE] =	sst s0  }
0x9: {  	[smem:$0x3FAF] =	sst s1  }
0xa: {  	[smem:$0x3FB0] =	sst s2  }
0xb: {  	[smem:$0x3FB1] =	sst s3  }
0xc: {  	[smem:$0x3FB2] =	sst s4  }
0xd: {  	[smem:$0x3FB3] =	sst s5  }
0xe: {  	[smem:$0x3FB4] =	sst s6  }
0xf: {  	[smem:$0x3FB5] =	sst s7  }
0x10: {  	[smem:$0x3FB6] =	sst s8  }
0x11: {  	[smem:$0x3FB7] =	sst s9;
	s0 =	simm.s32 @!p0 $0x0  }
0x12: {  	s1 =	sld [smem:$0x3F9D];
	s0 =	simm.s32 @p0 $0x1  }
0x13: {  	[smem:$0x3FB8] =	sst s0;
	s0 =	simm.s32 @!p1 $0x0  }
0x14: {  	s2 =	sld [smem:$0x3F9C];
	s0 =	simm.s32 @p1 $0x1  }
0x15: {  	[smem:$0x3FB9] =	sst s0;
	s0 =	simm.s32 @!p2 $0x0  }
0x16: {  	s3 =	sld [smem:$0x3FDB];
	s0 =	simm.s32 @p2 $0x1  }
0x17: {  	s4 =	simm.s32 $0x1BF5;
	[smem:$0x3FBB] =	sst s0  }
0x18: {  	s0 =	sld [smem:$0x3F9E];
	_ =	swait.ge [sflag:s4], $0x0  }
0x19: {  	s7 =	sld [smem:$0x3F9F]  }
0x1a: {  	s8 =	sadd.s32 $0xFFFFE003, lr  }
0x1b: {  	s9 =	sadd.s32 $0xFFFFFEF7, lr;
	s5 =	simm.s32 $0xFFFFFFFF;
	p2 =	slt.u32 s8, $0xFFFFF086  }
0x1c: {  	p1 =	slt.u32 s9, $0xF7A;
	s5 =	simm.s32 @!p2 $0x0  }
0x1d: {  	s5 =	simm.s32 @p1 $0x1;
	p0 =	seq.s32 s7, s2  }
0x1e: {  	s7 =	smul.u32 @!p0 $0xF7A, s2;
	p2 =	seq.s32 @!p0 s5, $0x0  }
0x1f: {  	s9 =	smul.u32 $0xF7A, s1;
	s8 =	simm.s32 @!p0 $0x1BF5;
	p2 =	por !p2, p0  }
0x20: {  	[sflag:s8] =	ssyncset.s32 @!p0 $0xFFFFF086;
	s6 =	sadd.s32 @!p0 s3, s7;
	s7 =	simm.s32 @!p0 $0x108  }
0x21: {  	s3 =	sadd.s32 s3, s9;
	s6 =	sadd.s32 @!p0 $0x88, s6;
	s7 =	simm.s32 @p2 $0x1082  }
0x22: {  	[simem:s7], [sflag:s8] =	dma.local @!p0 [hbm:s6], $0xF7A  }
0x23: {  	s9 =	sor.u32 $0xD0000000, s2;
	s6 =	simm.s32 $0x108;
	_ =	swait.ge @!p0 [sflag:s8], $0x0  }
0x24: {  	s3 =	sadd.s32 $0x88, s3;
	s6 =	simm.s32 @!p1 $0x1082;
	[sflag:s4] =	ssyncset.s32 $0xFFFFF086  }
0x25: {  	[simem:s6], [sflag:s4] =	dma.local [hbm:s3], $0xF7A  }
0x26: {  	[smem:$0x3F9F] =	sst s1;
	(tag) =	ssettag s2;
	_ =	strace s9  }
0x27: {  	s1 =	sld [smem:$0x3FAF]  }
0x28: {  	s2 =	sld [smem:$0x3FB0]  }
0x29: {  	s4 =	sld [smem:$0x3FB2]  }
0x2a: {  	p0 =	seq.s32 s5, $0x0;
	s5 =	sld [smem:$0x3FB3]  }
0x2b: {  	s6 =	sld [smem:$0x3FB4]  }
0x2c: {  	s7 =	sld [smem:$0x3FB5]  }
0x2d: {  	s3 =	simm.s32 $0x108;
	s8 =	sld [smem:$0x3FB6]  }
0x2e: {  	s3 =	simm.s32 @!p0 $0x1082;
	s9 =	sld [smem:$0x3FB7]  }
0x2f: {  	lr =	sadd.s32 s0, s3;
	s0 =	sld [smem:$0x3FAE]  }
0x30: {  	s3 =	sld [smem:$0x3FB1]  }
0x31: {  	[smem:$0x3FBA] =	sst s10  }
0x32: {  	s10 =	sld [smem:$0x3FB8];
	_ =	sdelay $0x3  }
0x33: {  	p0 =	seq.s32 s10, $0x1;
	s10 =	sld [smem:$0x3FBA];
	_ =	sdelay $0x3  }
0x34: {  	[smem:$0x3FBA] =	sst s10  }
0x35: {  	s10 =	sld [smem:$0x3FB9];
	_ =	sdelay $0x3  }
0x36: {  	p1 =	seq.s32 s10, $0x1;
	s10 =	sld [smem:$0x3FBA];
	_ =	sdelay $0x3  }
0x37: {  	[smem:$0x3FBA] =	sst s10  }
0x38: {  	s10 =	sld [smem:$0x3FBB]  }
0x39: {  	_ = 	snop;
	(pc) =	sbr.ind lr, $3  }
0x3a: {  	_ = 	snop  }
0x3b: {  	_ = 	snop  }
0x3c: {  	p2 =	seq.s32 s10, $0x1;
	s10 =	sld [smem:$0x3FBA]  }
0x3d: {  	_ =	shalt  }
0x3e: {  	_ =	shalt  }
0x3f: {  	_ =	shalt  }
0x40: {  	_ =	shalt  }
0x41: {  	_ =	shalt  }
0x42: {  	_ =	shalt  }
0x43: {  	_ =	shalt  }
0x44: {  	_ =	shalt  }
0x45: {  	_ =	shalt  }
0x46: {  	_ =	shalt  }
0x47: {  	_ =	shalt  }
0x48: {  	_ =	shalt  }
0x49: {  	_ =	shalt  }
0x4a: {  	_ =	shalt  }
0x4b: {  	_ =	shalt  }
0x4c: {  	_ =	shalt  }
0x4d: {  	_ =	shalt  }
0x4e: {  	_ =	shalt  }
0x4f: {  	_ =	shalt  }
0x50: {  	_ =	shalt  }
0x51: {  	_ =	shalt  }
0x52: {  	_ =	shalt  }
0x53: {  	_ =	shalt  }
0x54: {  	_ =	shalt  }
0x55: {  	_ =	shalt  }
0x56: {  	_ =	shalt  }
0x57: {  	_ =	shalt  }
0x58: {  	_ =	shalt  }
0x59: {  	_ =	shalt  }
0x5a: {  	_ =	shalt  }
0x5b: {  	_ =	shalt  }
0x5c: {  	_ =	shalt  }
0x5d: {  	_ =	shalt  }
0x5e: {  	_ =	shalt  }
0x5f: {  	_ =	shalt  }
0x60: {  	_ =	shalt  }
0x61: {  	_ =	shalt  }
0x62: {  	_ =	shalt  }
0x63: {  	_ =	shalt  }
0x64: {  	_ =	shalt  }
0x65: {  	_ =	shalt  }
0x66: {  	_ =	shalt  }
0x67: {  	_ =	shalt  }
0x68: {  	_ =	shalt  }
0x69: {  	_ =	shalt  }
0x6a: {  	_ =	shalt  }
0x6b: {  	_ =	shalt  }
0x6c: {  	_ =	shalt  }
0x6d: {  	_ =	shalt  }
0x6e: {  	_ =	shalt  }
0x6f: {  	_ =	shalt  }
0x70: {  	_ =	shalt  }
0x71: {  	_ =	shalt  }
0x72: {  	_ =	shalt  }
0x73: {  	_ =	shalt  }
0x74: {  	_ =	shalt  }
0x75: {  	_ =	shalt  }
0x76: {  	_ =	shalt  }
0x77: {  	_ =	shalt  }
0x78: {  	_ =	shalt  }
0x79: {  	_ =	shalt  }
0x7a: {  	_ =	shalt  }
0x7b: {  	_ =	shalt  }
0x7c: {  	_ =	shalt  }
0x7d: {  	_ =	shalt  }
0x7e: {  	_ =	shalt  }
0x7f: {  	_ =	shalt  }
0x80: {  	_ =	shalt  }
0x81: {  	_ =	shalt  }
0x82: {  	_ =	shalt  }
0x83: {  	_ =	shalt  }
0x84: {  	_ =	shalt  }
0x85: {  	_ =	shalt  }
0x86: {  	_ =	shalt  }
0x87: {  	_ =	shalt  }
.Lfunc_end0:
.L_simem_size_0:
called_computation_lowered:
.L_overlay_start_0:
0x88: {  	s2 =	sld [smem:$0x3FD9]  }
0x89: {  	s3 =	sld [smem:$0x3FFE];
	_ =	sdelay $0x1  }
0x8a: {  	s1 =	srdreg.scid  }
0x8b: {  	s0 =	sand.u32 $0x1, s1  }
0x8c: {  	s17 =	sshll.u32 s0, $0xA;
	s2 =	sadd.s32 s3, s2  }
0x8d: {  	s2 =	sadd.s32 s2, s17  }
0x8e: {  	[smem:$0x3FC6] =	sst s2  }
0x8f: {  	_ = 	snop  }
0x90: {  	s2 =	sld [smem:$0x3FC8]  }
0x91: {  	s18 =	sld [smem:$0x3FD0];
	(tm) =	ssettm $0x1  }
0x92: {  	s4 =	sld [smem:$0x3FFB];
	_ =	sdelay $0x3  }
0x93: {  	_ =	strace s4  }
0x94: {  	s4 =	sld [smem:$0x3FFC];
	_ =	sdelay $0x3  }
0x95: {  	_ =	strace s4  }
0x96: {  	s4 =	sld [smem:$0x3FFD];
	_ =	sdelay $0x3  }
0x97: {  	_ =	strace s4  }
0x98: {  	_ =	strace $0x8FFFFFFF  }
0x99: {  	s19 =	sld [smem:$0x3FDB];
	_ =	sdelay $0x1  }
0x9a: {  	s5 =	simm.s32 $_scs_section_size  }
0x9b: {  	s6 =	simm.s32 $_size__tile_overlayer_lowered;
	s7 =	simm.s32 $_tile_overlayer_lowered  }
0x9c: {  	s22 =	simm.s32 $0x1BFF;
	s21 =	sshll.u32 s7, $0x1;
	s4 =	sadd.s32 s5, s19  }
0x9d: {  	s8 =	simm.s32 $0x0;
	s20 =	sshll.u32 s6, $0x1;
	s6 =	sadd.s32 s21, s4  }
0x9e: {  	[timem:s8], [sflag:s22] =	dma.local [hbm:s6], s20  }
0x9f: {  	_ =	swait.ge [sflag:s22], s20  }
0xa0: {  	s5 =	ssub.s32 $0x0, s20;
	[sflag:s22] =	ssyncset.done $0x0  }
0xa1: {  	[sflag:s22] =	ssyncadd.s32 s5;
	_ =	sdelay $0x1  }
0xa2: {  	s23 =	simm.s32 $0x1B8B  }
0xa3: {  	_ =	swait.ge [sflag:s23], $0x1  }
0xa4: {  	[sflag:s23] =	ssyncset.done $0x0  }
0xa5: {  	s25 =	simm.s32 $0x1B8E;
	s24 =	sld [smem:$0x3FFE];
	[sflag:s23] =	ssyncadd.s32 $0xFFFFFFFF  }
0xa6: {  	s26 =	simm.s32 $execute0_lowered;
	[smem:$0x3FD2] =	sst s25  }
0xa7: {  	s6 =	sshll.u32 s26, $0x1;
	_ =	strace $0x80000046;
	[dreg:$0x1] =	wrdreg $0xFFFFFFFF  }
0xa8: {  	s28 =	simm.s32 $_size_execute0_lowered;
	s4 =	sadd.s32 s4, s6;
	[dreg:$0x0] =	wrdreg $0x0  }
0xa9: {  	s6 =	sshll.u32 s28, $0x1;
	[dreg:$0x2] =	wrdreg s4  }
0xaa: {  	[dreg:$0x3] =	wrdreg s6  }
0xab: {  	[dreg:$0x4] =	wrdreg $0xC0  }
0xac: {  	_ =	task [dreg:s8], $0x5FFFF  }
0xad: {  	[dreg:$0x1] =	wrdreg $0xFFFFFFFF  }
0xae: {  	[dreg:$0x0] =	wrdreg $0x60  }
0xaf: {  	[dreg:$0x2] =	wrdreg s18  }
0xb0: {  	[dreg:$0x3] =	wrdreg s2  }
0xb1: {  	[dreg:$0x4] =	wrdreg s24  }
0xb2: {  	[dreg:$0x5] =	wrdreg $0x9  }
0xb3: {  	_ =	task.clear_ibuf [dreg:s8], $0x6FFFF;
	_ =	strace $0x90000046  }
0xb4: {  	s29 =	simm.s32 $0x9;
	_ =	strace $0x80000048  }
0xb5: {  	_ =	swait.ge [sflag:s29], $0x1  }
0xb6: {  	[sflag:s29] =	ssyncadd.s32 $0xFFFFFFFF  }
0xb7: {  	_ =	strace $0x90000048  }
0xb8: {  	_ =	sfence  }
0xb9: {  	s30 =	sld [smem:$0x0];
	_ =	sdelay $0x2  }
0xba: {  	s31 =	sshll.u32 s1, $0xD;
	s1 =	sshrl.u32 s1, $0x2  }
0xbb: {  	s3 =	sand.u32 $0x4000, s31;
	s1 =	sadd.s32 s1, s30  }
0xbc: {  	s0 =	sor.u32 s3, s0;
	s1 =	sshll.u32 s1, $0x11  }
0xbd: {  	s0 =	sor.u32 s1, s0  }
0xbe: {  	s0 =	sadd.s32 $0x8F2B, s0  }
0xbf: {  	[sflag:s0] =	ssyncadd.remote.s32 $0x1  }
0xc0: {  	_ =	sfence.sel $0xFFFF  }
0xc1: {  	[dreg:$0x0] =	wrdreg $0xFFFFFFFF;
	(pc) =	sbr.abs _section_cstart, $3  }
0xc2: {  	[dreg:$0x1] =	wrdreg $0xFFFFFFFF  }
0xc3: {  	_ =	task.clear_ibuf [dreg:s8], $0x2FFFF;
	_ =	strace $0x9FFFFFFF  }
0xc4: {  	(tm) =	ssettm $0x7FFFFFFF  }
0xc5: {  	_ =	shalt  }
tec
execute0_lowered:
.L_overlay_start_1:
0x0: {  	(tag) =	ssettag $0x1  }
0x1: {  	s0 =	rddreg [dreg:$0x0]  }
0x2: {  	s1 =	rddreg [dreg:$0x1]  }
0x3: {  	s3 =	rddreg [dreg:$0x2];
	s2 =	simm.s32 $0x0  }
0x4: {  	s4 =	srdreg.scid;
	s8 =	stileid.u32;
	s12 =	simm.s32 $0x1A  }
0x5: {  	s11 =	simm.s32 $0x16B00;
	s13 =	simm.s32 $0x17800;
	s15 =	simm.s32 $0x18500  }
0x6: {  	s17 =	simm.s32 $0x19200;
	s19 =	simm.s32 $0x19F00;
	s21 =	simm.s32 $0x1AC00  }
0x7: {  	s23 =	simm.s32 $0x1B900;
	s28 =	simm.s32 $0x1D300;
	s30 =	simm.s32 $0x1  }
0x8: {  	s14 =	simm.s32 $0x3;
	s18 =	simm.s32 $0x4;
	s22 =	simm.s32 $0x5  }
0x9: {  	s31 =	simm.s32 $0x7;
	s16 =	simm.s32 $0x8;
	[smem:$0x7FF] =	sst s2  }
0xa: {  	s4 =	sand.u32 $0x1, s4;
	s3 =	sadd.s32 $0x400, s3;
	s6 =	sshll.u32 s8, $0xC  }
0xb: {  	s26 =	sshll.u32 s8, $0x13;
	_ =	strace $0x80000047;
	[dreg:$0x4] =	wrdreg s3  }
0xc: {  	s25 =	ssub.s32 $0x2, s4;
	s7 =	sshll.u32 s4, $0xB;
	s4 =	sshll.u32 s4, $0x12  }
0xd: {  	s5 =	sshrl.u32 s25, $0x1;
	s6 =	sor.u32 s7, s6;
	s7 =	simm.s32 $0x15E00  }
.Ltmp0:
0xe: {  	s3 =	ssub.s32 s25, s5;
	s0 =	sadd.s32 s0, s6;
	(pc) =	sbr.rel .LBB2_1-.Ltmp0, $4  }
0xf: {  	v0 =	vlaneseq.u32;
	s6 =	sor.u32 s4, s26;
	s4 =	simm.s32 $0x4D00;
	s25 =	simm.s32 $0x1C600  }
0x10: {  	v0 =	vmul.u32 $0xF07, v0;
	s26 =	simm.s32 $0x6;
	s5 =	simm.s32 $0x0;
	[dreg:$0x5] =	wrdreg s0  }
0x11: {  	s29 =	smax.u32 s3, $0x1;
	s8 =	sor.u32 $0x3000, s6;
	s9 =	sor.u32 $0x2000, s6  }
0x12: {  	v1 =	vadd.s32 $0xF070, v0;
	s10 =	sor.u32 $0x1000, s6;
	s0 =	simm.s32 $0x2;
	[dreg:$0x6] =	wrdreg s29  }
.LBB2_10:
0x13: {  	_ =	swait.ge [sflag:s22], $0xD00  }
0x14: {  	[sflag:s22] =	ssyncset.done $0x0  }
0x15: {  	[sflag:s22] =	ssyncadd.s32 $0xFFFFF300  }
0x16: {  	_ =	swait.ge [sflag:s22], $0xD00  }
0x17: {  	[sflag:s22] =	ssyncset.done $0x0  }
0x18: {  	[sflag:s22] =	ssyncadd.s32 $0xFFFFF300  }
0x19: {  	_ =	swait.ge [sflag:s22], $0xD00  }
0x1a: {  	[sflag:s22] =	ssyncset.done $0x0  }
0x1b: {  	[sflag:s22] =	ssyncadd.s32 $0xFFFFF300  }
0x1c: {  	_ =	swait.ge [sflag:s22], $0xD00  }
0x1d: {  	[sflag:s22] =	ssyncset.done $0x0  }
0x1e: {  	[sflag:s22] =	ssyncadd.s32 $0xFFFFF300  }
0x1f: {  	_ =	swait.ge [sflag:s22], $0xD00  }
0x20: {  	[sflag:s22] =	ssyncset.done $0x0  }
0x21: {  	[sflag:s22] =	ssyncadd.s32 $0xFFFFF300  }
0x22: {  	_ =	swait.ge [sflag:s22], $0xD00  }
0x23: {  	[sflag:s22] =	ssyncset.done $0x0  }
0x24: {  	[sflag:s22] =	ssyncadd.s32 $0xFFFFF300  }
0x25: {  	_ =	swait.ge [sflag:s22], $0xD00  }
0x26: {  	[sflag:s22] =	ssyncset.done $0x0  }
0x27: {  	[sflag:s22] =	ssyncadd.s32 $0xFFFFF300  }
0x28: {  	_ =	swait.ge [sflag:s22], $0xD00  }
0x29: {  	[sflag:s22] =	ssyncset.done $0x0  }
0x2a: {  	[sflag:s22] =	ssyncadd.s32 $0xFFFFF300  }
0x2b: {  	_ =	swait.ge [sflag:s26], $0xD00  }
0x2c: {  	[sflag:s26] =	ssyncset.done $0x0  }
0x2d: {  	[sflag:s26] =	ssyncadd.s32 $0xFFFFF300  }
0x2e: {  	_ =	swait.ge [sflag:s26], $0xD00  }
0x2f: {  	[sflag:s26] =	ssyncset.done $0x0  }
0x30: {  	[sflag:s26] =	ssyncadd.s32 $0xFFFFF300  }
0x31: {  	_ =	swait.ge [sflag:s26], $0xD00  }
0x32: {  	[sflag:s26] =	ssyncset.done $0x0  }
0x33: {  	[sflag:s26] =	ssyncadd.s32 $0xFFFFF300  }
0x34: {  	_ =	swait.ge [sflag:s26], $0xD00  }
0x35: {  	[sflag:s26] =	ssyncset.done $0x0  }
0x36: {  	[sflag:s26] =	ssyncadd.s32 $0xFFFFF300  }
0x37: {  	_ =	swait.ge [sflag:s26], $0xD00  }
0x38: {  	[sflag:s26] =	ssyncset.done $0x0  }
0x39: {  	[sflag:s26] =	ssyncadd.s32 $0xFFFFF300  }
0x3a: {  	_ =	swait.ge [sflag:s26], $0xD00  }
0x3b: {  	[sflag:s26] =	ssyncset.done $0x0  }
0x3c: {  	[sflag:s26] =	ssyncadd.s32 $0xFFFFF300  }
0x3d: {  	_ =	swait.ge [sflag:s26], $0xD00  }
0x3e: {  	[sflag:s26] =	ssyncset.done $0x0  }
0x3f: {  	[sflag:s26] =	ssyncadd.s32 $0xFFFFF300  }
0x40: {  	_ =	swait.ge [sflag:s26], $0xD00  }
0x41: {  	[sflag:s26] =	ssyncset.done $0x0  }
0x42: {  	[sflag:s26] =	ssyncadd.s32 $0xFFFFF300  }
0x43: {  	_ =	swait.ge [sflag:s31], $0xD00  }
0x44: {  	[sflag:s31] =	ssyncset.done $0x0  }
0x45: {  	[sflag:s31] =	ssyncadd.s32 $0xFFFFF300  }
0x46: {  	_ =	swait.ge [sflag:s31], $0xD00  }
0x47: {  	[sflag:s31] =	ssyncset.done $0x0  }
0x48: {  	[sflag:s31] =	ssyncadd.s32 $0xFFFFF300  }
0x49: {  	_ =	swait.ge [sflag:s31], $0xD00  }
0x4a: {  	[sflag:s31] =	ssyncset.done $0x0  }
0x4b: {  	[sflag:s31] =	ssyncadd.s32 $0xFFFFF300  }
0x4c: {  	_ =	swait.ge [sflag:s31], $0xD00  }
0x4d: {  	[sflag:s31] =	ssyncset.done $0x0  }
0x4e: {  	[sflag:s31] =	ssyncadd.s32 $0xFFFFF300  }
0x4f: {  	_ =	swait.ge [sflag:s31], $0xD00  }
0x50: {  	[sflag:s31] =	ssyncset.done $0x0  }
0x51: {  	[sflag:s31] =	ssyncadd.s32 $0xFFFFF300  }
0x52: {  	_ =	swait.ge [sflag:s31], $0xD00  }
0x53: {  	[sflag:s31] =	ssyncset.done $0x0  }
0x54: {  	[sflag:s31] =	ssyncadd.s32 $0xFFFFF300  }
0x55: {  	_ =	swait.ge [sflag:s31], $0xD00  }
0x56: {  	[sflag:s31] =	ssyncset.done $0x0  }
0x57: {  	[sflag:s31] =	ssyncadd.s32 $0xFFFFF300  }
0x58: {  	_ =	swait.ge [sflag:s31], $0xD00  }
0x59: {  	[sflag:s31] =	ssyncset.done $0x0  }
0x5a: {  	[sflag:s31] =	ssyncadd.s32 $0xFFFFF300  }
0x5b: {  	_ =	swait.ge [sflag:s16], $0xD00  }
0x5c: {  	[sflag:s16] =	ssyncset.done $0x0  }
0x5d: {  	[sflag:s16] =	ssyncadd.s32 $0xFFFFF300  }
0x5e: {  	_ =	swait.ge [sflag:s16], $0xD00  }
0x5f: {  	[sflag:s16] =	ssyncset.done $0x0  }
0x60: {  	[sflag:s16] =	ssyncadd.s32 $0xFFFFF300  }
0x61: {  	_ =	swait.ge [sflag:s16], $0xD00  }
0x62: {  	[sflag:s16] =	ssyncset.done $0x0  }
0x63: {  	[sflag:s16] =	ssyncadd.s32 $0xFFFFF300  }
0x64: {  	_ =	swait.ge [sflag:s16], $0xD00  }
0x65: {  	[sflag:s16] =	ssyncset.done $0x0  }
0x66: {  	[sflag:s16] =	ssyncadd.s32 $0xFFFFF300  }
0x67: {  	_ =	swait.ge [sflag:s16], $0xD00  }
0x68: {  	[sflag:s16] =	ssyncset.done $0x0  }
0x69: {  	[sflag:s16] =	ssyncadd.s32 $0xFFFFF300  }
0x6a: {  	_ =	swait.ge [sflag:s16], $0xD00  }
0x6b: {  	[sflag:s16] =	ssyncset.done $0x0  }
0x6c: {  	[sflag:s16] =	ssyncadd.s32 $0xFFFFF300  }
0x6d: {  	_ =	swait.ge [sflag:s16], $0xD00  }
0x6e: {  	[sflag:s16] =	ssyncset.done $0x0  }
0x6f: {  	[sflag:s16] =	ssyncadd.s32 $0xFFFFF300  }
0x70: {  	_ =	swait.ge [sflag:s16], $0xD00  }
0x71: {  	s5 =	rddreg [dreg:$0x7]  }
0x72: {  	s3 =	rddreg [dreg:$0x6];
	s5 =	sadd.s32 $0x1, s5  }
0x73: {  	p0 =	sne.s32 s5, s3  }
.Ltmp1:
0x74: {  	_ = 	snop;
	(pc) =	sbr.rel @!p0 .LBB2_11-.Ltmp1, $3  }
0x75: {  	_ =	sdelay $0x1  }
0x76: {  	[sflag:s16] =	ssyncset.done $0x0  }
0x77: {  	[sflag:s16] =	ssyncadd.s32 $0xFFFFF300  }
.LBB2_1:
0x78: {  	[dreg:$0x7] =	wrdreg s5  }
0x79: {  	s3 =	rddreg [dreg:$0x5];
	s29 =	simm.s32 $0x9  }
0x7a: {  	[tilespmem:s2], [sflag:$0x9] =	stream.linear.gather [hbm4b:s3+s2], $0x4000, $0x38;
	[tilespmem:$0x1E000] =	vst v63  }
0x7b: {  	_ =	swait.ge [sflag:s29], $0x4000  }
0x7c: {  	[sflag:s29] =	ssyncset.done $0x0  }
0x7d: {  	[sflag:s29] =	ssyncadd.s32 $0xFFFFC000  }
0x7e: {  	v2 =	vld [tilespmem:$0x0]  }
0x7f: {  	v3 =	vld [tilespmem:$0x10];
	_ =	sdelay $0x3  }
0x80: {  	v2 =	vadd.s32 v0, v2  }
0x81: {  	[tilespmem:$0x0] =	vst v2;
	v2 =	vadd.s32 v1, v3  }
0x82: {  	s5 =	simm.s32 $0x4000;
	[tilespmem:$0x10] =	vst v2  }
0x83: {  	[tilespmem:s5], [sflag:$0x1] =	stream.indirect.gather [hbm4b:s1+s12], $0x80, s2, s12, $0xb8;
	[tilespmem:$0x1E000] =	vst v63  }
0x84: {  	v2 =	vld [tilespmem:$0x20]  }
0x85: {  	v3 =	vld [tilespmem:$0x30];
	_ =	sdelay $0x3  }
0x86: {  	v2 =	vadd.s32 v0, v2  }
0x87: {  	[tilespmem:$0x20] =	vst v2;
	v2 =	vadd.s32 v1, v3  }
0x88: {  	s20 =	simm.s32 $0x20;
	[tilespmem:$0x30] =	vst v2  }
0x89: {  	[tilespmem:s4], [sflag:$0x1] =	stream.indirect.gather [hbm4b:s1+s12], $0x80, s20, s12, $0xb8;
	[tilespmem:$0x1E000] =	vst v63  }
0x8a: {  	v2 =	vld [tilespmem:$0x40]  }
0x8b: {  	v3 =	vld [tilespmem:$0x50];
	_ =	sdelay $0x3  }
0x8c: {  	v2 =	vadd.s32 v0, v2  }
0x8d: {  	[tilespmem:$0x40] =	vst v2;
	v2 =	vadd.s32 v1, v3  }
0x8e: {  	s24 =	simm.s32 $0x40;
	s29 =	simm.s32 $0x5A00;
	[tilespmem:$0x50] =	vst v2  }
0x8f: {  	[tilespmem:s29], [sflag:$0x1] =	stream.indirect.gather [hbm4b:s1+s12], $0x80, s24, s12, $0xb8;
	[tilespmem:$0x1E000] =	vst v63  }
0x90: {  	v2 =	vld [tilespmem:$0x60]  }
0x91: {  	v3 =	vld [tilespmem:$0x70];
	_ =	sdelay $0x3  }
0x92: {  	v2 =	vadd.s32 v0, v2  }
0x93: {  	[tilespmem:$0x60] =	vst v2;
	v2 =	vadd.s32 v1, v3  }
0x94: {  	s5 =	simm.s32 $0x60;
	s20 =	simm.s32 $0x6700;
	[tilespmem:$0x70] =	vst v2  }
0x95: {  	[tilespmem:s20], [sflag:$0x1] =	stream.indirect.gather [hbm4b:s1+s12], $0x80, s5, s12, $0xb8;
	[tilespmem:$0x1E000] =	vst v63  }
0x96: {  	v2 =	vld [tilespmem:$0x80]  }
0x97: {  	v3 =	vld [tilespmem:$0x90];
	_ =	sdelay $0x3  }
0x98: {  	v2 =	vadd.s32 v0, v2  }
0x99: {  	[tilespmem:$0x80] =	vst v2;
	v2 =	vadd.s32 v1, v3  }
0x9a: {  	s24 =	simm.s32 $0x80;
	s29 =	simm.s32 $0x7400;
	[tilespmem:$0x90] =	vst v2  }
0x9b: {  	[tilespmem:s29], [sflag:$0x1] =	stream.indirect.gather [hbm4b:s1+s12], $0x80, s24, s12, $0xb8;
	[tilespmem:$0x1E000] =	vst v63  }
0x9c: {  	v2 =	vld [tilespmem:$0xA0]  }
0x9d: {  	v3 =	vld [tilespmem:$0xB0];
	_ =	sdelay $0x3  }
0x9e: {  	v2 =	vadd.s32 v0, v2  }
0x9f: {  	[tilespmem:$0xA0] =	vst v2;
	v2 =	vadd.s32 v1, v3  }
0xa0: {  	s5 =	simm.s32 $0xA0;
	s20 =	simm.s32 $0x8100;
	[tilespmem:$0xB0] =	vst v2  }
0xa1: {  	[tilespmem:s20], [sflag:$0x1] =	stream.indirect.gather [hbm4b:s1+s12], $0x80, s5, s12, $0xb8;
	[tilespmem:$0x1E000] =	vst v63  }
0xa2: {  	v2 =	vld [tilespmem:$0xC0]  }
0xa3: {  	v3 =	vld [tilespmem:$0xD0];
	_ =	sdelay $0x3  }
0xa4: {  	v2 =	vadd.s32 v0, v2  }
0xa5: {  	[tilespmem:$0xC0] =	vst v2;
	v2 =	vadd.s32 v1, v3  }
0xa6: {  	s24 =	simm.s32 $0xC0;
	s29 =	simm.s32 $0x8E00;
	[tilespmem:$0xD0] =	vst v2  }
0xa7: {  	[tilespmem:s29], [sflag:$0x1] =	stream.indirect.gather [hbm4b:s1+s12], $0x80, s24, s12, $0xb8;
	[tilespmem:$0x1E000] =	vst v63  }
0xa8: {  	v2 =	vld [tilespmem:$0xE0]  }
0xa9: {  	v3 =	vld [tilespmem:$0xF0];
	_ =	sdelay $0x3  }
0xaa: {  	v2 =	vadd.s32 v0, v2  }
0xab: {  	[tilespmem:$0xE0] =	vst v2;
	v2 =	vadd.s32 v1, v3  }
0xac: {  	s5 =	simm.s32 $0xE0;
	s20 =	simm.s32 $0x9B00;
	[tilespmem:$0xF0] =	vst v2  }
0xad: {  	[tilespmem:s20], [sflag:$0x1] =	stream.indirect.gather [hbm4b:s1+s12], $0x80, s5, s12, $0xb8;
	[tilespmem:$0x1E000] =	vst v63  }
0xae: {  	v2 =	vld [tilespmem:$0x100]  }
0xaf: {  	v3 =	vld [tilespmem:$0x110];
	_ =	sdelay $0x3  }
0xb0: {  	v2 =	vadd.s32 v0, v2  }
0xb1: {  	[tilespmem:$0x100] =	vst v2;
	v2 =	vadd.s32 v1, v3  }
0xb2: {  	s24 =	simm.s32 $0x100;
	s29 =	simm.s32 $0xA800;
	[tilespmem:$0x110] =	vst v2  }
0xb3: {  	[tilespmem:s29], [sflag:$0x2] =	stream.indirect.gather [hbm4b:s1+s12], $0x80, s24, s12, $0xb8;
	[tilespmem:$0x1E000] =	vst v63  }
0xb4: {  	v2 =	vld [tilespmem:$0x120]  }
0xb5: {  	v3 =	vld [tilespmem:$0x130];
	_ =	sdelay $0x3  }
0xb6: {  	v2 =	vadd.s32 v0, v2  }
0xb7: {  	[tilespmem:$0x120] =	vst v2;
	v2 =	vadd.s32 v1, v3  }
0xb8: {  	s5 =	simm.s32 $0x120;
	s20 =	simm.s32 $0xB500;
	[tilespmem:$0x130] =	vst v2  }
0xb9: {  	[tilespmem:s20], [sflag:$0x2] =	stream.indirect.gather [hbm4b:s1+s12], $0x80, s5, s12, $0xb8;
	[tilespmem:$0x1E000] =	vst v63  }
0xba: {  	v2 =	vld [tilespmem:$0x140]  }
0xbb: {  	v3 =	vld [tilespmem:$0x150];
	_ =	sdelay $0x3  }
0xbc: {  	v2 =	vadd.s32 v0, v2  }
0xbd: {  	[tilespmem:$0x140] =	vst v2;
	v2 =	vadd.s32 v1, v3  }
0xbe: {  	s24 =	simm.s32 $0x140;
	s29 =	simm.s32 $0xC200;
	[tilespmem:$0x150] =	vst v2  }
0xbf: {  	[tilespmem:s29], [sflag:$0x2] =	stream.indirect.gather [hbm4b:s1+s12], $0x80, s24, s12, $0xb8;
	[tilespmem:$0x1E000] =	vst v63  }
0xc0: {  	v2 =	vld [tilespmem:$0x160]  }
0xc1: {  	v3 =	vld [tilespmem:$0x170];
	_ =	sdelay $0x3  }
0xc2: {  	v2 =	vadd.s32 v0, v2  }
0xc3: {  	[tilespmem:$0x160] =	vst v2;
	v2 =	vadd.s32 v1, v3  }
0xc4: {  	s5 =	simm.s32 $0x160;
	s20 =	simm.s32 $0xCF00;
	[tilespmem:$0x170] =	vst v2  }
0xc5: {  	[tilespmem:s20], [sflag:$0x2] =	stream.indirect.gather [hbm4b:s1+s12], $0x80, s5, s12, $0xb8;
	[tilespmem:$0x1E000] =	vst v63  }
0xc6: {  	v2 =	vld [tilespmem:$0x180]  }
0xc7: {  	v3 =	vld [tilespmem:$0x190];
	_ =	sdelay $0x3  }
0xc8: {  	v2 =	vadd.s32 v0, v2  }
0xc9: {  	[tilespmem:$0x180] =	vst v2;
	v2 =	vadd.s32 v1, v3  }
0xca: {  	s24 =	simm.s32 $0x180;
	s29 =	simm.s32 $0xDC00;
	[tilespmem:$0x190] =	vst v2  }
0xcb: {  	[tilespmem:s29], [sflag:$0x2] =	stream.indirect.gather [hbm4b:s1+s12], $0x80, s24, s12, $0xb8;
	[tilespmem:$0x1E000] =	vst v63  }
0xcc: {  	v2 =	vld [tilespmem:$0x1A0]  }
0xcd: {  	v3 =	vld [tilespmem:$0x1B0];
	_ =	sdelay $0x3  }
0xce: {  	v2 =	vadd.s32 v0, v2  }
0xcf: {  	[tilespmem:$0x1A0] =	vst v2;
	v2 =	vadd.s32 v1, v3  }
0xd0: {  	s5 =	simm.s32 $0x1A0;
	s20 =	simm.s32 $0xE900;
	[tilespmem:$0x1B0] =	vst v2  }
0xd1: {  	[tilespmem:s20], [sflag:$0x2] =	stream.indirect.gather [hbm4b:s1+s12], $0x80, s5, s12, $0xb8;
	[tilespmem:$0x1E000] =	vst v63  }
0xd2: {  	v2 =	vld [tilespmem:$0x1C0]  }
0xd3: {  	v3 =	vld [tilespmem:$0x1D0];
	_ =	sdelay $0x3  }
0xd4: {  	v2 =	vadd.s32 v0, v2  }
0xd5: {  	[tilespmem:$0x1C0] =	vst v2;
	v2 =	vadd.s32 v1, v3  }
0xd6: {  	s24 =	simm.s32 $0x1C0;
	s29 =	simm.s32 $0xF600;
	[tilespmem:$0x1D0] =	vst v2  }
0xd7: {  	[tilespmem:s29], [sflag:$0x2] =	stream.indirect.gather [hbm4b:s1+s12], $0x80, s24, s12, $0xb8;
	[tilespmem:$0x1E000] =	vst v63  }
0xd8: {  	v2 =	vld [tilespmem:$0x1E0]  }
0xd9: {  	v3 =	vld [tilespmem:$0x1F0];
	_ =	sdelay $0x3  }
0xda: {  	v2 =	vadd.s32 v0, v2  }
0xdb: {  	[tilespmem:$0x1E0] =	vst v2;
	v2 =	vadd.s32 v1, v3  }
0xdc: {  	s5 =	simm.s32 $0x1E0;
	s20 =	simm.s32 $0x10300;
	[tilespmem:$0x1F0] =	vst v2  }
0xdd: {  	[tilespmem:s20], [sflag:$0x2] =	stream.indirect.gather [hbm4b:s1+s12], $0x80, s5, s12, $0xb8;
	[tilespmem:$0x1E000] =	vst v63  }
0xde: {  	v2 =	vld [tilespmem:$0x200]  }
0xdf: {  	v3 =	vld [tilespmem:$0x210];
	_ =	sdelay $0x3  }
0xe0: {  	v2 =	vadd.s32 v0, v2  }
0xe1: {  	[tilespmem:$0x200] =	vst v2;
	v2 =	vadd.s32 v1, v3  }
0xe2: {  	s24 =	simm.s32 $0x200;
	s29 =	simm.s32 $0x11000;
	[tilespmem:$0x210] =	vst v2  }
0xe3: {  	[tilespmem:s29], [sflag:$0x3] =	stream.indirect.gather [hbm4b:s1+s12], $0x80, s24, s12, $0xb8;
	[tilespmem:$0x1E000] =	vst v63  }
0xe4: {  	v2 =	vld [tilespmem:$0x220]  }
0xe5: {  	v3 =	vld [tilespmem:$0x230];
	_ =	sdelay $0x3  }
0xe6: {  	v2 =	vadd.s32 v0, v2  }
0xe7: {  	[tilespmem:$0x220] =	vst v2;
	v2 =	vadd.s32 v1, v3  }
0xe8: {  	s5 =	simm.s32 $0x220;
	s20 =	simm.s32 $0x11D00;
	[tilespmem:$0x230] =	vst v2  }
0xe9: {  	[tilespmem:s20], [sflag:$0x3] =	stream.indirect.gather [hbm4b:s1+s12], $0x80, s5, s12, $0xb8;
	[tilespmem:$0x1E000] =	vst v63  }
0xea: {  	v2 =	vld [tilespmem:$0x240]  }
0xeb: {  	v3 =	vld [tilespmem:$0x250];
	_ =	sdelay $0x3  }
0xec: {  	v2 =	vadd.s32 v0, v2  }
0xed: {  	[tilespmem:$0x240] =	vst v2;
	v2 =	vadd.s32 v1, v3  }
0xee: {  	s24 =	simm.s32 $0x240;
	s29 =	simm.s32 $0x12A00;
	[tilespmem:$0x250] =	vst v2  }
0xef: {  	[tilespmem:s29], [sflag:$0x3] =	stream.indirect.gather [hbm4b:s1+s12], $0x80, s24, s12, $0xb8;
	[tilespmem:$0x1E000] =	vst v63  }
0xf0: {  	v2 =	vld [tilespmem:$0x260]  }
0xf1: {  	v3 =	vld [tilespmem:$0x270];
	_ =	sdelay $0x3  }
0xf2: {  	v2 =	vadd.s32 v0, v2  }
0xf3: {  	[tilespmem:$0x260] =	vst v2;
	v2 =	vadd.s32 v1, v3  }
0xf4: {  	s5 =	simm.s32 $0x260;
	s20 =	simm.s32 $0x13700;
	[tilespmem:$0x270] =	vst v2  }
0xf5: {  	[tilespmem:s20], [sflag:$0x3] =	stream.indirect.gather [hbm4b:s1+s12], $0x80, s5, s12, $0xb8;
	[tilespmem:$0x1E000] =	vst v63  }
0xf6: {  	v2 =	vld [tilespmem:$0x280]  }
0xf7: {  	v3 =	vld [tilespmem:$0x290];
	_ =	sdelay $0x3  }
0xf8: {  	v2 =	vadd.s32 v0, v2  }
0xf9: {  	[tilespmem:$0x280] =	vst v2;
	v2 =	vadd.s32 v1, v3  }
0xfa: {  	s24 =	simm.s32 $0x280;
	s29 =	simm.s32 $0x14400;
	[tilespmem:$0x290] =	vst v2  }
0xfb: {  	[tilespmem:s29], [sflag:$0x3] =	stream.indirect.gather [hbm4b:s1+s12], $0x80, s24, s12, $0xb8;
	[tilespmem:$0x1E000] =	vst v63  }
0xfc: {  	v2 =	vld [tilespmem:$0x2A0]  }
0xfd: {  	v3 =	vld [tilespmem:$0x2B0];
	_ =	sdelay $0x3  }
0xfe: {  	v2 =	vadd.s32 v0, v2  }
0xff: {  	[tilespmem:$0x2A0] =	vst v2;
	v2 =	vadd.s32 v1, v3  }
0x100: {  	s5 =	simm.s32 $0x2A0;
	s20 =	simm.s32 $0x15100;
	[tilespmem:$0x2B0] =	vst v2  }
0x101: {  	[tilespmem:s20], [sflag:$0x3] =	stream.indirect.gather [hbm4b:s1+s12], $0x80, s5, s12, $0xb8;
	[tilespmem:$0x1E000] =	vst v63  }
0x102: {  	v2 =	vld [tilespmem:$0x2C0]  }
0x103: {  	v3 =	vld [tilespmem:$0x2D0];
	_ =	sdelay $0x3  }
0x104: {  	v2 =	vadd.s32 v0, v2  }
0x105: {  	[tilespmem:$0x2C0] =	vst v2;
	v2 =	vadd.s32 v1, v3  }
0x106: {  	s24 =	simm.s32 $0x2C0;
	[tilespmem:$0x2D0] =	vst v2  }
0x107: {  	[tilespmem:s7], [sflag:$0x3] =	stream.indirect.gather [hbm4b:s1+s12], $0x80, s24, s12, $0xb8;
	[tilespmem:$0x1E000] =	vst v63  }
0x108: {  	v2 =	vld [tilespmem:$0x2E0]  }
0x109: {  	v3 =	vld [tilespmem:$0x2F0];
	_ =	sdelay $0x3  }
0x10a: {  	v2 =	vadd.s32 v0, v2  }
0x10b: {  	[tilespmem:$0x2E0] =	vst v2;
	v2 =	vadd.s32 v1, v3  }
0x10c: {  	s29 =	simm.s32 $0x2E0;
	[tilespmem:$0x2F0] =	vst v2  }
0x10d: {  	[tilespmem:s11], [sflag:$0x3] =	stream.indirect.gather [hbm4b:s1+s12], $0x80, s29, s12, $0xb8;
	[tilespmem:$0x1E000] =	vst v63  }
0x10e: {  	v2 =	vld [tilespmem:$0x300]  }
0x10f: {  	v3 =	vld [tilespmem:$0x310];
	_ =	sdelay $0x3  }
0x110: {  	v2 =	vadd.s32 v0, v2  }
0x111: {  	[tilespmem:$0x300] =	vst v2;
	v2 =	vadd.s32 v1, v3  }
0x112: {  	s5 =	simm.s32 $0x300;
	[tilespmem:$0x310] =	vst v2  }
0x113: {  	[tilespmem:s13], [sflag:$0x4] =	stream.indirect.gather [hbm4b:s1+s12], $0x80, s5, s12, $0xb8;
	[tilespmem:$0x1E000] =	vst v63  }
0x114: {  	v2 =	vld [tilespmem:$0x320]  }
0x115: {  	v3 =	vld [tilespmem:$0x330];
	_ =	sdelay $0x3  }
0x116: {  	v2 =	vadd.s32 v0, v2  }
0x117: {  	[tilespmem:$0x320] =	vst v2;
	v2 =	vadd.s32 v1, v3  }
0x118: {  	s20 =	simm.s32 $0x320;
	[tilespmem:$0x330] =	vst v2  }
0x119: {  	[tilespmem:s15], [sflag:$0x4] =	stream.indirect.gather [hbm4b:s1+s12], $0x80, s20, s12, $0xb8;
	[tilespmem:$0x1E000] =	vst v63  }
0x11a: {  	v2 =	vld [tilespmem:$0x340]  }
0x11b: {  	v3 =	vld [tilespmem:$0x350];
	_ =	sdelay $0x3  }
0x11c: {  	v2 =	vadd.s32 v0, v2  }
0x11d: {  	[tilespmem:$0x340] =	vst v2;
	v2 =	vadd.s32 v1, v3  }
0x11e: {  	s24 =	simm.s32 $0x340;
	[tilespmem:$0x350] =	vst v2  }
0x11f: {  	[tilespmem:s17], [sflag:$0x4] =	stream.indirect.gather [hbm4b:s1+s12], $0x80, s24, s12, $0xb8;
	[tilespmem:$0x1E000] =	vst v63  }
0x120: {  	v2 =	vld [tilespmem:$0x360]  }
0x121: {  	v3 =	vld [tilespmem:$0x370];
	_ =	sdelay $0x3  }
0x122: {  	v2 =	vadd.s32 v0, v2  }
0x123: {  	[tilespmem:$0x360] =	vst v2;
	v2 =	vadd.s32 v1, v3  }
0x124: {  	s29 =	simm.s32 $0x360;
	[tilespmem:$0x370] =	vst v2  }
0x125: {  	[tilespmem:s19], [sflag:$0x4] =	stream.indirect.gather [hbm4b:s1+s12], $0x80, s29, s12, $0xb8;
	[tilespmem:$0x1E000] =	vst v63  }
0x126: {  	v2 =	vld [tilespmem:$0x380]  }
0x127: {  	v3 =	vld [tilespmem:$0x390];
	_ =	sdelay $0x3  }
0x128: {  	v2 =	vadd.s32 v0, v2  }
0x129: {  	[tilespmem:$0x380] =	vst v2;
	v2 =	vadd.s32 v1, v3  }
0x12a: {  	s5 =	simm.s32 $0x380;
	[tilespmem:$0x390] =	vst v2  }
0x12b: {  	[tilespmem:s21], [sflag:$0x4] =	stream.indirect.gather [hbm4b:s1+s12], $0x80, s5, s12, $0xb8;
	[tilespmem:$0x1E000] =	vst v63  }
0x12c: {  	v2 =	vld [tilespmem:$0x3A0]  }
0x12d: {  	v3 =	vld [tilespmem:$0x3B0];
	_ =	sdelay $0x3  }
0x12e: {  	v2 =	vadd.s32 v0, v2  }
0x12f: {  	[tilespmem:$0x3A0] =	vst v2;
	v2 =	vadd.s32 v1, v3  }
0x130: {  	s20 =	simm.s32 $0x3A0;
	[tilespmem:$0x3B0] =	vst v2  }
0x131: {  	[tilespmem:s23], [sflag:$0x4] =	stream.indirect.gather [hbm4b:s1+s12], $0x80, s20, s12, $0xb8;
	[tilespmem:$0x1E000] =	vst v63  }
0x132: {  	v2 =	vld [tilespmem:$0x3C0]  }
0x133: {  	v3 =	vld [tilespmem:$0x3D0];
	_ =	sdelay $0x3  }
0x134: {  	v2 =	vadd.s32 v0, v2  }
0x135: {  	[tilespmem:$0x3C0] =	vst v2;
	v2 =	vadd.s32 v1, v3  }
0x136: {  	s24 =	simm.s32 $0x3C0;
	[tilespmem:$0x3D0] =	vst v2  }
0x137: {  	[tilespmem:s25], [sflag:$0x4] =	stream.indirect.gather [hbm4b:s1+s12], $0x80, s24, s12, $0xb8;
	[tilespmem:$0x1E000] =	vst v63  }
0x138: {  	v2 =	vld [tilespmem:$0x3E0]  }
0x139: {  	v3 =	vld [tilespmem:$0x3F0];
	_ =	sdelay $0x3  }
0x13a: {  	v2 =	vadd.s32 v0, v2  }
0x13b: {  	[tilespmem:$0x3E0] =	vst v2;
	v2 =	vadd.s32 v1, v3  }
0x13c: {  	s3 =	rddreg [dreg:$0x4];
	s29 =	simm.s32 $0x3E0;
	s24 =	simm.s32 $0x0;
	[tilespmem:$0x3F0] =	vst v2  }
0x13d: {  	[tilespmem:s28], [sflag:$0x4] =	stream.indirect.gather [hbm4b:s1+s12], $0x80, s29, s12, $0xb8;
	[tilespmem:$0x1E000] =	vst v63  }
.LBB2_2:
0x13e: {  	_ =	swait.ge [sflag:s30], $0xD00  }
0x13f: {  	[sflag:s30] =	ssyncset.done $0x0  }
0x140: {  	[sflag:s30] =	ssyncadd.s32 $0xFFFFF300  }
0x141: {  	_ =	swait.ge [sflag:s30], $0xD00  }
0x142: {  	[sflag:s30] =	ssyncset.done $0x0  }
0x143: {  	[sflag:s30] =	ssyncadd.s32 $0xFFFFF300  }
0x144: {  	_ =	swait.ge [sflag:s30], $0xD00  }
0x145: {  	[sflag:s30] =	ssyncset.done $0x0  }
0x146: {  	[sflag:s30] =	ssyncadd.s32 $0xFFFFF300  }
0x147: {  	_ =	swait.ge [sflag:s30], $0xD00  }
0x148: {  	[sflag:s30] =	ssyncset.done $0x0  }
0x149: {  	[sflag:s30] =	ssyncadd.s32 $0xFFFFF300  }
0x14a: {  	_ =	swait.ge [sflag:s30], $0xD00  }
0x14b: {  	[sflag:s30] =	ssyncset.done $0x0  }
0x14c: {  	[sflag:s30] =	ssyncadd.s32 $0xFFFFF300  }
0x14d: {  	_ =	swait.ge [sflag:s30], $0xD00  }
0x14e: {  	[sflag:s30] =	ssyncset.done $0x0  }
0x14f: {  	[sflag:s30] =	ssyncadd.s32 $0xFFFFF300  }
0x150: {  	_ =	swait.ge [sflag:s30], $0xD00  }
0x151: {  	[sflag:s30] =	ssyncset.done $0x0  }
0x152: {  	[sflag:s30] =	ssyncadd.s32 $0xFFFFF300  }
0x153: {  	_ =	swait.ge [sflag:s30], $0xD00  }
0x154: {  	[sflag:s30] =	ssyncset.done $0x0  }
0x155: {  	s29 =	sadd.s32 s3, s6;
	s20 =	simm.s32 $0x4000;
	[sflag:s30] =	ssyncadd.s32 $0xFFFFF300  }
0x156: {  	[hbm4b:s29+s2] =	stream.linear.scatter [tilespmem:s20], [sflag:$0x5], $0xD00, $0x38;
	[tilespmem:$0x1E000] =	vst v63  }
0x157: {  	s5 =	sadd.s32 $0x200, s29  }
0x158: {  	[hbm4b:s5+s2] =	stream.linear.scatter [tilespmem:s4], [sflag:$0x5], $0xD00, $0x38;
	[tilespmem:$0x1E000] =	vst v63  }
0x159: {  	s20 =	sadd.s32 $0x400, s29;
	s5 =	simm.s32 $0x5A00  }
0x15a: {  	[hbm4b:s20+s2] =	stream.linear.scatter [tilespmem:s5], [sflag:$0x5], $0xD00, $0x38;
	[tilespmem:$0x1E000] =	vst v63  }
0x15b: {  	s20 =	sadd.s32 $0x600, s29;
	s5 =	simm.s32 $0x6700  }
0x15c: {  	[hbm4b:s20+s2] =	stream.linear.scatter [tilespmem:s5], [sflag:$0x5], $0xD00, $0x38;
	[tilespmem:$0x1E000] =	vst v63  }
0x15d: {  	s20 =	sadd.s32 $0x800, s29;
	s5 =	simm.s32 $0x7400  }
0x15e: {  	[hbm4b:s20+s2] =	stream.linear.scatter [tilespmem:s5], [sflag:$0x5], $0xD00, $0x38;
	[tilespmem:$0x1E000] =	vst v63  }
0x15f: {  	p0 =	seq.s32 s24, $0xF000;
	s20 =	sadd.s32 $0xA00, s29;
	s5 =	simm.s32 $0x8100  }
0x160: {  	[hbm4b:s20+s2] =	stream.linear.scatter [tilespmem:s5], [sflag:$0x5], $0xD00, $0x38;
	[tilespmem:$0x1E000] =	vst v63  }
.Ltmp2:
0x161: {  	_ = 	snop;
	(pc) =	sbr.rel @p0 .LBB2_4-.Ltmp2, $4  }
0x162: {  	s20 =	sadd.s32 $0xC00, s29;
	s5 =	simm.s32 $0x8E00  }
0x163: {  	[hbm4b:s20+s2] =	stream.linear.scatter [tilespmem:s5], [sflag:$0x5], $0xD00, $0x38;
	[tilespmem:$0x1E000] =	vst v63  }
0x164: {  	s5 =	sadd.s32 $0xE00, s29;
	s29 =	simm.s32 $0x9B00  }
0x165: {  	[hbm4b:s5+s2] =	stream.linear.scatter [tilespmem:s29], [sflag:$0x5], $0xD00, $0x38;
	[tilespmem:$0x1E000] =	vst v63  }
0x166: {  	_ =	swait.ge [sflag:s22], $0xD00  }
0x167: {  	[sflag:s22] =	ssyncset.done $0x0  }
0x168: {  	[sflag:s22] =	ssyncadd.s32 $0xFFFFF300  }
0x169: {  	_ =	swait.ge [sflag:s22], $0xD00  }
0x16a: {  	[sflag:s22] =	ssyncset.done $0x0  }
0x16b: {  	[sflag:s22] =	ssyncadd.s32 $0xFFFFF300  }
0x16c: {  	_ =	swait.ge [sflag:s22], $0xD00  }
0x16d: {  	[sflag:s22] =	ssyncset.done $0x0  }
0x16e: {  	[sflag:s22] =	ssyncadd.s32 $0xFFFFF300  }
0x16f: {  	_ =	swait.ge [sflag:s22], $0xD00  }
0x170: {  	[sflag:s22] =	ssyncset.done $0x0  }
0x171: {  	[sflag:s22] =	ssyncadd.s32 $0xFFFFF300  }
0x172: {  	_ =	swait.ge [sflag:s22], $0xD00  }
0x173: {  	[sflag:s22] =	ssyncset.done $0x0  }
0x174: {  	[sflag:s22] =	ssyncadd.s32 $0xFFFFF300  }
0x175: {  	_ =	swait.ge [sflag:s22], $0xD00  }
0x176: {  	[sflag:s22] =	ssyncset.done $0x0  }
0x177: {  	[sflag:s22] =	ssyncadd.s32 $0xFFFFF300  }
0x178: {  	_ =	swait.ge [sflag:s22], $0xD00  }
0x179: {  	[sflag:s22] =	ssyncset.done $0x0  }
0x17a: {  	[sflag:s22] =	ssyncadd.s32 $0xFFFFF300  }
0x17b: {  	_ =	swait.ge [sflag:s22], $0xD00  }
0x17c: {  	[sflag:s22] =	ssyncset.done $0x0  }
0x17d: {  	s29 =	sshra.s32 s24, $0x2;
	[sflag:s22] =	ssyncadd.s32 $0xFFFFF300  }
0x17e: {  	v2 =	vld [tilespmem:s29+$0x400]  }
0x17f: {  	v3 =	vld [tilespmem:s29+$0x410];
	_ =	sdelay $0x3  }
0x180: {  	v2 =	vadd.s32 v0, v2  }
0x181: {  	[tilespmem:s29+$0x400] =	vst v2;
	v2 =	vadd.s32 v1, v3  }
0x182: {  	s4 =	simm.s32 $0x4000;
	s20 =	sadd.s32 $0x400, s29;
	[tilespmem:s29+$0x410] =	vst v2  }
0x183: {  	[tilespmem:s4], [sflag:$0x1] =	stream.indirect.gather [hbm4b:s1+s12], $0x80, s20, s12, $0xb8;
	[tilespmem:$0x1E000] =	vst v63  }
0x184: {  	v2 =	vld [tilespmem:s29+$0x420]  }
0x185: {  	v3 =	vld [tilespmem:s29+$0x430];
	_ =	sdelay $0x3  }
0x186: {  	v2 =	vadd.s32 v0, v2  }
0x187: {  	[tilespmem:s29+$0x420] =	vst v2;
	v2 =	vadd.s32 v1, v3  }
0x188: {  	s5 =	sadd.s32 $0x420, s29;
	s4 =	simm.s32 $0x4D00;
	[tilespmem:s29+$0x430] =	vst v2  }
0x189: {  	[tilespmem:s4], [sflag:$0x1] =	stream.indirect.gather [hbm4b:s1+s12], $0x80, s5, s12, $0xb8;
	[tilespmem:$0x1E000] =	vst v63  }
0x18a: {  	v2 =	vld [tilespmem:s29+$0x440]  }
0x18b: {  	v3 =	vld [tilespmem:s29+$0x450];
	_ =	sdelay $0x3  }
0x18c: {  	v2 =	vadd.s32 v0, v2  }
0x18d: {  	[tilespmem:s29+$0x440] =	vst v2;
	v2 =	vadd.s32 v1, v3  }
0x18e: {  	s20 =	sadd.s32 $0x440, s29;
	s5 =	simm.s32 $0x5A00;
	[tilespmem:s29+$0x450] =	vst v2  }
0x18f: {  	[tilespmem:s5], [sflag:$0x1] =	stream.indirect.gather [hbm4b:s1+s12], $0x80, s20, s12, $0xb8;
	[tilespmem:$0x1E000] =	vst v63  }
0x190: {  	v2 =	vld [tilespmem:s29+$0x460]  }
0x191: {  	v3 =	vld [tilespmem:s29+$0x470];
	_ =	sdelay $0x3  }
0x192: {  	v2 =	vadd.s32 v0, v2  }
0x193: {  	[tilespmem:s29+$0x460] =	vst v2;
	v2 =	vadd.s32 v1, v3  }
0x194: {  	s20 =	sadd.s32 $0x460, s29;
	s5 =	simm.s32 $0x6700;
	[tilespmem:s29+$0x470] =	vst v2  }
0x195: {  	[tilespmem:s5], [sflag:$0x1] =	stream.indirect.gather [hbm4b:s1+s12], $0x80, s20, s12, $0xb8;
	[tilespmem:$0x1E000] =	vst v63  }
0x196: {  	v2 =	vld [tilespmem:s29+$0x480]  }
0x197: {  	v3 =	vld [tilespmem:s29+$0x490];
	_ =	sdelay $0x3  }
0x198: {  	v2 =	vadd.s32 v0, v2  }
0x199: {  	[tilespmem:s29+$0x480] =	vst v2;
	v2 =	vadd.s32 v1, v3  }
0x19a: {  	s20 =	sadd.s32 $0x480, s29;
	s5 =	simm.s32 $0x7400;
	[tilespmem:s29+$0x490] =	vst v2  }
0x19b: {  	[tilespmem:s5], [sflag:$0x1] =	stream.indirect.gather [hbm4b:s1+s12], $0x80, s20, s12, $0xb8;
	[tilespmem:$0x1E000] =	vst v63  }
0x19c: {  	v2 =	vld [tilespmem:s29+$0x4A0]  }
0x19d: {  	v3 =	vld [tilespmem:s29+$0x4B0];
	_ =	sdelay $0x3  }
0x19e: {  	v2 =	vadd.s32 v0, v2  }
0x19f: {  	[tilespmem:s29+$0x4A0] =	vst v2;
	v2 =	vadd.s32 v1, v3  }
0x1a0: {  	s20 =	sadd.s32 $0x4A0, s29;
	s5 =	simm.s32 $0x8100;
	[tilespmem:s29+$0x4B0] =	vst v2  }
0x1a1: {  	[tilespmem:s5], [sflag:$0x1] =	stream.indirect.gather [hbm4b:s1+s12], $0x80, s20, s12, $0xb8;
	[tilespmem:$0x1E000] =	vst v63  }
0x1a2: {  	v2 =	vld [tilespmem:s29+$0x4C0]  }
0x1a3: {  	v3 =	vld [tilespmem:s29+$0x4D0];
	_ =	sdelay $0x3  }
0x1a4: {  	v2 =	vadd.s32 v0, v2  }
0x1a5: {  	[tilespmem:s29+$0x4C0] =	vst v2;
	v2 =	vadd.s32 v1, v3  }
0x1a6: {  	s20 =	sadd.s32 $0x4C0, s29;
	s5 =	simm.s32 $0x8E00;
	[tilespmem:s29+$0x4D0] =	vst v2  }
0x1a7: {  	[tilespmem:s5], [sflag:$0x1] =	stream.indirect.gather [hbm4b:s1+s12], $0x80, s20, s12, $0xb8;
	[tilespmem:$0x1E000] =	vst v63  }
0x1a8: {  	v2 =	vld [tilespmem:s29+$0x4E0]  }
0x1a9: {  	v3 =	vld [tilespmem:s29+$0x4F0];
	_ =	sdelay $0x3  }
0x1aa: {  	v2 =	vadd.s32 v0, v2  }
0x1ab: {  	[tilespmem:s29+$0x4E0] =	vst v2;
	v2 =	vadd.s32 v1, v3  }
0x1ac: {  	s5 =	sadd.s32 $0x4E0, s29;
	[tilespmem:s29+$0x4F0] =	vst v2;
	s29 =	simm.s32 $0x9B00  }
0x1ad: {  	[tilespmem:s29], [sflag:$0x1] =	stream.indirect.gather [hbm4b:s1+s12], $0x80, s5, s12, $0xb8;
	[tilespmem:$0x1E000] =	vst v63  }
.LBB2_4:
0x1ae: {  	_ =	swait.ge [sflag:s0], $0xD00  }
0x1af: {  	[sflag:s0] =	ssyncset.done $0x0  }
0x1b0: {  	[sflag:s0] =	ssyncadd.s32 $0xFFFFF300  }
0x1b1: {  	_ =	swait.ge [sflag:s0], $0xD00  }
0x1b2: {  	[sflag:s0] =	ssyncset.done $0x0  }
0x1b3: {  	[sflag:s0] =	ssyncadd.s32 $0xFFFFF300  }
0x1b4: {  	_ =	swait.ge [sflag:s0], $0xD00  }
0x1b5: {  	[sflag:s0] =	ssyncset.done $0x0  }
0x1b6: {  	[sflag:s0] =	ssyncadd.s32 $0xFFFFF300  }
0x1b7: {  	_ =	swait.ge [sflag:s0], $0xD00  }
0x1b8: {  	[sflag:s0] =	ssyncset.done $0x0  }
0x1b9: {  	[sflag:s0] =	ssyncadd.s32 $0xFFFFF300  }
0x1ba: {  	_ =	swait.ge [sflag:s0], $0xD00  }
0x1bb: {  	[sflag:s0] =	ssyncset.done $0x0  }
0x1bc: {  	[sflag:s0] =	ssyncadd.s32 $0xFFFFF300  }
0x1bd: {  	_ =	swait.ge [sflag:s0], $0xD00  }
0x1be: {  	[sflag:s0] =	ssyncset.done $0x0  }
0x1bf: {  	[sflag:s0] =	ssyncadd.s32 $0xFFFFF300  }
0x1c0: {  	_ =	swait.ge [sflag:s0], $0xD00  }
0x1c1: {  	[sflag:s0] =	ssyncset.done $0x0  }
0x1c2: {  	[sflag:s0] =	ssyncadd.s32 $0xFFFFF300  }
0x1c3: {  	_ =	swait.ge [sflag:s0], $0xD00  }
0x1c4: {  	[sflag:s0] =	ssyncset.done $0x0  }
0x1c5: {  	s20 =	sadd.s32 s3, s10;
	s5 =	simm.s32 $0xA800;
	[sflag:s0] =	ssyncadd.s32 $0xFFFFF300  }
0x1c6: {  	[hbm4b:s20+s2] =	stream.linear.scatter [tilespmem:s5], [sflag:$0x6], $0xD00, $0x38;
	[tilespmem:$0x1E000] =	vst v63  }
0x1c7: {  	s29 =	sadd.s32 $0x200, s20;
	s5 =	simm.s32 $0xB500  }
0x1c8: {  	[hbm4b:s29+s2] =	stream.linear.scatter [tilespmem:s5], [sflag:$0x6], $0xD00, $0x38;
	[tilespmem:$0x1E000] =	vst v63  }
0x1c9: {  	s29 =	sadd.s32 $0x400, s20;
	s5 =	simm.s32 $0xC200  }
0x1ca: {  	[hbm4b:s29+s2] =	stream.linear.scatter [tilespmem:s5], [sflag:$0x6], $0xD00, $0x38;
	[tilespmem:$0x1E000] =	vst v63  }
0x1cb: {  	s29 =	sadd.s32 $0x600, s20;
	s5 =	simm.s32 $0xCF00  }
0x1cc: {  	[hbm4b:s29+s2] =	stream.linear.scatter [tilespmem:s5], [sflag:$0x6], $0xD00, $0x38;
	[tilespmem:$0x1E000] =	vst v63  }
0x1cd: {  	s29 =	sadd.s32 $0x800, s20;
	s5 =	simm.s32 $0xDC00  }
0x1ce: {  	[hbm4b:s29+s2] =	stream.linear.scatter [tilespmem:s5], [sflag:$0x6], $0xD00, $0x38;
	[tilespmem:$0x1E000] =	vst v63  }
0x1cf: {  	s29 =	sadd.s32 $0xA00, s20;
	s5 =	simm.s32 $0xE900  }
0x1d0: {  	[hbm4b:s29+s2] =	stream.linear.scatter [tilespmem:s5], [sflag:$0x6], $0xD00, $0x38;
	[tilespmem:$0x1E000] =	vst v63  }
.Ltmp3:
0x1d1: {  	_ = 	snop;
	(pc) =	sbr.rel @p0 .LBB2_6-.Ltmp3, $4  }
0x1d2: {  	s29 =	sadd.s32 $0xC00, s20;
	s5 =	simm.s32 $0xF600  }
0x1d3: {  	[hbm4b:s29+s2] =	stream.linear.scatter [tilespmem:s5], [sflag:$0x6], $0xD00, $0x38;
	[tilespmem:$0x1E000] =	vst v63  }
0x1d4: {  	s20 =	sadd.s32 $0xE00, s20;
	s29 =	simm.s32 $0x10300  }
0x1d5: {  	[hbm4b:s20+s2] =	stream.linear.scatter [tilespmem:s29], [sflag:$0x6], $0xD00, $0x38;
	[tilespmem:$0x1E000] =	vst v63  }
0x1d6: {  	_ =	swait.ge [sflag:s26], $0xD00  }
0x1d7: {  	[sflag:s26] =	ssyncset.done $0x0  }
0x1d8: {  	[sflag:s26] =	ssyncadd.s32 $0xFFFFF300  }
0x1d9: {  	_ =	swait.ge [sflag:s26], $0xD00  }
0x1da: {  	[sflag:s26] =	ssyncset.done $0x0  }
0x1db: {  	[sflag:s26] =	ssyncadd.s32 $0xFFFFF300  }
0x1dc: {  	_ =	swait.ge [sflag:s26], $0xD00  }
0x1dd: {  	[sflag:s26] =	ssyncset.done $0x0  }
0x1de: {  	[sflag:s26] =	ssyncadd.s32 $0xFFFFF300  }
0x1df: {  	_ =	swait.ge [sflag:s26], $0xD00  }
0x1e0: {  	[sflag:s26] =	ssyncset.done $0x0  }
0x1e1: {  	[sflag:s26] =	ssyncadd.s32 $0xFFFFF300  }
0x1e2: {  	_ =	swait.ge [sflag:s26], $0xD00  }
0x1e3: {  	[sflag:s26] =	ssyncset.done $0x0  }
0x1e4: {  	[sflag:s26] =	ssyncadd.s32 $0xFFFFF300  }
0x1e5: {  	_ =	swait.ge [sflag:s26], $0xD00  }
0x1e6: {  	[sflag:s26] =	ssyncset.done $0x0  }
0x1e7: {  	[sflag:s26] =	ssyncadd.s32 $0xFFFFF300  }
0x1e8: {  	_ =	swait.ge [sflag:s26], $0xD00  }
0x1e9: {  	[sflag:s26] =	ssyncset.done $0x0  }
0x1ea: {  	[sflag:s26] =	ssyncadd.s32 $0xFFFFF300  }
0x1eb: {  	_ =	swait.ge [sflag:s26], $0xD00  }
0x1ec: {  	[sflag:s26] =	ssyncset.done $0x0  }
0x1ed: {  	s29 =	sshra.s32 s24, $0x2;
	[sflag:s26] =	ssyncadd.s32 $0xFFFFF300  }
0x1ee: {  	v2 =	vld [tilespmem:s29+$0x500]  }
0x1ef: {  	v3 =	vld [tilespmem:s29+$0x510];
	_ =	sdelay $0x3  }
0x1f0: {  	v2 =	vadd.s32 v0, v2  }
0x1f1: {  	[tilespmem:s29+$0x500] =	vst v2;
	v2 =	vadd.s32 v1, v3  }
0x1f2: {  	s5 =	simm.s32 $0xA800;
	s20 =	sadd.s32 $0x500, s29;
	[tilespmem:s29+$0x510] =	vst v2  }
0x1f3: {  	[tilespmem:s5], [sflag:$0x2] =	stream.indirect.gather [hbm4b:s1+s12], $0x80, s20, s12, $0xb8;
	[tilespmem:$0x1E000] =	vst v63  }
0x1f4: {  	v2 =	vld [tilespmem:s29+$0x520]  }
0x1f5: {  	v3 =	vld [tilespmem:s29+$0x530];
	_ =	sdelay $0x3  }
0x1f6: {  	v2 =	vadd.s32 v0, v2  }
0x1f7: {  	[tilespmem:s29+$0x520] =	vst v2;
	v2 =	vadd.s32 v1, v3  }
0x1f8: {  	s20 =	sadd.s32 $0x520, s29;
	s5 =	simm.s32 $0xB500;
	[tilespmem:s29+$0x530] =	vst v2  }
0x1f9: {  	[tilespmem:s5], [sflag:$0x2] =	stream.indirect.gather [hbm4b:s1+s12], $0x80, s20, s12, $0xb8;
	[tilespmem:$0x1E000] =	vst v63  }
0x1fa: {  	v2 =	vld [tilespmem:s29+$0x540]  }
0x1fb: {  	v3 =	vld [tilespmem:s29+$0x550];
	_ =	sdelay $0x3  }
0x1fc: {  	v2 =	vadd.s32 v0, v2  }
0x1fd: {  	[tilespmem:s29+$0x540] =	vst v2;
	v2 =	vadd.s32 v1, v3  }
0x1fe: {  	s20 =	sadd.s32 $0x540, s29;
	s5 =	simm.s32 $0xC200;
	[tilespmem:s29+$0x550] =	vst v2  }
0x1ff: {  	[tilespmem:s5], [sflag:$0x2] =	stream.indirect.gather [hbm4b:s1+s12], $0x80, s20, s12, $0xb8;
	[tilespmem:$0x1E000] =	vst v63  }
0x200: {  	v2 =	vld [tilespmem:s29+$0x560]  }
0x201: {  	v3 =	vld [tilespmem:s29+$0x570];
	_ =	sdelay $0x3  }
0x202: {  	v2 =	vadd.s32 v0, v2  }
0x203: {  	[tilespmem:s29+$0x560] =	vst v2;
	v2 =	vadd.s32 v1, v3  }
0x204: {  	s20 =	sadd.s32 $0x560, s29;
	s5 =	simm.s32 $0xCF00;
	[tilespmem:s29+$0x570] =	vst v2  }
0x205: {  	[tilespmem:s5], [sflag:$0x2] =	stream.indirect.gather [hbm4b:s1+s12], $0x80, s20, s12, $0xb8;
	[tilespmem:$0x1E000] =	vst v63  }
0x206: {  	v2 =	vld [tilespmem:s29+$0x580]  }
0x207: {  	v3 =	vld [tilespmem:s29+$0x590];
	_ =	sdelay $0x3  }
0x208: {  	v2 =	vadd.s32 v0, v2  }
0x209: {  	[tilespmem:s29+$0x580] =	vst v2;
	v2 =	vadd.s32 v1, v3  }
0x20a: {  	s20 =	sadd.s32 $0x580, s29;
	s5 =	simm.s32 $0xDC00;
	[tilespmem:s29+$0x590] =	vst v2  }
0x20b: {  	[tilespmem:s5], [sflag:$0x2] =	stream.indirect.gather [hbm4b:s1+s12], $0x80, s20, s12, $0xb8;
	[tilespmem:$0x1E000] =	vst v63  }
0x20c: {  	v2 =	vld [tilespmem:s29+$0x5A0]  }
0x20d: {  	v3 =	vld [tilespmem:s29+$0x5B0];
	_ =	sdelay $0x3  }
0x20e: {  	v2 =	vadd.s32 v0, v2  }
0x20f: {  	[tilespmem:s29+$0x5A0] =	vst v2;
	v2 =	vadd.s32 v1, v3  }
0x210: {  	s20 =	sadd.s32 $0x5A0, s29;
	s5 =	simm.s32 $0xE900;
	[tilespmem:s29+$0x5B0] =	vst v2  }
0x211: {  	[tilespmem:s5], [sflag:$0x2] =	stream.indirect.gather [hbm4b:s1+s12], $0x80, s20, s12, $0xb8;
	[tilespmem:$0x1E000] =	vst v63  }
0x212: {  	v2 =	vld [tilespmem:s29+$0x5C0]  }
0x213: {  	v3 =	vld [tilespmem:s29+$0x5D0];
	_ =	sdelay $0x3  }
0x214: {  	v2 =	vadd.s32 v0, v2  }
0x215: {  	[tilespmem:s29+$0x5C0] =	vst v2;
	v2 =	vadd.s32 v1, v3  }
0x216: {  	s20 =	sadd.s32 $0x5C0, s29;
	s5 =	simm.s32 $0xF600;
	[tilespmem:s29+$0x5D0] =	vst v2  }
0x217: {  	[tilespmem:s5], [sflag:$0x2] =	stream.indirect.gather [hbm4b:s1+s12], $0x80, s20, s12, $0xb8;
	[tilespmem:$0x1E000] =	vst v63  }
0x218: {  	v2 =	vld [tilespmem:s29+$0x5E0]  }
0x219: {  	v3 =	vld [tilespmem:s29+$0x5F0];
	_ =	sdelay $0x3  }
0x21a: {  	v2 =	vadd.s32 v0, v2  }
0x21b: {  	[tilespmem:s29+$0x5E0] =	vst v2;
	v2 =	vadd.s32 v1, v3  }
0x21c: {  	s5 =	sadd.s32 $0x5E0, s29;
	[tilespmem:s29+$0x5F0] =	vst v2;
	s29 =	simm.s32 $0x10300  }
0x21d: {  	[tilespmem:s29], [sflag:$0x2] =	stream.indirect.gather [hbm4b:s1+s12], $0x80, s5, s12, $0xb8;
	[tilespmem:$0x1E000] =	vst v63  }
.LBB2_6:
0x21e: {  	_ =	swait.ge [sflag:s14], $0xD00  }
0x21f: {  	[sflag:s14] =	ssyncset.done $0x0  }
0x220: {  	[sflag:s14] =	ssyncadd.s32 $0xFFFFF300  }
0x221: {  	_ =	swait.ge [sflag:s14], $0xD00  }
0x222: {  	[sflag:s14] =	ssyncset.done $0x0  }
0x223: {  	[sflag:s14] =	ssyncadd.s32 $0xFFFFF300  }
0x224: {  	_ =	swait.ge [sflag:s14], $0xD00  }
0x225: {  	[sflag:s14] =	ssyncset.done $0x0  }
0x226: {  	[sflag:s14] =	ssyncadd.s32 $0xFFFFF300  }
0x227: {  	_ =	swait.ge [sflag:s14], $0xD00  }
0x228: {  	[sflag:s14] =	ssyncset.done $0x0  }
0x229: {  	[sflag:s14] =	ssyncadd.s32 $0xFFFFF300  }
0x22a: {  	_ =	swait.ge [sflag:s14], $0xD00  }
0x22b: {  	[sflag:s14] =	ssyncset.done $0x0  }
0x22c: {  	[sflag:s14] =	ssyncadd.s32 $0xFFFFF300  }
0x22d: {  	_ =	swait.ge [sflag:s14], $0xD00  }
0x22e: {  	[sflag:s14] =	ssyncset.done $0x0  }
0x22f: {  	[sflag:s14] =	ssyncadd.s32 $0xFFFFF300  }
0x230: {  	_ =	swait.ge [sflag:s14], $0xD00  }
0x231: {  	[sflag:s14] =	ssyncset.done $0x0  }
0x232: {  	[sflag:s14] =	ssyncadd.s32 $0xFFFFF300  }
0x233: {  	_ =	swait.ge [sflag:s14], $0xD00  }
0x234: {  	[sflag:s14] =	ssyncset.done $0x0  }
0x235: {  	s20 =	sadd.s32 s3, s9;
	s5 =	simm.s32 $0x11000;
	[sflag:s14] =	ssyncadd.s32 $0xFFFFF300  }
0x236: {  	[hbm4b:s20+s2] =	stream.linear.scatter [tilespmem:s5], [sflag:$0x7], $0xD00, $0x38;
	[tilespmem:$0x1E000] =	vst v63  }
0x237: {  	s29 =	sadd.s32 $0x200, s20;
	s5 =	simm.s32 $0x11D00  }
0x238: {  	[hbm4b:s29+s2] =	stream.linear.scatter [tilespmem:s5], [sflag:$0x7], $0xD00, $0x38;
	[tilespmem:$0x1E000] =	vst v63  }
0x239: {  	s29 =	sadd.s32 $0x400, s20;
	s5 =	simm.s32 $0x12A00  }
0x23a: {  	[hbm4b:s29+s2] =	stream.linear.scatter [tilespmem:s5], [sflag:$0x7], $0xD00, $0x38;
	[tilespmem:$0x1E000] =	vst v63  }
0x23b: {  	s29 =	sadd.s32 $0x600, s20;
	s5 =	simm.s32 $0x13700  }
0x23c: {  	[hbm4b:s29+s2] =	stream.linear.scatter [tilespmem:s5], [sflag:$0x7], $0xD00, $0x38;
	[tilespmem:$0x1E000] =	vst v63  }
0x23d: {  	s29 =	sadd.s32 $0x800, s20;
	s5 =	simm.s32 $0x14400  }
0x23e: {  	[hbm4b:s29+s2] =	stream.linear.scatter [tilespmem:s5], [sflag:$0x7], $0xD00, $0x38;
	[tilespmem:$0x1E000] =	vst v63  }
0x23f: {  	s29 =	sadd.s32 $0xA00, s20;
	s5 =	simm.s32 $0x15100  }
0x240: {  	[hbm4b:s29+s2] =	stream.linear.scatter [tilespmem:s5], [sflag:$0x7], $0xD00, $0x38;
	[tilespmem:$0x1E000] =	vst v63  }
.Ltmp4:
0x241: {  	_ = 	snop;
	(pc) =	sbr.rel @p0 .LBB2_8-.Ltmp4, $4  }
0x242: {  	s5 =	sadd.s32 $0xC00, s20  }
0x243: {  	[hbm4b:s5+s2] =	stream.linear.scatter [tilespmem:s7], [sflag:$0x7], $0xD00, $0x38;
	[tilespmem:$0x1E000] =	vst v63  }
0x244: {  	s20 =	sadd.s32 $0xE00, s20  }
0x245: {  	[hbm4b:s20+s2] =	stream.linear.scatter [tilespmem:s11], [sflag:$0x7], $0xD00, $0x38;
	[tilespmem:$0x1E000] =	vst v63  }
0x246: {  	_ =	swait.ge [sflag:s31], $0xD00  }
0x247: {  	[sflag:s31] =	ssyncset.done $0x0  }
0x248: {  	[sflag:s31] =	ssyncadd.s32 $0xFFFFF300  }
0x249: {  	_ =	swait.ge [sflag:s31], $0xD00  }
0x24a: {  	[sflag:s31] =	ssyncset.done $0x0  }
0x24b: {  	[sflag:s31] =	ssyncadd.s32 $0xFFFFF300  }
0x24c: {  	_ =	swait.ge [sflag:s31], $0xD00  }
0x24d: {  	[sflag:s31] =	ssyncset.done $0x0  }
0x24e: {  	[sflag:s31] =	ssyncadd.s32 $0xFFFFF300  }
0x24f: {  	_ =	swait.ge [sflag:s31], $0xD00  }
0x250: {  	[sflag:s31] =	ssyncset.done $0x0  }
0x251: {  	[sflag:s31] =	ssyncadd.s32 $0xFFFFF300  }
0x252: {  	_ =	swait.ge [sflag:s31], $0xD00  }
0x253: {  	[sflag:s31] =	ssyncset.done $0x0  }
0x254: {  	[sflag:s31] =	ssyncadd.s32 $0xFFFFF300  }
0x255: {  	_ =	swait.ge [sflag:s31], $0xD00  }
0x256: {  	[sflag:s31] =	ssyncset.done $0x0  }
0x257: {  	[sflag:s31] =	ssyncadd.s32 $0xFFFFF300  }
0x258: {  	_ =	swait.ge [sflag:s31], $0xD00  }
0x259: {  	[sflag:s31] =	ssyncset.done $0x0  }
0x25a: {  	[sflag:s31] =	ssyncadd.s32 $0xFFFFF300  }
0x25b: {  	_ =	swait.ge [sflag:s31], $0xD00  }
0x25c: {  	[sflag:s31] =	ssyncset.done $0x0  }
0x25d: {  	s29 =	sshra.s32 s24, $0x2;
	[sflag:s31] =	ssyncadd.s32 $0xFFFFF300  }
0x25e: {  	v2 =	vld [tilespmem:s29+$0x600]  }
0x25f: {  	v3 =	vld [tilespmem:s29+$0x610];
	_ =	sdelay $0x3  }
0x260: {  	v2 =	vadd.s32 v0, v2  }
0x261: {  	[tilespmem:s29+$0x600] =	vst v2;
	v2 =	vadd.s32 v1, v3  }
0x262: {  	s5 =	simm.s32 $0x11000;
	s20 =	sadd.s32 $0x600, s29;
	[tilespmem:s29+$0x610] =	vst v2  }
0x263: {  	[tilespmem:s5], [sflag:$0x3] =	stream.indirect.gather [hbm4b:s1+s12], $0x80, s20, s12, $0xb8;
	[tilespmem:$0x1E000] =	vst v63  }
0x264: {  	v2 =	vld [tilespmem:s29+$0x620]  }
0x265: {  	v3 =	vld [tilespmem:s29+$0x630];
	_ =	sdelay $0x3  }
0x266: {  	v2 =	vadd.s32 v0, v2  }
0x267: {  	[tilespmem:s29+$0x620] =	vst v2;
	v2 =	vadd.s32 v1, v3  }
0x268: {  	s20 =	sadd.s32 $0x620, s29;
	s5 =	simm.s32 $0x11D00;
	[tilespmem:s29+$0x630] =	vst v2  }
0x269: {  	[tilespmem:s5], [sflag:$0x3] =	stream.indirect.gather [hbm4b:s1+s12], $0x80, s20, s12, $0xb8;
	[tilespmem:$0x1E000] =	vst v63  }
0x26a: {  	v2 =	vld [tilespmem:s29+$0x640]  }
0x26b: {  	v3 =	vld [tilespmem:s29+$0x650];
	_ =	sdelay $0x3  }
0x26c: {  	v2 =	vadd.s32 v0, v2  }
0x26d: {  	[tilespmem:s29+$0x640] =	vst v2;
	v2 =	vadd.s32 v1, v3  }
0x26e: {  	s20 =	sadd.s32 $0x640, s29;
	s5 =	simm.s32 $0x12A00;
	[tilespmem:s29+$0x650] =	vst v2  }
0x26f: {  	[tilespmem:s5], [sflag:$0x3] =	stream.indirect.gather [hbm4b:s1+s12], $0x80, s20, s12, $0xb8;
	[tilespmem:$0x1E000] =	vst v63  }
0x270: {  	v2 =	vld [tilespmem:s29+$0x660]  }
0x271: {  	v3 =	vld [tilespmem:s29+$0x670];
	_ =	sdelay $0x3  }
0x272: {  	v2 =	vadd.s32 v0, v2  }
0x273: {  	[tilespmem:s29+$0x660] =	vst v2;
	v2 =	vadd.s32 v1, v3  }
0x274: {  	s20 =	sadd.s32 $0x660, s29;
	s5 =	simm.s32 $0x13700;
	[tilespmem:s29+$0x670] =	vst v2  }
0x275: {  	[tilespmem:s5], [sflag:$0x3] =	stream.indirect.gather [hbm4b:s1+s12], $0x80, s20, s12, $0xb8;
	[tilespmem:$0x1E000] =	vst v63  }
0x276: {  	v2 =	vld [tilespmem:s29+$0x680]  }
0x277: {  	v3 =	vld [tilespmem:s29+$0x690];
	_ =	sdelay $0x3  }
0x278: {  	v2 =	vadd.s32 v0, v2  }
0x279: {  	[tilespmem:s29+$0x680] =	vst v2;
	v2 =	vadd.s32 v1, v3  }
0x27a: {  	s20 =	sadd.s32 $0x680, s29;
	s5 =	simm.s32 $0x14400;
	[tilespmem:s29+$0x690] =	vst v2  }
0x27b: {  	[tilespmem:s5], [sflag:$0x3] =	stream.indirect.gather [hbm4b:s1+s12], $0x80, s20, s12, $0xb8;
	[tilespmem:$0x1E000] =	vst v63  }
0x27c: {  	v2 =	vld [tilespmem:s29+$0x6A0]  }
0x27d: {  	v3 =	vld [tilespmem:s29+$0x6B0];
	_ =	sdelay $0x3  }
0x27e: {  	v2 =	vadd.s32 v0, v2  }
0x27f: {  	[tilespmem:s29+$0x6A0] =	vst v2;
	v2 =	vadd.s32 v1, v3  }
0x280: {  	s20 =	sadd.s32 $0x6A0, s29;
	s5 =	simm.s32 $0x15100;
	[tilespmem:s29+$0x6B0] =	vst v2  }
0x281: {  	[tilespmem:s5], [sflag:$0x3] =	stream.indirect.gather [hbm4b:s1+s12], $0x80, s20, s12, $0xb8;
	[tilespmem:$0x1E000] =	vst v63  }
0x282: {  	v2 =	vld [tilespmem:s29+$0x6C0]  }
0x283: {  	v3 =	vld [tilespmem:s29+$0x6D0];
	_ =	sdelay $0x3  }
0x284: {  	v2 =	vadd.s32 v0, v2  }
0x285: {  	[tilespmem:s29+$0x6C0] =	vst v2;
	v2 =	vadd.s32 v1, v3  }
0x286: {  	s5 =	sadd.s32 $0x6C0, s29;
	[tilespmem:s29+$0x6D0] =	vst v2  }
0x287: {  	[tilespmem:s7], [sflag:$0x3] =	stream.indirect.gather [hbm4b:s1+s12], $0x80, s5, s12, $0xb8;
	[tilespmem:$0x1E000] =	vst v63  }
0x288: {  	v2 =	vld [tilespmem:s29+$0x6E0]  }
0x289: {  	v3 =	vld [tilespmem:s29+$0x6F0];
	_ =	sdelay $0x3  }
0x28a: {  	v2 =	vadd.s32 v0, v2  }
0x28b: {  	[tilespmem:s29+$0x6E0] =	vst v2;
	v2 =	vadd.s32 v1, v3  }
0x28c: {  	s5 =	sadd.s32 $0x6E0, s29;
	[tilespmem:s29+$0x6F0] =	vst v2  }
0x28d: {  	[tilespmem:s11], [sflag:$0x3] =	stream.indirect.gather [hbm4b:s1+s12], $0x80, s5, s12, $0xb8;
	[tilespmem:$0x1E000] =	vst v63  }
.LBB2_8:
0x28e: {  	_ =	swait.ge [sflag:s18], $0xD00  }
0x28f: {  	[sflag:s18] =	ssyncset.done $0x0  }
0x290: {  	[sflag:s18] =	ssyncadd.s32 $0xFFFFF300  }
0x291: {  	_ =	swait.ge [sflag:s18], $0xD00  }
0x292: {  	[sflag:s18] =	ssyncset.done $0x0  }
0x293: {  	[sflag:s18] =	ssyncadd.s32 $0xFFFFF300  }
0x294: {  	_ =	swait.ge [sflag:s18], $0xD00  }
0x295: {  	[sflag:s18] =	ssyncset.done $0x0  }
0x296: {  	[sflag:s18] =	ssyncadd.s32 $0xFFFFF300  }
0x297: {  	_ =	swait.ge [sflag:s18], $0xD00  }
0x298: {  	[sflag:s18] =	ssyncset.done $0x0  }
0x299: {  	[sflag:s18] =	ssyncadd.s32 $0xFFFFF300  }
0x29a: {  	_ =	swait.ge [sflag:s18], $0xD00  }
0x29b: {  	[sflag:s18] =	ssyncset.done $0x0  }
0x29c: {  	[sflag:s18] =	ssyncadd.s32 $0xFFFFF300  }
0x29d: {  	_ =	swait.ge [sflag:s18], $0xD00  }
0x29e: {  	[sflag:s18] =	ssyncset.done $0x0  }
0x29f: {  	[sflag:s18] =	ssyncadd.s32 $0xFFFFF300  }
0x2a0: {  	_ =	swait.ge [sflag:s18], $0xD00  }
0x2a1: {  	[sflag:s18] =	ssyncset.done $0x0  }
0x2a2: {  	[sflag:s18] =	ssyncadd.s32 $0xFFFFF300  }
0x2a3: {  	_ =	swait.ge [sflag:s18], $0xD00  }
0x2a4: {  	[sflag:s18] =	ssyncset.done $0x0  }
0x2a5: {  	s20 =	sadd.s32 s3, s8;
	[sflag:s18] =	ssyncadd.s32 $0xFFFFF300  }
0x2a6: {  	[hbm4b:s20+s2] =	stream.linear.scatter [tilespmem:s13], [sflag:$0x8], $0xD00, $0x38;
	[tilespmem:$0x1E000] =	vst v63  }
0x2a7: {  	s29 =	sadd.s32 $0x200, s20  }
0x2a8: {  	[hbm4b:s29+s2] =	stream.linear.scatter [tilespmem:s15], [sflag:$0x8], $0xD00, $0x38;
	[tilespmem:$0x1E000] =	vst v63  }
0x2a9: {  	s5 =	sadd.s32 $0x400, s20  }
0x2aa: {  	[hbm4b:s5+s2] =	stream.linear.scatter [tilespmem:s17], [sflag:$0x8], $0xD00, $0x38;
	[tilespmem:$0x1E000] =	vst v63  }
0x2ab: {  	s5 =	sadd.s32 $0x600, s20  }
0x2ac: {  	[hbm4b:s5+s2] =	stream.linear.scatter [tilespmem:s19], [sflag:$0x8], $0xD00, $0x38;
	[tilespmem:$0x1E000] =	vst v63  }
0x2ad: {  	s5 =	sadd.s32 $0x800, s20  }
0x2ae: {  	[hbm4b:s5+s2] =	stream.linear.scatter [tilespmem:s21], [sflag:$0x8], $0xD00, $0x38;
	[tilespmem:$0x1E000] =	vst v63  }
0x2af: {  	s5 =	sadd.s32 $0xA00, s20  }
0x2b0: {  	[hbm4b:s5+s2] =	stream.linear.scatter [tilespmem:s23], [sflag:$0x8], $0xD00, $0x38;
	[tilespmem:$0x1E000] =	vst v63  }
.Ltmp5:
0x2b1: {  	_ = 	snop;
	(pc) =	sbr.rel @p0 .LBB2_10-.Ltmp5, $4  }
0x2b2: {  	s5 =	sadd.s32 $0xC00, s20  }
0x2b3: {  	[hbm4b:s5+s2] =	stream.linear.scatter [tilespmem:s25], [sflag:$0x8], $0xD00, $0x38;
	[tilespmem:$0x1E000] =	vst v63  }
0x2b4: {  	s20 =	sadd.s32 $0xE00, s20  }
0x2b5: {  	[hbm4b:s20+s2] =	stream.linear.scatter [tilespmem:s28], [sflag:$0x8], $0xD00, $0x38;
	[tilespmem:$0x1E000] =	vst v63  }
0x2b6: {  	_ =	swait.ge [sflag:s16], $0xD00  }
0x2b7: {  	[sflag:s16] =	ssyncset.done $0x0  }
0x2b8: {  	[sflag:s16] =	ssyncadd.s32 $0xFFFFF300  }
0x2b9: {  	_ =	swait.ge [sflag:s16], $0xD00  }
0x2ba: {  	[sflag:s16] =	ssyncset.done $0x0  }
0x2bb: {  	[sflag:s16] =	ssyncadd.s32 $0xFFFFF300  }
0x2bc: {  	_ =	swait.ge [sflag:s16], $0xD00  }
0x2bd: {  	[sflag:s16] =	ssyncset.done $0x0  }
0x2be: {  	[sflag:s16] =	ssyncadd.s32 $0xFFFFF300  }
0x2bf: {  	_ =	swait.ge [sflag:s16], $0xD00  }
0x2c0: {  	[sflag:s16] =	ssyncset.done $0x0  }
0x2c1: {  	[sflag:s16] =	ssyncadd.s32 $0xFFFFF300  }
0x2c2: {  	_ =	swait.ge [sflag:s16], $0xD00  }
0x2c3: {  	[sflag:s16] =	ssyncset.done $0x0  }
0x2c4: {  	[sflag:s16] =	ssyncadd.s32 $0xFFFFF300  }
0x2c5: {  	_ =	swait.ge [sflag:s16], $0xD00  }
0x2c6: {  	[sflag:s16] =	ssyncset.done $0x0  }
0x2c7: {  	[sflag:s16] =	ssyncadd.s32 $0xFFFFF300  }
0x2c8: {  	_ =	swait.ge [sflag:s16], $0xD00  }
0x2c9: {  	[sflag:s16] =	ssyncset.done $0x0  }
0x2ca: {  	[sflag:s16] =	ssyncadd.s32 $0xFFFFF300  }
0x2cb: {  	_ =	swait.ge [sflag:s16], $0xD00  }
0x2cc: {  	[sflag:s16] =	ssyncset.done $0x0  }
0x2cd: {  	s29 =	sshra.s32 s24, $0x2;
	[sflag:s16] =	ssyncadd.s32 $0xFFFFF300  }
0x2ce: {  	v2 =	vld [tilespmem:s29+$0x700]  }
0x2cf: {  	v3 =	vld [tilespmem:s29+$0x710];
	_ =	sdelay $0x3  }
0x2d0: {  	v2 =	vadd.s32 v0, v2  }
0x2d1: {  	[tilespmem:s29+$0x700] =	vst v2;
	v2 =	vadd.s32 v1, v3  }
0x2d2: {  	s20 =	sadd.s32 $0x700, s29;
	[tilespmem:s29+$0x710] =	vst v2  }
0x2d3: {  	[tilespmem:s13], [sflag:$0x4] =	stream.indirect.gather [hbm4b:s1+s12], $0x80, s20, s12, $0xb8;
	[tilespmem:$0x1E000] =	vst v63  }
0x2d4: {  	v2 =	vld [tilespmem:s29+$0x720]  }
0x2d5: {  	v3 =	vld [tilespmem:s29+$0x730];
	_ =	sdelay $0x3  }
0x2d6: {  	v2 =	vadd.s32 v0, v2  }
0x2d7: {  	[tilespmem:s29+$0x720] =	vst v2;
	v2 =	vadd.s32 v1, v3  }
0x2d8: {  	s5 =	sadd.s32 $0x720, s29;
	[tilespmem:s29+$0x730] =	vst v2  }
0x2d9: {  	[tilespmem:s15], [sflag:$0x4] =	stream.indirect.gather [hbm4b:s1+s12], $0x80, s5, s12, $0xb8;
	[tilespmem:$0x1E000] =	vst v63  }
0x2da: {  	v2 =	vld [tilespmem:s29+$0x740]  }
0x2db: {  	v3 =	vld [tilespmem:s29+$0x750];
	_ =	sdelay $0x3  }
0x2dc: {  	v2 =	vadd.s32 v0, v2  }
0x2dd: {  	[tilespmem:s29+$0x740] =	vst v2;
	v2 =	vadd.s32 v1, v3  }
0x2de: {  	s5 =	sadd.s32 $0x740, s29;
	[tilespmem:s29+$0x750] =	vst v2  }
0x2df: {  	[tilespmem:s17], [sflag:$0x4] =	stream.indirect.gather [hbm4b:s1+s12], $0x80, s5, s12, $0xb8;
	[tilespmem:$0x1E000] =	vst v63  }
0x2e0: {  	v2 =	vld [tilespmem:s29+$0x760]  }
0x2e1: {  	v3 =	vld [tilespmem:s29+$0x770];
	_ =	sdelay $0x3  }
0x2e2: {  	v2 =	vadd.s32 v0, v2  }
0x2e3: {  	[tilespmem:s29+$0x760] =	vst v2;
	v2 =	vadd.s32 v1, v3  }
0x2e4: {  	s5 =	sadd.s32 $0x760, s29;
	[tilespmem:s29+$0x770] =	vst v2  }
0x2e5: {  	[tilespmem:s19], [sflag:$0x4] =	stream.indirect.gather [hbm4b:s1+s12], $0x80, s5, s12, $0xb8;
	[tilespmem:$0x1E000] =	vst v63  }
0x2e6: {  	v2 =	vld [tilespmem:s29+$0x780]  }
0x2e7: {  	v3 =	vld [tilespmem:s29+$0x790];
	_ =	sdelay $0x3  }
0x2e8: {  	v2 =	vadd.s32 v0, v2  }
0x2e9: {  	[tilespmem:s29+$0x780] =	vst v2;
	v2 =	vadd.s32 v1, v3  }
0x2ea: {  	s5 =	sadd.s32 $0x780, s29;
	[tilespmem:s29+$0x790] =	vst v2  }
0x2eb: {  	[tilespmem:s21], [sflag:$0x4] =	stream.indirect.gather [hbm4b:s1+s12], $0x80, s5, s12, $0xb8;
	[tilespmem:$0x1E000] =	vst v63  }
0x2ec: {  	v2 =	vld [tilespmem:s29+$0x7A0]  }
0x2ed: {  	v3 =	vld [tilespmem:s29+$0x7B0];
	_ =	sdelay $0x3  }
0x2ee: {  	v2 =	vadd.s32 v0, v2  }
0x2ef: {  	[tilespmem:s29+$0x7A0] =	vst v2;
	v2 =	vadd.s32 v1, v3  }
0x2f0: {  	s5 =	sadd.s32 $0x7A0, s29;
	[tilespmem:s29+$0x7B0] =	vst v2  }
0x2f1: {  	[tilespmem:s23], [sflag:$0x4] =	stream.indirect.gather [hbm4b:s1+s12], $0x80, s5, s12, $0xb8;
	[tilespmem:$0x1E000] =	vst v63  }
0x2f2: {  	v2 =	vld [tilespmem:s29+$0x7C0]  }
0x2f3: {  	v3 =	vld [tilespmem:s29+$0x7D0];
	_ =	sdelay $0x3  }
0x2f4: {  	v2 =	vadd.s32 v0, v2  }
0x2f5: {  	[tilespmem:s29+$0x7C0] =	vst v2;
	v2 =	vadd.s32 v1, v3  }
0x2f6: {  	s5 =	sadd.s32 $0x7C0, s29;
	[tilespmem:s29+$0x7D0] =	vst v2  }
0x2f7: {  	[tilespmem:s25], [sflag:$0x4] =	stream.indirect.gather [hbm4b:s1+s12], $0x80, s5, s12, $0xb8;
	[tilespmem:$0x1E000] =	vst v63  }
0x2f8: {  	v2 =	vld [tilespmem:s29+$0x7E0]  }
0x2f9: {  	v3 =	vld [tilespmem:s29+$0x7F0];
	_ =	sdelay $0x2  }
.Ltmp6:
0x2fa: {  	_ = 	snop;
	(pc) =	sbr.rel .LBB2_2-.Ltmp6, $4  }
0x2fb: {  	v2 =	vadd.s32 v0, v2  }
0x2fc: {  	[tilespmem:s29+$0x7E0] =	vst v2;
	v2 =	vadd.s32 v1, v3  }
0x2fd: {  	s3 =	sadd.s32 $0x4000, s3;
	s24 =	sadd.s32 $0x1000, s24;
	s5 =	sadd.s32 $0x7E0, s29;
	[tilespmem:s29+$0x7F0] =	vst v2  }
0x2fe: {  	[tilespmem:s28], [sflag:$0x4] =	stream.indirect.gather [hbm4b:s1+s12], $0x80, s5, s12, $0xb8;
	[tilespmem:$0x1E000] =	vst v63  }
.LBB2_11:
0x2ff: {  	_ =	sfence.sel $0x180000  }
0x300: {  	[bflag:$0x0] =	sbarrier.arrive $0xFFFF  }
0x301: {  	_ =	strace $0x90000047  }
0x302: {  	s0 =	stileid.u32;
	[bflag:$0x2] =	sbarrier.arrive $0xFFFF  }
0x303: {  	p0 =	sne.s32 s0, $0x0;
	s0 =	rddreg [dreg:$0x3]  }
0x304: {  	s0 =	sadd.s32 @!p0 $0x100000, s0  }
0x305: {  	[sflag:s0] =	ssyncadd.tile.s32 @!p0 $0x1;
	_ =	shalt  }
.Lfunc_end2:
_tile_overlayer_lowered:
.L_overlay_start_2:
0x306: {  	(tag) =	ssettag $0x2  }
0x307: {  	s0 =	rddreg [dreg:$0x0];
	s2 =	stileid.u32  }
0x308: {  	s1 =	rddreg [dreg:$0x1];
	p0 =	sne.s32 s2, $0x0  }
0x309: {  	s3 =	rddreg [dreg:$0x2];
	[bflag:$0x3] =	sbarrier.arrive $0xFFFF;
	s2 =	simm.s32 @!p0 $0x1C09  }
0x30a: {  	[timem:s3], [sflag:s2] =	dma.local @!p0 [hbm:s0], s1  }
0x30b: {  	s0 =	simm.s32 @!p0 $0x9  }
0x30c: {  	_ =	swait.ge @!p0 [sflag:s0], s1  }
0x30d: {  	s1 =	ssub.s32 @!p0 $0x0, s1;
	[sflag:s0] =	ssyncset.done @!p0 $0x0  }
0x30e: {  	[sflag:s0] =	ssyncadd.s32 @!p0 s1  }
0x30f: {  	[bflag:$0x3] =	sbarrier.arrive $0xFFFF  }
0x310: {  	_ =	shalt  }

</sc_bundles>
